<compile_context>
chip_gen: v7x
topology: tpu7x:2x2x1
jax: 0.10.2.dev20260603
libtpu: 0.0.44.dev20260713+nightly
codegen_flags: <defaults>
</compile_context>

<pallas_src>
import functools

import jax
import jax.numpy as jnp
from jax import lax
from jax.experimental import pallas as pl
from jax.experimental.pallas import tpu as pltpu
from jax.experimental.pallas import tpu_sc as plsc

EMB = 32
BATCH = 16384
NROWS = 1000000
RSTRIDE = 1000064
RMAIN = 999936
NTAIL = NROWS - RMAIN
AUXOFF = EMB * RSTRIDE
FLATN = AUXOFF + EMB * NTAIL

NC = 2
NS = 16
L = 16
NW = NC * NS
BPW = BATCH // NW
KV = BPW // L

CW = RMAIN // 4
SW = 8064
NSLAB = CW // SW


def _detile_slab(src, dst, i, j, c, buf, wsem):
    col = pl.multiple_of(c * CW + j * SW, 128)
    pltpu.sync_copy(src.at[pl.ds(8 * i, 8), pl.ds(col, SW)], buf)
    ws = []
    for s in range(8):
        off = pl.multiple_of((8 * i + s) * RSTRIDE + col, 128)
        ws.append(pltpu.async_copy(
            buf.at[s], dst.at[pl.ds(off, SW)], wsem))
    return ws


def _detile_unit(src, dst, i, c, bufa, bufb, wsem):
    def step(t, carry):
        wa = _detile_slab(src, dst, i, 2 * t, c, bufa, wsem)
        wb = _detile_slab(src, dst, i, 2 * t + 1, c, bufb, wsem)
        for w in wa + wb:
            w.wait()
        return carry

    lax.fori_loop(0, NSLAB // 2, step, 0)
    for w in _detile_slab(src, dst, i, NSLAB - 1, c, bufa, wsem):
        w.wait()


def _detile_body(ut_hbm, it_hbm, ua_hbm, ia_hbm, uo_hbm, io_hbm,
                 bufa, bufb, wsem, asem):
    wid = lax.axis_index("s") * NC + lax.axis_index("c")
    t = wid // 16
    u = wid % 16
    i = u // 4
    c = u % 4

    @pl.when(t == 0)
    def _():
        _detile_unit(ut_hbm, uo_hbm, i, c, bufa, bufb, wsem)

    @pl.when(t == 1)
    def _():
        _detile_unit(it_hbm, io_hbm, i, c, bufa, bufb, wsem)

    @pl.when(wid == 0)
    def _():
        pltpu.async_copy(ua_hbm, uo_hbm.at[pl.ds(AUXOFF, EMB * NTAIL)],
                         asem).wait()

    @pl.when(wid == 1)
    def _():
        pltpu.async_copy(ia_hbm, io_hbm.at[pl.ds(AUXOFF, EMB * NTAIL)],
                         asem).wait()


def _gather_body(user_hbm, item_hbm, uid_hbm, iid_hbm, out_hbm, *scr):
    uidx = scr[0:EMB]
    iidx = scr[EMB:2 * EMB]
    ubuf = scr[2 * EMB:3 * EMB]
    ibuf = scr[3 * EMB:4 * EMB]
    outv_v = scr[4 * EMB]
    sem_u = scr[4 * EMB + 1]
    sem_i = scr[4 * EMB + 2]

    wid = lax.axis_index("s") * NC + lax.axis_index("c")
    base = wid * BPW

    pltpu.sync_copy(uid_hbm.at[pl.ds(base, BPW)], uidx[0])
    pltpu.sync_copy(iid_hbm.at[pl.ds(base, BPW)], iidx[0])

    def mkidx(k, carry):
        s = pl.ds(k * L, L)
        u0 = uidx[0][s]
        i0 = iidx[0][s]
        u_tail = u0 >= RMAIN
        i_tail = i0 >= RMAIN
        for e in range(EMB):
            ue = jnp.where(u_tail, AUXOFF + e * NTAIL + (u0 - RMAIN),
                           u0 + e * RSTRIDE)
            ie = jnp.where(i_tail, AUXOFF + e * NTAIL + (i0 - RMAIN),
                           i0 + e * RSTRIDE)
            if e == 0:
                ue0, ie0 = ue, ie
            else:
                uidx[e][s] = ue
                iidx[e][s] = ie
        uidx[0][s] = ue0
        iidx[0][s] = ie0
        return carry

    lax.fori_loop(0, KV, mkidx, 0)

    copies = []
    for e in range(EMB):
        copies.append(pltpu.async_copy(
            user_hbm.at[uidx[e]], ubuf[e], sem_u))
        copies.append(pltpu.async_copy(
            item_hbm.at[iidx[e]], ibuf[e], sem_i))
    for c in copies:
        c.wait()

    def chunk(k, carry):
        s = pl.ds(k * L, L)
        acc = ubuf[0][s] * ibuf[0][s]
        for e in range(1, EMB):
            acc = acc + ubuf[e][s] * ibuf[e][s]
        outv_v[s] = acc
        return carry

    lax.fori_loop(0, KV, chunk, 0)
    pltpu.sync_copy(outv_v, out_hbm.at[pl.ds(base, BPW)])


@jax.jit
def kernel(user_table, item_table, u_id, i_id):
    ut = user_table.T
    it = item_table.T
    ua = ut[:, RMAIN:].reshape(-1)
    ia = it[:, RMAIN:].reshape(-1)
    mesh = plsc.VectorSubcoreMesh(core_axis_name="c", subcore_axis_name="s",
                                  num_cores=NC, num_subcores=NS)

    detile = functools.partial(
        pl.kernel,
        out_type=[jax.ShapeDtypeStruct((FLATN,), jnp.float32),
                  jax.ShapeDtypeStruct((FLATN,), jnp.float32)],
        mesh=mesh,
        scratch_types=[
            pltpu.VMEM((8, SW), jnp.float32),
            pltpu.VMEM((8, SW), jnp.float32),
            pltpu.SemaphoreType.DMA,
            pltpu.SemaphoreType.DMA,
        ],
    )(_detile_body)
    uflat, iflat = detile(ut, it, ua, ia)

    gather = functools.partial(
        pl.kernel,
        out_type=jax.ShapeDtypeStruct((BATCH,), jnp.float32),
        mesh=mesh,
        scratch_types=(
            [pltpu.VMEM((BPW,), jnp.int32) for _ in range(2 * EMB)]
            + [pltpu.VMEM((BPW,), jnp.float32) for _ in range(2 * EMB)]
            + [pltpu.VMEM((BPW,), jnp.float32),
               pltpu.SemaphoreType.DMA,
               pltpu.SemaphoreType.DMA]
        ),
    )(_gather_body)
    return gather(uflat, iflat,
                  u_id.astype(jnp.int32), i_id.astype(jnp.int32))

# --- scband reference (transcript-rebuilt; emitter-appended) ---
"""Pipeline reference for scband-mf-22497038696844 (READ-ONLY COPY).

The authoritative reference and input builder live on the scoring server;
editing this copy changes nothing except your own understanding.
"""

import jax, jax.numpy as jnp
import numpy as np

N_USERS = 1000000
N_ITEMS = 1000000
EMB = 32
BATCH = 16384

def setup_inputs(seed: int = 0) -> dict:
    key = jax.random.key(seed)
    k1, k2, k3, k4 = jax.random.split(key, 4)
    u_id = jax.random.randint(k1, (BATCH,), 0, N_USERS, dtype=jnp.int64 if jax.config.jax_enable_x64 else jnp.int32)
    i_id = jax.random.randint(k2, (BATCH,), 0, N_ITEMS, dtype=jnp.int64 if jax.config.jax_enable_x64 else jnp.int32)
    user_table = jax.random.normal(k3, (N_USERS, EMB), dtype=jnp.float32)
    item_table = jax.random.normal(k4, (N_ITEMS, EMB), dtype=jnp.float32)
    return {"user_table": user_table, "item_table": item_table, "u_id": u_id, "i_id": i_id}

def reference(user_table, item_table, u_id, i_id):
    user_factors = jnp.take(user_table, u_id, axis=0)
    item_factors = jnp.take(item_table, i_id, axis=0)
    return (user_factors * item_factors).sum(axis=1)

if __name__ == "__main__":
    import jax
    _d = setup_inputs()
    print(jax.jit(kernel)(*tuple(_d.values())))

</pallas_src>

<mosaic_0001>
#map = affine_map<(d0, d1) -> (0)>
module attributes {stable_mosaic.version = 14 : i64} {
  func.func @_gather_body(%arg0: i32, %arg1: i32, %arg2: memref<32004096xf32, #tpu.memory_space<hbm>>, %arg3: memref<32004096xf32, #tpu.memory_space<hbm>>, %arg4: memref<16384xi32, #tpu.memory_space<hbm>>, %arg5: memref<16384xi32, #tpu.memory_space<hbm>>, %arg6: memref<16384xf32, #tpu.memory_space<hbm>>, %arg7: memref<512xi32, #tpu.memory_space<vmem>>, %arg8: memref<512xi32, #tpu.memory_space<vmem>>, %arg9: memref<512xi32, #tpu.memory_space<vmem>>, %arg10: memref<512xi32, #tpu.memory_space<vmem>>, %arg11: memref<512xi32, #tpu.memory_space<vmem>>, %arg12: memref<512xi32, #tpu.memory_space<vmem>>, %arg13: memref<512xi32, #tpu.memory_space<vmem>>, %arg14: memref<512xi32, #tpu.memory_space<vmem>>, %arg15: memref<512xi32, #tpu.memory_space<vmem>>, %arg16: memref<512xi32, #tpu.memory_space<vmem>>, %arg17: memref<512xi32, #tpu.memory_space<vmem>>, %arg18: memref<512xi32, #tpu.memory_space<vmem>>, %arg19: memref<512xi32, #tpu.memory_space<vmem>>, %arg20: memref<512xi32, #tpu.memory_space<vmem>>, %arg21: memref<512xi32, #tpu.memory_space<vmem>>, %arg22: memref<512xi32, #tpu.memory_space<vmem>>, %arg23: memref<512xi32, #tpu.memory_space<vmem>>, %arg24: memref<512xi32, #tpu.memory_space<vmem>>, %arg25: memref<512xi32, #tpu.memory_space<vmem>>, %arg26: memref<512xi32, #tpu.memory_space<vmem>>, %arg27: memref<512xi32, #tpu.memory_space<vmem>>, %arg28: memref<512xi32, #tpu.memory_space<vmem>>, %arg29: memref<512xi32, #tpu.memory_space<vmem>>, %arg30: memref<512xi32, #tpu.memory_space<vmem>>, %arg31: memref<512xi32, #tpu.memory_space<vmem>>, %arg32: memref<512xi32, #tpu.memory_space<vmem>>, %arg33: memref<512xi32, #tpu.memory_space<vmem>>, %arg34: memref<512xi32, #tpu.memory_space<vmem>>, %arg35: memref<512xi32, #tpu.memory_space<vmem>>, %arg36: memref<512xi32, #tpu.memory_space<vmem>>, %arg37: memref<512xi32, #tpu.memory_space<vmem>>, %arg38: memref<512xi32, #tpu.memory_space<vmem>>, %arg39: memref<512xi32, #tpu.memory_space<vmem>>, %arg40: memref<512xi32, #tpu.memory_space<vmem>>, %arg41: memref<512xi32, #tpu.memory_space<vmem>>, %arg42: memref<512xi32, #tpu.memory_space<vmem>>, %arg43: memref<512xi32, #tpu.memory_space<vmem>>, %arg44: memref<512xi32, #tpu.memory_space<vmem>>, %arg45: memref<512xi32, #tpu.memory_space<vmem>>, %arg46: memref<512xi32, #tpu.memory_space<vmem>>, %arg47: memref<512xi32, #tpu.memory_space<vmem>>, %arg48: memref<512xi32, #tpu.memory_space<vmem>>, %arg49: memref<512xi32, #tpu.memory_space<vmem>>, %arg50: memref<512xi32, #tpu.memory_space<vmem>>, %arg51: memref<512xi32, #tpu.memory_space<vmem>>, %arg52: memref<512xi32, #tpu.memory_space<vmem>>, %arg53: memref<512xi32, #tpu.memory_space<vmem>>, %arg54: memref<512xi32, #tpu.memory_space<vmem>>, %arg55: memref<512xi32, #tpu.memory_space<vmem>>, %arg56: memref<512xi32, #tpu.memory_space<vmem>>, %arg57: memref<512xi32, #tpu.memory_space<vmem>>, %arg58: memref<512xi32, #tpu.memory_space<vmem>>, %arg59: memref<512xi32, #tpu.memory_space<vmem>>, %arg60: memref<512xi32, #tpu.memory_space<vmem>>, %arg61: memref<512xi32, #tpu.memory_space<vmem>>, %arg62: memref<512xi32, #tpu.memory_space<vmem>>, %arg63: memref<512xi32, #tpu.memory_space<vmem>>, %arg64: memref<512xi32, #tpu.memory_space<vmem>>, %arg65: memref<512xi32, #tpu.memory_space<vmem>>, %arg66: memref<512xi32, #tpu.memory_space<vmem>>, %arg67: memref<512xi32, #tpu.memory_space<vmem>>, %arg68: memref<512xi32, #tpu.memory_space<vmem>>, %arg69: memref<512xi32, #tpu.memory_space<vmem>>, %arg70: memref<512xi32, #tpu.memory_space<vmem>>, %arg71: memref<512xf32, #tpu.memory_space<vmem>>, %arg72: memref<512xf32, #tpu.memory_space<vmem>>, %arg73: memref<512xf32, #tpu.memory_space<vmem>>, %arg74: memref<512xf32, #tpu.memory_space<vmem>>, %arg75: memref<512xf32, #tpu.memory_space<vmem>>, %arg76: memref<512xf32, #tpu.memory_space<vmem>>, %arg77: memref<512xf32, #tpu.memory_space<vmem>>, %arg78: memref<512xf32, #tpu.memory_space<vmem>>, %arg79: memref<512xf32, #tpu.memory_space<vmem>>, %arg80: memref<512xf32, #tpu.memory_space<vmem>>, %arg81: memref<512xf32, #tpu.memory_space<vmem>>, %arg82: memref<512xf32, #tpu.memory_space<vmem>>, %arg83: memref<512xf32, #tpu.memory_space<vmem>>, %arg84: memref<512xf32, #tpu.memory_space<vmem>>, %arg85: memref<512xf32, #tpu.memory_space<vmem>>, %arg86: memref<512xf32, #tpu.memory_space<vmem>>, %arg87: memref<512xf32, #tpu.memory_space<vmem>>, %arg88: memref<512xf32, #tpu.memory_space<vmem>>, %arg89: memref<512xf32, #tpu.memory_space<vmem>>, %arg90: memref<512xf32, #tpu.memory_space<vmem>>, %arg91: memref<512xf32, #tpu.memory_space<vmem>>, %arg92: memref<512xf32, #tpu.memory_space<vmem>>, %arg93: memref<512xf32, #tpu.memory_space<vmem>>, %arg94: memref<512xf32, #tpu.memory_space<vmem>>, %arg95: memref<512xf32, #tpu.memory_space<vmem>>, %arg96: memref<512xf32, #tpu.memory_space<vmem>>, %arg97: memref<512xf32, #tpu.memory_space<vmem>>, %arg98: memref<512xf32, #tpu.memory_space<vmem>>, %arg99: memref<512xf32, #tpu.memory_space<vmem>>, %arg100: memref<512xf32, #tpu.memory_space<vmem>>, %arg101: memref<512xf32, #tpu.memory_space<vmem>>, %arg102: memref<512xf32, #tpu.memory_space<vmem>>, %arg103: memref<512xf32, #tpu.memory_space<vmem>>, %arg104: memref<512xf32, #tpu.memory_space<vmem>>, %arg105: memref<512xf32, #tpu.memory_space<vmem>>, %arg106: memref<512xf32, #tpu.memory_space<vmem>>, %arg107: memref<512xf32, #tpu.memory_space<vmem>>, %arg108: memref<512xf32, #tpu.memory_space<vmem>>, %arg109: memref<512xf32, #tpu.memory_space<vmem>>, %arg110: memref<512xf32, #tpu.memory_space<vmem>>, %arg111: memref<512xf32, #tpu.memory_space<vmem>>, %arg112: memref<512xf32, #tpu.memory_space<vmem>>, %arg113: memref<512xf32, #tpu.memory_space<vmem>>, %arg114: memref<512xf32, #tpu.memory_space<vmem>>, %arg115: memref<512xf32, #tpu.memory_space<vmem>>, %arg116: memref<512xf32, #tpu.memory_space<vmem>>, %arg117: memref<512xf32, #tpu.memory_space<vmem>>, %arg118: memref<512xf32, #tpu.memory_space<vmem>>, %arg119: memref<512xf32, #tpu.memory_space<vmem>>, %arg120: memref<512xf32, #tpu.memory_space<vmem>>, %arg121: memref<512xf32, #tpu.memory_space<vmem>>, %arg122: memref<512xf32, #tpu.memory_space<vmem>>, %arg123: memref<512xf32, #tpu.memory_space<vmem>>, %arg124: memref<512xf32, #tpu.memory_space<vmem>>, %arg125: memref<512xf32, #tpu.memory_space<vmem>>, %arg126: memref<512xf32, #tpu.memory_space<vmem>>, %arg127: memref<512xf32, #tpu.memory_space<vmem>>, %arg128: memref<512xf32, #tpu.memory_space<vmem>>, %arg129: memref<512xf32, #tpu.memory_space<vmem>>, %arg130: memref<512xf32, #tpu.memory_space<vmem>>, %arg131: memref<512xf32, #tpu.memory_space<vmem>>, %arg132: memref<512xf32, #tpu.memory_space<vmem>>, %arg133: memref<512xf32, #tpu.memory_space<vmem>>, %arg134: memref<512xf32, #tpu.memory_space<vmem>>, %arg135: memref<512xf32, #tpu.memory_space<vmem>>, %arg136: memref<!tpu.dma_semaphore, #tpu.memory_space<semaphore_mem>>, %arg137: memref<!tpu.dma_semaphore, #tpu.memory_space<semaphore_mem>>) attributes {dimension_semantics = [#tpu.dimension_semantics<core_parallel>, #tpu.dimension_semantics<subcore_parallel>], iteration_bounds = array<i64: 2, 16>, scalar_prefetch = 0 : i64, scratch_operands = 131 : i64, tpu.core_type = #tpu.core_type<sc_vector_subcore>, window_params = [{transform_indices = #map}, {transform_indices = #map}, {transform_indices = #map}, {transform_indices = #map}, {transform_indices = #map}]} {
    %mul3A = arith.constant 2 : i32
    %mul3A_0 = arith.muli %arg1, %mul3A : i32
    %add3A = arith.addi %mul3A_0, %arg0 : i32
    %mul3A_1 = arith.constant 512 : i32
    %mul3A_2 = arith.muli %add3A, %mul3A_1 : i32
    "tpu.region"() ({
      %run_scoped3A = tpu.sem_alloc : memref<!tpu.dma_semaphore, #tpu.memory_space<semaphore_mem>>
      %dma_start3A_268 = tpu.memref_slice %arg4[%mul3A_2] : memref<16384xi32, #tpu.memory_space<hbm>> -> memref<512xi32, #tpu.memory_space<hbm>>
      %dma_start3A_269 = tpu.memref_slice %arg4[%mul3A_2] : memref<16384xi32, #tpu.memory_space<hbm>> -> memref<512xi32, #tpu.memory_space<hbm>>
      tpu.enqueue_dma source(%dma_start3A_269 : memref<512xi32, #tpu.memory_space<hbm>>) target(%arg7 : memref<512xi32, #tpu.memory_space<vmem>>) target_semaphore(%run_scoped3A : memref<!tpu.dma_semaphore, #tpu.memory_space<semaphore_mem>>)
      %dma_wait3A_270 = tpu.memref_slice %arg4[%mul3A_2] : memref<16384xi32, #tpu.memory_space<hbm>> -> memref<512xi32, #tpu.memory_space<hbm>>
      %dma_wait3A_271 = tpu.memref_slice %arg4[%mul3A_2] : memref<16384xi32, #tpu.memory_space<hbm>> -> memref<512xi32, #tpu.memory_space<hbm>>
      tpu.wait_dma2 semaphore(%run_scoped3A : memref<!tpu.dma_semaphore, #tpu.memory_space<semaphore_mem>>) src(%dma_wait3A_271 : memref<512xi32, #tpu.memory_space<hbm>>) dst(%arg7 : memref<512xi32, #tpu.memory_space<vmem>>)
      tpu.yield
    }) : () -> ()
    "tpu.region"() ({
      %run_scoped3A = tpu.sem_alloc : memref<!tpu.dma_semaphore, #tpu.memory_space<semaphore_mem>>
      %dma_start3A_268 = tpu.memref_slice %arg5[%mul3A_2] : memref<16384xi32, #tpu.memory_space<hbm>> -> memref<512xi32, #tpu.memory_space<hbm>>
      %dma_start3A_269 = tpu.memref_slice %arg5[%mul3A_2] : memref<16384xi32, #tpu.memory_space<hbm>> -> memref<512xi32, #tpu.memory_space<hbm>>
      tpu.enqueue_dma source(%dma_start3A_269 : memref<512xi32, #tpu.memory_space<hbm>>) target(%arg39 : memref<512xi32, #tpu.memory_space<vmem>>) target_semaphore(%run_scoped3A : memref<!tpu.dma_semaphore, #tpu.memory_space<semaphore_mem>>)
      %dma_wait3A_270 = tpu.memref_slice %arg5[%mul3A_2] : memref<16384xi32, #tpu.memory_space<hbm>> -> memref<512xi32, #tpu.memory_space<hbm>>
      %dma_wait3A_271 = tpu.memref_slice %arg5[%mul3A_2] : memref<16384xi32, #tpu.memory_space<hbm>> -> memref<512xi32, #tpu.memory_space<hbm>>
      tpu.wait_dma2 semaphore(%run_scoped3A : memref<!tpu.dma_semaphore, #tpu.memory_space<semaphore_mem>>) src(%dma_wait3A_271 : memref<512xi32, #tpu.memory_space<hbm>>) dst(%arg39 : memref<512xi32, #tpu.memory_space<vmem>>)
      tpu.yield
    }) : () -> ()
    %scan3A = arith.constant 0 : i32
    %scan3A_3 = arith.constant 0 : i32
    %scan3A_4 = arith.constant 32 : i32
    %scan3A_5 = arith.addi %scan3A_3, %scan3A_4 : i32
    %scan3A_6 = arith.constant 1 : i32
    scf.for %scan3A_268 = %scan3A_3 to %scan3A_5 step %scan3A_6  : i32 {
      %mul3A_269 = arith.constant 16 : i32
      %mul3A_270 = arith.muli %scan3A_268, %mul3A_269 : i32
      %get3A = arith.index_cast %mul3A_270 : i32 to index
      %get3A_271 = tpu.vector_load %arg7[%get3A] {strides = array<i32>} : memref<512xi32, #tpu.memory_space<vmem>>, vector<16xi32>,
      %get3A_272 = vector.shape_cast %get3A_271 : vector<16xi32> to vector<16xi32>
      %get3A_273 = arith.index_cast %mul3A_270 : i32 to index
      %get3A_274 = tpu.vector_load %arg39[%get3A_273] {strides = array<i32>} : memref<512xi32, #tpu.memory_space<vmem>>, vector<16xi32>,
      %get3A_275 = vector.shape_cast %get3A_274 : vector<16xi32> to vector<16xi32>
      %ge3A = arith.constant 999936 : i32
      %ge3A_276 = vector.broadcast %ge3A : i32 to vector<16xi32>
      %ge3A_277 = arith.cmpi sge, %get3A_272, %ge3A_276 : vector<16xi32>
      %ge3A_278 = arith.constant 999936 : i32
      %ge3A_279 = vector.broadcast %ge3A_278 : i32 to vector<16xi32>
      %ge3A_280 = arith.cmpi sge, %get3A_275, %ge3A_279 : vector<16xi32>
      %sub3A = arith.constant 999936 : i32
      %sub3A_281 = vector.broadcast %sub3A : i32 to vector<16xi32>
      %sub3A_282 = arith.subi %get3A_272, %sub3A_281 : vector<16xi32>
      %add3A_283 = arith.constant 32002048 : i32
      %add3A_284 = vector.broadcast %add3A_283 : i32 to vector<16xi32>
      %add3A_285 = arith.addi %add3A_284, %sub3A_282 : vector<16xi32>
      %add3A_286 = arith.constant 0 : i32
      %add3A_287 = vector.broadcast %add3A_286 : i32 to vector<16xi32>
      %add3A_288 = arith.addi %get3A_272, %add3A_287 : vector<16xi32>
      %select_n3A = arith.select %ge3A_277, %add3A_285, %add3A_288 : vector<16xi1>, vector<16xi32>
      %sub3A_289 = arith.constant 999936 : i32
      %sub3A_290 = vector.broadcast %sub3A_289 : i32 to vector<16xi32>
      %sub3A_291 = arith.subi %get3A_275, %sub3A_290 : vector<16xi32>
      %add3A_292 = arith.constant 32002048 : i32
      %add3A_293 = vector.broadcast %add3A_292 : i32 to vector<16xi32>
      %add3A_294 = arith.addi %add3A_293, %sub3A_291 : vector<16xi32>
      %add3A_295 = arith.constant 0 : i32
      %add3A_296 = vector.broadcast %add3A_295 : i32 to vector<16xi32>
      %add3A_297 = arith.addi %get3A_275, %add3A_296 : vector<16xi32>
      %select_n3A_298 = arith.select %ge3A_280, %add3A_294, %add3A_297 : vector<16xi1>, vector<16xi32>
      %sub3A_299 = arith.constant 999936 : i32
      %sub3A_300 = vector.broadcast %sub3A_299 : i32 to vector<16xi32>
      %sub3A_301 = arith.subi %get3A_272, %sub3A_300 : vector<16xi32>
      %add3A_302 = arith.constant 32002112 : i32
      %add3A_303 = vector.broadcast %add3A_302 : i32 to vector<16xi32>
      %add3A_304 = arith.addi %add3A_303, %sub3A_301 : vector<16xi32>
      %add3A_305 = arith.constant 1000064 : i32
      %add3A_306 = vector.broadcast %add3A_305 : i32 to vector<16xi32>
      %add3A_307 = arith.addi %get3A_272, %add3A_306 : vector<16xi32>
      %select_n3A_308 = arith.select %ge3A_277, %add3A_304, %add3A_307 : vector<16xi1>, vector<16xi32>
      %sub3A_309 = arith.constant 999936 : i32
      %sub3A_310 = vector.broadcast %sub3A_309 : i32 to vector<16xi32>
      %sub3A_311 = arith.subi %get3A_275, %sub3A_310 : vector<16xi32>
      %add3A_312 = arith.constant 32002112 : i32
      %add3A_313 = vector.broadcast %add3A_312 : i32 to vector<16xi32>
      %add3A_314 = arith.addi %add3A_313, %sub3A_311 : vector<16xi32>
      %add3A_315 = arith.constant 1000064 : i32
      %add3A_316 = vector.broadcast %add3A_315 : i32 to vector<16xi32>
      %add3A_317 = arith.addi %get3A_275, %add3A_316 : vector<16xi32>
      %select_n3A_318 = arith.select %ge3A_280, %add3A_314, %add3A_317 : vector<16xi1>, vector<16xi32>
      %swap3A = arith.index_cast %mul3A_270 : i32 to index
      %swap3A_319 = tpu.vector_load %arg8[%swap3A] {strides = array<i32>} : memref<512xi32, #tpu.memory_space<vmem>>, vector<16xi32>,
      %swap3A_320 = vector.shape_cast %swap3A_319 : vector<16xi32> to vector<16xi32>
      %swap3A_321 = vector.shape_cast %select_n3A_308 : vector<16xi32> to vector<16xi32>
      tpu.vector_store %arg8[%swap3A], %swap3A_321 {strides = array<i32>} : memref<512xi32, #tpu.memory_space<vmem>>, vector<16xi32>,
      %swap3A_322 = arith.index_cast %mul3A_270 : i32 to index
      %swap3A_323 = tpu.vector_load %arg40[%swap3A_322] {strides = array<i32>} : memref<512xi32, #tpu.memory_space<vmem>>, vector<16xi32>,
      %swap3A_324 = vector.shape_cast %swap3A_323 : vector<16xi32> to vector<16xi32>
      %swap3A_325 = vector.shape_cast %select_n3A_318 : vector<16xi32> to vector<16xi32>
      tpu.vector_store %arg40[%swap3A_322], %swap3A_325 {strides = array<i32>} : memref<512xi32, #tpu.memory_space<vmem>>, vector<16xi32>,
      %sub3A_326 = arith.constant 999936 : i32
      %sub3A_327 = vector.broadcast %sub3A_326 : i32 to vector<16xi32>
      %sub3A_328 = arith.subi %get3A_272, %sub3A_327 : vector<16xi32>
      %add3A_329 = arith.constant 32002176 : i32
      %add3A_330 = vector.broadcast %add3A_329 : i32 to vector<16xi32>
      %add3A_331 = arith.addi %add3A_330, %sub3A_328 : vector<16xi32>
      %add3A_332 = arith.constant 2000128 : i32
      %add3A_333 = vector.broadcast %add3A_332 : i32 to vector<16xi32>
      %add3A_334 = arith.addi %get3A_272, %add3A_333 : vector<16xi32>
      %select_n3A_335 = arith.select %ge3A_277, %add3A_331, %add3A_334 : vector<16xi1>, vector<16xi32>
      %sub3A_336 = arith.constant 999936 : i32
      %sub3A_337 = vector.broadcast %sub3A_336 : i32 to vector<16xi32>
      %sub3A_338 = arith.subi %get3A_275, %sub3A_337 : vector<16xi32>
      %add3A_339 = arith.constant 32002176 : i32
      %add3A_340 = vector.broadcast %add3A_339 : i32 to vector<16xi32>
      %add3A_341 = arith.addi %add3A_340, %sub3A_338 : vector<16xi32>
      %add3A_342 = arith.constant 2000128 : i32
      %add3A_343 = vector.broadcast %add3A_342 : i32 to vector<16xi32>
      %add3A_344 = arith.addi %get3A_275, %add3A_343 : vector<16xi32>
      %select_n3A_345 = arith.select %ge3A_280, %add3A_341, %add3A_344 : vector<16xi1>, vector<16xi32>
      %swap3A_346 = arith.index_cast %mul3A_270 : i32 to index
      %swap3A_347 = tpu.vector_load %arg9[%swap3A_346] {strides = array<i32>} : memref<512xi32, #tpu.memory_space<vmem>>, vector<16xi32>,
      %swap3A_348 = vector.shape_cast %swap3A_347 : vector<16xi32> to vector<16xi32>
      %swap3A_349 = vector.shape_cast %select_n3A_335 : vector<16xi32> to vector<16xi32>
      tpu.vector_store %arg9[%swap3A_346], %swap3A_349 {strides = array<i32>} : memref<512xi32, #tpu.memory_space<vmem>>, vector<16xi32>,
      %swap3A_350 = arith.index_cast %mul3A_270 : i32 to index
      %swap3A_351 = tpu.vector_load %arg41[%swap3A_350] {strides = array<i32>} : memref<512xi32, #tpu.memory_space<vmem>>, vector<16xi32>,
      %swap3A_352 = vector.shape_cast %swap3A_351 : vector<16xi32> to vector<16xi32>
      %swap3A_353 = vector.shape_cast %select_n3A_345 : vector<16xi32> to vector<16xi32>
      tpu.vector_store %arg41[%swap3A_350], %swap3A_353 {strides = array<i32>} : memref<512xi32, #tpu.memory_space<vmem>>, vector<16xi32>,
      %sub3A_354 = arith.constant 999936 : i32
      %sub3A_355 = vector.broadcast %sub3A_354 : i32 to vector<16xi32>
      %sub3A_356 = arith.subi %get3A_272, %sub3A_355 : vector<16xi32>
      %add3A_357 = arith.constant 32002240 : i32
      %add3A_358 = vector.broadcast %add3A_357 : i32 to vector<16xi32>
      %add3A_359 = arith.addi %add3A_358, %sub3A_356 : vector<16xi32>
      %add3A_360 = arith.constant 3000192 : i32
      %add3A_361 = vector.broadcast %add3A_360 : i32 to vector<16xi32>
      %add3A_362 = arith.addi %get3A_272, %add3A_361 : vector<16xi32>
      %select_n3A_363 = arith.select %ge3A_277, %add3A_359, %add3A_362 : vector<16xi1>, vector<16xi32>
      %sub3A_364 = arith.constant 999936 : i32
      %sub3A_365 = vector.broadcast %sub3A_364 : i32 to vector<16xi32>
      %sub3A_366 = arith.subi %get3A_275, %sub3A_365 : vector<16xi32>
      %add3A_367 = arith.constant 32002240 : i32
      %add3A_368 = vector.broadcast %add3A_367 : i32 to vector<16xi32>
      %add3A_369 = arith.addi %add3A_368, %sub3A_366 : vector<16xi32>
      %add3A_370 = arith.constant 3000192 : i32
      %add3A_371 = vector.broadcast %add3A_370 : i32 to vector<16xi32>
      %add3A_372 = arith.addi %get3A_275, %add3A_371 : vector<16xi32>
      %select_n3A_373 = arith.select %ge3A_280, %add3A_369, %add3A_372 : vector<16xi1>, vector<16xi32>
      %swap3A_374 = arith.index_cast %mul3A_270 : i32 to index
      %swap3A_375 = tpu.vector_load %arg10[%swap3A_374] {strides = array<i32>} : memref<512xi32, #tpu.memory_space<vmem>>, vector<16xi32>,
      %swap3A_376 = vector.shape_cast %swap3A_375 : vector<16xi32> to vector<16xi32>
      %swap3A_377 = vector.shape_cast %select_n3A_363 : vector<16xi32> to vector<16xi32>
      tpu.vector_store %arg10[%swap3A_374], %swap3A_377 {strides = array<i32>} : memref<512xi32, #tpu.memory_space<vmem>>, vector<16xi32>,
      %swap3A_378 = arith.index_cast %mul3A_270 : i32 to index
      %swap3A_379 = tpu.vector_load %arg42[%swap3A_378] {strides = array<i32>} : memref<512xi32, #tpu.memory_space<vmem>>, vector<16xi32>,
      %swap3A_380 = vector.shape_cast %swap3A_379 : vector<16xi32> to vector<16xi32>
      %swap3A_381 = vector.shape_cast %select_n3A_373 : vector<16xi32> to vector<16xi32>
      tpu.vector_store %arg42[%swap3A_378], %swap3A_381 {strides = array<i32>} : memref<512xi32, #tpu.memory_space<vmem>>, vector<16xi32>,
      %sub3A_382 = arith.constant 999936 : i32
      %sub3A_383 = vector.broadcast %sub3A_382 : i32 to vector<16xi32>
      %sub3A_384 = arith.subi %get3A_272, %sub3A_383 : vector<16xi32>
      %add3A_385 = arith.constant 32002304 : i32
      %add3A_386 = vector.broadcast %add3A_385 : i32 to vector<16xi32>
      %add3A_387 = arith.addi %add3A_386, %sub3A_384 : vector<16xi32>
      %add3A_388 = arith.constant 4000256 : i32
      %add3A_389 = vector.broadcast %add3A_388 : i32 to vector<16xi32>
      %add3A_390 = arith.addi %get3A_272, %add3A_389 : vector<16xi32>
      %select_n3A_391 = arith.select %ge3A_277, %add3A_387, %add3A_390 : vector<16xi1>, vector<16xi32>
      %sub3A_392 = arith.constant 999936 : i32
      %sub3A_393 = vector.broadcast %sub3A_392 : i32 to vector<16xi32>
      %sub3A_394 = arith.subi %get3A_275, %sub3A_393 : vector<16xi32>
      %add3A_395 = arith.constant 32002304 : i32
      %add3A_396 = vector.broadcast %add3A_395 : i32 to vector<16xi32>
      %add3A_397 = arith.addi %add3A_396, %sub3A_394 : vector<16xi32>
      %add3A_398 = arith.constant 4000256 : i32
      %add3A_399 = vector.broadcast %add3A_398 : i32 to vector<16xi32>
      %add3A_400 = arith.addi %get3A_275, %add3A_399 : vector<16xi32>
      %select_n3A_401 = arith.select %ge3A_280, %add3A_397, %add3A_400 : vector<16xi1>, vector<16xi32>
      %swap3A_402 = arith.index_cast %mul3A_270 : i32 to index
      %swap3A_403 = tpu.vector_load %arg11[%swap3A_402] {strides = array<i32>} : memref<512xi32, #tpu.memory_space<vmem>>, vector<16xi32>,
      %swap3A_404 = vector.shape_cast %swap3A_403 : vector<16xi32> to vector<16xi32>
      %swap3A_405 = vector.shape_cast %select_n3A_391 : vector<16xi32> to vector<16xi32>
      tpu.vector_store %arg11[%swap3A_402], %swap3A_405 {strides = array<i32>} : memref<512xi32, #tpu.memory_space<vmem>>, vector<16xi32>,
      %swap3A_406 = arith.index_cast %mul3A_270 : i32 to index
      %swap3A_407 = tpu.vector_load %arg43[%swap3A_406] {strides = array<i32>} : memref<512xi32, #tpu.memory_space<vmem>>, vector<16xi32>,
      %swap3A_408 = vector.shape_cast %swap3A_407 : vector<16xi32> to vector<16xi32>
      %swap3A_409 = vector.shape_cast %select_n3A_401 : vector<16xi32> to vector<16xi32>
      tpu.vector_store %arg43[%swap3A_406], %swap3A_409 {strides = array<i32>} : memref<512xi32, #tpu.memory_space<vmem>>, vector<16xi32>,
      %sub3A_410 = arith.constant 999936 : i32
      %sub3A_411 = vector.broadcast %sub3A_410 : i32 to vector<16xi32>
      %sub3A_412 = arith.subi %get3A_272, %sub3A_411 : vector<16xi32>
      %add3A_413 = arith.constant 32002368 : i32
      %add3A_414 = vector.broadcast %add3A_413 : i32 to vector<16xi32>
      %add3A_415 = arith.addi %add3A_414, %sub3A_412 : vector<16xi32>
      %add3A_416 = arith.constant 5000320 : i32
      %add3A_417 = vector.broadcast %add3A_416 : i32 to vector<16xi32>
      %add3A_418 = arith.addi %get3A_272, %add3A_417 : vector<16xi32>
      %select_n3A_419 = arith.select %ge3A_277, %add3A_415, %add3A_418 : vector<16xi1>, vector<16xi32>
      %sub3A_420 = arith.constant 999936 : i32
      %sub3A_421 = vector.broadcast %sub3A_420 : i32 to vector<16xi32>
      %sub3A_422 = arith.subi %get3A_275, %sub3A_421 : vector<16xi32>
      %add3A_423 = arith.constant 32002368 : i32
      %add3A_424 = vector.broadcast %add3A_423 : i32 to vector<16xi32>
      %add3A_425 = arith.addi %add3A_424, %sub3A_422 : vector<16xi32>
      %add3A_426 = arith.constant 5000320 : i32
      %add3A_427 = vector.broadcast %add3A_426 : i32 to vector<16xi32>
      %add3A_428 = arith.addi %get3A_275, %add3A_427 : vector<16xi32>
      %select_n3A_429 = arith.select %ge3A_280, %add3A_425, %add3A_428 : vector<16xi1>, vector<16xi32>
      %swap3A_430 = arith.index_cast %mul3A_270 : i32 to index
      %swap3A_431 = tpu.vector_load %arg12[%swap3A_430] {strides = array<i32>} : memref<512xi32, #tpu.memory_space<vmem>>, vector<16xi32>,
      %swap3A_432 = vector.shape_cast %swap3A_431 : vector<16xi32> to vector<16xi32>
      %swap3A_433 = vector.shape_cast %select_n3A_419 : vector<16xi32> to vector<16xi32>
      tpu.vector_store %arg12[%swap3A_430], %swap3A_433 {strides = array<i32>} : memref<512xi32, #tpu.memory_space<vmem>>, vector<16xi32>,
      %swap3A_434 = arith.index_cast %mul3A_270 : i32 to index
      %swap3A_435 = tpu.vector_load %arg44[%swap3A_434] {strides = array<i32>} : memref<512xi32, #tpu.memory_space<vmem>>, vector<16xi32>,
      %swap3A_436 = vector.shape_cast %swap3A_435 : vector<16xi32> to vector<16xi32>
      %swap3A_437 = vector.shape_cast %select_n3A_429 : vector<16xi32> to vector<16xi32>
      tpu.vector_store %arg44[%swap3A_434], %swap3A_437 {strides = array<i32>} : memref<512xi32, #tpu.memory_space<vmem>>, vector<16xi32>,
      %sub3A_438 = arith.constant 999936 : i32
      %sub3A_439 = vector.broadcast %sub3A_438 : i32 to vector<16xi32>
      %sub3A_440 = arith.subi %get3A_272, %sub3A_439 : vector<16xi32>
      %add3A_441 = arith.constant 32002432 : i32
      %add3A_442 = vector.broadcast %add3A_441 : i32 to vector<16xi32>
      %add3A_443 = arith.addi %add3A_442, %sub3A_440 : vector<16xi32>
      %add3A_444 = arith.constant 6000384 : i32
      %add3A_445 = vector.broadcast %add3A_444 : i32 to vector<16xi32>
      %add3A_446 = arith.addi %get3A_272, %add3A_445 : vector<16xi32>
      %select_n3A_447 = arith.select %ge3A_277, %add3A_443, %add3A_446 : vector<16xi1>, vector<16xi32>
      %sub3A_448 = arith.constant 999936 : i32
      %sub3A_449 = vector.broadcast %sub3A_448 : i32 to vector<16xi32>
      %sub3A_450 = arith.subi %get3A_275, %sub3A_449 : vector<16xi32>
      %add3A_451 = arith.constant 32002432 : i32
      %add3A_452 = vector.broadcast %add3A_451 : i32 to vector<16xi32>
      %add3A_453 = arith.addi %add3A_452, %sub3A_450 : vector<16xi32>
      %add3A_454 = arith.constant 6000384 : i32
      %add3A_455 = vector.broadcast %add3A_454 : i32 to vector<16xi32>
      %add3A_456 = arith.addi %get3A_275, %add3A_455 : vector<16xi32>
      %select_n3A_457 = arith.select %ge3A_280, %add3A_453, %add3A_456 : vector<16xi1>, vector<16xi32>
      %swap3A_458 = arith.index_cast %mul3A_270 : i32 to index
      %swap3A_459 = tpu.vector_load %arg13[%swap3A_458] {strides = array<i32>} : memref<512xi32, #tpu.memory_space<vmem>>, vector<16xi32>,
      %swap3A_460 = vector.shape_cast %swap3A_459 : vector<16xi32> to vector<16xi32>
      %swap3A_461 = vector.shape_cast %select_n3A_447 : vector<16xi32> to vector<16xi32>
      tpu.vector_store %arg13[%swap3A_458], %swap3A_461 {strides = array<i32>} : memref<512xi32, #tpu.memory_space<vmem>>, vector<16xi32>,
      %swap3A_462 = arith.index_cast %mul3A_270 : i32 to index
      %swap3A_463 = tpu.vector_load %arg45[%swap3A_462] {strides = array<i32>} : memref<512xi32, #tpu.memory_space<vmem>>, vector<16xi32>,
      %swap3A_464 = vector.shape_cast %swap3A_463 : vector<16xi32> to vector<16xi32>
      %swap3A_465 = vector.shape_cast %select_n3A_457 : vector<16xi32> to vector<16xi32>
      tpu.vector_store %arg45[%swap3A_462], %swap3A_465 {strides = array<i32>} : memref<512xi32, #tpu.memory_space<vmem>>, vector<16xi32>,
      %sub3A_466 = arith.constant 999936 : i32
      %sub3A_467 = vector.broadcast %sub3A_466 : i32 to vector<16xi32>
      %sub3A_468 = arith.subi %get3A_272, %sub3A_467 : vector<16xi32>
      %add3A_469 = arith.constant 32002496 : i32
      %add3A_470 = vector.broadcast %add3A_469 : i32 to vector<16xi32>
      %add3A_471 = arith.addi %add3A_470, %sub3A_468 : vector<16xi32>
      %add3A_472 = arith.constant 7000448 : i32
      %add3A_473 = vector.broadcast %add3A_472 : i32 to vector<16xi32>
      %add3A_474 = arith.addi %get3A_272, %add3A_473 : vector<16xi32>
      %select_n3A_475 = arith.select %ge3A_277, %add3A_471, %add3A_474 : vector<16xi1>, vector<16xi32>
      %sub3A_476 = arith.constant 999936 : i32
      %sub3A_477 = vector.broadcast %sub3A_476 : i32 to vector<16xi32>
      %sub3A_478 = arith.subi %get3A_275, %sub3A_477 : vector<16xi32>
      %add3A_479 = arith.constant 32002496 : i32
      %add3A_480 = vector.broadcast %add3A_479 : i32 to vector<16xi32>
      %add3A_481 = arith.addi %add3A_480, %sub3A_478 : vector<16xi32>
      %add3A_482 = arith.constant 7000448 : i32
      %add3A_483 = vector.broadcast %add3A_482 : i32 to vector<16xi32>
      %add3A_484 = arith.addi %get3A_275, %add3A_483 : vector<16xi32>
      %select_n3A_485 = arith.select %ge3A_280, %add3A_481, %add3A_484 : vector<16xi1>, vector<16xi32>
      %swap3A_486 = arith.index_cast %mul3A_270 : i32 to index
      %swap3A_487 = tpu.vector_load %arg14[%swap3A_486] {strides = array<i32>} : memref<512xi32, #tpu.memory_space<vmem>>, vector<16xi32>,
      %swap3A_488 = vector.shape_cast %swap3A_487 : vector<16xi32> to vector<16xi32>
      %swap3A_489 = vector.shape_cast %select_n3A_475 : vector<16xi32> to vector<16xi32>
      tpu.vector_store %arg14[%swap3A_486], %swap3A_489 {strides = array<i32>} : memref<512xi32, #tpu.memory_space<vmem>>, vector<16xi32>,
      %swap3A_490 = arith.index_cast %mul3A_270 : i32 to index
      %swap3A_491 = tpu.vector_load %arg46[%swap3A_490] {strides = array<i32>} : memref<512xi32, #tpu.memory_space<vmem>>, vector<16xi32>,
      %swap3A_492 = vector.shape_cast %swap3A_491 : vector<16xi32> to vector<16xi32>
      %swap3A_493 = vector.shape_cast %select_n3A_485 : vector<16xi32> to vector<16xi32>
      tpu.vector_store %arg46[%swap3A_490], %swap3A_493 {strides = array<i32>} : memref<512xi32, #tpu.memory_space<vmem>>, vector<16xi32>,
      %sub3A_494 = arith.constant 999936 : i32
      %sub3A_495 = vector.broadcast %sub3A_494 : i32 to vector<16xi32>
      %sub3A_496 = arith.subi %get3A_272, %sub3A_495 : vector<16xi32>
      %add3A_497 = arith.constant 32002560 : i32
      %add3A_498 = vector.broadcast %add3A_497 : i32 to vector<16xi32>
      %add3A_499 = arith.addi %add3A_498, %sub3A_496 : vector<16xi32>
      %add3A_500 = arith.constant 8000512 : i32
      %add3A_501 = vector.broadcast %add3A_500 : i32 to vector<16xi32>
      %add3A_502 = arith.addi %get3A_272, %add3A_501 : vector<16xi32>
      %select_n3A_503 = arith.select %ge3A_277, %add3A_499, %add3A_502 : vector<16xi1>, vector<16xi32>
      %sub3A_504 = arith.constant 999936 : i32
      %sub3A_505 = vector.broadcast %sub3A_504 : i32 to vector<16xi32>
      %sub3A_506 = arith.subi %get3A_275, %sub3A_505 : vector<16xi32>
      %add3A_507 = arith.constant 32002560 : i32
      %add3A_508 = vector.broadcast %add3A_507 : i32 to vector<16xi32>
      %add3A_509 = arith.addi %add3A_508, %sub3A_506 : vector<16xi32>
      %add3A_510 = arith.constant 8000512 : i32
      %add3A_511 = vector.broadcast %add3A_510 : i32 to vector<16xi32>
      %add3A_512 = arith.addi %get3A_275, %add3A_511 : vector<16xi32>
      %select_n3A_513 = arith.select %ge3A_280, %add3A_509, %add3A_512 : vector<16xi1>, vector<16xi32>
      %swap3A_514 = arith.index_cast %mul3A_270 : i32 to index
      %swap3A_515 = tpu.vector_load %arg15[%swap3A_514] {strides = array<i32>} : memref<512xi32, #tpu.memory_space<vmem>>, vector<16xi32>,
      %swap3A_516 = vector.shape_cast %swap3A_515 : vector<16xi32> to vector<16xi32>
      %swap3A_517 = vector.shape_cast %select_n3A_503 : vector<16xi32> to vector<16xi32>
      tpu.vector_store %arg15[%swap3A_514], %swap3A_517 {strides = array<i32>} : memref<512xi32, #tpu.memory_space<vmem>>, vector<16xi32>,
      %swap3A_518 = arith.index_cast %mul3A_270 : i32 to index
      %swap3A_519 = tpu.vector_load %arg47[%swap3A_518] {strides = array<i32>} : memref<512xi32, #tpu.memory_space<vmem>>, vector<16xi32>,
      %swap3A_520 = vector.shape_cast %swap3A_519 : vector<16xi32> to vector<16xi32>
      %swap3A_521 = vector.shape_cast %select_n3A_513 : vector<16xi32> to vector<16xi32>
      tpu.vector_store %arg47[%swap3A_518], %swap3A_521 {strides = array<i32>} : memref<512xi32, #tpu.memory_space<vmem>>, vector<16xi32>,
      %sub3A_522 = arith.constant 999936 : i32
      %sub3A_523 = vector.broadcast %sub3A_522 : i32 to vector<16xi32>
      %sub3A_524 = arith.subi %get3A_272, %sub3A_523 : vector<16xi32>
      %add3A_525 = arith.constant 32002624 : i32
      %add3A_526 = vector.broadcast %add3A_525 : i32 to vector<16xi32>
      %add3A_527 = arith.addi %add3A_526, %sub3A_524 : vector<16xi32>
      %add3A_528 = arith.constant 9000576 : i32
      %add3A_529 = vector.broadcast %add3A_528 : i32 to vector<16xi32>
      %add3A_530 = arith.addi %get3A_272, %add3A_529 : vector<16xi32>
      %select_n3A_531 = arith.select %ge3A_277, %add3A_527, %add3A_530 : vector<16xi1>, vector<16xi32>
      %sub3A_532 = arith.constant 999936 : i32
      %sub3A_533 = vector.broadcast %sub3A_532 : i32 to vector<16xi32>
      %sub3A_534 = arith.subi %get3A_275, %sub3A_533 : vector<16xi32>
      %add3A_535 = arith.constant 32002624 : i32
      %add3A_536 = vector.broadcast %add3A_535 : i32 to vector<16xi32>
      %add3A_537 = arith.addi %add3A_536, %sub3A_534 : vector<16xi32>
      %add3A_538 = arith.constant 9000576 : i32
      %add3A_539 = vector.broadcast %add3A_538 : i32 to vector<16xi32>
      %add3A_540 = arith.addi %get3A_275, %add3A_539 : vector<16xi32>
      %select_n3A_541 = arith.select %ge3A_280, %add3A_537, %add3A_540 : vector<16xi1>, vector<16xi32>
      %swap3A_542 = arith.index_cast %mul3A_270 : i32 to index
      %swap3A_543 = tpu.vector_load %arg16[%swap3A_542] {strides = array<i32>} : memref<512xi32, #tpu.memory_space<vmem>>, vector<16xi32>,
      %swap3A_544 = vector.shape_cast %swap3A_543 : vector<16xi32> to vector<16xi32>
      %swap3A_545 = vector.shape_cast %select_n3A_531 : vector<16xi32> to vector<16xi32>
      tpu.vector_store %arg16[%swap3A_542], %swap3A_545 {strides = array<i32>} : memref<512xi32, #tpu.memory_space<vmem>>, vector<16xi32>,
      %swap3A_546 = arith.index_cast %mul3A_270 : i32 to index
      %swap3A_547 = tpu.vector_load %arg48[%swap3A_546] {strides = array<i32>} : memref<512xi32, #tpu.memory_space<vmem>>, vector<16xi32>,
      %swap3A_548 = vector.shape_cast %swap3A_547 : vector<16xi32> to vector<16xi32>
      %swap3A_549 = vector.shape_cast %select_n3A_541 : vector<16xi32> to vector<16xi32>
      tpu.vector_store %arg48[%swap3A_546], %swap3A_549 {strides = array<i32>} : memref<512xi32, #tpu.memory_space<vmem>>, vector<16xi32>,
      %sub3A_550 = arith.constant 999936 : i32
      %sub3A_551 = vector.broadcast %sub3A_550 : i32 to vector<16xi32>
      %sub3A_552 = arith.subi %get3A_272, %sub3A_551 : vector<16xi32>
      %add3A_553 = arith.constant 32002688 : i32
      %add3A_554 = vector.broadcast %add3A_553 : i32 to vector<16xi32>
      %add3A_555 = arith.addi %add3A_554, %sub3A_552 : vector<16xi32>
      %add3A_556 = arith.constant 10000640 : i32
      %add3A_557 = vector.broadcast %add3A_556 : i32 to vector<16xi32>
      %add3A_558 = arith.addi %get3A_272, %add3A_557 : vector<16xi32>
      %select_n3A_559 = arith.select %ge3A_277, %add3A_555, %add3A_558 : vector<16xi1>, vector<16xi32>
      %sub3A_560 = arith.constant 999936 : i32
      %sub3A_561 = vector.broadcast %sub3A_560 : i32 to vector<16xi32>
      %sub3A_562 = arith.subi %get3A_275, %sub3A_561 : vector<16xi32>
      %add3A_563 = arith.constant 32002688 : i32
      %add3A_564 = vector.broadcast %add3A_563 : i32 to vector<16xi32>
      %add3A_565 = arith.addi %add3A_564, %sub3A_562 : vector<16xi32>
      %add3A_566 = arith.constant 10000640 : i32
      %add3A_567 = vector.broadcast %add3A_566 : i32 to vector<16xi32>
      %add3A_568 = arith.addi %get3A_275, %add3A_567 : vector<16xi32>
      %select_n3A_569 = arith.select %ge3A_280, %add3A_565, %add3A_568 : vector<16xi1>, vector<16xi32>
      %swap3A_570 = arith.index_cast %mul3A_270 : i32 to index
      %swap3A_571 = tpu.vector_load %arg17[%swap3A_570] {strides = array<i32>} : memref<512xi32, #tpu.memory_space<vmem>>, vector<16xi32>,
      %swap3A_572 = vector.shape_cast %swap3A_571 : vector<16xi32> to vector<16xi32>
      %swap3A_573 = vector.shape_cast %select_n3A_559 : vector<16xi32> to vector<16xi32>
      tpu.vector_store %arg17[%swap3A_570], %swap3A_573 {strides = array<i32>} : memref<512xi32, #tpu.memory_space<vmem>>, vector<16xi32>,
      %swap3A_574 = arith.index_cast %mul3A_270 : i32 to index
      %swap3A_575 = tpu.vector_load %arg49[%swap3A_574] {strides = array<i32>} : memref<512xi32, #tpu.memory_space<vmem>>, vector<16xi32>,
      %swap3A_576 = vector.shape_cast %swap3A_575 : vector<16xi32> to vector<16xi32>
      %swap3A_577 = vector.shape_cast %select_n3A_569 : vector<16xi32> to vector<16xi32>
      tpu.vector_store %arg49[%swap3A_574], %swap3A_577 {strides = array<i32>} : memref<512xi32, #tpu.memory_space<vmem>>, vector<16xi32>,
      %sub3A_578 = arith.constant 999936 : i32
      %sub3A_579 = vector.broadcast %sub3A_578 : i32 to vector<16xi32>
      %sub3A_580 = arith.subi %get3A_272, %sub3A_579 : vector<16xi32>
      %add3A_581 = arith.constant 32002752 : i32
      %add3A_582 = vector.broadcast %add3A_581 : i32 to vector<16xi32>
      %add3A_583 = arith.addi %add3A_582, %sub3A_580 : vector<16xi32>
      %add3A_584 = arith.constant 11000704 : i32
      %add3A_585 = vector.broadcast %add3A_584 : i32 to vector<16xi32>
      %add3A_586 = arith.addi %get3A_272, %add3A_585 : vector<16xi32>
      %select_n3A_587 = arith.select %ge3A_277, %add3A_583, %add3A_586 : vector<16xi1>, vector<16xi32>
      %sub3A_588 = arith.constant 999936 : i32
      %sub3A_589 = vector.broadcast %sub3A_588 : i32 to vector<16xi32>
      %sub3A_590 = arith.subi %get3A_275, %sub3A_589 : vector<16xi32>
      %add3A_591 = arith.constant 32002752 : i32
      %add3A_592 = vector.broadcast %add3A_591 : i32 to vector<16xi32>
      %add3A_593 = arith.addi %add3A_592, %sub3A_590 : vector<16xi32>
      %add3A_594 = arith.constant 11000704 : i32
      %add3A_595 = vector.broadcast %add3A_594 : i32 to vector<16xi32>
      %add3A_596 = arith.addi %get3A_275, %add3A_595 : vector<16xi32>
      %select_n3A_597 = arith.select %ge3A_280, %add3A_593, %add3A_596 : vector<16xi1>, vector<16xi32>
      %swap3A_598 = arith.index_cast %mul3A_270 : i32 to index
      %swap3A_599 = tpu.vector_load %arg18[%swap3A_598] {strides = array<i32>} : memref<512xi32, #tpu.memory_space<vmem>>, vector<16xi32>,
      %swap3A_600 = vector.shape_cast %swap3A_599 : vector<16xi32> to vector<16xi32>
      %swap3A_601 = vector.shape_cast %select_n3A_587 : vector<16xi32> to vector<16xi32>
      tpu.vector_store %arg18[%swap3A_598], %swap3A_601 {strides = array<i32>} : memref<512xi32, #tpu.memory_space<vmem>>, vector<16xi32>,
      %swap3A_602 = arith.index_cast %mul3A_270 : i32 to index
      %swap3A_603 = tpu.vector_load %arg50[%swap3A_602] {strides = array<i32>} : memref<512xi32, #tpu.memory_space<vmem>>, vector<16xi32>,
      %swap3A_604 = vector.shape_cast %swap3A_603 : vector<16xi32> to vector<16xi32>
      %swap3A_605 = vector.shape_cast %select_n3A_597 : vector<16xi32> to vector<16xi32>
      tpu.vector_store %arg50[%swap3A_602], %swap3A_605 {strides = array<i32>} : memref<512xi32, #tpu.memory_space<vmem>>, vector<16xi32>,
      %sub3A_606 = arith.constant 999936 : i32
      %sub3A_607 = vector.broadcast %sub3A_606 : i32 to vector<16xi32>
      %sub3A_608 = arith.subi %get3A_272, %sub3A_607 : vector<16xi32>
      %add3A_609 = arith.constant 32002816 : i32
      %add3A_610 = vector.broadcast %add3A_609 : i32 to vector<16xi32>
      %add3A_611 = arith.addi %add3A_610, %sub3A_608 : vector<16xi32>
      %add3A_612 = arith.constant 12000768 : i32
      %add3A_613 = vector.broadcast %add3A_612 : i32 to vector<16xi32>
      %add3A_614 = arith.addi %get3A_272, %add3A_613 : vector<16xi32>
      %select_n3A_615 = arith.select %ge3A_277, %add3A_611, %add3A_614 : vector<16xi1>, vector<16xi32>
      %sub3A_616 = arith.constant 999936 : i32
      %sub3A_617 = vector.broadcast %sub3A_616 : i32 to vector<16xi32>
      %sub3A_618 = arith.subi %get3A_275, %sub3A_617 : vector<16xi32>
      %add3A_619 = arith.constant 32002816 : i32
      %add3A_620 = vector.broadcast %add3A_619 : i32 to vector<16xi32>
      %add3A_621 = arith.addi %add3A_620, %sub3A_618 : vector<16xi32>
      %add3A_622 = arith.constant 12000768 : i32
      %add3A_623 = vector.broadcast %add3A_622 : i32 to vector<16xi32>
      %add3A_624 = arith.addi %get3A_275, %add3A_623 : vector<16xi32>
      %select_n3A_625 = arith.select %ge3A_280, %add3A_621, %add3A_624 : vector<16xi1>, vector<16xi32>
      %swap3A_626 = arith.index_cast %mul3A_270 : i32 to index
      %swap3A_627 = tpu.vector_load %arg19[%swap3A_626] {strides = array<i32>} : memref<512xi32, #tpu.memory_space<vmem>>, vector<16xi32>,
      %swap3A_628 = vector.shape_cast %swap3A_627 : vector<16xi32> to vector<16xi32>
      %swap3A_629 = vector.shape_cast %select_n3A_615 : vector<16xi32> to vector<16xi32>
      tpu.vector_store %arg19[%swap3A_626], %swap3A_629 {strides = array<i32>} : memref<512xi32, #tpu.memory_space<vmem>>, vector<16xi32>,
      %swap3A_630 = arith.index_cast %mul3A_270 : i32 to index
      %swap3A_631 = tpu.vector_load %arg51[%swap3A_630] {strides = array<i32>} : memref<512xi32, #tpu.memory_space<vmem>>, vector<16xi32>,
      %swap3A_632 = vector.shape_cast %swap3A_631 : vector<16xi32> to vector<16xi32>
      %swap3A_633 = vector.shape_cast %select_n3A_625 : vector<16xi32> to vector<16xi32>
      tpu.vector_store %arg51[%swap3A_630], %swap3A_633 {strides = array<i32>} : memref<512xi32, #tpu.memory_space<vmem>>, vector<16xi32>,
      %sub3A_634 = arith.constant 999936 : i32
      %sub3A_635 = vector.broadcast %sub3A_634 : i32 to vector<16xi32>
      %sub3A_636 = arith.subi %get3A_272, %sub3A_635 : vector<16xi32>
      %add3A_637 = arith.constant 32002880 : i32
      %add3A_638 = vector.broadcast %add3A_637 : i32 to vector<16xi32>
      %add3A_639 = arith.addi %add3A_638, %sub3A_636 : vector<16xi32>
      %add3A_640 = arith.constant 13000832 : i32
      %add3A_641 = vector.broadcast %add3A_640 : i32 to vector<16xi32>
      %add3A_642 = arith.addi %get3A_272, %add3A_641 : vector<16xi32>
      %select_n3A_643 = arith.select %ge3A_277, %add3A_639, %add3A_642 : vector<16xi1>, vector<16xi32>
      %sub3A_644 = arith.constant 999936 : i32
      %sub3A_645 = vector.broadcast %sub3A_644 : i32 to vector<16xi32>
      %sub3A_646 = arith.subi %get3A_275, %sub3A_645 : vector<16xi32>
      %add3A_647 = arith.constant 32002880 : i32
      %add3A_648 = vector.broadcast %add3A_647 : i32 to vector<16xi32>
      %add3A_649 = arith.addi %add3A_648, %sub3A_646 : vector<16xi32>
      %add3A_650 = arith.constant 13000832 : i32
      %add3A_651 = vector.broadcast %add3A_650 : i32 to vector<16xi32>
      %add3A_652 = arith.addi %get3A_275, %add3A_651 : vector<16xi32>
      %select_n3A_653 = arith.select %ge3A_280, %add3A_649, %add3A_652 : vector<16xi1>, vector<16xi32>
      %swap3A_654 = arith.index_cast %mul3A_270 : i32 to index
      %swap3A_655 = tpu.vector_load %arg20[%swap3A_654] {strides = array<i32>} : memref<512xi32, #tpu.memory_space<vmem>>, vector<16xi32>,
      %swap3A_656 = vector.shape_cast %swap3A_655 : vector<16xi32> to vector<16xi32>
      %swap3A_657 = vector.shape_cast %select_n3A_643 : vector<16xi32> to vector<16xi32>
      tpu.vector_store %arg20[%swap3A_654], %swap3A_657 {strides = array<i32>} : memref<512xi32, #tpu.memory_space<vmem>>, vector<16xi32>,
      %swap3A_658 = arith.index_cast %mul3A_270 : i32 to index
      %swap3A_659 = tpu.vector_load %arg52[%swap3A_658] {strides = array<i32>} : memref<512xi32, #tpu.memory_space<vmem>>, vector<16xi32>,
      %swap3A_660 = vector.shape_cast %swap3A_659 : vector<16xi32> to vector<16xi32>
      %swap3A_661 = vector.shape_cast %select_n3A_653 : vector<16xi32> to vector<16xi32>
      tpu.vector_store %arg52[%swap3A_658], %swap3A_661 {strides = array<i32>} : memref<512xi32, #tpu.memory_space<vmem>>, vector<16xi32>,
      %sub3A_662 = arith.constant 999936 : i32
      %sub3A_663 = vector.broadcast %sub3A_662 : i32 to vector<16xi32>
      %sub3A_664 = arith.subi %get3A_272, %sub3A_663 : vector<16xi32>
      %add3A_665 = arith.constant 32002944 : i32
      %add3A_666 = vector.broadcast %add3A_665 : i32 to vector<16xi32>
      %add3A_667 = arith.addi %add3A_666, %sub3A_664 : vector<16xi32>
      %add3A_668 = arith.constant 14000896 : i32
      %add3A_669 = vector.broadcast %add3A_668 : i32 to vector<16xi32>
      %add3A_670 = arith.addi %get3A_272, %add3A_669 : vector<16xi32>
      %select_n3A_671 = arith.select %ge3A_277, %add3A_667, %add3A_670 : vector<16xi1>, vector<16xi32>
      %sub3A_672 = arith.constant 999936 : i32
      %sub3A_673 = vector.broadcast %sub3A_672 : i32 to vector<16xi32>
      %sub3A_674 = arith.subi %get3A_275, %sub3A_673 : vector<16xi32>
      %add3A_675 = arith.constant 32002944 : i32
      %add3A_676 = vector.broadcast %add3A_675 : i32 to vector<16xi32>
      %add3A_677 = arith.addi %add3A_676, %sub3A_674 : vector<16xi32>
      %add3A_678 = arith.constant 14000896 : i32
      %add3A_679 = vector.broadcast %add3A_678 : i32 to vector<16xi32>
      %add3A_680 = arith.addi %get3A_275, %add3A_679 : vector<16xi32>
      %select_n3A_681 = arith.select %ge3A_280, %add3A_677, %add3A_680 : vector<16xi1>, vector<16xi32>
      %swap3A_682 = arith.index_cast %mul3A_270 : i32 to index
      %swap3A_683 = tpu.vector_load %arg21[%swap3A_682] {strides = array<i32>} : memref<512xi32, #tpu.memory_space<vmem>>, vector<16xi32>,
      %swap3A_684 = vector.shape_cast %swap3A_683 : vector<16xi32> to vector<16xi32>
      %swap3A_685 = vector.shape_cast %select_n3A_671 : vector<16xi32> to vector<16xi32>
      tpu.vector_store %arg21[%swap3A_682], %swap3A_685 {strides = array<i32>} : memref<512xi32, #tpu.memory_space<vmem>>, vector<16xi32>,
      %swap3A_686 = arith.index_cast %mul3A_270 : i32 to index
      %swap3A_687 = tpu.vector_load %arg53[%swap3A_686] {strides = array<i32>} : memref<512xi32, #tpu.memory_space<vmem>>, vector<16xi32>,
      %swap3A_688 = vector.shape_cast %swap3A_687 : vector<16xi32> to vector<16xi32>
      %swap3A_689 = vector.shape_cast %select_n3A_681 : vector<16xi32> to vector<16xi32>
      tpu.vector_store %arg53[%swap3A_686], %swap3A_689 {strides = array<i32>} : memref<512xi32, #tpu.memory_space<vmem>>, vector<16xi32>,
      %sub3A_690 = arith.constant 999936 : i32
      %sub3A_691 = vector.broadcast %sub3A_690 : i32 to vector<16xi32>
      %sub3A_692 = arith.subi %get3A_272, %sub3A_691 : vector<16xi32>
      %add3A_693 = arith.constant 32003008 : i32
      %add3A_694 = vector.broadcast %add3A_693 : i32 to vector<16xi32>
      %add3A_695 = arith.addi %add3A_694, %sub3A_692 : vector<16xi32>
      %add3A_696 = arith.constant 15000960 : i32
      %add3A_697 = vector.broadcast %add3A_696 : i32 to vector<16xi32>
      %add3A_698 = arith.addi %get3A_272, %add3A_697 : vector<16xi32>
      %select_n3A_699 = arith.select %ge3A_277, %add3A_695, %add3A_698 : vector<16xi1>, vector<16xi32>
      %sub3A_700 = arith.constant 999936 : i32
      %sub3A_701 = vector.broadcast %sub3A_700 : i32 to vector<16xi32>
      %sub3A_702 = arith.subi %get3A_275, %sub3A_701 : vector<16xi32>
      %add3A_703 = arith.constant 32003008 : i32
      %add3A_704 = vector.broadcast %add3A_703 : i32 to vector<16xi32>
      %add3A_705 = arith.addi %add3A_704, %sub3A_702 : vector<16xi32>
      %add3A_706 = arith.constant 15000960 : i32
      %add3A_707 = vector.broadcast %add3A_706 : i32 to vector<16xi32>
      %add3A_708 = arith.addi %get3A_275, %add3A_707 : vector<16xi32>
      %select_n3A_709 = arith.select %ge3A_280, %add3A_705, %add3A_708 : vector<16xi1>, vector<16xi32>
      %swap3A_710 = arith.index_cast %mul3A_270 : i32 to index
      %swap3A_711 = tpu.vector_load %arg22[%swap3A_710] {strides = array<i32>} : memref<512xi32, #tpu.memory_space<vmem>>, vector<16xi32>,
      %swap3A_712 = vector.shape_cast %swap3A_711 : vector<16xi32> to vector<16xi32>
      %swap3A_713 = vector.shape_cast %select_n3A_699 : vector<16xi32> to vector<16xi32>
      tpu.vector_store %arg22[%swap3A_710], %swap3A_713 {strides = array<i32>} : memref<512xi32, #tpu.memory_space<vmem>>, vector<16xi32>,
      %swap3A_714 = arith.index_cast %mul3A_270 : i32 to index
      %swap3A_715 = tpu.vector_load %arg54[%swap3A_714] {strides = array<i32>} : memref<512xi32, #tpu.memory_space<vmem>>, vector<16xi32>,
      %swap3A_716 = vector.shape_cast %swap3A_715 : vector<16xi32> to vector<16xi32>
      %swap3A_717 = vector.shape_cast %select_n3A_709 : vector<16xi32> to vector<16xi32>
      tpu.vector_store %arg54[%swap3A_714], %swap3A_717 {strides = array<i32>} : memref<512xi32, #tpu.memory_space<vmem>>, vector<16xi32>,
      %sub3A_718 = arith.constant 999936 : i32
      %sub3A_719 = vector.broadcast %sub3A_718 : i32 to vector<16xi32>
      %sub3A_720 = arith.subi %get3A_272, %sub3A_719 : vector<16xi32>
      %add3A_721 = arith.constant 32003072 : i32
      %add3A_722 = vector.broadcast %add3A_721 : i32 to vector<16xi32>
      %add3A_723 = arith.addi %add3A_722, %sub3A_720 : vector<16xi32>
      %add3A_724 = arith.constant 16001024 : i32
      %add3A_725 = vector.broadcast %add3A_724 : i32 to vector<16xi32>
      %add3A_726 = arith.addi %get3A_272, %add3A_725 : vector<16xi32>
      %select_n3A_727 = arith.select %ge3A_277, %add3A_723, %add3A_726 : vector<16xi1>, vector<16xi32>
      %sub3A_728 = arith.constant 999936 : i32
      %sub3A_729 = vector.broadcast %sub3A_728 : i32 to vector<16xi32>
      %sub3A_730 = arith.subi %get3A_275, %sub3A_729 : vector<16xi32>
      %add3A_731 = arith.constant 32003072 : i32
      %add3A_732 = vector.broadcast %add3A_731 : i32 to vector<16xi32>
      %add3A_733 = arith.addi %add3A_732, %sub3A_730 : vector<16xi32>
      %add3A_734 = arith.constant 16001024 : i32
      %add3A_735 = vector.broadcast %add3A_734 : i32 to vector<16xi32>
      %add3A_736 = arith.addi %get3A_275, %add3A_735 : vector<16xi32>
      %select_n3A_737 = arith.select %ge3A_280, %add3A_733, %add3A_736 : vector<16xi1>, vector<16xi32>
      %swap3A_738 = arith.index_cast %mul3A_270 : i32 to index
      %swap3A_739 = tpu.vector_load %arg23[%swap3A_738] {strides = array<i32>} : memref<512xi32, #tpu.memory_space<vmem>>, vector<16xi32>,
      %swap3A_740 = vector.shape_cast %swap3A_739 : vector<16xi32> to vector<16xi32>
      %swap3A_741 = vector.shape_cast %select_n3A_727 : vector<16xi32> to vector<16xi32>
      tpu.vector_store %arg23[%swap3A_738], %swap3A_741 {strides = array<i32>} : memref<512xi32, #tpu.memory_space<vmem>>, vector<16xi32>,
      %swap3A_742 = arith.index_cast %mul3A_270 : i32 to index
      %swap3A_743 = tpu.vector_load %arg55[%swap3A_742] {strides = array<i32>} : memref<512xi32, #tpu.memory_space<vmem>>, vector<16xi32>,
      %swap3A_744 = vector.shape_cast %swap3A_743 : vector<16xi32> to vector<16xi32>
      %swap3A_745 = vector.shape_cast %select_n3A_737 : vector<16xi32> to vector<16xi32>
      tpu.vector_store %arg55[%swap3A_742], %swap3A_745 {strides = array<i32>} : memref<512xi32, #tpu.memory_space<vmem>>, vector<16xi32>,
      %sub3A_746 = arith.constant 999936 : i32
      %sub3A_747 = vector.broadcast %sub3A_746 : i32 to vector<16xi32>
      %sub3A_748 = arith.subi %get3A_272, %sub3A_747 : vector<16xi32>
      %add3A_749 = arith.constant 32003136 : i32
      %add3A_750 = vector.broadcast %add3A_749 : i32 to vector<16xi32>
      %add3A_751 = arith.addi %add3A_750, %sub3A_748 : vector<16xi32>
      %add3A_752 = arith.constant 17001088 : i32
      %add3A_753 = vector.broadcast %add3A_752 : i32 to vector<16xi32>
      %add3A_754 = arith.addi %get3A_272, %add3A_753 : vector<16xi32>
      %select_n3A_755 = arith.select %ge3A_277, %add3A_751, %add3A_754 : vector<16xi1>, vector<16xi32>
      %sub3A_756 = arith.constant 999936 : i32
      %sub3A_757 = vector.broadcast %sub3A_756 : i32 to vector<16xi32>
      %sub3A_758 = arith.subi %get3A_275, %sub3A_757 : vector<16xi32>
      %add3A_759 = arith.constant 32003136 : i32
      %add3A_760 = vector.broadcast %add3A_759 : i32 to vector<16xi32>
      %add3A_761 = arith.addi %add3A_760, %sub3A_758 : vector<16xi32>
      %add3A_762 = arith.constant 17001088 : i32
      %add3A_763 = vector.broadcast %add3A_762 : i32 to vector<16xi32>
      %add3A_764 = arith.addi %get3A_275, %add3A_763 : vector<16xi32>
      %select_n3A_765 = arith.select %ge3A_280, %add3A_761, %add3A_764 : vector<16xi1>, vector<16xi32>
      %swap3A_766 = arith.index_cast %mul3A_270 : i32 to index
      %swap3A_767 = tpu.vector_load %arg24[%swap3A_766] {strides = array<i32>} : memref<512xi32, #tpu.memory_space<vmem>>, vector<16xi32>,
      %swap3A_768 = vector.shape_cast %swap3A_767 : vector<16xi32> to vector<16xi32>
      %swap3A_769 = vector.shape_cast %select_n3A_755 : vector<16xi32> to vector<16xi32>
      tpu.vector_store %arg24[%swap3A_766], %swap3A_769 {strides = array<i32>} : memref<512xi32, #tpu.memory_space<vmem>>, vector<16xi32>,
      %swap3A_770 = arith.index_cast %mul3A_270 : i32 to index
      %swap3A_771 = tpu.vector_load %arg56[%swap3A_770] {strides = array<i32>} : memref<512xi32, #tpu.memory_space<vmem>>, vector<16xi32>,
      %swap3A_772 = vector.shape_cast %swap3A_771 : vector<16xi32> to vector<16xi32>
      %swap3A_773 = vector.shape_cast %select_n3A_765 : vector<16xi32> to vector<16xi32>
      tpu.vector_store %arg56[%swap3A_770], %swap3A_773 {strides = array<i32>} : memref<512xi32, #tpu.memory_space<vmem>>, vector<16xi32>,
      %sub3A_774 = arith.constant 999936 : i32
      %sub3A_775 = vector.broadcast %sub3A_774 : i32 to vector<16xi32>
      %sub3A_776 = arith.subi %get3A_272, %sub3A_775 : vector<16xi32>
      %add3A_777 = arith.constant 32003200 : i32
      %add3A_778 = vector.broadcast %add3A_777 : i32 to vector<16xi32>
      %add3A_779 = arith.addi %add3A_778, %sub3A_776 : vector<16xi32>
      %add3A_780 = arith.constant 18001152 : i32
      %add3A_781 = vector.broadcast %add3A_780 : i32 to vector<16xi32>
      %add3A_782 = arith.addi %get3A_272, %add3A_781 : vector<16xi32>
      %select_n3A_783 = arith.select %ge3A_277, %add3A_779, %add3A_782 : vector<16xi1>, vector<16xi32>
      %sub3A_784 = arith.constant 999936 : i32
      %sub3A_785 = vector.broadcast %sub3A_784 : i32 to vector<16xi32>
      %sub3A_786 = arith.subi %get3A_275, %sub3A_785 : vector<16xi32>
      %add3A_787 = arith.constant 32003200 : i32
      %add3A_788 = vector.broadcast %add3A_787 : i32 to vector<16xi32>
      %add3A_789 = arith.addi %add3A_788, %sub3A_786 : vector<16xi32>
      %add3A_790 = arith.constant 18001152 : i32
      %add3A_791 = vector.broadcast %add3A_790 : i32 to vector<16xi32>
      %add3A_792 = arith.addi %get3A_275, %add3A_791 : vector<16xi32>
      %select_n3A_793 = arith.select %ge3A_280, %add3A_789, %add3A_792 : vector<16xi1>, vector<16xi32>
      %swap3A_794 = arith.index_cast %mul3A_270 : i32 to index
      %swap3A_795 = tpu.vector_load %arg25[%swap3A_794] {strides = array<i32>} : memref<512xi32, #tpu.memory_space<vmem>>, vector<16xi32>,
      %swap3A_796 = vector.shape_cast %swap3A_795 : vector<16xi32> to vector<16xi32>
      %swap3A_797 = vector.shape_cast %select_n3A_783 : vector<16xi32> to vector<16xi32>
      tpu.vector_store %arg25[%swap3A_794], %swap3A_797 {strides = array<i32>} : memref<512xi32, #tpu.memory_space<vmem>>, vector<16xi32>,
      %swap3A_798 = arith.index_cast %mul3A_270 : i32 to index
      %swap3A_799 = tpu.vector_load %arg57[%swap3A_798] {strides = array<i32>} : memref<512xi32, #tpu.memory_space<vmem>>, vector<16xi32>,
      %swap3A_800 = vector.shape_cast %swap3A_799 : vector<16xi32> to vector<16xi32>
      %swap3A_801 = vector.shape_cast %select_n3A_793 : vector<16xi32> to vector<16xi32>
      tpu.vector_store %arg57[%swap3A_798], %swap3A_801 {strides = array<i32>} : memref<512xi32, #tpu.memory_space<vmem>>, vector<16xi32>,
      %sub3A_802 = arith.constant 999936 : i32
      %sub3A_803 = vector.broadcast %sub3A_802 : i32 to vector<16xi32>
      %sub3A_804 = arith.subi %get3A_272, %sub3A_803 : vector<16xi32>
      %add3A_805 = arith.constant 32003264 : i32
      %add3A_806 = vector.broadcast %add3A_805 : i32 to vector<16xi32>
      %add3A_807 = arith.addi %add3A_806, %sub3A_804 : vector<16xi32>
      %add3A_808 = arith.constant 19001216 : i32
      %add3A_809 = vector.broadcast %add3A_808 : i32 to vector<16xi32>
      %add3A_810 = arith.addi %get3A_272, %add3A_809 : vector<16xi32>
      %select_n3A_811 = arith.select %ge3A_277, %add3A_807, %add3A_810 : vector<16xi1>, vector<16xi32>
      %sub3A_812 = arith.constant 999936 : i32
      %sub3A_813 = vector.broadcast %sub3A_812 : i32 to vector<16xi32>
      %sub3A_814 = arith.subi %get3A_275, %sub3A_813 : vector<16xi32>
      %add3A_815 = arith.constant 32003264 : i32
      %add3A_816 = vector.broadcast %add3A_815 : i32 to vector<16xi32>
      %add3A_817 = arith.addi %add3A_816, %sub3A_814 : vector<16xi32>
      %add3A_818 = arith.constant 19001216 : i32
      %add3A_819 = vector.broadcast %add3A_818 : i32 to vector<16xi32>
      %add3A_820 = arith.addi %get3A_275, %add3A_819 : vector<16xi32>
      %select_n3A_821 = arith.select %ge3A_280, %add3A_817, %add3A_820 : vector<16xi1>, vector<16xi32>
      %swap3A_822 = arith.index_cast %mul3A_270 : i32 to index
      %swap3A_823 = tpu.vector_load %arg26[%swap3A_822] {strides = array<i32>} : memref<512xi32, #tpu.memory_space<vmem>>, vector<16xi32>,
      %swap3A_824 = vector.shape_cast %swap3A_823 : vector<16xi32> to vector<16xi32>
      %swap3A_825 = vector.shape_cast %select_n3A_811 : vector<16xi32> to vector<16xi32>
      tpu.vector_store %arg26[%swap3A_822], %swap3A_825 {strides = array<i32>} : memref<512xi32, #tpu.memory_space<vmem>>, vector<16xi32>,
      %swap3A_826 = arith.index_cast %mul3A_270 : i32 to index
      %swap3A_827 = tpu.vector_load %arg58[%swap3A_826] {strides = array<i32>} : memref<512xi32, #tpu.memory_space<vmem>>, vector<16xi32>,
      %swap3A_828 = vector.shape_cast %swap3A_827 : vector<16xi32> to vector<16xi32>
      %swap3A_829 = vector.shape_cast %select_n3A_821 : vector<16xi32> to vector<16xi32>
      tpu.vector_store %arg58[%swap3A_826], %swap3A_829 {strides = array<i32>} : memref<512xi32, #tpu.memory_space<vmem>>, vector<16xi32>,
      %sub3A_830 = arith.constant 999936 : i32
      %sub3A_831 = vector.broadcast %sub3A_830 : i32 to vector<16xi32>
      %sub3A_832 = arith.subi %get3A_272, %sub3A_831 : vector<16xi32>
      %add3A_833 = arith.constant 32003328 : i32
      %add3A_834 = vector.broadcast %add3A_833 : i32 to vector<16xi32>
      %add3A_835 = arith.addi %add3A_834, %sub3A_832 : vector<16xi32>
      %add3A_836 = arith.constant 20001280 : i32
      %add3A_837 = vector.broadcast %add3A_836 : i32 to vector<16xi32>
      %add3A_838 = arith.addi %get3A_272, %add3A_837 : vector<16xi32>
      %select_n3A_839 = arith.select %ge3A_277, %add3A_835, %add3A_838 : vector<16xi1>, vector<16xi32>
      %sub3A_840 = arith.constant 999936 : i32
      %sub3A_841 = vector.broadcast %sub3A_840 : i32 to vector<16xi32>
      %sub3A_842 = arith.subi %get3A_275, %sub3A_841 : vector<16xi32>
      %add3A_843 = arith.constant 32003328 : i32
      %add3A_844 = vector.broadcast %add3A_843 : i32 to vector<16xi32>
      %add3A_845 = arith.addi %add3A_844, %sub3A_842 : vector<16xi32>
      %add3A_846 = arith.constant 20001280 : i32
      %add3A_847 = vector.broadcast %add3A_846 : i32 to vector<16xi32>
      %add3A_848 = arith.addi %get3A_275, %add3A_847 : vector<16xi32>
      %select_n3A_849 = arith.select %ge3A_280, %add3A_845, %add3A_848 : vector<16xi1>, vector<16xi32>
      %swap3A_850 = arith.index_cast %mul3A_270 : i32 to index
      %swap3A_851 = tpu.vector_load %arg27[%swap3A_850] {strides = array<i32>} : memref<512xi32, #tpu.memory_space<vmem>>, vector<16xi32>,
      %swap3A_852 = vector.shape_cast %swap3A_851 : vector<16xi32> to vector<16xi32>
      %swap3A_853 = vector.shape_cast %select_n3A_839 : vector<16xi32> to vector<16xi32>
      tpu.vector_store %arg27[%swap3A_850], %swap3A_853 {strides = array<i32>} : memref<512xi32, #tpu.memory_space<vmem>>, vector<16xi32>,
      %swap3A_854 = arith.index_cast %mul3A_270 : i32 to index
      %swap3A_855 = tpu.vector_load %arg59[%swap3A_854] {strides = array<i32>} : memref<512xi32, #tpu.memory_space<vmem>>, vector<16xi32>,
      %swap3A_856 = vector.shape_cast %swap3A_855 : vector<16xi32> to vector<16xi32>
      %swap3A_857 = vector.shape_cast %select_n3A_849 : vector<16xi32> to vector<16xi32>
      tpu.vector_store %arg59[%swap3A_854], %swap3A_857 {strides = array<i32>} : memref<512xi32, #tpu.memory_space<vmem>>, vector<16xi32>,
      %sub3A_858 = arith.constant 999936 : i32
      %sub3A_859 = vector.broadcast %sub3A_858 : i32 to vector<16xi32>
      %sub3A_860 = arith.subi %get3A_272, %sub3A_859 : vector<16xi32>
      %add3A_861 = arith.constant 32003392 : i32
      %add3A_862 = vector.broadcast %add3A_861 : i32 to vector<16xi32>
      %add3A_863 = arith.addi %add3A_862, %sub3A_860 : vector<16xi32>
      %add3A_864 = arith.constant 21001344 : i32
      %add3A_865 = vector.broadcast %add3A_864 : i32 to vector<16xi32>
      %add3A_866 = arith.addi %get3A_272, %add3A_865 : vector<16xi32>
      %select_n3A_867 = arith.select %ge3A_277, %add3A_863, %add3A_866 : vector<16xi1>, vector<16xi32>
      %sub3A_868 = arith.constant 999936 : i32
      %sub3A_869 = vector.broadcast %sub3A_868 : i32 to vector<16xi32>
      %sub3A_870 = arith.subi %get3A_275, %sub3A_869 : vector<16xi32>
      %add3A_871 = arith.constant 32003392 : i32
      %add3A_872 = vector.broadcast %add3A_871 : i32 to vector<16xi32>
      %add3A_873 = arith.addi %add3A_872, %sub3A_870 : vector<16xi32>
      %add3A_874 = arith.constant 21001344 : i32
      %add3A_875 = vector.broadcast %add3A_874 : i32 to vector<16xi32>
      %add3A_876 = arith.addi %get3A_275, %add3A_875 : vector<16xi32>
      %select_n3A_877 = arith.select %ge3A_280, %add3A_873, %add3A_876 : vector<16xi1>, vector<16xi32>
      %swap3A_878 = arith.index_cast %mul3A_270 : i32 to index
      %swap3A_879 = tpu.vector_load %arg28[%swap3A_878] {strides = array<i32>} : memref<512xi32, #tpu.memory_space<vmem>>, vector<16xi32>,
      %swap3A_880 = vector.shape_cast %swap3A_879 : vector<16xi32> to vector<16xi32>
      %swap3A_881 = vector.shape_cast %select_n3A_867 : vector<16xi32> to vector<16xi32>
      tpu.vector_store %arg28[%swap3A_878], %swap3A_881 {strides = array<i32>} : memref<512xi32, #tpu.memory_space<vmem>>, vector<16xi32>,
      %swap3A_882 = arith.index_cast %mul3A_270 : i32 to index
      %swap3A_883 = tpu.vector_load %arg60[%swap3A_882] {strides = array<i32>} : memref<512xi32, #tpu.memory_space<vmem>>, vector<16xi32>,
      %swap3A_884 = vector.shape_cast %swap3A_883 : vector<16xi32> to vector<16xi32>
      %swap3A_885 = vector.shape_cast %select_n3A_877 : vector<16xi32> to vector<16xi32>
      tpu.vector_store %arg60[%swap3A_882], %swap3A_885 {strides = array<i32>} : memref<512xi32, #tpu.memory_space<vmem>>, vector<16xi32>,
      %sub3A_886 = arith.constant 999936 : i32
      %sub3A_887 = vector.broadcast %sub3A_886 : i32 to vector<16xi32>
      %sub3A_888 = arith.subi %get3A_272, %sub3A_887 : vector<16xi32>
      %add3A_889 = arith.constant 32003456 : i32
      %add3A_890 = vector.broadcast %add3A_889 : i32 to vector<16xi32>
      %add3A_891 = arith.addi %add3A_890, %sub3A_888 : vector<16xi32>
      %add3A_892 = arith.constant 22001408 : i32
      %add3A_893 = vector.broadcast %add3A_892 : i32 to vector<16xi32>
      %add3A_894 = arith.addi %get3A_272, %add3A_893 : vector<16xi32>
      %select_n3A_895 = arith.select %ge3A_277, %add3A_891, %add3A_894 : vector<16xi1>, vector<16xi32>
      %sub3A_896 = arith.constant 999936 : i32
      %sub3A_897 = vector.broadcast %sub3A_896 : i32 to vector<16xi32>
      %sub3A_898 = arith.subi %get3A_275, %sub3A_897 : vector<16xi32>
      %add3A_899 = arith.constant 32003456 : i32
      %add3A_900 = vector.broadcast %add3A_899 : i32 to vector<16xi32>
      %add3A_901 = arith.addi %add3A_900, %sub3A_898 : vector<16xi32>
      %add3A_902 = arith.constant 22001408 : i32
      %add3A_903 = vector.broadcast %add3A_902 : i32 to vector<16xi32>
      %add3A_904 = arith.addi %get3A_275, %add3A_903 : vector<16xi32>
      %select_n3A_905 = arith.select %ge3A_280, %add3A_901, %add3A_904 : vector<16xi1>, vector<16xi32>
      %swap3A_906 = arith.index_cast %mul3A_270 : i32 to index
      %swap3A_907 = tpu.vector_load %arg29[%swap3A_906] {strides = array<i32>} : memref<512xi32, #tpu.memory_space<vmem>>, vector<16xi32>,
      %swap3A_908 = vector.shape_cast %swap3A_907 : vector<16xi32> to vector<16xi32>
      %swap3A_909 = vector.shape_cast %select_n3A_895 : vector<16xi32> to vector<16xi32>
      tpu.vector_store %arg29[%swap3A_906], %swap3A_909 {strides = array<i32>} : memref<512xi32, #tpu.memory_space<vmem>>, vector<16xi32>,
      %swap3A_910 = arith.index_cast %mul3A_270 : i32 to index
      %swap3A_911 = tpu.vector_load %arg61[%swap3A_910] {strides = array<i32>} : memref<512xi32, #tpu.memory_space<vmem>>, vector<16xi32>,
      %swap3A_912 = vector.shape_cast %swap3A_911 : vector<16xi32> to vector<16xi32>
      %swap3A_913 = vector.shape_cast %select_n3A_905 : vector<16xi32> to vector<16xi32>
      tpu.vector_store %arg61[%swap3A_910], %swap3A_913 {strides = array<i32>} : memref<512xi32, #tpu.memory_space<vmem>>, vector<16xi32>,
      %sub3A_914 = arith.constant 999936 : i32
      %sub3A_915 = vector.broadcast %sub3A_914 : i32 to vector<16xi32>
      %sub3A_916 = arith.subi %get3A_272, %sub3A_915 : vector<16xi32>
      %add3A_917 = arith.constant 32003520 : i32
      %add3A_918 = vector.broadcast %add3A_917 : i32 to vector<16xi32>
      %add3A_919 = arith.addi %add3A_918, %sub3A_916 : vector<16xi32>
      %add3A_920 = arith.constant 23001472 : i32
      %add3A_921 = vector.broadcast %add3A_920 : i32 to vector<16xi32>
      %add3A_922 = arith.addi %get3A_272, %add3A_921 : vector<16xi32>
      %select_n3A_923 = arith.select %ge3A_277, %add3A_919, %add3A_922 : vector<16xi1>, vector<16xi32>
      %sub3A_924 = arith.constant 999936 : i32
      %sub3A_925 = vector.broadcast %sub3A_924 : i32 to vector<16xi32>
      %sub3A_926 = arith.subi %get3A_275, %sub3A_925 : vector<16xi32>
      %add3A_927 = arith.constant 32003520 : i32
      %add3A_928 = vector.broadcast %add3A_927 : i32 to vector<16xi32>
      %add3A_929 = arith.addi %add3A_928, %sub3A_926 : vector<16xi32>
      %add3A_930 = arith.constant 23001472 : i32
      %add3A_931 = vector.broadcast %add3A_930 : i32 to vector<16xi32>
      %add3A_932 = arith.addi %get3A_275, %add3A_931 : vector<16xi32>
      %select_n3A_933 = arith.select %ge3A_280, %add3A_929, %add3A_932 : vector<16xi1>, vector<16xi32>
      %swap3A_934 = arith.index_cast %mul3A_270 : i32 to index
      %swap3A_935 = tpu.vector_load %arg30[%swap3A_934] {strides = array<i32>} : memref<512xi32, #tpu.memory_space<vmem>>, vector<16xi32>,
      %swap3A_936 = vector.shape_cast %swap3A_935 : vector<16xi32> to vector<16xi32>
      %swap3A_937 = vector.shape_cast %select_n3A_923 : vector<16xi32> to vector<16xi32>
      tpu.vector_store %arg30[%swap3A_934], %swap3A_937 {strides = array<i32>} : memref<512xi32, #tpu.memory_space<vmem>>, vector<16xi32>,
      %swap3A_938 = arith.index_cast %mul3A_270 : i32 to index
      %swap3A_939 = tpu.vector_load %arg62[%swap3A_938] {strides = array<i32>} : memref<512xi32, #tpu.memory_space<vmem>>, vector<16xi32>,
      %swap3A_940 = vector.shape_cast %swap3A_939 : vector<16xi32> to vector<16xi32>
      %swap3A_941 = vector.shape_cast %select_n3A_933 : vector<16xi32> to vector<16xi32>
      tpu.vector_store %arg62[%swap3A_938], %swap3A_941 {strides = array<i32>} : memref<512xi32, #tpu.memory_space<vmem>>, vector<16xi32>,
      %sub3A_942 = arith.constant 999936 : i32
      %sub3A_943 = vector.broadcast %sub3A_942 : i32 to vector<16xi32>
      %sub3A_944 = arith.subi %get3A_272, %sub3A_943 : vector<16xi32>
      %add3A_945 = arith.constant 32003584 : i32
      %add3A_946 = vector.broadcast %add3A_945 : i32 to vector<16xi32>
      %add3A_947 = arith.addi %add3A_946, %sub3A_944 : vector<16xi32>
      %add3A_948 = arith.constant 24001536 : i32
      %add3A_949 = vector.broadcast %add3A_948 : i32 to vector<16xi32>
      %add3A_950 = arith.addi %get3A_272, %add3A_949 : vector<16xi32>
      %select_n3A_951 = arith.select %ge3A_277, %add3A_947, %add3A_950 : vector<16xi1>, vector<16xi32>
      %sub3A_952 = arith.constant 999936 : i32
      %sub3A_953 = vector.broadcast %sub3A_952 : i32 to vector<16xi32>
      %sub3A_954 = arith.subi %get3A_275, %sub3A_953 : vector<16xi32>
      %add3A_955 = arith.constant 32003584 : i32
      %add3A_956 = vector.broadcast %add3A_955 : i32 to vector<16xi32>
      %add3A_957 = arith.addi %add3A_956, %sub3A_954 : vector<16xi32>
      %add3A_958 = arith.constant 24001536 : i32
      %add3A_959 = vector.broadcast %add3A_958 : i32 to vector<16xi32>
      %add3A_960 = arith.addi %get3A_275, %add3A_959 : vector<16xi32>
      %select_n3A_961 = arith.select %ge3A_280, %add3A_957, %add3A_960 : vector<16xi1>, vector<16xi32>
      %swap3A_962 = arith.index_cast %mul3A_270 : i32 to index
      %swap3A_963 = tpu.vector_load %arg31[%swap3A_962] {strides = array<i32>} : memref<512xi32, #tpu.memory_space<vmem>>, vector<16xi32>,
      %swap3A_964 = vector.shape_cast %swap3A_963 : vector<16xi32> to vector<16xi32>
      %swap3A_965 = vector.shape_cast %select_n3A_951 : vector<16xi32> to vector<16xi32>
      tpu.vector_store %arg31[%swap3A_962], %swap3A_965 {strides = array<i32>} : memref<512xi32, #tpu.memory_space<vmem>>, vector<16xi32>,
      %swap3A_966 = arith.index_cast %mul3A_270 : i32 to index
      %swap3A_967 = tpu.vector_load %arg63[%swap3A_966] {strides = array<i32>} : memref<512xi32, #tpu.memory_space<vmem>>, vector<16xi32>,
      %swap3A_968 = vector.shape_cast %swap3A_967 : vector<16xi32> to vector<16xi32>
      %swap3A_969 = vector.shape_cast %select_n3A_961 : vector<16xi32> to vector<16xi32>
      tpu.vector_store %arg63[%swap3A_966], %swap3A_969 {strides = array<i32>} : memref<512xi32, #tpu.memory_space<vmem>>, vector<16xi32>,
      %sub3A_970 = arith.constant 999936 : i32
      %sub3A_971 = vector.broadcast %sub3A_970 : i32 to vector<16xi32>
      %sub3A_972 = arith.subi %get3A_272, %sub3A_971 : vector<16xi32>
      %add3A_973 = arith.constant 32003648 : i32
      %add3A_974 = vector.broadcast %add3A_973 : i32 to vector<16xi32>
      %add3A_975 = arith.addi %add3A_974, %sub3A_972 : vector<16xi32>
      %add3A_976 = arith.constant 25001600 : i32
      %add3A_977 = vector.broadcast %add3A_976 : i32 to vector<16xi32>
      %add3A_978 = arith.addi %get3A_272, %add3A_977 : vector<16xi32>
      %select_n3A_979 = arith.select %ge3A_277, %add3A_975, %add3A_978 : vector<16xi1>, vector<16xi32>
      %sub3A_980 = arith.constant 999936 : i32
      %sub3A_981 = vector.broadcast %sub3A_980 : i32 to vector<16xi32>
      %sub3A_982 = arith.subi %get3A_275, %sub3A_981 : vector<16xi32>
      %add3A_983 = arith.constant 32003648 : i32
      %add3A_984 = vector.broadcast %add3A_983 : i32 to vector<16xi32>
      %add3A_985 = arith.addi %add3A_984, %sub3A_982 : vector<16xi32>
      %add3A_986 = arith.constant 25001600 : i32
      %add3A_987 = vector.broadcast %add3A_986 : i32 to vector<16xi32>
      %add3A_988 = arith.addi %get3A_275, %add3A_987 : vector<16xi32>
      %select_n3A_989 = arith.select %ge3A_280, %add3A_985, %add3A_988 : vector<16xi1>, vector<16xi32>
      %swap3A_990 = arith.index_cast %mul3A_270 : i32 to index
      %swap3A_991 = tpu.vector_load %arg32[%swap3A_990] {strides = array<i32>} : memref<512xi32, #tpu.memory_space<vmem>>, vector<16xi32>,
      %swap3A_992 = vector.shape_cast %swap3A_991 : vector<16xi32> to vector<16xi32>
      %swap3A_993 = vector.shape_cast %select_n3A_979 : vector<16xi32> to vector<16xi32>
      tpu.vector_store %arg32[%swap3A_990], %swap3A_993 {strides = array<i32>} : memref<512xi32, #tpu.memory_space<vmem>>, vector<16xi32>,
      %swap3A_994 = arith.index_cast %mul3A_270 : i32 to index
      %swap3A_995 = tpu.vector_load %arg64[%swap3A_994] {strides = array<i32>} : memref<512xi32, #tpu.memory_space<vmem>>, vector<16xi32>,
      %swap3A_996 = vector.shape_cast %swap3A_995 : vector<16xi32> to vector<16xi32>
      %swap3A_997 = vector.shape_cast %select_n3A_989 : vector<16xi32> to vector<16xi32>
      tpu.vector_store %arg64[%swap3A_994], %swap3A_997 {strides = array<i32>} : memref<512xi32, #tpu.memory_space<vmem>>, vector<16xi32>,
      %sub3A_998 = arith.constant 999936 : i32
      %sub3A_999 = vector.broadcast %sub3A_998 : i32 to vector<16xi32>
      %sub3A_1000 = arith.subi %get3A_272, %sub3A_999 : vector<16xi32>
      %add3A_1001 = arith.constant 32003712 : i32
      %add3A_1002 = vector.broadcast %add3A_1001 : i32 to vector<16xi32>
      %add3A_1003 = arith.addi %add3A_1002, %sub3A_1000 : vector<16xi32>
      %add3A_1004 = arith.constant 26001664 : i32
      %add3A_1005 = vector.broadcast %add3A_1004 : i32 to vector<16xi32>
      %add3A_1006 = arith.addi %get3A_272, %add3A_1005 : vector<16xi32>
      %select_n3A_1007 = arith.select %ge3A_277, %add3A_1003, %add3A_1006 : vector<16xi1>, vector<16xi32>
      %sub3A_1008 = arith.constant 999936 : i32
      %sub3A_1009 = vector.broadcast %sub3A_1008 : i32 to vector<16xi32>
      %sub3A_1010 = arith.subi %get3A_275, %sub3A_1009 : vector<16xi32>
      %add3A_1011 = arith.constant 32003712 : i32
      %add3A_1012 = vector.broadcast %add3A_1011 : i32 to vector<16xi32>
      %add3A_1013 = arith.addi %add3A_1012, %sub3A_1010 : vector<16xi32>
      %add3A_1014 = arith.constant 26001664 : i32
      %add3A_1015 = vector.broadcast %add3A_1014 : i32 to vector<16xi32>
      %add3A_1016 = arith.addi %get3A_275, %add3A_1015 : vector<16xi32>
      %select_n3A_1017 = arith.select %ge3A_280, %add3A_1013, %add3A_1016 : vector<16xi1>, vector<16xi32>
      %swap3A_1018 = arith.index_cast %mul3A_270 : i32 to index
      %swap3A_1019 = tpu.vector_load %arg33[%swap3A_1018] {strides = array<i32>} : memref<512xi32, #tpu.memory_space<vmem>>, vector<16xi32>,
      %swap3A_1020 = vector.shape_cast %swap3A_1019 : vector<16xi32> to vector<16xi32>
      %swap3A_1021 = vector.shape_cast %select_n3A_1007 : vector<16xi32> to vector<16xi32>
      tpu.vector_store %arg33[%swap3A_1018], %swap3A_1021 {strides = array<i32>} : memref<512xi32, #tpu.memory_space<vmem>>, vector<16xi32>,
      %swap3A_1022 = arith.index_cast %mul3A_270 : i32 to index
      %swap3A_1023 = tpu.vector_load %arg65[%swap3A_1022] {strides = array<i32>} : memref<512xi32, #tpu.memory_space<vmem>>, vector<16xi32>,
      %swap3A_1024 = vector.shape_cast %swap3A_1023 : vector<16xi32> to vector<16xi32>
      %swap3A_1025 = vector.shape_cast %select_n3A_1017 : vector<16xi32> to vector<16xi32>
      tpu.vector_store %arg65[%swap3A_1022], %swap3A_1025 {strides = array<i32>} : memref<512xi32, #tpu.memory_space<vmem>>, vector<16xi32>,
      %sub3A_1026 = arith.constant 999936 : i32
      %sub3A_1027 = vector.broadcast %sub3A_1026 : i32 to vector<16xi32>
      %sub3A_1028 = arith.subi %get3A_272, %sub3A_1027 : vector<16xi32>
      %add3A_1029 = arith.constant 32003776 : i32
      %add3A_1030 = vector.broadcast %add3A_1029 : i32 to vector<16xi32>
      %add3A_1031 = arith.addi %add3A_1030, %sub3A_1028 : vector<16xi32>
      %add3A_1032 = arith.constant 27001728 : i32
      %add3A_1033 = vector.broadcast %add3A_1032 : i32 to vector<16xi32>
      %add3A_1034 = arith.addi %get3A_272, %add3A_1033 : vector<16xi32>
      %select_n3A_1035 = arith.select %ge3A_277, %add3A_1031, %add3A_1034 : vector<16xi1>, vector<16xi32>
      %sub3A_1036 = arith.constant 999936 : i32
      %sub3A_1037 = vector.broadcast %sub3A_1036 : i32 to vector<16xi32>
      %sub3A_1038 = arith.subi %get3A_275, %sub3A_1037 : vector<16xi32>
      %add3A_1039 = arith.constant 32003776 : i32
      %add3A_1040 = vector.broadcast %add3A_1039 : i32 to vector<16xi32>
      %add3A_1041 = arith.addi %add3A_1040, %sub3A_1038 : vector<16xi32>
      %add3A_1042 = arith.constant 27001728 : i32
      %add3A_1043 = vector.broadcast %add3A_1042 : i32 to vector<16xi32>
      %add3A_1044 = arith.addi %get3A_275, %add3A_1043 : vector<16xi32>
      %select_n3A_1045 = arith.select %ge3A_280, %add3A_1041, %add3A_1044 : vector<16xi1>, vector<16xi32>
      %swap3A_1046 = arith.index_cast %mul3A_270 : i32 to index
      %swap3A_1047 = tpu.vector_load %arg34[%swap3A_1046] {strides = array<i32>} : memref<512xi32, #tpu.memory_space<vmem>>, vector<16xi32>,
      %swap3A_1048 = vector.shape_cast %swap3A_1047 : vector<16xi32> to vector<16xi32>
      %swap3A_1049 = vector.shape_cast %select_n3A_1035 : vector<16xi32> to vector<16xi32>
      tpu.vector_store %arg34[%swap3A_1046], %swap3A_1049 {strides = array<i32>} : memref<512xi32, #tpu.memory_space<vmem>>, vector<16xi32>,
      %swap3A_1050 = arith.index_cast %mul3A_270 : i32 to index
      %swap3A_1051 = tpu.vector_load %arg66[%swap3A_1050] {strides = array<i32>} : memref<512xi32, #tpu.memory_space<vmem>>, vector<16xi32>,
      %swap3A_1052 = vector.shape_cast %swap3A_1051 : vector<16xi32> to vector<16xi32>
      %swap3A_1053 = vector.shape_cast %select_n3A_1045 : vector<16xi32> to vector<16xi32>
      tpu.vector_store %arg66[%swap3A_1050], %swap3A_1053 {strides = array<i32>} : memref<512xi32, #tpu.memory_space<vmem>>, vector<16xi32>,
      %sub3A_1054 = arith.constant 999936 : i32
      %sub3A_1055 = vector.broadcast %sub3A_1054 : i32 to vector<16xi32>
      %sub3A_1056 = arith.subi %get3A_272, %sub3A_1055 : vector<16xi32>
      %add3A_1057 = arith.constant 32003840 : i32
      %add3A_1058 = vector.broadcast %add3A_1057 : i32 to vector<16xi32>
      %add3A_1059 = arith.addi %add3A_1058, %sub3A_1056 : vector<16xi32>
      %add3A_1060 = arith.constant 28001792 : i32
      %add3A_1061 = vector.broadcast %add3A_1060 : i32 to vector<16xi32>
      %add3A_1062 = arith.addi %get3A_272, %add3A_1061 : vector<16xi32>
      %select_n3A_1063 = arith.select %ge3A_277, %add3A_1059, %add3A_1062 : vector<16xi1>, vector<16xi32>
      %sub3A_1064 = arith.constant 999936 : i32
      %sub3A_1065 = vector.broadcast %sub3A_1064 : i32 to vector<16xi32>
      %sub3A_1066 = arith.subi %get3A_275, %sub3A_1065 : vector<16xi32>
      %add3A_1067 = arith.constant 32003840 : i32
      %add3A_1068 = vector.broadcast %add3A_1067 : i32 to vector<16xi32>
      %add3A_1069 = arith.addi %add3A_1068, %sub3A_1066 : vector<16xi32>
      %add3A_1070 = arith.constant 28001792 : i32
      %add3A_1071 = vector.broadcast %add3A_1070 : i32 to vector<16xi32>
      %add3A_1072 = arith.addi %get3A_275, %add3A_1071 : vector<16xi32>
      %select_n3A_1073 = arith.select %ge3A_280, %add3A_1069, %add3A_1072 : vector<16xi1>, vector<16xi32>
      %swap3A_1074 = arith.index_cast %mul3A_270 : i32 to index
      %swap3A_1075 = tpu.vector_load %arg35[%swap3A_1074] {strides = array<i32>} : memref<512xi32, #tpu.memory_space<vmem>>, vector<16xi32>,
      %swap3A_1076 = vector.shape_cast %swap3A_1075 : vector<16xi32> to vector<16xi32>
      %swap3A_1077 = vector.shape_cast %select_n3A_1063 : vector<16xi32> to vector<16xi32>
      tpu.vector_store %arg35[%swap3A_1074], %swap3A_1077 {strides = array<i32>} : memref<512xi32, #tpu.memory_space<vmem>>, vector<16xi32>,
      %swap3A_1078 = arith.index_cast %mul3A_270 : i32 to index
      %swap3A_1079 = tpu.vector_load %arg67[%swap3A_1078] {strides = array<i32>} : memref<512xi32, #tpu.memory_space<vmem>>, vector<16xi32>,
      %swap3A_1080 = vector.shape_cast %swap3A_1079 : vector<16xi32> to vector<16xi32>
      %swap3A_1081 = vector.shape_cast %select_n3A_1073 : vector<16xi32> to vector<16xi32>
      tpu.vector_store %arg67[%swap3A_1078], %swap3A_1081 {strides = array<i32>} : memref<512xi32, #tpu.memory_space<vmem>>, vector<16xi32>,
      %sub3A_1082 = arith.constant 999936 : i32
      %sub3A_1083 = vector.broadcast %sub3A_1082 : i32 to vector<16xi32>
      %sub3A_1084 = arith.subi %get3A_272, %sub3A_1083 : vector<16xi32>
      %add3A_1085 = arith.constant 32003904 : i32
      %add3A_1086 = vector.broadcast %add3A_1085 : i32 to vector<16xi32>
      %add3A_1087 = arith.addi %add3A_1086, %sub3A_1084 : vector<16xi32>
      %add3A_1088 = arith.constant 29001856 : i32
      %add3A_1089 = vector.broadcast %add3A_1088 : i32 to vector<16xi32>
      %add3A_1090 = arith.addi %get3A_272, %add3A_1089 : vector<16xi32>
      %select_n3A_1091 = arith.select %ge3A_277, %add3A_1087, %add3A_1090 : vector<16xi1>, vector<16xi32>
      %sub3A_1092 = arith.constant 999936 : i32
      %sub3A_1093 = vector.broadcast %sub3A_1092 : i32 to vector<16xi32>
      %sub3A_1094 = arith.subi %get3A_275, %sub3A_1093 : vector<16xi32>
      %add3A_1095 = arith.constant 32003904 : i32
      %add3A_1096 = vector.broadcast %add3A_1095 : i32 to vector<16xi32>
      %add3A_1097 = arith.addi %add3A_1096, %sub3A_1094 : vector<16xi32>
      %add3A_1098 = arith.constant 29001856 : i32
      %add3A_1099 = vector.broadcast %add3A_1098 : i32 to vector<16xi32>
      %add3A_1100 = arith.addi %get3A_275, %add3A_1099 : vector<16xi32>
      %select_n3A_1101 = arith.select %ge3A_280, %add3A_1097, %add3A_1100 : vector<16xi1>, vector<16xi32>
      %swap3A_1102 = arith.index_cast %mul3A_270 : i32 to index
      %swap3A_1103 = tpu.vector_load %arg36[%swap3A_1102] {strides = array<i32>} : memref<512xi32, #tpu.memory_space<vmem>>, vector<16xi32>,
      %swap3A_1104 = vector.shape_cast %swap3A_1103 : vector<16xi32> to vector<16xi32>
      %swap3A_1105 = vector.shape_cast %select_n3A_1091 : vector<16xi32> to vector<16xi32>
      tpu.vector_store %arg36[%swap3A_1102], %swap3A_1105 {strides = array<i32>} : memref<512xi32, #tpu.memory_space<vmem>>, vector<16xi32>,
      %swap3A_1106 = arith.index_cast %mul3A_270 : i32 to index
      %swap3A_1107 = tpu.vector_load %arg68[%swap3A_1106] {strides = array<i32>} : memref<512xi32, #tpu.memory_space<vmem>>, vector<16xi32>,
      %swap3A_1108 = vector.shape_cast %swap3A_1107 : vector<16xi32> to vector<16xi32>
      %swap3A_1109 = vector.shape_cast %select_n3A_1101 : vector<16xi32> to vector<16xi32>
      tpu.vector_store %arg68[%swap3A_1106], %swap3A_1109 {strides = array<i32>} : memref<512xi32, #tpu.memory_space<vmem>>, vector<16xi32>,
      %sub3A_1110 = arith.constant 999936 : i32
      %sub3A_1111 = vector.broadcast %sub3A_1110 : i32 to vector<16xi32>
      %sub3A_1112 = arith.subi %get3A_272, %sub3A_1111 : vector<16xi32>
      %add3A_1113 = arith.constant 32003968 : i32
      %add3A_1114 = vector.broadcast %add3A_1113 : i32 to vector<16xi32>
      %add3A_1115 = arith.addi %add3A_1114, %sub3A_1112 : vector<16xi32>
      %add3A_1116 = arith.constant 30001920 : i32
      %add3A_1117 = vector.broadcast %add3A_1116 : i32 to vector<16xi32>
      %add3A_1118 = arith.addi %get3A_272, %add3A_1117 : vector<16xi32>
      %select_n3A_1119 = arith.select %ge3A_277, %add3A_1115, %add3A_1118 : vector<16xi1>, vector<16xi32>
      %sub3A_1120 = arith.constant 999936 : i32
      %sub3A_1121 = vector.broadcast %sub3A_1120 : i32 to vector<16xi32>
      %sub3A_1122 = arith.subi %get3A_275, %sub3A_1121 : vector<16xi32>
      %add3A_1123 = arith.constant 32003968 : i32
      %add3A_1124 = vector.broadcast %add3A_1123 : i32 to vector<16xi32>
      %add3A_1125 = arith.addi %add3A_1124, %sub3A_1122 : vector<16xi32>
      %add3A_1126 = arith.constant 30001920 : i32
      %add3A_1127 = vector.broadcast %add3A_1126 : i32 to vector<16xi32>
      %add3A_1128 = arith.addi %get3A_275, %add3A_1127 : vector<16xi32>
      %select_n3A_1129 = arith.select %ge3A_280, %add3A_1125, %add3A_1128 : vector<16xi1>, vector<16xi32>
      %swap3A_1130 = arith.index_cast %mul3A_270 : i32 to index
      %swap3A_1131 = tpu.vector_load %arg37[%swap3A_1130] {strides = array<i32>} : memref<512xi32, #tpu.memory_space<vmem>>, vector<16xi32>,
      %swap3A_1132 = vector.shape_cast %swap3A_1131 : vector<16xi32> to vector<16xi32>
      %swap3A_1133 = vector.shape_cast %select_n3A_1119 : vector<16xi32> to vector<16xi32>
      tpu.vector_store %arg37[%swap3A_1130], %swap3A_1133 {strides = array<i32>} : memref<512xi32, #tpu.memory_space<vmem>>, vector<16xi32>,
      %swap3A_1134 = arith.index_cast %mul3A_270 : i32 to index
      %swap3A_1135 = tpu.vector_load %arg69[%swap3A_1134] {strides = array<i32>} : memref<512xi32, #tpu.memory_space<vmem>>, vector<16xi32>,
      %swap3A_1136 = vector.shape_cast %swap3A_1135 : vector<16xi32> to vector<16xi32>
      %swap3A_1137 = vector.shape_cast %select_n3A_1129 : vector<16xi32> to vector<16xi32>
      tpu.vector_store %arg69[%swap3A_1134], %swap3A_1137 {strides = array<i32>} : memref<512xi32, #tpu.memory_space<vmem>>, vector<16xi32>,
      %sub3A_1138 = arith.constant 999936 : i32
      %sub3A_1139 = vector.broadcast %sub3A_1138 : i32 to vector<16xi32>
      %sub3A_1140 = arith.subi %get3A_272, %sub3A_1139 : vector<16xi32>
      %add3A_1141 = arith.constant 32004032 : i32
      %add3A_1142 = vector.broadcast %add3A_1141 : i32 to vector<16xi32>
      %add3A_1143 = arith.addi %add3A_1142, %sub3A_1140 : vector<16xi32>
      %add3A_1144 = arith.constant 31001984 : i32
      %add3A_1145 = vector.broadcast %add3A_1144 : i32 to vector<16xi32>
      %add3A_1146 = arith.addi %get3A_272, %add3A_1145 : vector<16xi32>
      %select_n3A_1147 = arith.select %ge3A_277, %add3A_1143, %add3A_1146 : vector<16xi1>, vector<16xi32>
      %sub3A_1148 = arith.constant 999936 : i32
      %sub3A_1149 = vector.broadcast %sub3A_1148 : i32 to vector<16xi32>
      %sub3A_1150 = arith.subi %get3A_275, %sub3A_1149 : vector<16xi32>
      %add3A_1151 = arith.constant 32004032 : i32
      %add3A_1152 = vector.broadcast %add3A_1151 : i32 to vector<16xi32>
      %add3A_1153 = arith.addi %add3A_1152, %sub3A_1150 : vector<16xi32>
      %add3A_1154 = arith.constant 31001984 : i32
      %add3A_1155 = vector.broadcast %add3A_1154 : i32 to vector<16xi32>
      %add3A_1156 = arith.addi %get3A_275, %add3A_1155 : vector<16xi32>
      %select_n3A_1157 = arith.select %ge3A_280, %add3A_1153, %add3A_1156 : vector<16xi1>, vector<16xi32>
      %swap3A_1158 = arith.index_cast %mul3A_270 : i32 to index
      %swap3A_1159 = tpu.vector_load %arg38[%swap3A_1158] {strides = array<i32>} : memref<512xi32, #tpu.memory_space<vmem>>, vector<16xi32>,
      %swap3A_1160 = vector.shape_cast %swap3A_1159 : vector<16xi32> to vector<16xi32>
      %swap3A_1161 = vector.shape_cast %select_n3A_1147 : vector<16xi32> to vector<16xi32>
      tpu.vector_store %arg38[%swap3A_1158], %swap3A_1161 {strides = array<i32>} : memref<512xi32, #tpu.memory_space<vmem>>, vector<16xi32>,
      %swap3A_1162 = arith.index_cast %mul3A_270 : i32 to index
      %swap3A_1163 = tpu.vector_load %arg70[%swap3A_1162] {strides = array<i32>} : memref<512xi32, #tpu.memory_space<vmem>>, vector<16xi32>,
      %swap3A_1164 = vector.shape_cast %swap3A_1163 : vector<16xi32> to vector<16xi32>
      %swap3A_1165 = vector.shape_cast %select_n3A_1157 : vector<16xi32> to vector<16xi32>
      tpu.vector_store %arg70[%swap3A_1162], %swap3A_1165 {strides = array<i32>} : memref<512xi32, #tpu.memory_space<vmem>>, vector<16xi32>,
      %swap3A_1166 = arith.index_cast %mul3A_270 : i32 to index
      %swap3A_1167 = tpu.vector_load %arg7[%swap3A_1166] {strides = array<i32>} : memref<512xi32, #tpu.memory_space<vmem>>, vector<16xi32>,
      %swap3A_1168 = vector.shape_cast %swap3A_1167 : vector<16xi32> to vector<16xi32>
      %swap3A_1169 = vector.shape_cast %select_n3A : vector<16xi32> to vector<16xi32>
      tpu.vector_store %arg7[%swap3A_1166], %swap3A_1169 {strides = array<i32>} : memref<512xi32, #tpu.memory_space<vmem>>, vector<16xi32>,
      %swap3A_1170 = arith.index_cast %mul3A_270 : i32 to index
      %swap3A_1171 = tpu.vector_load %arg39[%swap3A_1170] {strides = array<i32>} : memref<512xi32, #tpu.memory_space<vmem>>, vector<16xi32>,
      %swap3A_1172 = vector.shape_cast %swap3A_1171 : vector<16xi32> to vector<16xi32>
      %swap3A_1173 = vector.shape_cast %select_n3A_298 : vector<16xi32> to vector<16xi32>
      tpu.vector_store %arg39[%swap3A_1170], %swap3A_1173 {strides = array<i32>} : memref<512xi32, #tpu.memory_space<vmem>>, vector<16xi32>,
    }
    %scan3A_7 = arith.constant 32 : i32
    %dma_start3A = arith.constant 0 : i32
    %dma_start3A_8 = tpu.memref_slice %arg2[%dma_start3A] : memref<32004096xf32, #tpu.memory_space<hbm>> -> memref<32004096xf32, #tpu.memory_space<hbm>>
    tpu.enqueue_indirect_dma source(%dma_start3A_8 : memref<32004096xf32, #tpu.memory_space<hbm>>) target(%arg71 : memref<512xf32, #tpu.memory_space<vmem>>) offsets(%arg7 : memref<512xi32, #tpu.memory_space<vmem>>) semaphore(%arg136 : memref<!tpu.dma_semaphore, #tpu.memory_space<semaphore_mem>>)
    %dma_start3A_9 = arith.constant 0 : i32
    %dma_start3A_10 = tpu.memref_slice %arg3[%dma_start3A_9] : memref<32004096xf32, #tpu.memory_space<hbm>> -> memref<32004096xf32, #tpu.memory_space<hbm>>
    tpu.enqueue_indirect_dma source(%dma_start3A_10 : memref<32004096xf32, #tpu.memory_space<hbm>>) target(%arg103 : memref<512xf32, #tpu.memory_space<vmem>>) offsets(%arg39 : memref<512xi32, #tpu.memory_space<vmem>>) semaphore(%arg137 : memref<!tpu.dma_semaphore, #tpu.memory_space<semaphore_mem>>)
    %dma_start3A_11 = arith.constant 0 : i32
    %dma_start3A_12 = tpu.memref_slice %arg2[%dma_start3A_11] : memref<32004096xf32, #tpu.memory_space<hbm>> -> memref<32004096xf32, #tpu.memory_space<hbm>>
    tpu.enqueue_indirect_dma source(%dma_start3A_12 : memref<32004096xf32, #tpu.memory_space<hbm>>) target(%arg72 : memref<512xf32, #tpu.memory_space<vmem>>) offsets(%arg8 : memref<512xi32, #tpu.memory_space<vmem>>) semaphore(%arg136 : memref<!tpu.dma_semaphore, #tpu.memory_space<semaphore_mem>>)
    %dma_start3A_13 = arith.constant 0 : i32
    %dma_start3A_14 = tpu.memref_slice %arg3[%dma_start3A_13] : memref<32004096xf32, #tpu.memory_space<hbm>> -> memref<32004096xf32, #tpu.memory_space<hbm>>
    tpu.enqueue_indirect_dma source(%dma_start3A_14 : memref<32004096xf32, #tpu.memory_space<hbm>>) target(%arg104 : memref<512xf32, #tpu.memory_space<vmem>>) offsets(%arg40 : memref<512xi32, #tpu.memory_space<vmem>>) semaphore(%arg137 : memref<!tpu.dma_semaphore, #tpu.memory_space<semaphore_mem>>)
    %dma_start3A_15 = arith.constant 0 : i32
    %dma_start3A_16 = tpu.memref_slice %arg2[%dma_start3A_15] : memref<32004096xf32, #tpu.memory_space<hbm>> -> memref<32004096xf32, #tpu.memory_space<hbm>>
    tpu.enqueue_indirect_dma source(%dma_start3A_16 : memref<32004096xf32, #tpu.memory_space<hbm>>) target(%arg73 : memref<512xf32, #tpu.memory_space<vmem>>) offsets(%arg9 : memref<512xi32, #tpu.memory_space<vmem>>) semaphore(%arg136 : memref<!tpu.dma_semaphore, #tpu.memory_space<semaphore_mem>>)
    %dma_start3A_17 = arith.constant 0 : i32
    %dma_start3A_18 = tpu.memref_slice %arg3[%dma_start3A_17] : memref<32004096xf32, #tpu.memory_space<hbm>> -> memref<32004096xf32, #tpu.memory_space<hbm>>
    tpu.enqueue_indirect_dma source(%dma_start3A_18 : memref<32004096xf32, #tpu.memory_space<hbm>>) target(%arg105 : memref<512xf32, #tpu.memory_space<vmem>>) offsets(%arg41 : memref<512xi32, #tpu.memory_space<vmem>>) semaphore(%arg137 : memref<!tpu.dma_semaphore, #tpu.memory_space<semaphore_mem>>)
    %dma_start3A_19 = arith.constant 0 : i32
    %dma_start3A_20 = tpu.memref_slice %arg2[%dma_start3A_19] : memref<32004096xf32, #tpu.memory_space<hbm>> -> memref<32004096xf32, #tpu.memory_space<hbm>>
    tpu.enqueue_indirect_dma source(%dma_start3A_20 : memref<32004096xf32, #tpu.memory_space<hbm>>) target(%arg74 : memref<512xf32, #tpu.memory_space<vmem>>) offsets(%arg10 : memref<512xi32, #tpu.memory_space<vmem>>) semaphore(%arg136 : memref<!tpu.dma_semaphore, #tpu.memory_space<semaphore_mem>>)
    %dma_start3A_21 = arith.constant 0 : i32
    %dma_start3A_22 = tpu.memref_slice %arg3[%dma_start3A_21] : memref<32004096xf32, #tpu.memory_space<hbm>> -> memref<32004096xf32, #tpu.memory_space<hbm>>
    tpu.enqueue_indirect_dma source(%dma_start3A_22 : memref<32004096xf32, #tpu.memory_space<hbm>>) target(%arg106 : memref<512xf32, #tpu.memory_space<vmem>>) offsets(%arg42 : memref<512xi32, #tpu.memory_space<vmem>>) semaphore(%arg137 : memref<!tpu.dma_semaphore, #tpu.memory_space<semaphore_mem>>)
    %dma_start3A_23 = arith.constant 0 : i32
    %dma_start3A_24 = tpu.memref_slice %arg2[%dma_start3A_23] : memref<32004096xf32, #tpu.memory_space<hbm>> -> memref<32004096xf32, #tpu.memory_space<hbm>>
    tpu.enqueue_indirect_dma source(%dma_start3A_24 : memref<32004096xf32, #tpu.memory_space<hbm>>) target(%arg75 : memref<512xf32, #tpu.memory_space<vmem>>) offsets(%arg11 : memref<512xi32, #tpu.memory_space<vmem>>) semaphore(%arg136 : memref<!tpu.dma_semaphore, #tpu.memory_space<semaphore_mem>>)
    %dma_start3A_25 = arith.constant 0 : i32
    %dma_start3A_26 = tpu.memref_slice %arg3[%dma_start3A_25] : memref<32004096xf32, #tpu.memory_space<hbm>> -> memref<32004096xf32, #tpu.memory_space<hbm>>
    tpu.enqueue_indirect_dma source(%dma_start3A_26 : memref<32004096xf32, #tpu.memory_space<hbm>>) target(%arg107 : memref<512xf32, #tpu.memory_space<vmem>>) offsets(%arg43 : memref<512xi32, #tpu.memory_space<vmem>>) semaphore(%arg137 : memref<!tpu.dma_semaphore, #tpu.memory_space<semaphore_mem>>)
    %dma_start3A_27 = arith.constant 0 : i32
    %dma_start3A_28 = tpu.memref_slice %arg2[%dma_start3A_27] : memref<32004096xf32, #tpu.memory_space<hbm>> -> memref<32004096xf32, #tpu.memory_space<hbm>>
    tpu.enqueue_indirect_dma source(%dma_start3A_28 : memref<32004096xf32, #tpu.memory_space<hbm>>) target(%arg76 : memref<512xf32, #tpu.memory_space<vmem>>) offsets(%arg12 : memref<512xi32, #tpu.memory_space<vmem>>) semaphore(%arg136 : memref<!tpu.dma_semaphore, #tpu.memory_space<semaphore_mem>>)
    %dma_start3A_29 = arith.constant 0 : i32
    %dma_start3A_30 = tpu.memref_slice %arg3[%dma_start3A_29] : memref<32004096xf32, #tpu.memory_space<hbm>> -> memref<32004096xf32, #tpu.memory_space<hbm>>
    tpu.enqueue_indirect_dma source(%dma_start3A_30 : memref<32004096xf32, #tpu.memory_space<hbm>>) target(%arg108 : memref<512xf32, #tpu.memory_space<vmem>>) offsets(%arg44 : memref<512xi32, #tpu.memory_space<vmem>>) semaphore(%arg137 : memref<!tpu.dma_semaphore, #tpu.memory_space<semaphore_mem>>)
    %dma_start3A_31 = arith.constant 0 : i32
    %dma_start3A_32 = tpu.memref_slice %arg2[%dma_start3A_31] : memref<32004096xf32, #tpu.memory_space<hbm>> -> memref<32004096xf32, #tpu.memory_space<hbm>>
    tpu.enqueue_indirect_dma source(%dma_start3A_32 : memref<32004096xf32, #tpu.memory_space<hbm>>) target(%arg77 : memref<512xf32, #tpu.memory_space<vmem>>) offsets(%arg13 : memref<512xi32, #tpu.memory_space<vmem>>) semaphore(%arg136 : memref<!tpu.dma_semaphore, #tpu.memory_space<semaphore_mem>>)
    %dma_start3A_33 = arith.constant 0 : i32
    %dma_start3A_34 = tpu.memref_slice %arg3[%dma_start3A_33] : memref<32004096xf32, #tpu.memory_space<hbm>> -> memref<32004096xf32, #tpu.memory_space<hbm>>
    tpu.enqueue_indirect_dma source(%dma_start3A_34 : memref<32004096xf32, #tpu.memory_space<hbm>>) target(%arg109 : memref<512xf32, #tpu.memory_space<vmem>>) offsets(%arg45 : memref<512xi32, #tpu.memory_space<vmem>>) semaphore(%arg137 : memref<!tpu.dma_semaphore, #tpu.memory_space<semaphore_mem>>)
    %dma_start3A_35 = arith.constant 0 : i32
    %dma_start3A_36 = tpu.memref_slice %arg2[%dma_start3A_35] : memref<32004096xf32, #tpu.memory_space<hbm>> -> memref<32004096xf32, #tpu.memory_space<hbm>>
    tpu.enqueue_indirect_dma source(%dma_start3A_36 : memref<32004096xf32, #tpu.memory_space<hbm>>) target(%arg78 : memref<512xf32, #tpu.memory_space<vmem>>) offsets(%arg14 : memref<512xi32, #tpu.memory_space<vmem>>) semaphore(%arg136 : memref<!tpu.dma_semaphore, #tpu.memory_space<semaphore_mem>>)
    %dma_start3A_37 = arith.constant 0 : i32
    %dma_start3A_38 = tpu.memref_slice %arg3[%dma_start3A_37] : memref<32004096xf32, #tpu.memory_space<hbm>> -> memref<32004096xf32, #tpu.memory_space<hbm>>
    tpu.enqueue_indirect_dma source(%dma_start3A_38 : memref<32004096xf32, #tpu.memory_space<hbm>>) target(%arg110 : memref<512xf32, #tpu.memory_space<vmem>>) offsets(%arg46 : memref<512xi32, #tpu.memory_space<vmem>>) semaphore(%arg137 : memref<!tpu.dma_semaphore, #tpu.memory_space<semaphore_mem>>)
    %dma_start3A_39 = arith.constant 0 : i32
    %dma_start3A_40 = tpu.memref_slice %arg2[%dma_start3A_39] : memref<32004096xf32, #tpu.memory_space<hbm>> -> memref<32004096xf32, #tpu.memory_space<hbm>>
    tpu.enqueue_indirect_dma source(%dma_start3A_40 : memref<32004096xf32, #tpu.memory_space<hbm>>) target(%arg79 : memref<512xf32, #tpu.memory_space<vmem>>) offsets(%arg15 : memref<512xi32, #tpu.memory_space<vmem>>) semaphore(%arg136 : memref<!tpu.dma_semaphore, #tpu.memory_space<semaphore_mem>>)
    %dma_start3A_41 = arith.constant 0 : i32
    %dma_start3A_42 = tpu.memref_slice %arg3[%dma_start3A_41] : memref<32004096xf32, #tpu.memory_space<hbm>> -> memref<32004096xf32, #tpu.memory_space<hbm>>
    tpu.enqueue_indirect_dma source(%dma_start3A_42 : memref<32004096xf32, #tpu.memory_space<hbm>>) target(%arg111 : memref<512xf32, #tpu.memory_space<vmem>>) offsets(%arg47 : memref<512xi32, #tpu.memory_space<vmem>>) semaphore(%arg137 : memref<!tpu.dma_semaphore, #tpu.memory_space<semaphore_mem>>)
    %dma_start3A_43 = arith.constant 0 : i32
    %dma_start3A_44 = tpu.memref_slice %arg2[%dma_start3A_43] : memref<32004096xf32, #tpu.memory_space<hbm>> -> memref<32004096xf32, #tpu.memory_space<hbm>>
    tpu.enqueue_indirect_dma source(%dma_start3A_44 : memref<32004096xf32, #tpu.memory_space<hbm>>) target(%arg80 : memref<512xf32, #tpu.memory_space<vmem>>) offsets(%arg16 : memref<512xi32, #tpu.memory_space<vmem>>) semaphore(%arg136 : memref<!tpu.dma_semaphore, #tpu.memory_space<semaphore_mem>>)
    %dma_start3A_45 = arith.constant 0 : i32
    %dma_start3A_46 = tpu.memref_slice %arg3[%dma_start3A_45] : memref<32004096xf32, #tpu.memory_space<hbm>> -> memref<32004096xf32, #tpu.memory_space<hbm>>
    tpu.enqueue_indirect_dma source(%dma_start3A_46 : memref<32004096xf32, #tpu.memory_space<hbm>>) target(%arg112 : memref<512xf32, #tpu.memory_space<vmem>>) offsets(%arg48 : memref<512xi32, #tpu.memory_space<vmem>>) semaphore(%arg137 : memref<!tpu.dma_semaphore, #tpu.memory_space<semaphore_mem>>)
    %dma_start3A_47 = arith.constant 0 : i32
    %dma_start3A_48 = tpu.memref_slice %arg2[%dma_start3A_47] : memref<32004096xf32, #tpu.memory_space<hbm>> -> memref<32004096xf32, #tpu.memory_space<hbm>>
    tpu.enqueue_indirect_dma source(%dma_start3A_48 : memref<32004096xf32, #tpu.memory_space<hbm>>) target(%arg81 : memref<512xf32, #tpu.memory_space<vmem>>) offsets(%arg17 : memref<512xi32, #tpu.memory_space<vmem>>) semaphore(%arg136 : memref<!tpu.dma_semaphore, #tpu.memory_space<semaphore_mem>>)
    %dma_start3A_49 = arith.constant 0 : i32
    %dma_start3A_50 = tpu.memref_slice %arg3[%dma_start3A_49] : memref<32004096xf32, #tpu.memory_space<hbm>> -> memref<32004096xf32, #tpu.memory_space<hbm>>
    tpu.enqueue_indirect_dma source(%dma_start3A_50 : memref<32004096xf32, #tpu.memory_space<hbm>>) target(%arg113 : memref<512xf32, #tpu.memory_space<vmem>>) offsets(%arg49 : memref<512xi32, #tpu.memory_space<vmem>>) semaphore(%arg137 : memref<!tpu.dma_semaphore, #tpu.memory_space<semaphore_mem>>)
    %dma_start3A_51 = arith.constant 0 : i32
    %dma_start3A_52 = tpu.memref_slice %arg2[%dma_start3A_51] : memref<32004096xf32, #tpu.memory_space<hbm>> -> memref<32004096xf32, #tpu.memory_space<hbm>>
    tpu.enqueue_indirect_dma source(%dma_start3A_52 : memref<32004096xf32, #tpu.memory_space<hbm>>) target(%arg82 : memref<512xf32, #tpu.memory_space<vmem>>) offsets(%arg18 : memref<512xi32, #tpu.memory_space<vmem>>) semaphore(%arg136 : memref<!tpu.dma_semaphore, #tpu.memory_space<semaphore_mem>>)
    %dma_start3A_53 = arith.constant 0 : i32
    %dma_start3A_54 = tpu.memref_slice %arg3[%dma_start3A_53] : memref<32004096xf32, #tpu.memory_space<hbm>> -> memref<32004096xf32, #tpu.memory_space<hbm>>
    tpu.enqueue_indirect_dma source(%dma_start3A_54 : memref<32004096xf32, #tpu.memory_space<hbm>>) target(%arg114 : memref<512xf32, #tpu.memory_space<vmem>>) offsets(%arg50 : memref<512xi32, #tpu.memory_space<vmem>>) semaphore(%arg137 : memref<!tpu.dma_semaphore, #tpu.memory_space<semaphore_mem>>)
    %dma_start3A_55 = arith.constant 0 : i32
    %dma_start3A_56 = tpu.memref_slice %arg2[%dma_start3A_55] : memref<32004096xf32, #tpu.memory_space<hbm>> -> memref<32004096xf32, #tpu.memory_space<hbm>>
    tpu.enqueue_indirect_dma source(%dma_start3A_56 : memref<32004096xf32, #tpu.memory_space<hbm>>) target(%arg83 : memref<512xf32, #tpu.memory_space<vmem>>) offsets(%arg19 : memref<512xi32, #tpu.memory_space<vmem>>) semaphore(%arg136 : memref<!tpu.dma_semaphore, #tpu.memory_space<semaphore_mem>>)
    %dma_start3A_57 = arith.constant 0 : i32
    %dma_start3A_58 = tpu.memref_slice %arg3[%dma_start3A_57] : memref<32004096xf32, #tpu.memory_space<hbm>> -> memref<32004096xf32, #tpu.memory_space<hbm>>
    tpu.enqueue_indirect_dma source(%dma_start3A_58 : memref<32004096xf32, #tpu.memory_space<hbm>>) target(%arg115 : memref<512xf32, #tpu.memory_space<vmem>>) offsets(%arg51 : memref<512xi32, #tpu.memory_space<vmem>>) semaphore(%arg137 : memref<!tpu.dma_semaphore, #tpu.memory_space<semaphore_mem>>)
    %dma_start3A_59 = arith.constant 0 : i32
    %dma_start3A_60 = tpu.memref_slice %arg2[%dma_start3A_59] : memref<32004096xf32, #tpu.memory_space<hbm>> -> memref<32004096xf32, #tpu.memory_space<hbm>>
    tpu.enqueue_indirect_dma source(%dma_start3A_60 : memref<32004096xf32, #tpu.memory_space<hbm>>) target(%arg84 : memref<512xf32, #tpu.memory_space<vmem>>) offsets(%arg20 : memref<512xi32, #tpu.memory_space<vmem>>) semaphore(%arg136 : memref<!tpu.dma_semaphore, #tpu.memory_space<semaphore_mem>>)
    %dma_start3A_61 = arith.constant 0 : i32
    %dma_start3A_62 = tpu.memref_slice %arg3[%dma_start3A_61] : memref<32004096xf32, #tpu.memory_space<hbm>> -> memref<32004096xf32, #tpu.memory_space<hbm>>
    tpu.enqueue_indirect_dma source(%dma_start3A_62 : memref<32004096xf32, #tpu.memory_space<hbm>>) target(%arg116 : memref<512xf32, #tpu.memory_space<vmem>>) offsets(%arg52 : memref<512xi32, #tpu.memory_space<vmem>>) semaphore(%arg137 : memref<!tpu.dma_semaphore, #tpu.memory_space<semaphore_mem>>)
    %dma_start3A_63 = arith.constant 0 : i32
    %dma_start3A_64 = tpu.memref_slice %arg2[%dma_start3A_63] : memref<32004096xf32, #tpu.memory_space<hbm>> -> memref<32004096xf32, #tpu.memory_space<hbm>>
    tpu.enqueue_indirect_dma source(%dma_start3A_64 : memref<32004096xf32, #tpu.memory_space<hbm>>) target(%arg85 : memref<512xf32, #tpu.memory_space<vmem>>) offsets(%arg21 : memref<512xi32, #tpu.memory_space<vmem>>) semaphore(%arg136 : memref<!tpu.dma_semaphore, #tpu.memory_space<semaphore_mem>>)
    %dma_start3A_65 = arith.constant 0 : i32
    %dma_start3A_66 = tpu.memref_slice %arg3[%dma_start3A_65] : memref<32004096xf32, #tpu.memory_space<hbm>> -> memref<32004096xf32, #tpu.memory_space<hbm>>
    tpu.enqueue_indirect_dma source(%dma_start3A_66 : memref<32004096xf32, #tpu.memory_space<hbm>>) target(%arg117 : memref<512xf32, #tpu.memory_space<vmem>>) offsets(%arg53 : memref<512xi32, #tpu.memory_space<vmem>>) semaphore(%arg137 : memref<!tpu.dma_semaphore, #tpu.memory_space<semaphore_mem>>)
    %dma_start3A_67 = arith.constant 0 : i32
    %dma_start3A_68 = tpu.memref_slice %arg2[%dma_start3A_67] : memref<32004096xf32, #tpu.memory_space<hbm>> -> memref<32004096xf32, #tpu.memory_space<hbm>>
    tpu.enqueue_indirect_dma source(%dma_start3A_68 : memref<32004096xf32, #tpu.memory_space<hbm>>) target(%arg86 : memref<512xf32, #tpu.memory_space<vmem>>) offsets(%arg22 : memref<512xi32, #tpu.memory_space<vmem>>) semaphore(%arg136 : memref<!tpu.dma_semaphore, #tpu.memory_space<semaphore_mem>>)
    %dma_start3A_69 = arith.constant 0 : i32
    %dma_start3A_70 = tpu.memref_slice %arg3[%dma_start3A_69] : memref<32004096xf32, #tpu.memory_space<hbm>> -> memref<32004096xf32, #tpu.memory_space<hbm>>
    tpu.enqueue_indirect_dma source(%dma_start3A_70 : memref<32004096xf32, #tpu.memory_space<hbm>>) target(%arg118 : memref<512xf32, #tpu.memory_space<vmem>>) offsets(%arg54 : memref<512xi32, #tpu.memory_space<vmem>>) semaphore(%arg137 : memref<!tpu.dma_semaphore, #tpu.memory_space<semaphore_mem>>)
    %dma_start3A_71 = arith.constant 0 : i32
    %dma_start3A_72 = tpu.memref_slice %arg2[%dma_start3A_71] : memref<32004096xf32, #tpu.memory_space<hbm>> -> memref<32004096xf32, #tpu.memory_space<hbm>>
    tpu.enqueue_indirect_dma source(%dma_start3A_72 : memref<32004096xf32, #tpu.memory_space<hbm>>) target(%arg87 : memref<512xf32, #tpu.memory_space<vmem>>) offsets(%arg23 : memref<512xi32, #tpu.memory_space<vmem>>) semaphore(%arg136 : memref<!tpu.dma_semaphore, #tpu.memory_space<semaphore_mem>>)
    %dma_start3A_73 = arith.constant 0 : i32
    %dma_start3A_74 = tpu.memref_slice %arg3[%dma_start3A_73] : memref<32004096xf32, #tpu.memory_space<hbm>> -> memref<32004096xf32, #tpu.memory_space<hbm>>
    tpu.enqueue_indirect_dma source(%dma_start3A_74 : memref<32004096xf32, #tpu.memory_space<hbm>>) target(%arg119 : memref<512xf32, #tpu.memory_space<vmem>>) offsets(%arg55 : memref<512xi32, #tpu.memory_space<vmem>>) semaphore(%arg137 : memref<!tpu.dma_semaphore, #tpu.memory_space<semaphore_mem>>)
    %dma_start3A_75 = arith.constant 0 : i32
    %dma_start3A_76 = tpu.memref_slice %arg2[%dma_start3A_75] : memref<32004096xf32, #tpu.memory_space<hbm>> -> memref<32004096xf32, #tpu.memory_space<hbm>>
    tpu.enqueue_indirect_dma source(%dma_start3A_76 : memref<32004096xf32, #tpu.memory_space<hbm>>) target(%arg88 : memref<512xf32, #tpu.memory_space<vmem>>) offsets(%arg24 : memref<512xi32, #tpu.memory_space<vmem>>) semaphore(%arg136 : memref<!tpu.dma_semaphore, #tpu.memory_space<semaphore_mem>>)
    %dma_start3A_77 = arith.constant 0 : i32
    %dma_start3A_78 = tpu.memref_slice %arg3[%dma_start3A_77] : memref<32004096xf32, #tpu.memory_space<hbm>> -> memref<32004096xf32, #tpu.memory_space<hbm>>
    tpu.enqueue_indirect_dma source(%dma_start3A_78 : memref<32004096xf32, #tpu.memory_space<hbm>>) target(%arg120 : memref<512xf32, #tpu.memory_space<vmem>>) offsets(%arg56 : memref<512xi32, #tpu.memory_space<vmem>>) semaphore(%arg137 : memref<!tpu.dma_semaphore, #tpu.memory_space<semaphore_mem>>)
    %dma_start3A_79 = arith.constant 0 : i32
    %dma_start3A_80 = tpu.memref_slice %arg2[%dma_start3A_79] : memref<32004096xf32, #tpu.memory_space<hbm>> -> memref<32004096xf32, #tpu.memory_space<hbm>>
    tpu.enqueue_indirect_dma source(%dma_start3A_80 : memref<32004096xf32, #tpu.memory_space<hbm>>) target(%arg89 : memref<512xf32, #tpu.memory_space<vmem>>) offsets(%arg25 : memref<512xi32, #tpu.memory_space<vmem>>) semaphore(%arg136 : memref<!tpu.dma_semaphore, #tpu.memory_space<semaphore_mem>>)
    %dma_start3A_81 = arith.constant 0 : i32
    %dma_start3A_82 = tpu.memref_slice %arg3[%dma_start3A_81] : memref<32004096xf32, #tpu.memory_space<hbm>> -> memref<32004096xf32, #tpu.memory_space<hbm>>
    tpu.enqueue_indirect_dma source(%dma_start3A_82 : memref<32004096xf32, #tpu.memory_space<hbm>>) target(%arg121 : memref<512xf32, #tpu.memory_space<vmem>>) offsets(%arg57 : memref<512xi32, #tpu.memory_space<vmem>>) semaphore(%arg137 : memref<!tpu.dma_semaphore, #tpu.memory_space<semaphore_mem>>)
    %dma_start3A_83 = arith.constant 0 : i32
    %dma_start3A_84 = tpu.memref_slice %arg2[%dma_start3A_83] : memref<32004096xf32, #tpu.memory_space<hbm>> -> memref<32004096xf32, #tpu.memory_space<hbm>>
    tpu.enqueue_indirect_dma source(%dma_start3A_84 : memref<32004096xf32, #tpu.memory_space<hbm>>) target(%arg90 : memref<512xf32, #tpu.memory_space<vmem>>) offsets(%arg26 : memref<512xi32, #tpu.memory_space<vmem>>) semaphore(%arg136 : memref<!tpu.dma_semaphore, #tpu.memory_space<semaphore_mem>>)
    %dma_start3A_85 = arith.constant 0 : i32
    %dma_start3A_86 = tpu.memref_slice %arg3[%dma_start3A_85] : memref<32004096xf32, #tpu.memory_space<hbm>> -> memref<32004096xf32, #tpu.memory_space<hbm>>
    tpu.enqueue_indirect_dma source(%dma_start3A_86 : memref<32004096xf32, #tpu.memory_space<hbm>>) target(%arg122 : memref<512xf32, #tpu.memory_space<vmem>>) offsets(%arg58 : memref<512xi32, #tpu.memory_space<vmem>>) semaphore(%arg137 : memref<!tpu.dma_semaphore, #tpu.memory_space<semaphore_mem>>)
    %dma_start3A_87 = arith.constant 0 : i32
    %dma_start3A_88 = tpu.memref_slice %arg2[%dma_start3A_87] : memref<32004096xf32, #tpu.memory_space<hbm>> -> memref<32004096xf32, #tpu.memory_space<hbm>>
    tpu.enqueue_indirect_dma source(%dma_start3A_88 : memref<32004096xf32, #tpu.memory_space<hbm>>) target(%arg91 : memref<512xf32, #tpu.memory_space<vmem>>) offsets(%arg27 : memref<512xi32, #tpu.memory_space<vmem>>) semaphore(%arg136 : memref<!tpu.dma_semaphore, #tpu.memory_space<semaphore_mem>>)
    %dma_start3A_89 = arith.constant 0 : i32
    %dma_start3A_90 = tpu.memref_slice %arg3[%dma_start3A_89] : memref<32004096xf32, #tpu.memory_space<hbm>> -> memref<32004096xf32, #tpu.memory_space<hbm>>
    tpu.enqueue_indirect_dma source(%dma_start3A_90 : memref<32004096xf32, #tpu.memory_space<hbm>>) target(%arg123 : memref<512xf32, #tpu.memory_space<vmem>>) offsets(%arg59 : memref<512xi32, #tpu.memory_space<vmem>>) semaphore(%arg137 : memref<!tpu.dma_semaphore, #tpu.memory_space<semaphore_mem>>)
    %dma_start3A_91 = arith.constant 0 : i32
    %dma_start3A_92 = tpu.memref_slice %arg2[%dma_start3A_91] : memref<32004096xf32, #tpu.memory_space<hbm>> -> memref<32004096xf32, #tpu.memory_space<hbm>>
    tpu.enqueue_indirect_dma source(%dma_start3A_92 : memref<32004096xf32, #tpu.memory_space<hbm>>) target(%arg92 : memref<512xf32, #tpu.memory_space<vmem>>) offsets(%arg28 : memref<512xi32, #tpu.memory_space<vmem>>) semaphore(%arg136 : memref<!tpu.dma_semaphore, #tpu.memory_space<semaphore_mem>>)
    %dma_start3A_93 = arith.constant 0 : i32
    %dma_start3A_94 = tpu.memref_slice %arg3[%dma_start3A_93] : memref<32004096xf32, #tpu.memory_space<hbm>> -> memref<32004096xf32, #tpu.memory_space<hbm>>
    tpu.enqueue_indirect_dma source(%dma_start3A_94 : memref<32004096xf32, #tpu.memory_space<hbm>>) target(%arg124 : memref<512xf32, #tpu.memory_space<vmem>>) offsets(%arg60 : memref<512xi32, #tpu.memory_space<vmem>>) semaphore(%arg137 : memref<!tpu.dma_semaphore, #tpu.memory_space<semaphore_mem>>)
    %dma_start3A_95 = arith.constant 0 : i32
    %dma_start3A_96 = tpu.memref_slice %arg2[%dma_start3A_95] : memref<32004096xf32, #tpu.memory_space<hbm>> -> memref<32004096xf32, #tpu.memory_space<hbm>>
    tpu.enqueue_indirect_dma source(%dma_start3A_96 : memref<32004096xf32, #tpu.memory_space<hbm>>) target(%arg93 : memref<512xf32, #tpu.memory_space<vmem>>) offsets(%arg29 : memref<512xi32, #tpu.memory_space<vmem>>) semaphore(%arg136 : memref<!tpu.dma_semaphore, #tpu.memory_space<semaphore_mem>>)
    %dma_start3A_97 = arith.constant 0 : i32
    %dma_start3A_98 = tpu.memref_slice %arg3[%dma_start3A_97] : memref<32004096xf32, #tpu.memory_space<hbm>> -> memref<32004096xf32, #tpu.memory_space<hbm>>
    tpu.enqueue_indirect_dma source(%dma_start3A_98 : memref<32004096xf32, #tpu.memory_space<hbm>>) target(%arg125 : memref<512xf32, #tpu.memory_space<vmem>>) offsets(%arg61 : memref<512xi32, #tpu.memory_space<vmem>>) semaphore(%arg137 : memref<!tpu.dma_semaphore, #tpu.memory_space<semaphore_mem>>)
    %dma_start3A_99 = arith.constant 0 : i32
    %dma_start3A_100 = tpu.memref_slice %arg2[%dma_start3A_99] : memref<32004096xf32, #tpu.memory_space<hbm>> -> memref<32004096xf32, #tpu.memory_space<hbm>>
    tpu.enqueue_indirect_dma source(%dma_start3A_100 : memref<32004096xf32, #tpu.memory_space<hbm>>) target(%arg94 : memref<512xf32, #tpu.memory_space<vmem>>) offsets(%arg30 : memref<512xi32, #tpu.memory_space<vmem>>) semaphore(%arg136 : memref<!tpu.dma_semaphore, #tpu.memory_space<semaphore_mem>>)
    %dma_start3A_101 = arith.constant 0 : i32
    %dma_start3A_102 = tpu.memref_slice %arg3[%dma_start3A_101] : memref<32004096xf32, #tpu.memory_space<hbm>> -> memref<32004096xf32, #tpu.memory_space<hbm>>
    tpu.enqueue_indirect_dma source(%dma_start3A_102 : memref<32004096xf32, #tpu.memory_space<hbm>>) target(%arg126 : memref<512xf32, #tpu.memory_space<vmem>>) offsets(%arg62 : memref<512xi32, #tpu.memory_space<vmem>>) semaphore(%arg137 : memref<!tpu.dma_semaphore, #tpu.memory_space<semaphore_mem>>)
    %dma_start3A_103 = arith.constant 0 : i32
    %dma_start3A_104 = tpu.memref_slice %arg2[%dma_start3A_103] : memref<32004096xf32, #tpu.memory_space<hbm>> -> memref<32004096xf32, #tpu.memory_space<hbm>>
    tpu.enqueue_indirect_dma source(%dma_start3A_104 : memref<32004096xf32, #tpu.memory_space<hbm>>) target(%arg95 : memref<512xf32, #tpu.memory_space<vmem>>) offsets(%arg31 : memref<512xi32, #tpu.memory_space<vmem>>) semaphore(%arg136 : memref<!tpu.dma_semaphore, #tpu.memory_space<semaphore_mem>>)
    %dma_start3A_105 = arith.constant 0 : i32
    %dma_start3A_106 = tpu.memref_slice %arg3[%dma_start3A_105] : memref<32004096xf32, #tpu.memory_space<hbm>> -> memref<32004096xf32, #tpu.memory_space<hbm>>
    tpu.enqueue_indirect_dma source(%dma_start3A_106 : memref<32004096xf32, #tpu.memory_space<hbm>>) target(%arg127 : memref<512xf32, #tpu.memory_space<vmem>>) offsets(%arg63 : memref<512xi32, #tpu.memory_space<vmem>>) semaphore(%arg137 : memref<!tpu.dma_semaphore, #tpu.memory_space<semaphore_mem>>)
    %dma_start3A_107 = arith.constant 0 : i32
    %dma_start3A_108 = tpu.memref_slice %arg2[%dma_start3A_107] : memref<32004096xf32, #tpu.memory_space<hbm>> -> memref<32004096xf32, #tpu.memory_space<hbm>>
    tpu.enqueue_indirect_dma source(%dma_start3A_108 : memref<32004096xf32, #tpu.memory_space<hbm>>) target(%arg96 : memref<512xf32, #tpu.memory_space<vmem>>) offsets(%arg32 : memref<512xi32, #tpu.memory_space<vmem>>) semaphore(%arg136 : memref<!tpu.dma_semaphore, #tpu.memory_space<semaphore_mem>>)
    %dma_start3A_109 = arith.constant 0 : i32
    %dma_start3A_110 = tpu.memref_slice %arg3[%dma_start3A_109] : memref<32004096xf32, #tpu.memory_space<hbm>> -> memref<32004096xf32, #tpu.memory_space<hbm>>
    tpu.enqueue_indirect_dma source(%dma_start3A_110 : memref<32004096xf32, #tpu.memory_space<hbm>>) target(%arg128 : memref<512xf32, #tpu.memory_space<vmem>>) offsets(%arg64 : memref<512xi32, #tpu.memory_space<vmem>>) semaphore(%arg137 : memref<!tpu.dma_semaphore, #tpu.memory_space<semaphore_mem>>)
    %dma_start3A_111 = arith.constant 0 : i32
    %dma_start3A_112 = tpu.memref_slice %arg2[%dma_start3A_111] : memref<32004096xf32, #tpu.memory_space<hbm>> -> memref<32004096xf32, #tpu.memory_space<hbm>>
    tpu.enqueue_indirect_dma source(%dma_start3A_112 : memref<32004096xf32, #tpu.memory_space<hbm>>) target(%arg97 : memref<512xf32, #tpu.memory_space<vmem>>) offsets(%arg33 : memref<512xi32, #tpu.memory_space<vmem>>) semaphore(%arg136 : memref<!tpu.dma_semaphore, #tpu.memory_space<semaphore_mem>>)
    %dma_start3A_113 = arith.constant 0 : i32
    %dma_start3A_114 = tpu.memref_slice %arg3[%dma_start3A_113] : memref<32004096xf32, #tpu.memory_space<hbm>> -> memref<32004096xf32, #tpu.memory_space<hbm>>
    tpu.enqueue_indirect_dma source(%dma_start3A_114 : memref<32004096xf32, #tpu.memory_space<hbm>>) target(%arg129 : memref<512xf32, #tpu.memory_space<vmem>>) offsets(%arg65 : memref<512xi32, #tpu.memory_space<vmem>>) semaphore(%arg137 : memref<!tpu.dma_semaphore, #tpu.memory_space<semaphore_mem>>)
    %dma_start3A_115 = arith.constant 0 : i32
    %dma_start3A_116 = tpu.memref_slice %arg2[%dma_start3A_115] : memref<32004096xf32, #tpu.memory_space<hbm>> -> memref<32004096xf32, #tpu.memory_space<hbm>>
    tpu.enqueue_indirect_dma source(%dma_start3A_116 : memref<32004096xf32, #tpu.memory_space<hbm>>) target(%arg98 : memref<512xf32, #tpu.memory_space<vmem>>) offsets(%arg34 : memref<512xi32, #tpu.memory_space<vmem>>) semaphore(%arg136 : memref<!tpu.dma_semaphore, #tpu.memory_space<semaphore_mem>>)
    %dma_start3A_117 = arith.constant 0 : i32
    %dma_start3A_118 = tpu.memref_slice %arg3[%dma_start3A_117] : memref<32004096xf32, #tpu.memory_space<hbm>> -> memref<32004096xf32, #tpu.memory_space<hbm>>
    tpu.enqueue_indirect_dma source(%dma_start3A_118 : memref<32004096xf32, #tpu.memory_space<hbm>>) target(%arg130 : memref<512xf32, #tpu.memory_space<vmem>>) offsets(%arg66 : memref<512xi32, #tpu.memory_space<vmem>>) semaphore(%arg137 : memref<!tpu.dma_semaphore, #tpu.memory_space<semaphore_mem>>)
    %dma_start3A_119 = arith.constant 0 : i32
    %dma_start3A_120 = tpu.memref_slice %arg2[%dma_start3A_119] : memref<32004096xf32, #tpu.memory_space<hbm>> -> memref<32004096xf32, #tpu.memory_space<hbm>>
    tpu.enqueue_indirect_dma source(%dma_start3A_120 : memref<32004096xf32, #tpu.memory_space<hbm>>) target(%arg99 : memref<512xf32, #tpu.memory_space<vmem>>) offsets(%arg35 : memref<512xi32, #tpu.memory_space<vmem>>) semaphore(%arg136 : memref<!tpu.dma_semaphore, #tpu.memory_space<semaphore_mem>>)
    %dma_start3A_121 = arith.constant 0 : i32
    %dma_start3A_122 = tpu.memref_slice %arg3[%dma_start3A_121] : memref<32004096xf32, #tpu.memory_space<hbm>> -> memref<32004096xf32, #tpu.memory_space<hbm>>
    tpu.enqueue_indirect_dma source(%dma_start3A_122 : memref<32004096xf32, #tpu.memory_space<hbm>>) target(%arg131 : memref<512xf32, #tpu.memory_space<vmem>>) offsets(%arg67 : memref<512xi32, #tpu.memory_space<vmem>>) semaphore(%arg137 : memref<!tpu.dma_semaphore, #tpu.memory_space<semaphore_mem>>)
    %dma_start3A_123 = arith.constant 0 : i32
    %dma_start3A_124 = tpu.memref_slice %arg2[%dma_start3A_123] : memref<32004096xf32, #tpu.memory_space<hbm>> -> memref<32004096xf32, #tpu.memory_space<hbm>>
    tpu.enqueue_indirect_dma source(%dma_start3A_124 : memref<32004096xf32, #tpu.memory_space<hbm>>) target(%arg100 : memref<512xf32, #tpu.memory_space<vmem>>) offsets(%arg36 : memref<512xi32, #tpu.memory_space<vmem>>) semaphore(%arg136 : memref<!tpu.dma_semaphore, #tpu.memory_space<semaphore_mem>>)
    %dma_start3A_125 = arith.constant 0 : i32
    %dma_start3A_126 = tpu.memref_slice %arg3[%dma_start3A_125] : memref<32004096xf32, #tpu.memory_space<hbm>> -> memref<32004096xf32, #tpu.memory_space<hbm>>
    tpu.enqueue_indirect_dma source(%dma_start3A_126 : memref<32004096xf32, #tpu.memory_space<hbm>>) target(%arg132 : memref<512xf32, #tpu.memory_space<vmem>>) offsets(%arg68 : memref<512xi32, #tpu.memory_space<vmem>>) semaphore(%arg137 : memref<!tpu.dma_semaphore, #tpu.memory_space<semaphore_mem>>)
    %dma_start3A_127 = arith.constant 0 : i32
    %dma_start3A_128 = tpu.memref_slice %arg2[%dma_start3A_127] : memref<32004096xf32, #tpu.memory_space<hbm>> -> memref<32004096xf32, #tpu.memory_space<hbm>>
    tpu.enqueue_indirect_dma source(%dma_start3A_128 : memref<32004096xf32, #tpu.memory_space<hbm>>) target(%arg101 : memref<512xf32, #tpu.memory_space<vmem>>) offsets(%arg37 : memref<512xi32, #tpu.memory_space<vmem>>) semaphore(%arg136 : memref<!tpu.dma_semaphore, #tpu.memory_space<semaphore_mem>>)
    %dma_start3A_129 = arith.constant 0 : i32
    %dma_start3A_130 = tpu.memref_slice %arg3[%dma_start3A_129] : memref<32004096xf32, #tpu.memory_space<hbm>> -> memref<32004096xf32, #tpu.memory_space<hbm>>
    tpu.enqueue_indirect_dma source(%dma_start3A_130 : memref<32004096xf32, #tpu.memory_space<hbm>>) target(%arg133 : memref<512xf32, #tpu.memory_space<vmem>>) offsets(%arg69 : memref<512xi32, #tpu.memory_space<vmem>>) semaphore(%arg137 : memref<!tpu.dma_semaphore, #tpu.memory_space<semaphore_mem>>)
    %dma_start3A_131 = arith.constant 0 : i32
    %dma_start3A_132 = tpu.memref_slice %arg2[%dma_start3A_131] : memref<32004096xf32, #tpu.memory_space<hbm>> -> memref<32004096xf32, #tpu.memory_space<hbm>>
    tpu.enqueue_indirect_dma source(%dma_start3A_132 : memref<32004096xf32, #tpu.memory_space<hbm>>) target(%arg102 : memref<512xf32, #tpu.memory_space<vmem>>) offsets(%arg38 : memref<512xi32, #tpu.memory_space<vmem>>) semaphore(%arg136 : memref<!tpu.dma_semaphore, #tpu.memory_space<semaphore_mem>>)
    %dma_start3A_133 = arith.constant 0 : i32
    %dma_start3A_134 = tpu.memref_slice %arg3[%dma_start3A_133] : memref<32004096xf32, #tpu.memory_space<hbm>> -> memref<32004096xf32, #tpu.memory_space<hbm>>
    tpu.enqueue_indirect_dma source(%dma_start3A_134 : memref<32004096xf32, #tpu.memory_space<hbm>>) target(%arg134 : memref<512xf32, #tpu.memory_space<vmem>>) offsets(%arg70 : memref<512xi32, #tpu.memory_space<vmem>>) semaphore(%arg137 : memref<!tpu.dma_semaphore, #tpu.memory_space<semaphore_mem>>)
    %dma_wait3A = arith.constant 0 : i32
    %dma_wait3A_135 = tpu.memref_slice %arg2[%dma_wait3A] : memref<32004096xf32, #tpu.memory_space<hbm>> -> memref<32004096xf32, #tpu.memory_space<hbm>>
    tpu.wait_indirect_dma semaphore(%arg136 : memref<!tpu.dma_semaphore, #tpu.memory_space<semaphore_mem>>) src(%dma_wait3A_135 : memref<32004096xf32, #tpu.memory_space<hbm>>) dst(%arg71 : memref<512xf32, #tpu.memory_space<vmem>>)
    %dma_wait3A_136 = arith.constant 0 : i32
    %dma_wait3A_137 = tpu.memref_slice %arg3[%dma_wait3A_136] : memref<32004096xf32, #tpu.memory_space<hbm>> -> memref<32004096xf32, #tpu.memory_space<hbm>>
    tpu.wait_indirect_dma semaphore(%arg137 : memref<!tpu.dma_semaphore, #tpu.memory_space<semaphore_mem>>) src(%dma_wait3A_137 : memref<32004096xf32, #tpu.memory_space<hbm>>) dst(%arg103 : memref<512xf32, #tpu.memory_space<vmem>>)
    %dma_wait3A_138 = arith.constant 0 : i32
    %dma_wait3A_139 = tpu.memref_slice %arg2[%dma_wait3A_138] : memref<32004096xf32, #tpu.memory_space<hbm>> -> memref<32004096xf32, #tpu.memory_space<hbm>>
    tpu.wait_indirect_dma semaphore(%arg136 : memref<!tpu.dma_semaphore, #tpu.memory_space<semaphore_mem>>) src(%dma_wait3A_139 : memref<32004096xf32, #tpu.memory_space<hbm>>) dst(%arg72 : memref<512xf32, #tpu.memory_space<vmem>>)
    %dma_wait3A_140 = arith.constant 0 : i32
    %dma_wait3A_141 = tpu.memref_slice %arg3[%dma_wait3A_140] : memref<32004096xf32, #tpu.memory_space<hbm>> -> memref<32004096xf32, #tpu.memory_space<hbm>>
    tpu.wait_indirect_dma semaphore(%arg137 : memref<!tpu.dma_semaphore, #tpu.memory_space<semaphore_mem>>) src(%dma_wait3A_141 : memref<32004096xf32, #tpu.memory_space<hbm>>) dst(%arg104 : memref<512xf32, #tpu.memory_space<vmem>>)
    %dma_wait3A_142 = arith.constant 0 : i32
    %dma_wait3A_143 = tpu.memref_slice %arg2[%dma_wait3A_142] : memref<32004096xf32, #tpu.memory_space<hbm>> -> memref<32004096xf32, #tpu.memory_space<hbm>>
    tpu.wait_indirect_dma semaphore(%arg136 : memref<!tpu.dma_semaphore, #tpu.memory_space<semaphore_mem>>) src(%dma_wait3A_143 : memref<32004096xf32, #tpu.memory_space<hbm>>) dst(%arg73 : memref<512xf32, #tpu.memory_space<vmem>>)
    %dma_wait3A_144 = arith.constant 0 : i32
    %dma_wait3A_145 = tpu.memref_slice %arg3[%dma_wait3A_144] : memref<32004096xf32, #tpu.memory_space<hbm>> -> memref<32004096xf32, #tpu.memory_space<hbm>>
    tpu.wait_indirect_dma semaphore(%arg137 : memref<!tpu.dma_semaphore, #tpu.memory_space<semaphore_mem>>) src(%dma_wait3A_145 : memref<32004096xf32, #tpu.memory_space<hbm>>) dst(%arg105 : memref<512xf32, #tpu.memory_space<vmem>>)
    %dma_wait3A_146 = arith.constant 0 : i32
    %dma_wait3A_147 = tpu.memref_slice %arg2[%dma_wait3A_146] : memref<32004096xf32, #tpu.memory_space<hbm>> -> memref<32004096xf32, #tpu.memory_space<hbm>>
    tpu.wait_indirect_dma semaphore(%arg136 : memref<!tpu.dma_semaphore, #tpu.memory_space<semaphore_mem>>) src(%dma_wait3A_147 : memref<32004096xf32, #tpu.memory_space<hbm>>) dst(%arg74 : memref<512xf32, #tpu.memory_space<vmem>>)
    %dma_wait3A_148 = arith.constant 0 : i32
    %dma_wait3A_149 = tpu.memref_slice %arg3[%dma_wait3A_148] : memref<32004096xf32, #tpu.memory_space<hbm>> -> memref<32004096xf32, #tpu.memory_space<hbm>>
    tpu.wait_indirect_dma semaphore(%arg137 : memref<!tpu.dma_semaphore, #tpu.memory_space<semaphore_mem>>) src(%dma_wait3A_149 : memref<32004096xf32, #tpu.memory_space<hbm>>) dst(%arg106 : memref<512xf32, #tpu.memory_space<vmem>>)
    %dma_wait3A_150 = arith.constant 0 : i32
    %dma_wait3A_151 = tpu.memref_slice %arg2[%dma_wait3A_150] : memref<32004096xf32, #tpu.memory_space<hbm>> -> memref<32004096xf32, #tpu.memory_space<hbm>>
    tpu.wait_indirect_dma semaphore(%arg136 : memref<!tpu.dma_semaphore, #tpu.memory_space<semaphore_mem>>) src(%dma_wait3A_151 : memref<32004096xf32, #tpu.memory_space<hbm>>) dst(%arg75 : memref<512xf32, #tpu.memory_space<vmem>>)
    %dma_wait3A_152 = arith.constant 0 : i32
    %dma_wait3A_153 = tpu.memref_slice %arg3[%dma_wait3A_152] : memref<32004096xf32, #tpu.memory_space<hbm>> -> memref<32004096xf32, #tpu.memory_space<hbm>>
    tpu.wait_indirect_dma semaphore(%arg137 : memref<!tpu.dma_semaphore, #tpu.memory_space<semaphore_mem>>) src(%dma_wait3A_153 : memref<32004096xf32, #tpu.memory_space<hbm>>) dst(%arg107 : memref<512xf32, #tpu.memory_space<vmem>>)
    %dma_wait3A_154 = arith.constant 0 : i32
    %dma_wait3A_155 = tpu.memref_slice %arg2[%dma_wait3A_154] : memref<32004096xf32, #tpu.memory_space<hbm>> -> memref<32004096xf32, #tpu.memory_space<hbm>>
    tpu.wait_indirect_dma semaphore(%arg136 : memref<!tpu.dma_semaphore, #tpu.memory_space<semaphore_mem>>) src(%dma_wait3A_155 : memref<32004096xf32, #tpu.memory_space<hbm>>) dst(%arg76 : memref<512xf32, #tpu.memory_space<vmem>>)
    %dma_wait3A_156 = arith.constant 0 : i32
    %dma_wait3A_157 = tpu.memref_slice %arg3[%dma_wait3A_156] : memref<32004096xf32, #tpu.memory_space<hbm>> -> memref<32004096xf32, #tpu.memory_space<hbm>>
    tpu.wait_indirect_dma semaphore(%arg137 : memref<!tpu.dma_semaphore, #tpu.memory_space<semaphore_mem>>) src(%dma_wait3A_157 : memref<32004096xf32, #tpu.memory_space<hbm>>) dst(%arg108 : memref<512xf32, #tpu.memory_space<vmem>>)
    %dma_wait3A_158 = arith.constant 0 : i32
    %dma_wait3A_159 = tpu.memref_slice %arg2[%dma_wait3A_158] : memref<32004096xf32, #tpu.memory_space<hbm>> -> memref<32004096xf32, #tpu.memory_space<hbm>>
    tpu.wait_indirect_dma semaphore(%arg136 : memref<!tpu.dma_semaphore, #tpu.memory_space<semaphore_mem>>) src(%dma_wait3A_159 : memref<32004096xf32, #tpu.memory_space<hbm>>) dst(%arg77 : memref<512xf32, #tpu.memory_space<vmem>>)
    %dma_wait3A_160 = arith.constant 0 : i32
    %dma_wait3A_161 = tpu.memref_slice %arg3[%dma_wait3A_160] : memref<32004096xf32, #tpu.memory_space<hbm>> -> memref<32004096xf32, #tpu.memory_space<hbm>>
    tpu.wait_indirect_dma semaphore(%arg137 : memref<!tpu.dma_semaphore, #tpu.memory_space<semaphore_mem>>) src(%dma_wait3A_161 : memref<32004096xf32, #tpu.memory_space<hbm>>) dst(%arg109 : memref<512xf32, #tpu.memory_space<vmem>>)
    %dma_wait3A_162 = arith.constant 0 : i32
    %dma_wait3A_163 = tpu.memref_slice %arg2[%dma_wait3A_162] : memref<32004096xf32, #tpu.memory_space<hbm>> -> memref<32004096xf32, #tpu.memory_space<hbm>>
    tpu.wait_indirect_dma semaphore(%arg136 : memref<!tpu.dma_semaphore, #tpu.memory_space<semaphore_mem>>) src(%dma_wait3A_163 : memref<32004096xf32, #tpu.memory_space<hbm>>) dst(%arg78 : memref<512xf32, #tpu.memory_space<vmem>>)
    %dma_wait3A_164 = arith.constant 0 : i32
    %dma_wait3A_165 = tpu.memref_slice %arg3[%dma_wait3A_164] : memref<32004096xf32, #tpu.memory_space<hbm>> -> memref<32004096xf32, #tpu.memory_space<hbm>>
    tpu.wait_indirect_dma semaphore(%arg137 : memref<!tpu.dma_semaphore, #tpu.memory_space<semaphore_mem>>) src(%dma_wait3A_165 : memref<32004096xf32, #tpu.memory_space<hbm>>) dst(%arg110 : memref<512xf32, #tpu.memory_space<vmem>>)
    %dma_wait3A_166 = arith.constant 0 : i32
    %dma_wait3A_167 = tpu.memref_slice %arg2[%dma_wait3A_166] : memref<32004096xf32, #tpu.memory_space<hbm>> -> memref<32004096xf32, #tpu.memory_space<hbm>>
    tpu.wait_indirect_dma semaphore(%arg136 : memref<!tpu.dma_semaphore, #tpu.memory_space<semaphore_mem>>) src(%dma_wait3A_167 : memref<32004096xf32, #tpu.memory_space<hbm>>) dst(%arg79 : memref<512xf32, #tpu.memory_space<vmem>>)
    %dma_wait3A_168 = arith.constant 0 : i32
    %dma_wait3A_169 = tpu.memref_slice %arg3[%dma_wait3A_168] : memref<32004096xf32, #tpu.memory_space<hbm>> -> memref<32004096xf32, #tpu.memory_space<hbm>>
    tpu.wait_indirect_dma semaphore(%arg137 : memref<!tpu.dma_semaphore, #tpu.memory_space<semaphore_mem>>) src(%dma_wait3A_169 : memref<32004096xf32, #tpu.memory_space<hbm>>) dst(%arg111 : memref<512xf32, #tpu.memory_space<vmem>>)
    %dma_wait3A_170 = arith.constant 0 : i32
    %dma_wait3A_171 = tpu.memref_slice %arg2[%dma_wait3A_170] : memref<32004096xf32, #tpu.memory_space<hbm>> -> memref<32004096xf32, #tpu.memory_space<hbm>>
    tpu.wait_indirect_dma semaphore(%arg136 : memref<!tpu.dma_semaphore, #tpu.memory_space<semaphore_mem>>) src(%dma_wait3A_171 : memref<32004096xf32, #tpu.memory_space<hbm>>) dst(%arg80 : memref<512xf32, #tpu.memory_space<vmem>>)
    %dma_wait3A_172 = arith.constant 0 : i32
    %dma_wait3A_173 = tpu.memref_slice %arg3[%dma_wait3A_172] : memref<32004096xf32, #tpu.memory_space<hbm>> -> memref<32004096xf32, #tpu.memory_space<hbm>>
    tpu.wait_indirect_dma semaphore(%arg137 : memref<!tpu.dma_semaphore, #tpu.memory_space<semaphore_mem>>) src(%dma_wait3A_173 : memref<32004096xf32, #tpu.memory_space<hbm>>) dst(%arg112 : memref<512xf32, #tpu.memory_space<vmem>>)
    %dma_wait3A_174 = arith.constant 0 : i32
    %dma_wait3A_175 = tpu.memref_slice %arg2[%dma_wait3A_174] : memref<32004096xf32, #tpu.memory_space<hbm>> -> memref<32004096xf32, #tpu.memory_space<hbm>>
    tpu.wait_indirect_dma semaphore(%arg136 : memref<!tpu.dma_semaphore, #tpu.memory_space<semaphore_mem>>) src(%dma_wait3A_175 : memref<32004096xf32, #tpu.memory_space<hbm>>) dst(%arg81 : memref<512xf32, #tpu.memory_space<vmem>>)
    %dma_wait3A_176 = arith.constant 0 : i32
    %dma_wait3A_177 = tpu.memref_slice %arg3[%dma_wait3A_176] : memref<32004096xf32, #tpu.memory_space<hbm>> -> memref<32004096xf32, #tpu.memory_space<hbm>>
    tpu.wait_indirect_dma semaphore(%arg137 : memref<!tpu.dma_semaphore, #tpu.memory_space<semaphore_mem>>) src(%dma_wait3A_177 : memref<32004096xf32, #tpu.memory_space<hbm>>) dst(%arg113 : memref<512xf32, #tpu.memory_space<vmem>>)
    %dma_wait3A_178 = arith.constant 0 : i32
    %dma_wait3A_179 = tpu.memref_slice %arg2[%dma_wait3A_178] : memref<32004096xf32, #tpu.memory_space<hbm>> -> memref<32004096xf32, #tpu.memory_space<hbm>>
    tpu.wait_indirect_dma semaphore(%arg136 : memref<!tpu.dma_semaphore, #tpu.memory_space<semaphore_mem>>) src(%dma_wait3A_179 : memref<32004096xf32, #tpu.memory_space<hbm>>) dst(%arg82 : memref<512xf32, #tpu.memory_space<vmem>>)
    %dma_wait3A_180 = arith.constant 0 : i32
    %dma_wait3A_181 = tpu.memref_slice %arg3[%dma_wait3A_180] : memref<32004096xf32, #tpu.memory_space<hbm>> -> memref<32004096xf32, #tpu.memory_space<hbm>>
    tpu.wait_indirect_dma semaphore(%arg137 : memref<!tpu.dma_semaphore, #tpu.memory_space<semaphore_mem>>) src(%dma_wait3A_181 : memref<32004096xf32, #tpu.memory_space<hbm>>) dst(%arg114 : memref<512xf32, #tpu.memory_space<vmem>>)
    %dma_wait3A_182 = arith.constant 0 : i32
    %dma_wait3A_183 = tpu.memref_slice %arg2[%dma_wait3A_182] : memref<32004096xf32, #tpu.memory_space<hbm>> -> memref<32004096xf32, #tpu.memory_space<hbm>>
    tpu.wait_indirect_dma semaphore(%arg136 : memref<!tpu.dma_semaphore, #tpu.memory_space<semaphore_mem>>) src(%dma_wait3A_183 : memref<32004096xf32, #tpu.memory_space<hbm>>) dst(%arg83 : memref<512xf32, #tpu.memory_space<vmem>>)
    %dma_wait3A_184 = arith.constant 0 : i32
    %dma_wait3A_185 = tpu.memref_slice %arg3[%dma_wait3A_184] : memref<32004096xf32, #tpu.memory_space<hbm>> -> memref<32004096xf32, #tpu.memory_space<hbm>>
    tpu.wait_indirect_dma semaphore(%arg137 : memref<!tpu.dma_semaphore, #tpu.memory_space<semaphore_mem>>) src(%dma_wait3A_185 : memref<32004096xf32, #tpu.memory_space<hbm>>) dst(%arg115 : memref<512xf32, #tpu.memory_space<vmem>>)
    %dma_wait3A_186 = arith.constant 0 : i32
    %dma_wait3A_187 = tpu.memref_slice %arg2[%dma_wait3A_186] : memref<32004096xf32, #tpu.memory_space<hbm>> -> memref<32004096xf32, #tpu.memory_space<hbm>>
    tpu.wait_indirect_dma semaphore(%arg136 : memref<!tpu.dma_semaphore, #tpu.memory_space<semaphore_mem>>) src(%dma_wait3A_187 : memref<32004096xf32, #tpu.memory_space<hbm>>) dst(%arg84 : memref<512xf32, #tpu.memory_space<vmem>>)
    %dma_wait3A_188 = arith.constant 0 : i32
    %dma_wait3A_189 = tpu.memref_slice %arg3[%dma_wait3A_188] : memref<32004096xf32, #tpu.memory_space<hbm>> -> memref<32004096xf32, #tpu.memory_space<hbm>>
    tpu.wait_indirect_dma semaphore(%arg137 : memref<!tpu.dma_semaphore, #tpu.memory_space<semaphore_mem>>) src(%dma_wait3A_189 : memref<32004096xf32, #tpu.memory_space<hbm>>) dst(%arg116 : memref<512xf32, #tpu.memory_space<vmem>>)
    %dma_wait3A_190 = arith.constant 0 : i32
    %dma_wait3A_191 = tpu.memref_slice %arg2[%dma_wait3A_190] : memref<32004096xf32, #tpu.memory_space<hbm>> -> memref<32004096xf32, #tpu.memory_space<hbm>>
    tpu.wait_indirect_dma semaphore(%arg136 : memref<!tpu.dma_semaphore, #tpu.memory_space<semaphore_mem>>) src(%dma_wait3A_191 : memref<32004096xf32, #tpu.memory_space<hbm>>) dst(%arg85 : memref<512xf32, #tpu.memory_space<vmem>>)
    %dma_wait3A_192 = arith.constant 0 : i32
    %dma_wait3A_193 = tpu.memref_slice %arg3[%dma_wait3A_192] : memref<32004096xf32, #tpu.memory_space<hbm>> -> memref<32004096xf32, #tpu.memory_space<hbm>>
    tpu.wait_indirect_dma semaphore(%arg137 : memref<!tpu.dma_semaphore, #tpu.memory_space<semaphore_mem>>) src(%dma_wait3A_193 : memref<32004096xf32, #tpu.memory_space<hbm>>) dst(%arg117 : memref<512xf32, #tpu.memory_space<vmem>>)
    %dma_wait3A_194 = arith.constant 0 : i32
    %dma_wait3A_195 = tpu.memref_slice %arg2[%dma_wait3A_194] : memref<32004096xf32, #tpu.memory_space<hbm>> -> memref<32004096xf32, #tpu.memory_space<hbm>>
    tpu.wait_indirect_dma semaphore(%arg136 : memref<!tpu.dma_semaphore, #tpu.memory_space<semaphore_mem>>) src(%dma_wait3A_195 : memref<32004096xf32, #tpu.memory_space<hbm>>) dst(%arg86 : memref<512xf32, #tpu.memory_space<vmem>>)
    %dma_wait3A_196 = arith.constant 0 : i32
    %dma_wait3A_197 = tpu.memref_slice %arg3[%dma_wait3A_196] : memref<32004096xf32, #tpu.memory_space<hbm>> -> memref<32004096xf32, #tpu.memory_space<hbm>>
    tpu.wait_indirect_dma semaphore(%arg137 : memref<!tpu.dma_semaphore, #tpu.memory_space<semaphore_mem>>) src(%dma_wait3A_197 : memref<32004096xf32, #tpu.memory_space<hbm>>) dst(%arg118 : memref<512xf32, #tpu.memory_space<vmem>>)
    %dma_wait3A_198 = arith.constant 0 : i32
    %dma_wait3A_199 = tpu.memref_slice %arg2[%dma_wait3A_198] : memref<32004096xf32, #tpu.memory_space<hbm>> -> memref<32004096xf32, #tpu.memory_space<hbm>>
    tpu.wait_indirect_dma semaphore(%arg136 : memref<!tpu.dma_semaphore, #tpu.memory_space<semaphore_mem>>) src(%dma_wait3A_199 : memref<32004096xf32, #tpu.memory_space<hbm>>) dst(%arg87 : memref<512xf32, #tpu.memory_space<vmem>>)
    %dma_wait3A_200 = arith.constant 0 : i32
    %dma_wait3A_201 = tpu.memref_slice %arg3[%dma_wait3A_200] : memref<32004096xf32, #tpu.memory_space<hbm>> -> memref<32004096xf32, #tpu.memory_space<hbm>>
    tpu.wait_indirect_dma semaphore(%arg137 : memref<!tpu.dma_semaphore, #tpu.memory_space<semaphore_mem>>) src(%dma_wait3A_201 : memref<32004096xf32, #tpu.memory_space<hbm>>) dst(%arg119 : memref<512xf32, #tpu.memory_space<vmem>>)
    %dma_wait3A_202 = arith.constant 0 : i32
    %dma_wait3A_203 = tpu.memref_slice %arg2[%dma_wait3A_202] : memref<32004096xf32, #tpu.memory_space<hbm>> -> memref<32004096xf32, #tpu.memory_space<hbm>>
    tpu.wait_indirect_dma semaphore(%arg136 : memref<!tpu.dma_semaphore, #tpu.memory_space<semaphore_mem>>) src(%dma_wait3A_203 : memref<32004096xf32, #tpu.memory_space<hbm>>) dst(%arg88 : memref<512xf32, #tpu.memory_space<vmem>>)
    %dma_wait3A_204 = arith.constant 0 : i32
    %dma_wait3A_205 = tpu.memref_slice %arg3[%dma_wait3A_204] : memref<32004096xf32, #tpu.memory_space<hbm>> -> memref<32004096xf32, #tpu.memory_space<hbm>>
    tpu.wait_indirect_dma semaphore(%arg137 : memref<!tpu.dma_semaphore, #tpu.memory_space<semaphore_mem>>) src(%dma_wait3A_205 : memref<32004096xf32, #tpu.memory_space<hbm>>) dst(%arg120 : memref<512xf32, #tpu.memory_space<vmem>>)
    %dma_wait3A_206 = arith.constant 0 : i32
    %dma_wait3A_207 = tpu.memref_slice %arg2[%dma_wait3A_206] : memref<32004096xf32, #tpu.memory_space<hbm>> -> memref<32004096xf32, #tpu.memory_space<hbm>>
    tpu.wait_indirect_dma semaphore(%arg136 : memref<!tpu.dma_semaphore, #tpu.memory_space<semaphore_mem>>) src(%dma_wait3A_207 : memref<32004096xf32, #tpu.memory_space<hbm>>) dst(%arg89 : memref<512xf32, #tpu.memory_space<vmem>>)
    %dma_wait3A_208 = arith.constant 0 : i32
    %dma_wait3A_209 = tpu.memref_slice %arg3[%dma_wait3A_208] : memref<32004096xf32, #tpu.memory_space<hbm>> -> memref<32004096xf32, #tpu.memory_space<hbm>>
    tpu.wait_indirect_dma semaphore(%arg137 : memref<!tpu.dma_semaphore, #tpu.memory_space<semaphore_mem>>) src(%dma_wait3A_209 : memref<32004096xf32, #tpu.memory_space<hbm>>) dst(%arg121 : memref<512xf32, #tpu.memory_space<vmem>>)
    %dma_wait3A_210 = arith.constant 0 : i32
    %dma_wait3A_211 = tpu.memref_slice %arg2[%dma_wait3A_210] : memref<32004096xf32, #tpu.memory_space<hbm>> -> memref<32004096xf32, #tpu.memory_space<hbm>>
    tpu.wait_indirect_dma semaphore(%arg136 : memref<!tpu.dma_semaphore, #tpu.memory_space<semaphore_mem>>) src(%dma_wait3A_211 : memref<32004096xf32, #tpu.memory_space<hbm>>) dst(%arg90 : memref<512xf32, #tpu.memory_space<vmem>>)
    %dma_wait3A_212 = arith.constant 0 : i32
    %dma_wait3A_213 = tpu.memref_slice %arg3[%dma_wait3A_212] : memref<32004096xf32, #tpu.memory_space<hbm>> -> memref<32004096xf32, #tpu.memory_space<hbm>>
    tpu.wait_indirect_dma semaphore(%arg137 : memref<!tpu.dma_semaphore, #tpu.memory_space<semaphore_mem>>) src(%dma_wait3A_213 : memref<32004096xf32, #tpu.memory_space<hbm>>) dst(%arg122 : memref<512xf32, #tpu.memory_space<vmem>>)
    %dma_wait3A_214 = arith.constant 0 : i32
    %dma_wait3A_215 = tpu.memref_slice %arg2[%dma_wait3A_214] : memref<32004096xf32, #tpu.memory_space<hbm>> -> memref<32004096xf32, #tpu.memory_space<hbm>>
    tpu.wait_indirect_dma semaphore(%arg136 : memref<!tpu.dma_semaphore, #tpu.memory_space<semaphore_mem>>) src(%dma_wait3A_215 : memref<32004096xf32, #tpu.memory_space<hbm>>) dst(%arg91 : memref<512xf32, #tpu.memory_space<vmem>>)
    %dma_wait3A_216 = arith.constant 0 : i32
    %dma_wait3A_217 = tpu.memref_slice %arg3[%dma_wait3A_216] : memref<32004096xf32, #tpu.memory_space<hbm>> -> memref<32004096xf32, #tpu.memory_space<hbm>>
    tpu.wait_indirect_dma semaphore(%arg137 : memref<!tpu.dma_semaphore, #tpu.memory_space<semaphore_mem>>) src(%dma_wait3A_217 : memref<32004096xf32, #tpu.memory_space<hbm>>) dst(%arg123 : memref<512xf32, #tpu.memory_space<vmem>>)
    %dma_wait3A_218 = arith.constant 0 : i32
    %dma_wait3A_219 = tpu.memref_slice %arg2[%dma_wait3A_218] : memref<32004096xf32, #tpu.memory_space<hbm>> -> memref<32004096xf32, #tpu.memory_space<hbm>>
    tpu.wait_indirect_dma semaphore(%arg136 : memref<!tpu.dma_semaphore, #tpu.memory_space<semaphore_mem>>) src(%dma_wait3A_219 : memref<32004096xf32, #tpu.memory_space<hbm>>) dst(%arg92 : memref<512xf32, #tpu.memory_space<vmem>>)
    %dma_wait3A_220 = arith.constant 0 : i32
    %dma_wait3A_221 = tpu.memref_slice %arg3[%dma_wait3A_220] : memref<32004096xf32, #tpu.memory_space<hbm>> -> memref<32004096xf32, #tpu.memory_space<hbm>>
    tpu.wait_indirect_dma semaphore(%arg137 : memref<!tpu.dma_semaphore, #tpu.memory_space<semaphore_mem>>) src(%dma_wait3A_221 : memref<32004096xf32, #tpu.memory_space<hbm>>) dst(%arg124 : memref<512xf32, #tpu.memory_space<vmem>>)
    %dma_wait3A_222 = arith.constant 0 : i32
    %dma_wait3A_223 = tpu.memref_slice %arg2[%dma_wait3A_222] : memref<32004096xf32, #tpu.memory_space<hbm>> -> memref<32004096xf32, #tpu.memory_space<hbm>>
    tpu.wait_indirect_dma semaphore(%arg136 : memref<!tpu.dma_semaphore, #tpu.memory_space<semaphore_mem>>) src(%dma_wait3A_223 : memref<32004096xf32, #tpu.memory_space<hbm>>) dst(%arg93 : memref<512xf32, #tpu.memory_space<vmem>>)
    %dma_wait3A_224 = arith.constant 0 : i32
    %dma_wait3A_225 = tpu.memref_slice %arg3[%dma_wait3A_224] : memref<32004096xf32, #tpu.memory_space<hbm>> -> memref<32004096xf32, #tpu.memory_space<hbm>>
    tpu.wait_indirect_dma semaphore(%arg137 : memref<!tpu.dma_semaphore, #tpu.memory_space<semaphore_mem>>) src(%dma_wait3A_225 : memref<32004096xf32, #tpu.memory_space<hbm>>) dst(%arg125 : memref<512xf32, #tpu.memory_space<vmem>>)
    %dma_wait3A_226 = arith.constant 0 : i32
    %dma_wait3A_227 = tpu.memref_slice %arg2[%dma_wait3A_226] : memref<32004096xf32, #tpu.memory_space<hbm>> -> memref<32004096xf32, #tpu.memory_space<hbm>>
    tpu.wait_indirect_dma semaphore(%arg136 : memref<!tpu.dma_semaphore, #tpu.memory_space<semaphore_mem>>) src(%dma_wait3A_227 : memref<32004096xf32, #tpu.memory_space<hbm>>) dst(%arg94 : memref<512xf32, #tpu.memory_space<vmem>>)
    %dma_wait3A_228 = arith.constant 0 : i32
    %dma_wait3A_229 = tpu.memref_slice %arg3[%dma_wait3A_228] : memref<32004096xf32, #tpu.memory_space<hbm>> -> memref<32004096xf32, #tpu.memory_space<hbm>>
    tpu.wait_indirect_dma semaphore(%arg137 : memref<!tpu.dma_semaphore, #tpu.memory_space<semaphore_mem>>) src(%dma_wait3A_229 : memref<32004096xf32, #tpu.memory_space<hbm>>) dst(%arg126 : memref<512xf32, #tpu.memory_space<vmem>>)
    %dma_wait3A_230 = arith.constant 0 : i32
    %dma_wait3A_231 = tpu.memref_slice %arg2[%dma_wait3A_230] : memref<32004096xf32, #tpu.memory_space<hbm>> -> memref<32004096xf32, #tpu.memory_space<hbm>>
    tpu.wait_indirect_dma semaphore(%arg136 : memref<!tpu.dma_semaphore, #tpu.memory_space<semaphore_mem>>) src(%dma_wait3A_231 : memref<32004096xf32, #tpu.memory_space<hbm>>) dst(%arg95 : memref<512xf32, #tpu.memory_space<vmem>>)
    %dma_wait3A_232 = arith.constant 0 : i32
    %dma_wait3A_233 = tpu.memref_slice %arg3[%dma_wait3A_232] : memref<32004096xf32, #tpu.memory_space<hbm>> -> memref<32004096xf32, #tpu.memory_space<hbm>>
    tpu.wait_indirect_dma semaphore(%arg137 : memref<!tpu.dma_semaphore, #tpu.memory_space<semaphore_mem>>) src(%dma_wait3A_233 : memref<32004096xf32, #tpu.memory_space<hbm>>) dst(%arg127 : memref<512xf32, #tpu.memory_space<vmem>>)
    %dma_wait3A_234 = arith.constant 0 : i32
    %dma_wait3A_235 = tpu.memref_slice %arg2[%dma_wait3A_234] : memref<32004096xf32, #tpu.memory_space<hbm>> -> memref<32004096xf32, #tpu.memory_space<hbm>>
    tpu.wait_indirect_dma semaphore(%arg136 : memref<!tpu.dma_semaphore, #tpu.memory_space<semaphore_mem>>) src(%dma_wait3A_235 : memref<32004096xf32, #tpu.memory_space<hbm>>) dst(%arg96 : memref<512xf32, #tpu.memory_space<vmem>>)
    %dma_wait3A_236 = arith.constant 0 : i32
    %dma_wait3A_237 = tpu.memref_slice %arg3[%dma_wait3A_236] : memref<32004096xf32, #tpu.memory_space<hbm>> -> memref<32004096xf32, #tpu.memory_space<hbm>>
    tpu.wait_indirect_dma semaphore(%arg137 : memref<!tpu.dma_semaphore, #tpu.memory_space<semaphore_mem>>) src(%dma_wait3A_237 : memref<32004096xf32, #tpu.memory_space<hbm>>) dst(%arg128 : memref<512xf32, #tpu.memory_space<vmem>>)
    %dma_wait3A_238 = arith.constant 0 : i32
    %dma_wait3A_239 = tpu.memref_slice %arg2[%dma_wait3A_238] : memref<32004096xf32, #tpu.memory_space<hbm>> -> memref<32004096xf32, #tpu.memory_space<hbm>>
    tpu.wait_indirect_dma semaphore(%arg136 : memref<!tpu.dma_semaphore, #tpu.memory_space<semaphore_mem>>) src(%dma_wait3A_239 : memref<32004096xf32, #tpu.memory_space<hbm>>) dst(%arg97 : memref<512xf32, #tpu.memory_space<vmem>>)
    %dma_wait3A_240 = arith.constant 0 : i32
    %dma_wait3A_241 = tpu.memref_slice %arg3[%dma_wait3A_240] : memref<32004096xf32, #tpu.memory_space<hbm>> -> memref<32004096xf32, #tpu.memory_space<hbm>>
    tpu.wait_indirect_dma semaphore(%arg137 : memref<!tpu.dma_semaphore, #tpu.memory_space<semaphore_mem>>) src(%dma_wait3A_241 : memref<32004096xf32, #tpu.memory_space<hbm>>) dst(%arg129 : memref<512xf32, #tpu.memory_space<vmem>>)
    %dma_wait3A_242 = arith.constant 0 : i32
    %dma_wait3A_243 = tpu.memref_slice %arg2[%dma_wait3A_242] : memref<32004096xf32, #tpu.memory_space<hbm>> -> memref<32004096xf32, #tpu.memory_space<hbm>>
    tpu.wait_indirect_dma semaphore(%arg136 : memref<!tpu.dma_semaphore, #tpu.memory_space<semaphore_mem>>) src(%dma_wait3A_243 : memref<32004096xf32, #tpu.memory_space<hbm>>) dst(%arg98 : memref<512xf32, #tpu.memory_space<vmem>>)
    %dma_wait3A_244 = arith.constant 0 : i32
    %dma_wait3A_245 = tpu.memref_slice %arg3[%dma_wait3A_244] : memref<32004096xf32, #tpu.memory_space<hbm>> -> memref<32004096xf32, #tpu.memory_space<hbm>>
    tpu.wait_indirect_dma semaphore(%arg137 : memref<!tpu.dma_semaphore, #tpu.memory_space<semaphore_mem>>) src(%dma_wait3A_245 : memref<32004096xf32, #tpu.memory_space<hbm>>) dst(%arg130 : memref<512xf32, #tpu.memory_space<vmem>>)
    %dma_wait3A_246 = arith.constant 0 : i32
    %dma_wait3A_247 = tpu.memref_slice %arg2[%dma_wait3A_246] : memref<32004096xf32, #tpu.memory_space<hbm>> -> memref<32004096xf32, #tpu.memory_space<hbm>>
    tpu.wait_indirect_dma semaphore(%arg136 : memref<!tpu.dma_semaphore, #tpu.memory_space<semaphore_mem>>) src(%dma_wait3A_247 : memref<32004096xf32, #tpu.memory_space<hbm>>) dst(%arg99 : memref<512xf32, #tpu.memory_space<vmem>>)
    %dma_wait3A_248 = arith.constant 0 : i32
    %dma_wait3A_249 = tpu.memref_slice %arg3[%dma_wait3A_248] : memref<32004096xf32, #tpu.memory_space<hbm>> -> memref<32004096xf32, #tpu.memory_space<hbm>>
    tpu.wait_indirect_dma semaphore(%arg137 : memref<!tpu.dma_semaphore, #tpu.memory_space<semaphore_mem>>) src(%dma_wait3A_249 : memref<32004096xf32, #tpu.memory_space<hbm>>) dst(%arg131 : memref<512xf32, #tpu.memory_space<vmem>>)
    %dma_wait3A_250 = arith.constant 0 : i32
    %dma_wait3A_251 = tpu.memref_slice %arg2[%dma_wait3A_250] : memref<32004096xf32, #tpu.memory_space<hbm>> -> memref<32004096xf32, #tpu.memory_space<hbm>>
    tpu.wait_indirect_dma semaphore(%arg136 : memref<!tpu.dma_semaphore, #tpu.memory_space<semaphore_mem>>) src(%dma_wait3A_251 : memref<32004096xf32, #tpu.memory_space<hbm>>) dst(%arg100 : memref<512xf32, #tpu.memory_space<vmem>>)
    %dma_wait3A_252 = arith.constant 0 : i32
    %dma_wait3A_253 = tpu.memref_slice %arg3[%dma_wait3A_252] : memref<32004096xf32, #tpu.memory_space<hbm>> -> memref<32004096xf32, #tpu.memory_space<hbm>>
    tpu.wait_indirect_dma semaphore(%arg137 : memref<!tpu.dma_semaphore, #tpu.memory_space<semaphore_mem>>) src(%dma_wait3A_253 : memref<32004096xf32, #tpu.memory_space<hbm>>) dst(%arg132 : memref<512xf32, #tpu.memory_space<vmem>>)
    %dma_wait3A_254 = arith.constant 0 : i32
    %dma_wait3A_255 = tpu.memref_slice %arg2[%dma_wait3A_254] : memref<32004096xf32, #tpu.memory_space<hbm>> -> memref<32004096xf32, #tpu.memory_space<hbm>>
    tpu.wait_indirect_dma semaphore(%arg136 : memref<!tpu.dma_semaphore, #tpu.memory_space<semaphore_mem>>) src(%dma_wait3A_255 : memref<32004096xf32, #tpu.memory_space<hbm>>) dst(%arg101 : memref<512xf32, #tpu.memory_space<vmem>>)
    %dma_wait3A_256 = arith.constant 0 : i32
    %dma_wait3A_257 = tpu.memref_slice %arg3[%dma_wait3A_256] : memref<32004096xf32, #tpu.memory_space<hbm>> -> memref<32004096xf32, #tpu.memory_space<hbm>>
    tpu.wait_indirect_dma semaphore(%arg137 : memref<!tpu.dma_semaphore, #tpu.memory_space<semaphore_mem>>) src(%dma_wait3A_257 : memref<32004096xf32, #tpu.memory_space<hbm>>) dst(%arg133 : memref<512xf32, #tpu.memory_space<vmem>>)
    %dma_wait3A_258 = arith.constant 0 : i32
    %dma_wait3A_259 = tpu.memref_slice %arg2[%dma_wait3A_258] : memref<32004096xf32, #tpu.memory_space<hbm>> -> memref<32004096xf32, #tpu.memory_space<hbm>>
    tpu.wait_indirect_dma semaphore(%arg136 : memref<!tpu.dma_semaphore, #tpu.memory_space<semaphore_mem>>) src(%dma_wait3A_259 : memref<32004096xf32, #tpu.memory_space<hbm>>) dst(%arg102 : memref<512xf32, #tpu.memory_space<vmem>>)
    %dma_wait3A_260 = arith.constant 0 : i32
    %dma_wait3A_261 = tpu.memref_slice %arg3[%dma_wait3A_260] : memref<32004096xf32, #tpu.memory_space<hbm>> -> memref<32004096xf32, #tpu.memory_space<hbm>>
    tpu.wait_indirect_dma semaphore(%arg137 : memref<!tpu.dma_semaphore, #tpu.memory_space<semaphore_mem>>) src(%dma_wait3A_261 : memref<32004096xf32, #tpu.memory_space<hbm>>) dst(%arg134 : memref<512xf32, #tpu.memory_space<vmem>>)
    %scan3A_262 = arith.constant 0 : i32
    %scan3A_263 = arith.constant 0 : i32
    %scan3A_264 = arith.constant 32 : i32
    %scan3A_265 = arith.addi %scan3A_263, %scan3A_264 : i32
    %scan3A_266 = arith.constant 1 : i32
    scf.for %scan3A_268 = %scan3A_263 to %scan3A_265 step %scan3A_266  : i32 {
      %mul3A_269 = arith.constant 16 : i32
      %mul3A_270 = arith.muli %scan3A_268, %mul3A_269 : i32
      %get3A = arith.index_cast %mul3A_270 : i32 to index
      %get3A_271 = tpu.vector_load %arg71[%get3A] {strides = array<i32>} : memref<512xf32, #tpu.memory_space<vmem>>, vector<16xf32>,
      %get3A_272 = vector.shape_cast %get3A_271 : vector<16xf32> to vector<16xf32>
      %get3A_273 = arith.index_cast %mul3A_270 : i32 to index
      %get3A_274 = tpu.vector_load %arg103[%get3A_273] {strides = array<i32>} : memref<512xf32, #tpu.memory_space<vmem>>, vector<16xf32>,
      %get3A_275 = vector.shape_cast %get3A_274 : vector<16xf32> to vector<16xf32>
      %mul3A_276 = arith.mulf %get3A_272, %get3A_275 : vector<16xf32>
      %get3A_277 = arith.index_cast %mul3A_270 : i32 to index
      %get3A_278 = tpu.vector_load %arg72[%get3A_277] {strides = array<i32>} : memref<512xf32, #tpu.memory_space<vmem>>, vector<16xf32>,
      %get3A_279 = vector.shape_cast %get3A_278 : vector<16xf32> to vector<16xf32>
      %get3A_280 = arith.index_cast %mul3A_270 : i32 to index
      %get3A_281 = tpu.vector_load %arg104[%get3A_280] {strides = array<i32>} : memref<512xf32, #tpu.memory_space<vmem>>, vector<16xf32>,
      %get3A_282 = vector.shape_cast %get3A_281 : vector<16xf32> to vector<16xf32>
      %mul3A_283 = arith.mulf %get3A_279, %get3A_282 : vector<16xf32>
      %add3A_284 = arith.addf %mul3A_276, %mul3A_283 : vector<16xf32>
      %get3A_285 = arith.index_cast %mul3A_270 : i32 to index
      %get3A_286 = tpu.vector_load %arg73[%get3A_285] {strides = array<i32>} : memref<512xf32, #tpu.memory_space<vmem>>, vector<16xf32>,
      %get3A_287 = vector.shape_cast %get3A_286 : vector<16xf32> to vector<16xf32>
      %get3A_288 = arith.index_cast %mul3A_270 : i32 to index
      %get3A_289 = tpu.vector_load %arg105[%get3A_288] {strides = array<i32>} : memref<512xf32, #tpu.memory_space<vmem>>, vector<16xf32>,
      %get3A_290 = vector.shape_cast %get3A_289 : vector<16xf32> to vector<16xf32>
      %mul3A_291 = arith.mulf %get3A_287, %get3A_290 : vector<16xf32>
      %add3A_292 = arith.addf %add3A_284, %mul3A_291 : vector<16xf32>
      %get3A_293 = arith.index_cast %mul3A_270 : i32 to index
      %get3A_294 = tpu.vector_load %arg74[%get3A_293] {strides = array<i32>} : memref<512xf32, #tpu.memory_space<vmem>>, vector<16xf32>,
      %get3A_295 = vector.shape_cast %get3A_294 : vector<16xf32> to vector<16xf32>
      %get3A_296 = arith.index_cast %mul3A_270 : i32 to index
      %get3A_297 = tpu.vector_load %arg106[%get3A_296] {strides = array<i32>} : memref<512xf32, #tpu.memory_space<vmem>>, vector<16xf32>,
      %get3A_298 = vector.shape_cast %get3A_297 : vector<16xf32> to vector<16xf32>
      %mul3A_299 = arith.mulf %get3A_295, %get3A_298 : vector<16xf32>
      %add3A_300 = arith.addf %add3A_292, %mul3A_299 : vector<16xf32>
      %get3A_301 = arith.index_cast %mul3A_270 : i32 to index
      %get3A_302 = tpu.vector_load %arg75[%get3A_301] {strides = array<i32>} : memref<512xf32, #tpu.memory_space<vmem>>, vector<16xf32>,
      %get3A_303 = vector.shape_cast %get3A_302 : vector<16xf32> to vector<16xf32>
      %get3A_304 = arith.index_cast %mul3A_270 : i32 to index
      %get3A_305 = tpu.vector_load %arg107[%get3A_304] {strides = array<i32>} : memref<512xf32, #tpu.memory_space<vmem>>, vector<16xf32>,
      %get3A_306 = vector.shape_cast %get3A_305 : vector<16xf32> to vector<16xf32>
      %mul3A_307 = arith.mulf %get3A_303, %get3A_306 : vector<16xf32>
      %add3A_308 = arith.addf %add3A_300, %mul3A_307 : vector<16xf32>
      %get3A_309 = arith.index_cast %mul3A_270 : i32 to index
      %get3A_310 = tpu.vector_load %arg76[%get3A_309] {strides = array<i32>} : memref<512xf32, #tpu.memory_space<vmem>>, vector<16xf32>,
      %get3A_311 = vector.shape_cast %get3A_310 : vector<16xf32> to vector<16xf32>
      %get3A_312 = arith.index_cast %mul3A_270 : i32 to index
      %get3A_313 = tpu.vector_load %arg108[%get3A_312] {strides = array<i32>} : memref<512xf32, #tpu.memory_space<vmem>>, vector<16xf32>,
      %get3A_314 = vector.shape_cast %get3A_313 : vector<16xf32> to vector<16xf32>
      %mul3A_315 = arith.mulf %get3A_311, %get3A_314 : vector<16xf32>
      %add3A_316 = arith.addf %add3A_308, %mul3A_315 : vector<16xf32>
      %get3A_317 = arith.index_cast %mul3A_270 : i32 to index
      %get3A_318 = tpu.vector_load %arg77[%get3A_317] {strides = array<i32>} : memref<512xf32, #tpu.memory_space<vmem>>, vector<16xf32>,
      %get3A_319 = vector.shape_cast %get3A_318 : vector<16xf32> to vector<16xf32>
      %get3A_320 = arith.index_cast %mul3A_270 : i32 to index
      %get3A_321 = tpu.vector_load %arg109[%get3A_320] {strides = array<i32>} : memref<512xf32, #tpu.memory_space<vmem>>, vector<16xf32>,
      %get3A_322 = vector.shape_cast %get3A_321 : vector<16xf32> to vector<16xf32>
      %mul3A_323 = arith.mulf %get3A_319, %get3A_322 : vector<16xf32>
      %add3A_324 = arith.addf %add3A_316, %mul3A_323 : vector<16xf32>
      %get3A_325 = arith.index_cast %mul3A_270 : i32 to index
      %get3A_326 = tpu.vector_load %arg78[%get3A_325] {strides = array<i32>} : memref<512xf32, #tpu.memory_space<vmem>>, vector<16xf32>,
      %get3A_327 = vector.shape_cast %get3A_326 : vector<16xf32> to vector<16xf32>
      %get3A_328 = arith.index_cast %mul3A_270 : i32 to index
      %get3A_329 = tpu.vector_load %arg110[%get3A_328] {strides = array<i32>} : memref<512xf32, #tpu.memory_space<vmem>>, vector<16xf32>,
      %get3A_330 = vector.shape_cast %get3A_329 : vector<16xf32> to vector<16xf32>
      %mul3A_331 = arith.mulf %get3A_327, %get3A_330 : vector<16xf32>
      %add3A_332 = arith.addf %add3A_324, %mul3A_331 : vector<16xf32>
      %get3A_333 = arith.index_cast %mul3A_270 : i32 to index
      %get3A_334 = tpu.vector_load %arg79[%get3A_333] {strides = array<i32>} : memref<512xf32, #tpu.memory_space<vmem>>, vector<16xf32>,
      %get3A_335 = vector.shape_cast %get3A_334 : vector<16xf32> to vector<16xf32>
      %get3A_336 = arith.index_cast %mul3A_270 : i32 to index
      %get3A_337 = tpu.vector_load %arg111[%get3A_336] {strides = array<i32>} : memref<512xf32, #tpu.memory_space<vmem>>, vector<16xf32>,
      %get3A_338 = vector.shape_cast %get3A_337 : vector<16xf32> to vector<16xf32>
      %mul3A_339 = arith.mulf %get3A_335, %get3A_338 : vector<16xf32>
      %add3A_340 = arith.addf %add3A_332, %mul3A_339 : vector<16xf32>
      %get3A_341 = arith.index_cast %mul3A_270 : i32 to index
      %get3A_342 = tpu.vector_load %arg80[%get3A_341] {strides = array<i32>} : memref<512xf32, #tpu.memory_space<vmem>>, vector<16xf32>,
      %get3A_343 = vector.shape_cast %get3A_342 : vector<16xf32> to vector<16xf32>
      %get3A_344 = arith.index_cast %mul3A_270 : i32 to index
      %get3A_345 = tpu.vector_load %arg112[%get3A_344] {strides = array<i32>} : memref<512xf32, #tpu.memory_space<vmem>>, vector<16xf32>,
      %get3A_346 = vector.shape_cast %get3A_345 : vector<16xf32> to vector<16xf32>
      %mul3A_347 = arith.mulf %get3A_343, %get3A_346 : vector<16xf32>
      %add3A_348 = arith.addf %add3A_340, %mul3A_347 : vector<16xf32>
      %get3A_349 = arith.index_cast %mul3A_270 : i32 to index
      %get3A_350 = tpu.vector_load %arg81[%get3A_349] {strides = array<i32>} : memref<512xf32, #tpu.memory_space<vmem>>, vector<16xf32>,
      %get3A_351 = vector.shape_cast %get3A_350 : vector<16xf32> to vector<16xf32>
      %get3A_352 = arith.index_cast %mul3A_270 : i32 to index
      %get3A_353 = tpu.vector_load %arg113[%get3A_352] {strides = array<i32>} : memref<512xf32, #tpu.memory_space<vmem>>, vector<16xf32>,
      %get3A_354 = vector.shape_cast %get3A_353 : vector<16xf32> to vector<16xf32>
      %mul3A_355 = arith.mulf %get3A_351, %get3A_354 : vector<16xf32>
      %add3A_356 = arith.addf %add3A_348, %mul3A_355 : vector<16xf32>
      %get3A_357 = arith.index_cast %mul3A_270 : i32 to index
      %get3A_358 = tpu.vector_load %arg82[%get3A_357] {strides = array<i32>} : memref<512xf32, #tpu.memory_space<vmem>>, vector<16xf32>,
      %get3A_359 = vector.shape_cast %get3A_358 : vector<16xf32> to vector<16xf32>
      %get3A_360 = arith.index_cast %mul3A_270 : i32 to index
      %get3A_361 = tpu.vector_load %arg114[%get3A_360] {strides = array<i32>} : memref<512xf32, #tpu.memory_space<vmem>>, vector<16xf32>,
      %get3A_362 = vector.shape_cast %get3A_361 : vector<16xf32> to vector<16xf32>
      %mul3A_363 = arith.mulf %get3A_359, %get3A_362 : vector<16xf32>
      %add3A_364 = arith.addf %add3A_356, %mul3A_363 : vector<16xf32>
      %get3A_365 = arith.index_cast %mul3A_270 : i32 to index
      %get3A_366 = tpu.vector_load %arg83[%get3A_365] {strides = array<i32>} : memref<512xf32, #tpu.memory_space<vmem>>, vector<16xf32>,
      %get3A_367 = vector.shape_cast %get3A_366 : vector<16xf32> to vector<16xf32>
      %get3A_368 = arith.index_cast %mul3A_270 : i32 to index
      %get3A_369 = tpu.vector_load %arg115[%get3A_368] {strides = array<i32>} : memref<512xf32, #tpu.memory_space<vmem>>, vector<16xf32>,
      %get3A_370 = vector.shape_cast %get3A_369 : vector<16xf32> to vector<16xf32>
      %mul3A_371 = arith.mulf %get3A_367, %get3A_370 : vector<16xf32>
      %add3A_372 = arith.addf %add3A_364, %mul3A_371 : vector<16xf32>
      %get3A_373 = arith.index_cast %mul3A_270 : i32 to index
      %get3A_374 = tpu.vector_load %arg84[%get3A_373] {strides = array<i32>} : memref<512xf32, #tpu.memory_space<vmem>>, vector<16xf32>,
      %get3A_375 = vector.shape_cast %get3A_374 : vector<16xf32> to vector<16xf32>
      %get3A_376 = arith.index_cast %mul3A_270 : i32 to index
      %get3A_377 = tpu.vector_load %arg116[%get3A_376] {strides = array<i32>} : memref<512xf32, #tpu.memory_space<vmem>>, vector<16xf32>,
      %get3A_378 = vector.shape_cast %get3A_377 : vector<16xf32> to vector<16xf32>
      %mul3A_379 = arith.mulf %get3A_375, %get3A_378 : vector<16xf32>
      %add3A_380 = arith.addf %add3A_372, %mul3A_379 : vector<16xf32>
      %get3A_381 = arith.index_cast %mul3A_270 : i32 to index
      %get3A_382 = tpu.vector_load %arg85[%get3A_381] {strides = array<i32>} : memref<512xf32, #tpu.memory_space<vmem>>, vector<16xf32>,
      %get3A_383 = vector.shape_cast %get3A_382 : vector<16xf32> to vector<16xf32>
      %get3A_384 = arith.index_cast %mul3A_270 : i32 to index
      %get3A_385 = tpu.vector_load %arg117[%get3A_384] {strides = array<i32>} : memref<512xf32, #tpu.memory_space<vmem>>, vector<16xf32>,
      %get3A_386 = vector.shape_cast %get3A_385 : vector<16xf32> to vector<16xf32>
      %mul3A_387 = arith.mulf %get3A_383, %get3A_386 : vector<16xf32>
      %add3A_388 = arith.addf %add3A_380, %mul3A_387 : vector<16xf32>
      %get3A_389 = arith.index_cast %mul3A_270 : i32 to index
      %get3A_390 = tpu.vector_load %arg86[%get3A_389] {strides = array<i32>} : memref<512xf32, #tpu.memory_space<vmem>>, vector<16xf32>,
      %get3A_391 = vector.shape_cast %get3A_390 : vector<16xf32> to vector<16xf32>
      %get3A_392 = arith.index_cast %mul3A_270 : i32 to index
      %get3A_393 = tpu.vector_load %arg118[%get3A_392] {strides = array<i32>} : memref<512xf32, #tpu.memory_space<vmem>>, vector<16xf32>,
      %get3A_394 = vector.shape_cast %get3A_393 : vector<16xf32> to vector<16xf32>
      %mul3A_395 = arith.mulf %get3A_391, %get3A_394 : vector<16xf32>
      %add3A_396 = arith.addf %add3A_388, %mul3A_395 : vector<16xf32>
      %get3A_397 = arith.index_cast %mul3A_270 : i32 to index
      %get3A_398 = tpu.vector_load %arg87[%get3A_397] {strides = array<i32>} : memref<512xf32, #tpu.memory_space<vmem>>, vector<16xf32>,
      %get3A_399 = vector.shape_cast %get3A_398 : vector<16xf32> to vector<16xf32>
      %get3A_400 = arith.index_cast %mul3A_270 : i32 to index
      %get3A_401 = tpu.vector_load %arg119[%get3A_400] {strides = array<i32>} : memref<512xf32, #tpu.memory_space<vmem>>, vector<16xf32>,
      %get3A_402 = vector.shape_cast %get3A_401 : vector<16xf32> to vector<16xf32>
      %mul3A_403 = arith.mulf %get3A_399, %get3A_402 : vector<16xf32>
      %add3A_404 = arith.addf %add3A_396, %mul3A_403 : vector<16xf32>
      %get3A_405 = arith.index_cast %mul3A_270 : i32 to index
      %get3A_406 = tpu.vector_load %arg88[%get3A_405] {strides = array<i32>} : memref<512xf32, #tpu.memory_space<vmem>>, vector<16xf32>,
      %get3A_407 = vector.shape_cast %get3A_406 : vector<16xf32> to vector<16xf32>
      %get3A_408 = arith.index_cast %mul3A_270 : i32 to index
      %get3A_409 = tpu.vector_load %arg120[%get3A_408] {strides = array<i32>} : memref<512xf32, #tpu.memory_space<vmem>>, vector<16xf32>,
      %get3A_410 = vector.shape_cast %get3A_409 : vector<16xf32> to vector<16xf32>
      %mul3A_411 = arith.mulf %get3A_407, %get3A_410 : vector<16xf32>
      %add3A_412 = arith.addf %add3A_404, %mul3A_411 : vector<16xf32>
      %get3A_413 = arith.index_cast %mul3A_270 : i32 to index
      %get3A_414 = tpu.vector_load %arg89[%get3A_413] {strides = array<i32>} : memref<512xf32, #tpu.memory_space<vmem>>, vector<16xf32>,
      %get3A_415 = vector.shape_cast %get3A_414 : vector<16xf32> to vector<16xf32>
      %get3A_416 = arith.index_cast %mul3A_270 : i32 to index
      %get3A_417 = tpu.vector_load %arg121[%get3A_416] {strides = array<i32>} : memref<512xf32, #tpu.memory_space<vmem>>, vector<16xf32>,
      %get3A_418 = vector.shape_cast %get3A_417 : vector<16xf32> to vector<16xf32>
      %mul3A_419 = arith.mulf %get3A_415, %get3A_418 : vector<16xf32>
      %add3A_420 = arith.addf %add3A_412, %mul3A_419 : vector<16xf32>
      %get3A_421 = arith.index_cast %mul3A_270 : i32 to index
      %get3A_422 = tpu.vector_load %arg90[%get3A_421] {strides = array<i32>} : memref<512xf32, #tpu.memory_space<vmem>>, vector<16xf32>,
      %get3A_423 = vector.shape_cast %get3A_422 : vector<16xf32> to vector<16xf32>
      %get3A_424 = arith.index_cast %mul3A_270 : i32 to index
      %get3A_425 = tpu.vector_load %arg122[%get3A_424] {strides = array<i32>} : memref<512xf32, #tpu.memory_space<vmem>>, vector<16xf32>,
      %get3A_426 = vector.shape_cast %get3A_425 : vector<16xf32> to vector<16xf32>
      %mul3A_427 = arith.mulf %get3A_423, %get3A_426 : vector<16xf32>
      %add3A_428 = arith.addf %add3A_420, %mul3A_427 : vector<16xf32>
      %get3A_429 = arith.index_cast %mul3A_270 : i32 to index
      %get3A_430 = tpu.vector_load %arg91[%get3A_429] {strides = array<i32>} : memref<512xf32, #tpu.memory_space<vmem>>, vector<16xf32>,
      %get3A_431 = vector.shape_cast %get3A_430 : vector<16xf32> to vector<16xf32>
      %get3A_432 = arith.index_cast %mul3A_270 : i32 to index
      %get3A_433 = tpu.vector_load %arg123[%get3A_432] {strides = array<i32>} : memref<512xf32, #tpu.memory_space<vmem>>, vector<16xf32>,
      %get3A_434 = vector.shape_cast %get3A_433 : vector<16xf32> to vector<16xf32>
      %mul3A_435 = arith.mulf %get3A_431, %get3A_434 : vector<16xf32>
      %add3A_436 = arith.addf %add3A_428, %mul3A_435 : vector<16xf32>
      %get3A_437 = arith.index_cast %mul3A_270 : i32 to index
      %get3A_438 = tpu.vector_load %arg92[%get3A_437] {strides = array<i32>} : memref<512xf32, #tpu.memory_space<vmem>>, vector<16xf32>,
      %get3A_439 = vector.shape_cast %get3A_438 : vector<16xf32> to vector<16xf32>
      %get3A_440 = arith.index_cast %mul3A_270 : i32 to index
      %get3A_441 = tpu.vector_load %arg124[%get3A_440] {strides = array<i32>} : memref<512xf32, #tpu.memory_space<vmem>>, vector<16xf32>,
      %get3A_442 = vector.shape_cast %get3A_441 : vector<16xf32> to vector<16xf32>
      %mul3A_443 = arith.mulf %get3A_439, %get3A_442 : vector<16xf32>
      %add3A_444 = arith.addf %add3A_436, %mul3A_443 : vector<16xf32>
      %get3A_445 = arith.index_cast %mul3A_270 : i32 to index
      %get3A_446 = tpu.vector_load %arg93[%get3A_445] {strides = array<i32>} : memref<512xf32, #tpu.memory_space<vmem>>, vector<16xf32>,
      %get3A_447 = vector.shape_cast %get3A_446 : vector<16xf32> to vector<16xf32>
      %get3A_448 = arith.index_cast %mul3A_270 : i32 to index
      %get3A_449 = tpu.vector_load %arg125[%get3A_448] {strides = array<i32>} : memref<512xf32, #tpu.memory_space<vmem>>, vector<16xf32>,
      %get3A_450 = vector.shape_cast %get3A_449 : vector<16xf32> to vector<16xf32>
      %mul3A_451 = arith.mulf %get3A_447, %get3A_450 : vector<16xf32>
      %add3A_452 = arith.addf %add3A_444, %mul3A_451 : vector<16xf32>
      %get3A_453 = arith.index_cast %mul3A_270 : i32 to index
      %get3A_454 = tpu.vector_load %arg94[%get3A_453] {strides = array<i32>} : memref<512xf32, #tpu.memory_space<vmem>>, vector<16xf32>,
      %get3A_455 = vector.shape_cast %get3A_454 : vector<16xf32> to vector<16xf32>
      %get3A_456 = arith.index_cast %mul3A_270 : i32 to index
      %get3A_457 = tpu.vector_load %arg126[%get3A_456] {strides = array<i32>} : memref<512xf32, #tpu.memory_space<vmem>>, vector<16xf32>,
      %get3A_458 = vector.shape_cast %get3A_457 : vector<16xf32> to vector<16xf32>
      %mul3A_459 = arith.mulf %get3A_455, %get3A_458 : vector<16xf32>
      %add3A_460 = arith.addf %add3A_452, %mul3A_459 : vector<16xf32>
      %get3A_461 = arith.index_cast %mul3A_270 : i32 to index
      %get3A_462 = tpu.vector_load %arg95[%get3A_461] {strides = array<i32>} : memref<512xf32, #tpu.memory_space<vmem>>, vector<16xf32>,
      %get3A_463 = vector.shape_cast %get3A_462 : vector<16xf32> to vector<16xf32>
      %get3A_464 = arith.index_cast %mul3A_270 : i32 to index
      %get3A_465 = tpu.vector_load %arg127[%get3A_464] {strides = array<i32>} : memref<512xf32, #tpu.memory_space<vmem>>, vector<16xf32>,
      %get3A_466 = vector.shape_cast %get3A_465 : vector<16xf32> to vector<16xf32>
      %mul3A_467 = arith.mulf %get3A_463, %get3A_466 : vector<16xf32>
      %add3A_468 = arith.addf %add3A_460, %mul3A_467 : vector<16xf32>
      %get3A_469 = arith.index_cast %mul3A_270 : i32 to index
      %get3A_470 = tpu.vector_load %arg96[%get3A_469] {strides = array<i32>} : memref<512xf32, #tpu.memory_space<vmem>>, vector<16xf32>,
      %get3A_471 = vector.shape_cast %get3A_470 : vector<16xf32> to vector<16xf32>
      %get3A_472 = arith.index_cast %mul3A_270 : i32 to index
      %get3A_473 = tpu.vector_load %arg128[%get3A_472] {strides = array<i32>} : memref<512xf32, #tpu.memory_space<vmem>>, vector<16xf32>,
      %get3A_474 = vector.shape_cast %get3A_473 : vector<16xf32> to vector<16xf32>
      %mul3A_475 = arith.mulf %get3A_471, %get3A_474 : vector<16xf32>
      %add3A_476 = arith.addf %add3A_468, %mul3A_475 : vector<16xf32>
      %get3A_477 = arith.index_cast %mul3A_270 : i32 to index
      %get3A_478 = tpu.vector_load %arg97[%get3A_477] {strides = array<i32>} : memref<512xf32, #tpu.memory_space<vmem>>, vector<16xf32>,
      %get3A_479 = vector.shape_cast %get3A_478 : vector<16xf32> to vector<16xf32>
      %get3A_480 = arith.index_cast %mul3A_270 : i32 to index
      %get3A_481 = tpu.vector_load %arg129[%get3A_480] {strides = array<i32>} : memref<512xf32, #tpu.memory_space<vmem>>, vector<16xf32>,
      %get3A_482 = vector.shape_cast %get3A_481 : vector<16xf32> to vector<16xf32>
      %mul3A_483 = arith.mulf %get3A_479, %get3A_482 : vector<16xf32>
      %add3A_484 = arith.addf %add3A_476, %mul3A_483 : vector<16xf32>
      %get3A_485 = arith.index_cast %mul3A_270 : i32 to index
      %get3A_486 = tpu.vector_load %arg98[%get3A_485] {strides = array<i32>} : memref<512xf32, #tpu.memory_space<vmem>>, vector<16xf32>,
      %get3A_487 = vector.shape_cast %get3A_486 : vector<16xf32> to vector<16xf32>
      %get3A_488 = arith.index_cast %mul3A_270 : i32 to index
      %get3A_489 = tpu.vector_load %arg130[%get3A_488] {strides = array<i32>} : memref<512xf32, #tpu.memory_space<vmem>>, vector<16xf32>,
      %get3A_490 = vector.shape_cast %get3A_489 : vector<16xf32> to vector<16xf32>
      %mul3A_491 = arith.mulf %get3A_487, %get3A_490 : vector<16xf32>
      %add3A_492 = arith.addf %add3A_484, %mul3A_491 : vector<16xf32>
      %get3A_493 = arith.index_cast %mul3A_270 : i32 to index
      %get3A_494 = tpu.vector_load %arg99[%get3A_493] {strides = array<i32>} : memref<512xf32, #tpu.memory_space<vmem>>, vector<16xf32>,
      %get3A_495 = vector.shape_cast %get3A_494 : vector<16xf32> to vector<16xf32>
      %get3A_496 = arith.index_cast %mul3A_270 : i32 to index
      %get3A_497 = tpu.vector_load %arg131[%get3A_496] {strides = array<i32>} : memref<512xf32, #tpu.memory_space<vmem>>, vector<16xf32>,
      %get3A_498 = vector.shape_cast %get3A_497 : vector<16xf32> to vector<16xf32>
      %mul3A_499 = arith.mulf %get3A_495, %get3A_498 : vector<16xf32>
      %add3A_500 = arith.addf %add3A_492, %mul3A_499 : vector<16xf32>
      %get3A_501 = arith.index_cast %mul3A_270 : i32 to index
      %get3A_502 = tpu.vector_load %arg100[%get3A_501] {strides = array<i32>} : memref<512xf32, #tpu.memory_space<vmem>>, vector<16xf32>,
      %get3A_503 = vector.shape_cast %get3A_502 : vector<16xf32> to vector<16xf32>
      %get3A_504 = arith.index_cast %mul3A_270 : i32 to index
      %get3A_505 = tpu.vector_load %arg132[%get3A_504] {strides = array<i32>} : memref<512xf32, #tpu.memory_space<vmem>>, vector<16xf32>,
      %get3A_506 = vector.shape_cast %get3A_505 : vector<16xf32> to vector<16xf32>
      %mul3A_507 = arith.mulf %get3A_503, %get3A_506 : vector<16xf32>
      %add3A_508 = arith.addf %add3A_500, %mul3A_507 : vector<16xf32>
      %get3A_509 = arith.index_cast %mul3A_270 : i32 to index
      %get3A_510 = tpu.vector_load %arg101[%get3A_509] {strides = array<i32>} : memref<512xf32, #tpu.memory_space<vmem>>, vector<16xf32>,
      %get3A_511 = vector.shape_cast %get3A_510 : vector<16xf32> to vector<16xf32>
      %get3A_512 = arith.index_cast %mul3A_270 : i32 to index
      %get3A_513 = tpu.vector_load %arg133[%get3A_512] {strides = array<i32>} : memref<512xf32, #tpu.memory_space<vmem>>, vector<16xf32>,
      %get3A_514 = vector.shape_cast %get3A_513 : vector<16xf32> to vector<16xf32>
      %mul3A_515 = arith.mulf %get3A_511, %get3A_514 : vector<16xf32>
      %add3A_516 = arith.addf %add3A_508, %mul3A_515 : vector<16xf32>
      %get3A_517 = arith.index_cast %mul3A_270 : i32 to index
      %get3A_518 = tpu.vector_load %arg102[%get3A_517] {strides = array<i32>} : memref<512xf32, #tpu.memory_space<vmem>>, vector<16xf32>,
      %get3A_519 = vector.shape_cast %get3A_518 : vector<16xf32> to vector<16xf32>
      %get3A_520 = arith.index_cast %mul3A_270 : i32 to index
      %get3A_521 = tpu.vector_load %arg134[%get3A_520] {strides = array<i32>} : memref<512xf32, #tpu.memory_space<vmem>>, vector<16xf32>,
      %get3A_522 = vector.shape_cast %get3A_521 : vector<16xf32> to vector<16xf32>
      %mul3A_523 = arith.mulf %get3A_519, %get3A_522 : vector<16xf32>
      %add3A_524 = arith.addf %add3A_516, %mul3A_523 : vector<16xf32>
      %swap3A = arith.index_cast %mul3A_270 : i32 to index
      %swap3A_525 = tpu.vector_load %arg135[%swap3A] {strides = array<i32>} : memref<512xf32, #tpu.memory_space<vmem>>, vector<16xf32>,
      %swap3A_526 = vector.shape_cast %swap3A_525 : vector<16xf32> to vector<16xf32>
      %swap3A_527 = vector.shape_cast %add3A_524 : vector<16xf32> to vector<16xf32>
      tpu.vector_store %arg135[%swap3A], %swap3A_527 {strides = array<i32>} : memref<512xf32, #tpu.memory_space<vmem>>, vector<16xf32>,
    }
    %scan3A_267 = arith.constant 32 : i32
    "tpu.region"() ({
      %run_scoped3A = tpu.sem_alloc : memref<!tpu.dma_semaphore, #tpu.memory_space<semaphore_mem>>
      %dma_start3A_268 = tpu.memref_slice %arg6[%mul3A_2] : memref<16384xf32, #tpu.memory_space<hbm>> -> memref<512xf32, #tpu.memory_space<hbm>>
      %dma_start3A_269 = tpu.memref_slice %arg6[%mul3A_2] : memref<16384xf32, #tpu.memory_space<hbm>> -> memref<512xf32, #tpu.memory_space<hbm>>
      tpu.enqueue_dma source(%arg135 : memref<512xf32, #tpu.memory_space<vmem>>) target(%dma_start3A_269 : memref<512xf32, #tpu.memory_space<hbm>>) target_semaphore(%run_scoped3A : memref<!tpu.dma_semaphore, #tpu.memory_space<semaphore_mem>>)
      %dma_wait3A_270 = tpu.memref_slice %arg6[%mul3A_2] : memref<16384xf32, #tpu.memory_space<hbm>> -> memref<512xf32, #tpu.memory_space<hbm>>
      %dma_wait3A_271 = tpu.memref_slice %arg6[%mul3A_2] : memref<16384xf32, #tpu.memory_space<hbm>> -> memref<512xf32, #tpu.memory_space<hbm>>
      tpu.wait_dma2 semaphore(%run_scoped3A : memref<!tpu.dma_semaphore, #tpu.memory_space<semaphore_mem>>) src(%arg135 : memref<512xf32, #tpu.memory_space<vmem>>) dst(%dma_wait3A_271 : memref<512xf32, #tpu.memory_space<hbm>>)
      tpu.yield
    }) : () -> ()
    return
  }
}

#map = affine_map<(d0, d1) -> (0, 0)>
#map1 = affine_map<(d0, d1) -> (0)>
module attributes {stable_mosaic.version = 14 : i64} {
  func.func @_detile_body(%arg0: i32, %arg1: i32, %arg2: memref<32x1000000xf32, #tpu.memory_space<hbm>>, %arg3: memref<32x1000000xf32, #tpu.memory_space<hbm>>, %arg4: memref<2048xf32, #tpu.memory_space<hbm>>, %arg5: memref<2048xf32, #tpu.memory_space<hbm>>, %arg6: memref<32004096xf32, #tpu.memory_space<hbm>>, %arg7: memref<32004096xf32, #tpu.memory_space<hbm>>, %arg8: memref<8x8064xf32, #tpu.memory_space<vmem>>, %arg9: memref<8x8064xf32, #tpu.memory_space<vmem>>, %arg10: memref<!tpu.dma_semaphore, #tpu.memory_space<semaphore_mem>>, %arg11: memref<!tpu.dma_semaphore, #tpu.memory_space<semaphore_mem>>) attributes {dimension_semantics = [#tpu.dimension_semantics<core_parallel>, #tpu.dimension_semantics<subcore_parallel>], iteration_bounds = array<i64: 2, 16>, scalar_prefetch = 0 : i64, scratch_operands = 4 : i64, tpu.core_type = #tpu.core_type<sc_vector_subcore>, window_params = [{transform_indices = #map}, {transform_indices = #map}, {transform_indices = #map1}, {transform_indices = #map1}, {transform_indices = #map1}, {transform_indices = #map1}]} {
    %mul3A = arith.constant 2 : i32
    %mul3A_0 = arith.muli %arg1, %mul3A : i32
    %add3A = arith.addi %mul3A_0, %arg0 : i32
    %jit3A = arith.constant 16 : i32
    %div3A = arith.divsi %add3A, %jit3A : i32
    %sign3A = arith.constant 0 : i32
    %sign3A_1 = arith.cmpi sgt, %add3A, %sign3A : i32
    %sign3A_2 = arith.extui %sign3A_1 : i1 to i32
    %sign3A_3 = arith.constant 0 : i32
    %sign3A_4 = arith.cmpi slt, %add3A, %sign3A_3 : i32
    %sign3A_5 = arith.extui %sign3A_4 : i1 to i32
    %sign3A_6 = arith.subi %sign3A_2, %sign3A_5 : i32
    %sign3A_7 = arith.constant 0 : i32
    %sign3A_8 = arith.cmpi sgt, %jit3A, %sign3A_7 : i32
    %sign3A_9 = arith.extui %sign3A_8 : i1 to i32
    %sign3A_10 = arith.constant 0 : i32
    %sign3A_11 = arith.cmpi slt, %jit3A, %sign3A_10 : i32
    %sign3A_12 = arith.extui %sign3A_11 : i1 to i32
    %sign3A_13 = arith.subi %sign3A_9, %sign3A_12 : i32
    %ne3A = arith.cmpi ne, %sign3A_6, %sign3A_13 : i32
    %rem3A = arith.remsi %add3A, %jit3A : i32
    %ne3A_14 = arith.constant 0 : i32
    %ne3A_15 = arith.cmpi ne, %rem3A, %ne3A_14 : i32
    %and3A = arith.andi %ne3A, %ne3A_15 : i1
    %sub3A = arith.constant 1 : i32
    %sub3A_16 = arith.subi %div3A, %sub3A : i32
    %select_n3A = arith.select %and3A, %sub3A_16, %div3A : i32
    %jit3A_17 = arith.constant 16 : i32
    %eq3A = arith.constant 0 : i32
    %eq3A_18 = arith.cmpi eq, %jit3A_17, %eq3A : i32
    %jit3A_19 = arith.constant 1 : i32
    %select_n3A_20 = arith.select %eq3A_18, %jit3A_19, %jit3A_17 : i32
    %rem3A_21 = arith.remsi %add3A, %select_n3A_20 : i32
    %ne3A_22 = arith.constant 0 : i32
    %ne3A_23 = arith.cmpi ne, %rem3A_21, %ne3A_22 : i32
    %lt3A = arith.constant 0 : i32
    %lt3A_24 = arith.cmpi slt, %rem3A_21, %lt3A : i32
    %lt3A_25 = arith.constant 0 : i32
    %lt3A_26 = arith.cmpi slt, %select_n3A_20, %lt3A_25 : i32
    %ne3A_27 = arith.xori %lt3A_24, %lt3A_26 : i1
    %and3A_28 = arith.andi %ne3A_27, %ne3A_23 : i1
    %add3A_29 = arith.addi %rem3A_21, %select_n3A_20 : i32
    %select_n3A_30 = arith.select %and3A_28, %add3A_29, %rem3A_21 : i32
    %jit3A_31 = arith.constant 4 : i32
    %div3A_32 = arith.divsi %select_n3A_30, %jit3A_31 : i32
    %sign3A_33 = arith.constant 0 : i32
    %sign3A_34 = arith.cmpi sgt, %select_n3A_30, %sign3A_33 : i32
    %sign3A_35 = arith.extui %sign3A_34 : i1 to i32
    %sign3A_36 = arith.constant 0 : i32
    %sign3A_37 = arith.cmpi slt, %select_n3A_30, %sign3A_36 : i32
    %sign3A_38 = arith.extui %sign3A_37 : i1 to i32
    %sign3A_39 = arith.subi %sign3A_35, %sign3A_38 : i32
    %sign3A_40 = arith.constant 0 : i32
    %sign3A_41 = arith.cmpi sgt, %jit3A_31, %sign3A_40 : i32
    %sign3A_42 = arith.extui %sign3A_41 : i1 to i32
    %sign3A_43 = arith.constant 0 : i32
    %sign3A_44 = arith.cmpi slt, %jit3A_31, %sign3A_43 : i32
    %sign3A_45 = arith.extui %sign3A_44 : i1 to i32
    %sign3A_46 = arith.subi %sign3A_42, %sign3A_45 : i32
    %ne3A_47 = arith.cmpi ne, %sign3A_39, %sign3A_46 : i32
    %rem3A_48 = arith.remsi %select_n3A_30, %jit3A_31 : i32
    %ne3A_49 = arith.constant 0 : i32
    %ne3A_50 = arith.cmpi ne, %rem3A_48, %ne3A_49 : i32
    %and3A_51 = arith.andi %ne3A_47, %ne3A_50 : i1
    %sub3A_52 = arith.constant 1 : i32
    %sub3A_53 = arith.subi %div3A_32, %sub3A_52 : i32
    %select_n3A_54 = arith.select %and3A_51, %sub3A_53, %div3A_32 : i32
    %jit3A_55 = arith.constant 4 : i32
    %eq3A_56 = arith.constant 0 : i32
    %eq3A_57 = arith.cmpi eq, %jit3A_55, %eq3A_56 : i32
    %jit3A_58 = arith.constant 1 : i32
    %select_n3A_59 = arith.select %eq3A_57, %jit3A_58, %jit3A_55 : i32
    %rem3A_60 = arith.remsi %select_n3A_30, %select_n3A_59 : i32
    %ne3A_61 = arith.constant 0 : i32
    %ne3A_62 = arith.cmpi ne, %rem3A_60, %ne3A_61 : i32
    %lt3A_63 = arith.constant 0 : i32
    %lt3A_64 = arith.cmpi slt, %rem3A_60, %lt3A_63 : i32
    %lt3A_65 = arith.constant 0 : i32
    %lt3A_66 = arith.cmpi slt, %select_n3A_59, %lt3A_65 : i32
    %ne3A_67 = arith.xori %lt3A_64, %lt3A_66 : i1
    %and3A_68 = arith.andi %ne3A_67, %ne3A_62 : i1
    %add3A_69 = arith.addi %rem3A_60, %select_n3A_59 : i32
    %select_n3A_70 = arith.select %and3A_68, %add3A_69, %rem3A_60 : i32
    %eq3A_71 = arith.constant 0 : i32
    %eq3A_72 = arith.cmpi eq, %select_n3A, %eq3A_71 : i32
    %convert_element_type3A = arith.extui %eq3A_72 : i1 to i32
    %cond3A = arith.constant 0 : i32
    %cond3A_73 = arith.cmpi ne, %convert_element_type3A, %cond3A : i32
    scf.if %cond3A_73 {
      %scan3A = arith.constant 0 : i32
      %scan3A_89 = arith.constant 0 : i32
      %scan3A_90 = arith.constant 15 : i32
      %scan3A_91 = arith.addi %scan3A_89, %scan3A_90 : i32
      %scan3A_92 = arith.constant 1 : i32
      scf.for %scan3A_306 = %scan3A_89 to %scan3A_91 step %scan3A_92  : i32 {
        %mul3A_307 = arith.constant 2 : i32
        %mul3A_308 = arith.muli %mul3A_307, %scan3A_306 : i32
        %mul3A_309 = arith.constant 249984 : i32
        %mul3A_310 = arith.muli %select_n3A_70, %mul3A_309 : i32
        %mul3A_311 = arith.constant 8064 : i32
        %mul3A_312 = arith.muli %mul3A_308, %mul3A_311 : i32
        %add3A_313 = arith.addi %mul3A_310, %mul3A_312 : i32
        %multiple_of3A_314 = tpu.assume_multiple %add3A_313, 128 : i32
        %mul3A_315 = arith.constant 8 : i32
        %mul3A_316 = arith.muli %mul3A_315, %select_n3A_54 : i32
        "tpu.region"() ({
          %run_scoped3A = tpu.sem_alloc : memref<!tpu.dma_semaphore, #tpu.memory_space<semaphore_mem>>
          %dma_start3A_745 = tpu.memref_slice %arg2[%mul3A_316, %multiple_of3A_314] : memref<32x1000000xf32, #tpu.memory_space<hbm>> -> memref<8x8064xf32, #tpu.memory_space<hbm>>
          %dma_start3A_746 = tpu.memref_slice %arg2[%mul3A_316, %multiple_of3A_314] : memref<32x1000000xf32, #tpu.memory_space<hbm>> -> memref<8x8064xf32, #tpu.memory_space<hbm>>
          tpu.enqueue_dma source(%dma_start3A_746 : memref<8x8064xf32, #tpu.memory_space<hbm>>) target(%arg8 : memref<8x8064xf32, #tpu.memory_space<vmem>>) target_semaphore(%run_scoped3A : memref<!tpu.dma_semaphore, #tpu.memory_space<semaphore_mem>>)
          %dma_wait3A_747 = tpu.memref_slice %arg2[%mul3A_316, %multiple_of3A_314] : memref<32x1000000xf32, #tpu.memory_space<hbm>> -> memref<8x8064xf32, #tpu.memory_space<hbm>>
          %dma_wait3A_748 = tpu.memref_slice %arg2[%mul3A_316, %multiple_of3A_314] : memref<32x1000000xf32, #tpu.memory_space<hbm>> -> memref<8x8064xf32, #tpu.memory_space<hbm>>
          tpu.wait_dma2 semaphore(%run_scoped3A : memref<!tpu.dma_semaphore, #tpu.memory_space<semaphore_mem>>) src(%dma_wait3A_748 : memref<8x8064xf32, #tpu.memory_space<hbm>>) dst(%arg8 : memref<8x8064xf32, #tpu.memory_space<vmem>>)
          tpu.yield
        }) : () -> ()
        %mul3A_317 = arith.constant 8 : i32
        %mul3A_318 = arith.muli %mul3A_317, %select_n3A_54 : i32
        %add3A_319 = arith.constant 0 : i32
        %add3A_320 = arith.addi %mul3A_318, %add3A_319 : i32
        %mul3A_321 = arith.constant 1000064 : i32
        %mul3A_322 = arith.muli %add3A_320, %mul3A_321 : i32
        %add3A_323 = arith.addi %mul3A_322, %multiple_of3A_314 : i32
        %multiple_of3A_324 = tpu.assume_multiple %add3A_323, 128 : i32
        %dma_start3A_325 = arith.constant 0 : i32
        %dma_start3A_326 = arith.constant 0 : i32
        %dma_start3A_327 = tpu.memref_slice %arg8[%dma_start3A_325, %dma_start3A_326] : memref<8x8064xf32, #tpu.memory_space<vmem>> -> memref<1x8064xf32, #tpu.memory_space<vmem>>
        %dma_start3A_328 = tpu.memref_squeeze %dma_start3A_327 : memref<1x8064xf32, #tpu.memory_space<vmem>> -> memref<8064xf32, #tpu.memory_space<vmem>>
        %dma_start3A_329 = tpu.memref_slice %arg6[%multiple_of3A_324] : memref<32004096xf32, #tpu.memory_space<hbm>> -> memref<8064xf32, #tpu.memory_space<hbm>>
        %dma_start3A_330 = tpu.memref_slice %arg6[%multiple_of3A_324] : memref<32004096xf32, #tpu.memory_space<hbm>> -> memref<8064xf32, #tpu.memory_space<hbm>>
        %dma_start3A_331 = arith.constant 0 : i32
        %dma_start3A_332 = tpu.memref_slice %arg8[%dma_start3A_325, %dma_start3A_331] : memref<8x8064xf32, #tpu.memory_space<vmem>> -> memref<1x8064xf32, #tpu.memory_space<vmem>>
        %dma_start3A_333 = tpu.memref_squeeze %dma_start3A_332 : memref<1x8064xf32, #tpu.memory_space<vmem>> -> memref<8064xf32, #tpu.memory_space<vmem>>
        tpu.enqueue_dma source(%dma_start3A_333 : memref<8064xf32, #tpu.memory_space<vmem>>) target(%dma_start3A_330 : memref<8064xf32, #tpu.memory_space<hbm>>) target_semaphore(%arg10 : memref<!tpu.dma_semaphore, #tpu.memory_space<semaphore_mem>>)
        %mul3A_334 = arith.constant 8 : i32
        %mul3A_335 = arith.muli %mul3A_334, %select_n3A_54 : i32
        %add3A_336 = arith.constant 1 : i32
        %add3A_337 = arith.addi %mul3A_335, %add3A_336 : i32
        %mul3A_338 = arith.constant 1000064 : i32
        %mul3A_339 = arith.muli %add3A_337, %mul3A_338 : i32
        %add3A_340 = arith.addi %mul3A_339, %multiple_of3A_314 : i32
        %multiple_of3A_341 = tpu.assume_multiple %add3A_340, 128 : i32
        %dma_start3A_342 = arith.constant 1 : i32
        %dma_start3A_343 = arith.constant 0 : i32
        %dma_start3A_344 = tpu.memref_slice %arg8[%dma_start3A_342, %dma_start3A_343] : memref<8x8064xf32, #tpu.memory_space<vmem>> -> memref<1x8064xf32, #tpu.memory_space<vmem>>
        %dma_start3A_345 = tpu.memref_squeeze %dma_start3A_344 : memref<1x8064xf32, #tpu.memory_space<vmem>> -> memref<8064xf32, #tpu.memory_space<vmem>>
        %dma_start3A_346 = tpu.memref_slice %arg6[%multiple_of3A_341] : memref<32004096xf32, #tpu.memory_space<hbm>> -> memref<8064xf32, #tpu.memory_space<hbm>>
        %dma_start3A_347 = tpu.memref_slice %arg6[%multiple_of3A_341] : memref<32004096xf32, #tpu.memory_space<hbm>> -> memref<8064xf32, #tpu.memory_space<hbm>>
        %dma_start3A_348 = arith.constant 0 : i32
        %dma_start3A_349 = tpu.memref_slice %arg8[%dma_start3A_342, %dma_start3A_348] : memref<8x8064xf32, #tpu.memory_space<vmem>> -> memref<1x8064xf32, #tpu.memory_space<vmem>>
        %dma_start3A_350 = tpu.memref_squeeze %dma_start3A_349 : memref<1x8064xf32, #tpu.memory_space<vmem>> -> memref<8064xf32, #tpu.memory_space<vmem>>
        tpu.enqueue_dma source(%dma_start3A_350 : memref<8064xf32, #tpu.memory_space<vmem>>) target(%dma_start3A_347 : memref<8064xf32, #tpu.memory_space<hbm>>) target_semaphore(%arg10 : memref<!tpu.dma_semaphore, #tpu.memory_space<semaphore_mem>>)
        %mul3A_351 = arith.constant 8 : i32
        %mul3A_352 = arith.muli %mul3A_351, %select_n3A_54 : i32
        %add3A_353 = arith.constant 2 : i32
        %add3A_354 = arith.addi %mul3A_352, %add3A_353 : i32
        %mul3A_355 = arith.constant 1000064 : i32
        %mul3A_356 = arith.muli %add3A_354, %mul3A_355 : i32
        %add3A_357 = arith.addi %mul3A_356, %multiple_of3A_314 : i32
        %multiple_of3A_358 = tpu.assume_multiple %add3A_357, 128 : i32
        %dma_start3A_359 = arith.constant 2 : i32
        %dma_start3A_360 = arith.constant 0 : i32
        %dma_start3A_361 = tpu.memref_slice %arg8[%dma_start3A_359, %dma_start3A_360] : memref<8x8064xf32, #tpu.memory_space<vmem>> -> memref<1x8064xf32, #tpu.memory_space<vmem>>
        %dma_start3A_362 = tpu.memref_squeeze %dma_start3A_361 : memref<1x8064xf32, #tpu.memory_space<vmem>> -> memref<8064xf32, #tpu.memory_space<vmem>>
        %dma_start3A_363 = tpu.memref_slice %arg6[%multiple_of3A_358] : memref<32004096xf32, #tpu.memory_space<hbm>> -> memref<8064xf32, #tpu.memory_space<hbm>>
        %dma_start3A_364 = tpu.memref_slice %arg6[%multiple_of3A_358] : memref<32004096xf32, #tpu.memory_space<hbm>> -> memref<8064xf32, #tpu.memory_space<hbm>>
        %dma_start3A_365 = arith.constant 0 : i32
        %dma_start3A_366 = tpu.memref_slice %arg8[%dma_start3A_359, %dma_start3A_365] : memref<8x8064xf32, #tpu.memory_space<vmem>> -> memref<1x8064xf32, #tpu.memory_space<vmem>>
        %dma_start3A_367 = tpu.memref_squeeze %dma_start3A_366 : memref<1x8064xf32, #tpu.memory_space<vmem>> -> memref<8064xf32, #tpu.memory_space<vmem>>
        tpu.enqueue_dma source(%dma_start3A_367 : memref<8064xf32, #tpu.memory_space<vmem>>) target(%dma_start3A_364 : memref<8064xf32, #tpu.memory_space<hbm>>) target_semaphore(%arg10 : memref<!tpu.dma_semaphore, #tpu.memory_space<semaphore_mem>>)
        %mul3A_368 = arith.constant 8 : i32
        %mul3A_369 = arith.muli %mul3A_368, %select_n3A_54 : i32
        %add3A_370 = arith.constant 3 : i32
        %add3A_371 = arith.addi %mul3A_369, %add3A_370 : i32
        %mul3A_372 = arith.constant 1000064 : i32
        %mul3A_373 = arith.muli %add3A_371, %mul3A_372 : i32
        %add3A_374 = arith.addi %mul3A_373, %multiple_of3A_314 : i32
        %multiple_of3A_375 = tpu.assume_multiple %add3A_374, 128 : i32
        %dma_start3A_376 = arith.constant 3 : i32
        %dma_start3A_377 = arith.constant 0 : i32
        %dma_start3A_378 = tpu.memref_slice %arg8[%dma_start3A_376, %dma_start3A_377] : memref<8x8064xf32, #tpu.memory_space<vmem>> -> memref<1x8064xf32, #tpu.memory_space<vmem>>
        %dma_start3A_379 = tpu.memref_squeeze %dma_start3A_378 : memref<1x8064xf32, #tpu.memory_space<vmem>> -> memref<8064xf32, #tpu.memory_space<vmem>>
        %dma_start3A_380 = tpu.memref_slice %arg6[%multiple_of3A_375] : memref<32004096xf32, #tpu.memory_space<hbm>> -> memref<8064xf32, #tpu.memory_space<hbm>>
        %dma_start3A_381 = tpu.memref_slice %arg6[%multiple_of3A_375] : memref<32004096xf32, #tpu.memory_space<hbm>> -> memref<8064xf32, #tpu.memory_space<hbm>>
        %dma_start3A_382 = arith.constant 0 : i32
        %dma_start3A_383 = tpu.memref_slice %arg8[%dma_start3A_376, %dma_start3A_382] : memref<8x8064xf32, #tpu.memory_space<vmem>> -> memref<1x8064xf32, #tpu.memory_space<vmem>>
        %dma_start3A_384 = tpu.memref_squeeze %dma_start3A_383 : memref<1x8064xf32, #tpu.memory_space<vmem>> -> memref<8064xf32, #tpu.memory_space<vmem>>
        tpu.enqueue_dma source(%dma_start3A_384 : memref<8064xf32, #tpu.memory_space<vmem>>) target(%dma_start3A_381 : memref<8064xf32, #tpu.memory_space<hbm>>) target_semaphore(%arg10 : memref<!tpu.dma_semaphore, #tpu.memory_space<semaphore_mem>>)
        %mul3A_385 = arith.constant 8 : i32
        %mul3A_386 = arith.muli %mul3A_385, %select_n3A_54 : i32
        %add3A_387 = arith.constant 4 : i32
        %add3A_388 = arith.addi %mul3A_386, %add3A_387 : i32
        %mul3A_389 = arith.constant 1000064 : i32
        %mul3A_390 = arith.muli %add3A_388, %mul3A_389 : i32
        %add3A_391 = arith.addi %mul3A_390, %multiple_of3A_314 : i32
        %multiple_of3A_392 = tpu.assume_multiple %add3A_391, 128 : i32
        %dma_start3A_393 = arith.constant 4 : i32
        %dma_start3A_394 = arith.constant 0 : i32
        %dma_start3A_395 = tpu.memref_slice %arg8[%dma_start3A_393, %dma_start3A_394] : memref<8x8064xf32, #tpu.memory_space<vmem>> -> memref<1x8064xf32, #tpu.memory_space<vmem>>
        %dma_start3A_396 = tpu.memref_squeeze %dma_start3A_395 : memref<1x8064xf32, #tpu.memory_space<vmem>> -> memref<8064xf32, #tpu.memory_space<vmem>>
        %dma_start3A_397 = tpu.memref_slice %arg6[%multiple_of3A_392] : memref<32004096xf32, #tpu.memory_space<hbm>> -> memref<8064xf32, #tpu.memory_space<hbm>>
        %dma_start3A_398 = tpu.memref_slice %arg6[%multiple_of3A_392] : memref<32004096xf32, #tpu.memory_space<hbm>> -> memref<8064xf32, #tpu.memory_space<hbm>>
        %dma_start3A_399 = arith.constant 0 : i32
        %dma_start3A_400 = tpu.memref_slice %arg8[%dma_start3A_393, %dma_start3A_399] : memref<8x8064xf32, #tpu.memory_space<vmem>> -> memref<1x8064xf32, #tpu.memory_space<vmem>>
        %dma_start3A_401 = tpu.memref_squeeze %dma_start3A_400 : memref<1x8064xf32, #tpu.memory_space<vmem>> -> memref<8064xf32, #tpu.memory_space<vmem>>
        tpu.enqueue_dma source(%dma_start3A_401 : memref<8064xf32, #tpu.memory_space<vmem>>) target(%dma_start3A_398 : memref<8064xf32, #tpu.memory_space<hbm>>) target_semaphore(%arg10 : memref<!tpu.dma_semaphore, #tpu.memory_space<semaphore_mem>>)
        %mul3A_402 = arith.constant 8 : i32
        %mul3A_403 = arith.muli %mul3A_402, %select_n3A_54 : i32
        %add3A_404 = arith.constant 5 : i32
        %add3A_405 = arith.addi %mul3A_403, %add3A_404 : i32
        %mul3A_406 = arith.constant 1000064 : i32
        %mul3A_407 = arith.muli %add3A_405, %mul3A_406 : i32
        %add3A_408 = arith.addi %mul3A_407, %multiple_of3A_314 : i32
        %multiple_of3A_409 = tpu.assume_multiple %add3A_408, 128 : i32
        %dma_start3A_410 = arith.constant 5 : i32
        %dma_start3A_411 = arith.constant 0 : i32
        %dma_start3A_412 = tpu.memref_slice %arg8[%dma_start3A_410, %dma_start3A_411] : memref<8x8064xf32, #tpu.memory_space<vmem>> -> memref<1x8064xf32, #tpu.memory_space<vmem>>
        %dma_start3A_413 = tpu.memref_squeeze %dma_start3A_412 : memref<1x8064xf32, #tpu.memory_space<vmem>> -> memref<8064xf32, #tpu.memory_space<vmem>>
        %dma_start3A_414 = tpu.memref_slice %arg6[%multiple_of3A_409] : memref<32004096xf32, #tpu.memory_space<hbm>> -> memref<8064xf32, #tpu.memory_space<hbm>>
        %dma_start3A_415 = tpu.memref_slice %arg6[%multiple_of3A_409] : memref<32004096xf32, #tpu.memory_space<hbm>> -> memref<8064xf32, #tpu.memory_space<hbm>>
        %dma_start3A_416 = arith.constant 0 : i32
        %dma_start3A_417 = tpu.memref_slice %arg8[%dma_start3A_410, %dma_start3A_416] : memref<8x8064xf32, #tpu.memory_space<vmem>> -> memref<1x8064xf32, #tpu.memory_space<vmem>>
        %dma_start3A_418 = tpu.memref_squeeze %dma_start3A_417 : memref<1x8064xf32, #tpu.memory_space<vmem>> -> memref<8064xf32, #tpu.memory_space<vmem>>
        tpu.enqueue_dma source(%dma_start3A_418 : memref<8064xf32, #tpu.memory_space<vmem>>) target(%dma_start3A_415 : memref<8064xf32, #tpu.memory_space<hbm>>) target_semaphore(%arg10 : memref<!tpu.dma_semaphore, #tpu.memory_space<semaphore_mem>>)
        %mul3A_419 = arith.constant 8 : i32
        %mul3A_420 = arith.muli %mul3A_419, %select_n3A_54 : i32
        %add3A_421 = arith.constant 6 : i32
        %add3A_422 = arith.addi %mul3A_420, %add3A_421 : i32
        %mul3A_423 = arith.constant 1000064 : i32
        %mul3A_424 = arith.muli %add3A_422, %mul3A_423 : i32
        %add3A_425 = arith.addi %mul3A_424, %multiple_of3A_314 : i32
        %multiple_of3A_426 = tpu.assume_multiple %add3A_425, 128 : i32
        %dma_start3A_427 = arith.constant 6 : i32
        %dma_start3A_428 = arith.constant 0 : i32
        %dma_start3A_429 = tpu.memref_slice %arg8[%dma_start3A_427, %dma_start3A_428] : memref<8x8064xf32, #tpu.memory_space<vmem>> -> memref<1x8064xf32, #tpu.memory_space<vmem>>
        %dma_start3A_430 = tpu.memref_squeeze %dma_start3A_429 : memref<1x8064xf32, #tpu.memory_space<vmem>> -> memref<8064xf32, #tpu.memory_space<vmem>>
        %dma_start3A_431 = tpu.memref_slice %arg6[%multiple_of3A_426] : memref<32004096xf32, #tpu.memory_space<hbm>> -> memref<8064xf32, #tpu.memory_space<hbm>>
        %dma_start3A_432 = tpu.memref_slice %arg6[%multiple_of3A_426] : memref<32004096xf32, #tpu.memory_space<hbm>> -> memref<8064xf32, #tpu.memory_space<hbm>>
        %dma_start3A_433 = arith.constant 0 : i32
        %dma_start3A_434 = tpu.memref_slice %arg8[%dma_start3A_427, %dma_start3A_433] : memref<8x8064xf32, #tpu.memory_space<vmem>> -> memref<1x8064xf32, #tpu.memory_space<vmem>>
        %dma_start3A_435 = tpu.memref_squeeze %dma_start3A_434 : memref<1x8064xf32, #tpu.memory_space<vmem>> -> memref<8064xf32, #tpu.memory_space<vmem>>
        tpu.enqueue_dma source(%dma_start3A_435 : memref<8064xf32, #tpu.memory_space<vmem>>) target(%dma_start3A_432 : memref<8064xf32, #tpu.memory_space<hbm>>) target_semaphore(%arg10 : memref<!tpu.dma_semaphore, #tpu.memory_space<semaphore_mem>>)
        %mul3A_436 = arith.constant 8 : i32
        %mul3A_437 = arith.muli %mul3A_436, %select_n3A_54 : i32
        %add3A_438 = arith.constant 7 : i32
        %add3A_439 = arith.addi %mul3A_437, %add3A_438 : i32
        %mul3A_440 = arith.constant 1000064 : i32
        %mul3A_441 = arith.muli %add3A_439, %mul3A_440 : i32
        %add3A_442 = arith.addi %mul3A_441, %multiple_of3A_314 : i32
        %multiple_of3A_443 = tpu.assume_multiple %add3A_442, 128 : i32
        %dma_start3A_444 = arith.constant 7 : i32
        %dma_start3A_445 = arith.constant 0 : i32
        %dma_start3A_446 = tpu.memref_slice %arg8[%dma_start3A_444, %dma_start3A_445] : memref<8x8064xf32, #tpu.memory_space<vmem>> -> memref<1x8064xf32, #tpu.memory_space<vmem>>
        %dma_start3A_447 = tpu.memref_squeeze %dma_start3A_446 : memref<1x8064xf32, #tpu.memory_space<vmem>> -> memref<8064xf32, #tpu.memory_space<vmem>>
        %dma_start3A_448 = tpu.memref_slice %arg6[%multiple_of3A_443] : memref<32004096xf32, #tpu.memory_space<hbm>> -> memref<8064xf32, #tpu.memory_space<hbm>>
        %dma_start3A_449 = tpu.memref_slice %arg6[%multiple_of3A_443] : memref<32004096xf32, #tpu.memory_space<hbm>> -> memref<8064xf32, #tpu.memory_space<hbm>>
        %dma_start3A_450 = arith.constant 0 : i32
        %dma_start3A_451 = tpu.memref_slice %arg8[%dma_start3A_444, %dma_start3A_450] : memref<8x8064xf32, #tpu.memory_space<vmem>> -> memref<1x8064xf32, #tpu.memory_space<vmem>>
        %dma_start3A_452 = tpu.memref_squeeze %dma_start3A_451 : memref<1x8064xf32, #tpu.memory_space<vmem>> -> memref<8064xf32, #tpu.memory_space<vmem>>
        tpu.enqueue_dma source(%dma_start3A_452 : memref<8064xf32, #tpu.memory_space<vmem>>) target(%dma_start3A_449 : memref<8064xf32, #tpu.memory_space<hbm>>) target_semaphore(%arg10 : memref<!tpu.dma_semaphore, #tpu.memory_space<semaphore_mem>>)
        %mul3A_453 = arith.constant 2 : i32
        %mul3A_454 = arith.muli %mul3A_453, %scan3A_306 : i32
        %add3A_455 = arith.constant 1 : i32
        %add3A_456 = arith.addi %mul3A_454, %add3A_455 : i32
        %mul3A_457 = arith.constant 249984 : i32
        %mul3A_458 = arith.muli %select_n3A_70, %mul3A_457 : i32
        %mul3A_459 = arith.constant 8064 : i32
        %mul3A_460 = arith.muli %add3A_456, %mul3A_459 : i32
        %add3A_461 = arith.addi %mul3A_458, %mul3A_460 : i32
        %multiple_of3A_462 = tpu.assume_multiple %add3A_461, 128 : i32
        %mul3A_463 = arith.constant 8 : i32
        %mul3A_464 = arith.muli %mul3A_463, %select_n3A_54 : i32
        "tpu.region"() ({
          %run_scoped3A = tpu.sem_alloc : memref<!tpu.dma_semaphore, #tpu.memory_space<semaphore_mem>>
          %dma_start3A_745 = tpu.memref_slice %arg2[%mul3A_464, %multiple_of3A_462] : memref<32x1000000xf32, #tpu.memory_space<hbm>> -> memref<8x8064xf32, #tpu.memory_space<hbm>>
          %dma_start3A_746 = tpu.memref_slice %arg2[%mul3A_464, %multiple_of3A_462] : memref<32x1000000xf32, #tpu.memory_space<hbm>> -> memref<8x8064xf32, #tpu.memory_space<hbm>>
          tpu.enqueue_dma source(%dma_start3A_746 : memref<8x8064xf32, #tpu.memory_space<hbm>>) target(%arg9 : memref<8x8064xf32, #tpu.memory_space<vmem>>) target_semaphore(%run_scoped3A : memref<!tpu.dma_semaphore, #tpu.memory_space<semaphore_mem>>)
          %dma_wait3A_747 = tpu.memref_slice %arg2[%mul3A_464, %multiple_of3A_462] : memref<32x1000000xf32, #tpu.memory_space<hbm>> -> memref<8x8064xf32, #tpu.memory_space<hbm>>
          %dma_wait3A_748 = tpu.memref_slice %arg2[%mul3A_464, %multiple_of3A_462] : memref<32x1000000xf32, #tpu.memory_space<hbm>> -> memref<8x8064xf32, #tpu.memory_space<hbm>>
          tpu.wait_dma2 semaphore(%run_scoped3A : memref<!tpu.dma_semaphore, #tpu.memory_space<semaphore_mem>>) src(%dma_wait3A_748 : memref<8x8064xf32, #tpu.memory_space<hbm>>) dst(%arg9 : memref<8x8064xf32, #tpu.memory_space<vmem>>)
          tpu.yield
        }) : () -> ()
        %mul3A_465 = arith.constant 8 : i32
        %mul3A_466 = arith.muli %mul3A_465, %select_n3A_54 : i32
        %add3A_467 = arith.constant 0 : i32
        %add3A_468 = arith.addi %mul3A_466, %add3A_467 : i32
        %mul3A_469 = arith.constant 1000064 : i32
        %mul3A_470 = arith.muli %add3A_468, %mul3A_469 : i32
        %add3A_471 = arith.addi %mul3A_470, %multiple_of3A_462 : i32
        %multiple_of3A_472 = tpu.assume_multiple %add3A_471, 128 : i32
        %dma_start3A_473 = arith.constant 0 : i32
        %dma_start3A_474 = arith.constant 0 : i32
        %dma_start3A_475 = tpu.memref_slice %arg9[%dma_start3A_473, %dma_start3A_474] : memref<8x8064xf32, #tpu.memory_space<vmem>> -> memref<1x8064xf32, #tpu.memory_space<vmem>>
        %dma_start3A_476 = tpu.memref_squeeze %dma_start3A_475 : memref<1x8064xf32, #tpu.memory_space<vmem>> -> memref<8064xf32, #tpu.memory_space<vmem>>
        %dma_start3A_477 = tpu.memref_slice %arg6[%multiple_of3A_472] : memref<32004096xf32, #tpu.memory_space<hbm>> -> memref<8064xf32, #tpu.memory_space<hbm>>
        %dma_start3A_478 = tpu.memref_slice %arg6[%multiple_of3A_472] : memref<32004096xf32, #tpu.memory_space<hbm>> -> memref<8064xf32, #tpu.memory_space<hbm>>
        %dma_start3A_479 = arith.constant 0 : i32
        %dma_start3A_480 = tpu.memref_slice %arg9[%dma_start3A_473, %dma_start3A_479] : memref<8x8064xf32, #tpu.memory_space<vmem>> -> memref<1x8064xf32, #tpu.memory_space<vmem>>
        %dma_start3A_481 = tpu.memref_squeeze %dma_start3A_480 : memref<1x8064xf32, #tpu.memory_space<vmem>> -> memref<8064xf32, #tpu.memory_space<vmem>>
        tpu.enqueue_dma source(%dma_start3A_481 : memref<8064xf32, #tpu.memory_space<vmem>>) target(%dma_start3A_478 : memref<8064xf32, #tpu.memory_space<hbm>>) target_semaphore(%arg10 : memref<!tpu.dma_semaphore, #tpu.memory_space<semaphore_mem>>)
        %mul3A_482 = arith.constant 8 : i32
        %mul3A_483 = arith.muli %mul3A_482, %select_n3A_54 : i32
        %add3A_484 = arith.constant 1 : i32
        %add3A_485 = arith.addi %mul3A_483, %add3A_484 : i32
        %mul3A_486 = arith.constant 1000064 : i32
        %mul3A_487 = arith.muli %add3A_485, %mul3A_486 : i32
        %add3A_488 = arith.addi %mul3A_487, %multiple_of3A_462 : i32
        %multiple_of3A_489 = tpu.assume_multiple %add3A_488, 128 : i32
        %dma_start3A_490 = arith.constant 1 : i32
        %dma_start3A_491 = arith.constant 0 : i32
        %dma_start3A_492 = tpu.memref_slice %arg9[%dma_start3A_490, %dma_start3A_491] : memref<8x8064xf32, #tpu.memory_space<vmem>> -> memref<1x8064xf32, #tpu.memory_space<vmem>>
        %dma_start3A_493 = tpu.memref_squeeze %dma_start3A_492 : memref<1x8064xf32, #tpu.memory_space<vmem>> -> memref<8064xf32, #tpu.memory_space<vmem>>
        %dma_start3A_494 = tpu.memref_slice %arg6[%multiple_of3A_489] : memref<32004096xf32, #tpu.memory_space<hbm>> -> memref<8064xf32, #tpu.memory_space<hbm>>
        %dma_start3A_495 = tpu.memref_slice %arg6[%multiple_of3A_489] : memref<32004096xf32, #tpu.memory_space<hbm>> -> memref<8064xf32, #tpu.memory_space<hbm>>
        %dma_start3A_496 = arith.constant 0 : i32
        %dma_start3A_497 = tpu.memref_slice %arg9[%dma_start3A_490, %dma_start3A_496] : memref<8x8064xf32, #tpu.memory_space<vmem>> -> memref<1x8064xf32, #tpu.memory_space<vmem>>
        %dma_start3A_498 = tpu.memref_squeeze %dma_start3A_497 : memref<1x8064xf32, #tpu.memory_space<vmem>> -> memref<8064xf32, #tpu.memory_space<vmem>>
        tpu.enqueue_dma source(%dma_start3A_498 : memref<8064xf32, #tpu.memory_space<vmem>>) target(%dma_start3A_495 : memref<8064xf32, #tpu.memory_space<hbm>>) target_semaphore(%arg10 : memref<!tpu.dma_semaphore, #tpu.memory_space<semaphore_mem>>)
        %mul3A_499 = arith.constant 8 : i32
        %mul3A_500 = arith.muli %mul3A_499, %select_n3A_54 : i32
        %add3A_501 = arith.constant 2 : i32
        %add3A_502 = arith.addi %mul3A_500, %add3A_501 : i32
        %mul3A_503 = arith.constant 1000064 : i32
        %mul3A_504 = arith.muli %add3A_502, %mul3A_503 : i32
        %add3A_505 = arith.addi %mul3A_504, %multiple_of3A_462 : i32
        %multiple_of3A_506 = tpu.assume_multiple %add3A_505, 128 : i32
        %dma_start3A_507 = arith.constant 2 : i32
        %dma_start3A_508 = arith.constant 0 : i32
        %dma_start3A_509 = tpu.memref_slice %arg9[%dma_start3A_507, %dma_start3A_508] : memref<8x8064xf32, #tpu.memory_space<vmem>> -> memref<1x8064xf32, #tpu.memory_space<vmem>>
        %dma_start3A_510 = tpu.memref_squeeze %dma_start3A_509 : memref<1x8064xf32, #tpu.memory_space<vmem>> -> memref<8064xf32, #tpu.memory_space<vmem>>
        %dma_start3A_511 = tpu.memref_slice %arg6[%multiple_of3A_506] : memref<32004096xf32, #tpu.memory_space<hbm>> -> memref<8064xf32, #tpu.memory_space<hbm>>
        %dma_start3A_512 = tpu.memref_slice %arg6[%multiple_of3A_506] : memref<32004096xf32, #tpu.memory_space<hbm>> -> memref<8064xf32, #tpu.memory_space<hbm>>
        %dma_start3A_513 = arith.constant 0 : i32
        %dma_start3A_514 = tpu.memref_slice %arg9[%dma_start3A_507, %dma_start3A_513] : memref<8x8064xf32, #tpu.memory_space<vmem>> -> memref<1x8064xf32, #tpu.memory_space<vmem>>
        %dma_start3A_515 = tpu.memref_squeeze %dma_start3A_514 : memref<1x8064xf32, #tpu.memory_space<vmem>> -> memref<8064xf32, #tpu.memory_space<vmem>>
        tpu.enqueue_dma source(%dma_start3A_515 : memref<8064xf32, #tpu.memory_space<vmem>>) target(%dma_start3A_512 : memref<8064xf32, #tpu.memory_space<hbm>>) target_semaphore(%arg10 : memref<!tpu.dma_semaphore, #tpu.memory_space<semaphore_mem>>)
        %mul3A_516 = arith.constant 8 : i32
        %mul3A_517 = arith.muli %mul3A_516, %select_n3A_54 : i32
        %add3A_518 = arith.constant 3 : i32
        %add3A_519 = arith.addi %mul3A_517, %add3A_518 : i32
        %mul3A_520 = arith.constant 1000064 : i32
        %mul3A_521 = arith.muli %add3A_519, %mul3A_520 : i32
        %add3A_522 = arith.addi %mul3A_521, %multiple_of3A_462 : i32
        %multiple_of3A_523 = tpu.assume_multiple %add3A_522, 128 : i32
        %dma_start3A_524 = arith.constant 3 : i32
        %dma_start3A_525 = arith.constant 0 : i32
        %dma_start3A_526 = tpu.memref_slice %arg9[%dma_start3A_524, %dma_start3A_525] : memref<8x8064xf32, #tpu.memory_space<vmem>> -> memref<1x8064xf32, #tpu.memory_space<vmem>>
        %dma_start3A_527 = tpu.memref_squeeze %dma_start3A_526 : memref<1x8064xf32, #tpu.memory_space<vmem>> -> memref<8064xf32, #tpu.memory_space<vmem>>
        %dma_start3A_528 = tpu.memref_slice %arg6[%multiple_of3A_523] : memref<32004096xf32, #tpu.memory_space<hbm>> -> memref<8064xf32, #tpu.memory_space<hbm>>
        %dma_start3A_529 = tpu.memref_slice %arg6[%multiple_of3A_523] : memref<32004096xf32, #tpu.memory_space<hbm>> -> memref<8064xf32, #tpu.memory_space<hbm>>
        %dma_start3A_530 = arith.constant 0 : i32
        %dma_start3A_531 = tpu.memref_slice %arg9[%dma_start3A_524, %dma_start3A_530] : memref<8x8064xf32, #tpu.memory_space<vmem>> -> memref<1x8064xf32, #tpu.memory_space<vmem>>
        %dma_start3A_532 = tpu.memref_squeeze %dma_start3A_531 : memref<1x8064xf32, #tpu.memory_space<vmem>> -> memref<8064xf32, #tpu.memory_space<vmem>>
        tpu.enqueue_dma source(%dma_start3A_532 : memref<8064xf32, #tpu.memory_space<vmem>>) target(%dma_start3A_529 : memref<8064xf32, #tpu.memory_space<hbm>>) target_semaphore(%arg10 : memref<!tpu.dma_semaphore, #tpu.memory_space<semaphore_mem>>)
        %mul3A_533 = arith.constant 8 : i32
        %mul3A_534 = arith.muli %mul3A_533, %select_n3A_54 : i32
        %add3A_535 = arith.constant 4 : i32
        %add3A_536 = arith.addi %mul3A_534, %add3A_535 : i32
        %mul3A_537 = arith.constant 1000064 : i32
        %mul3A_538 = arith.muli %add3A_536, %mul3A_537 : i32
        %add3A_539 = arith.addi %mul3A_538, %multiple_of3A_462 : i32
        %multiple_of3A_540 = tpu.assume_multiple %add3A_539, 128 : i32
        %dma_start3A_541 = arith.constant 4 : i32
        %dma_start3A_542 = arith.constant 0 : i32
        %dma_start3A_543 = tpu.memref_slice %arg9[%dma_start3A_541, %dma_start3A_542] : memref<8x8064xf32, #tpu.memory_space<vmem>> -> memref<1x8064xf32, #tpu.memory_space<vmem>>
        %dma_start3A_544 = tpu.memref_squeeze %dma_start3A_543 : memref<1x8064xf32, #tpu.memory_space<vmem>> -> memref<8064xf32, #tpu.memory_space<vmem>>
        %dma_start3A_545 = tpu.memref_slice %arg6[%multiple_of3A_540] : memref<32004096xf32, #tpu.memory_space<hbm>> -> memref<8064xf32, #tpu.memory_space<hbm>>
        %dma_start3A_546 = tpu.memref_slice %arg6[%multiple_of3A_540] : memref<32004096xf32, #tpu.memory_space<hbm>> -> memref<8064xf32, #tpu.memory_space<hbm>>
        %dma_start3A_547 = arith.constant 0 : i32
        %dma_start3A_548 = tpu.memref_slice %arg9[%dma_start3A_541, %dma_start3A_547] : memref<8x8064xf32, #tpu.memory_space<vmem>> -> memref<1x8064xf32, #tpu.memory_space<vmem>>
        %dma_start3A_549 = tpu.memref_squeeze %dma_start3A_548 : memref<1x8064xf32, #tpu.memory_space<vmem>> -> memref<8064xf32, #tpu.memory_space<vmem>>
        tpu.enqueue_dma source(%dma_start3A_549 : memref<8064xf32, #tpu.memory_space<vmem>>) target(%dma_start3A_546 : memref<8064xf32, #tpu.memory_space<hbm>>) target_semaphore(%arg10 : memref<!tpu.dma_semaphore, #tpu.memory_space<semaphore_mem>>)
        %mul3A_550 = arith.constant 8 : i32
        %mul3A_551 = arith.muli %mul3A_550, %select_n3A_54 : i32
        %add3A_552 = arith.constant 5 : i32
        %add3A_553 = arith.addi %mul3A_551, %add3A_552 : i32
        %mul3A_554 = arith.constant 1000064 : i32
        %mul3A_555 = arith.muli %add3A_553, %mul3A_554 : i32
        %add3A_556 = arith.addi %mul3A_555, %multiple_of3A_462 : i32
        %multiple_of3A_557 = tpu.assume_multiple %add3A_556, 128 : i32
        %dma_start3A_558 = arith.constant 5 : i32
        %dma_start3A_559 = arith.constant 0 : i32
        %dma_start3A_560 = tpu.memref_slice %arg9[%dma_start3A_558, %dma_start3A_559] : memref<8x8064xf32, #tpu.memory_space<vmem>> -> memref<1x8064xf32, #tpu.memory_space<vmem>>
        %dma_start3A_561 = tpu.memref_squeeze %dma_start3A_560 : memref<1x8064xf32, #tpu.memory_space<vmem>> -> memref<8064xf32, #tpu.memory_space<vmem>>
        %dma_start3A_562 = tpu.memref_slice %arg6[%multiple_of3A_557] : memref<32004096xf32, #tpu.memory_space<hbm>> -> memref<8064xf32, #tpu.memory_space<hbm>>
        %dma_start3A_563 = tpu.memref_slice %arg6[%multiple_of3A_557] : memref<32004096xf32, #tpu.memory_space<hbm>> -> memref<8064xf32, #tpu.memory_space<hbm>>
        %dma_start3A_564 = arith.constant 0 : i32
        %dma_start3A_565 = tpu.memref_slice %arg9[%dma_start3A_558, %dma_start3A_564] : memref<8x8064xf32, #tpu.memory_space<vmem>> -> memref<1x8064xf32, #tpu.memory_space<vmem>>
        %dma_start3A_566 = tpu.memref_squeeze %dma_start3A_565 : memref<1x8064xf32, #tpu.memory_space<vmem>> -> memref<8064xf32, #tpu.memory_space<vmem>>
        tpu.enqueue_dma source(%dma_start3A_566 : memref<8064xf32, #tpu.memory_space<vmem>>) target(%dma_start3A_563 : memref<8064xf32, #tpu.memory_space<hbm>>) target_semaphore(%arg10 : memref<!tpu.dma_semaphore, #tpu.memory_space<semaphore_mem>>)
        %mul3A_567 = arith.constant 8 : i32
        %mul3A_568 = arith.muli %mul3A_567, %select_n3A_54 : i32
        %add3A_569 = arith.constant 6 : i32
        %add3A_570 = arith.addi %mul3A_568, %add3A_569 : i32
        %mul3A_571 = arith.constant 1000064 : i32
        %mul3A_572 = arith.muli %add3A_570, %mul3A_571 : i32
        %add3A_573 = arith.addi %mul3A_572, %multiple_of3A_462 : i32
        %multiple_of3A_574 = tpu.assume_multiple %add3A_573, 128 : i32
        %dma_start3A_575 = arith.constant 6 : i32
        %dma_start3A_576 = arith.constant 0 : i32
        %dma_start3A_577 = tpu.memref_slice %arg9[%dma_start3A_575, %dma_start3A_576] : memref<8x8064xf32, #tpu.memory_space<vmem>> -> memref<1x8064xf32, #tpu.memory_space<vmem>>
        %dma_start3A_578 = tpu.memref_squeeze %dma_start3A_577 : memref<1x8064xf32, #tpu.memory_space<vmem>> -> memref<8064xf32, #tpu.memory_space<vmem>>
        %dma_start3A_579 = tpu.memref_slice %arg6[%multiple_of3A_574] : memref<32004096xf32, #tpu.memory_space<hbm>> -> memref<8064xf32, #tpu.memory_space<hbm>>
        %dma_start3A_580 = tpu.memref_slice %arg6[%multiple_of3A_574] : memref<32004096xf32, #tpu.memory_space<hbm>> -> memref<8064xf32, #tpu.memory_space<hbm>>
        %dma_start3A_581 = arith.constant 0 : i32
        %dma_start3A_582 = tpu.memref_slice %arg9[%dma_start3A_575, %dma_start3A_581] : memref<8x8064xf32, #tpu.memory_space<vmem>> -> memref<1x8064xf32, #tpu.memory_space<vmem>>
        %dma_start3A_583 = tpu.memref_squeeze %dma_start3A_582 : memref<1x8064xf32, #tpu.memory_space<vmem>> -> memref<8064xf32, #tpu.memory_space<vmem>>
        tpu.enqueue_dma source(%dma_start3A_583 : memref<8064xf32, #tpu.memory_space<vmem>>) target(%dma_start3A_580 : memref<8064xf32, #tpu.memory_space<hbm>>) target_semaphore(%arg10 : memref<!tpu.dma_semaphore, #tpu.memory_space<semaphore_mem>>)
        %mul3A_584 = arith.constant 8 : i32
        %mul3A_585 = arith.muli %mul3A_584, %select_n3A_54 : i32
        %add3A_586 = arith.constant 7 : i32
        %add3A_587 = arith.addi %mul3A_585, %add3A_586 : i32
        %mul3A_588 = arith.constant 1000064 : i32
        %mul3A_589 = arith.muli %add3A_587, %mul3A_588 : i32
        %add3A_590 = arith.addi %mul3A_589, %multiple_of3A_462 : i32
        %multiple_of3A_591 = tpu.assume_multiple %add3A_590, 128 : i32
        %dma_start3A_592 = arith.constant 7 : i32
        %dma_start3A_593 = arith.constant 0 : i32
        %dma_start3A_594 = tpu.memref_slice %arg9[%dma_start3A_592, %dma_start3A_593] : memref<8x8064xf32, #tpu.memory_space<vmem>> -> memref<1x8064xf32, #tpu.memory_space<vmem>>
        %dma_start3A_595 = tpu.memref_squeeze %dma_start3A_594 : memref<1x8064xf32, #tpu.memory_space<vmem>> -> memref<8064xf32, #tpu.memory_space<vmem>>
        %dma_start3A_596 = tpu.memref_slice %arg6[%multiple_of3A_591] : memref<32004096xf32, #tpu.memory_space<hbm>> -> memref<8064xf32, #tpu.memory_space<hbm>>
        %dma_start3A_597 = tpu.memref_slice %arg6[%multiple_of3A_591] : memref<32004096xf32, #tpu.memory_space<hbm>> -> memref<8064xf32, #tpu.memory_space<hbm>>
        %dma_start3A_598 = arith.constant 0 : i32
        %dma_start3A_599 = tpu.memref_slice %arg9[%dma_start3A_592, %dma_start3A_598] : memref<8x8064xf32, #tpu.memory_space<vmem>> -> memref<1x8064xf32, #tpu.memory_space<vmem>>
        %dma_start3A_600 = tpu.memref_squeeze %dma_start3A_599 : memref<1x8064xf32, #tpu.memory_space<vmem>> -> memref<8064xf32, #tpu.memory_space<vmem>>
        tpu.enqueue_dma source(%dma_start3A_600 : memref<8064xf32, #tpu.memory_space<vmem>>) target(%dma_start3A_597 : memref<8064xf32, #tpu.memory_space<hbm>>) target_semaphore(%arg10 : memref<!tpu.dma_semaphore, #tpu.memory_space<semaphore_mem>>)
        %dma_wait3A_601 = arith.constant 0 : i32
        %dma_wait3A_602 = arith.constant 0 : i32
        %dma_wait3A_603 = tpu.memref_slice %arg8[%dma_wait3A_601, %dma_wait3A_602] : memref<8x8064xf32, #tpu.memory_space<vmem>> -> memref<1x8064xf32, #tpu.memory_space<vmem>>
        %dma_wait3A_604 = tpu.memref_squeeze %dma_wait3A_603 : memref<1x8064xf32, #tpu.memory_space<vmem>> -> memref<8064xf32, #tpu.memory_space<vmem>>
        %dma_wait3A_605 = tpu.memref_slice %arg6[%multiple_of3A_324] : memref<32004096xf32, #tpu.memory_space<hbm>> -> memref<8064xf32, #tpu.memory_space<hbm>>
        %dma_wait3A_606 = tpu.memref_slice %arg6[%multiple_of3A_324] : memref<32004096xf32, #tpu.memory_space<hbm>> -> memref<8064xf32, #tpu.memory_space<hbm>>
        %dma_wait3A_607 = arith.constant 0 : i32
        %dma_wait3A_608 = tpu.memref_slice %arg8[%dma_wait3A_601, %dma_wait3A_607] : memref<8x8064xf32, #tpu.memory_space<vmem>> -> memref<1x8064xf32, #tpu.memory_space<vmem>>
        %dma_wait3A_609 = tpu.memref_squeeze %dma_wait3A_608 : memref<1x8064xf32, #tpu.memory_space<vmem>> -> memref<8064xf32, #tpu.memory_space<vmem>>
        tpu.wait_dma2 semaphore(%arg10 : memref<!tpu.dma_semaphore, #tpu.memory_space<semaphore_mem>>) src(%dma_wait3A_609 : memref<8064xf32, #tpu.memory_space<vmem>>) dst(%dma_wait3A_606 : memref<8064xf32, #tpu.memory_space<hbm>>)
        %dma_wait3A_610 = arith.constant 1 : i32
        %dma_wait3A_611 = arith.constant 0 : i32
        %dma_wait3A_612 = tpu.memref_slice %arg8[%dma_wait3A_610, %dma_wait3A_611] : memref<8x8064xf32, #tpu.memory_space<vmem>> -> memref<1x8064xf32, #tpu.memory_space<vmem>>
        %dma_wait3A_613 = tpu.memref_squeeze %dma_wait3A_612 : memref<1x8064xf32, #tpu.memory_space<vmem>> -> memref<8064xf32, #tpu.memory_space<vmem>>
        %dma_wait3A_614 = tpu.memref_slice %arg6[%multiple_of3A_341] : memref<32004096xf32, #tpu.memory_space<hbm>> -> memref<8064xf32, #tpu.memory_space<hbm>>
        %dma_wait3A_615 = tpu.memref_slice %arg6[%multiple_of3A_341] : memref<32004096xf32, #tpu.memory_space<hbm>> -> memref<8064xf32, #tpu.memory_space<hbm>>
        %dma_wait3A_616 = arith.constant 0 : i32
        %dma_wait3A_617 = tpu.memref_slice %arg8[%dma_wait3A_610, %dma_wait3A_616] : memref<8x8064xf32, #tpu.memory_space<vmem>> -> memref<1x8064xf32, #tpu.memory_space<vmem>>
        %dma_wait3A_618 = tpu.memref_squeeze %dma_wait3A_617 : memref<1x8064xf32, #tpu.memory_space<vmem>> -> memref<8064xf32, #tpu.memory_space<vmem>>
        tpu.wait_dma2 semaphore(%arg10 : memref<!tpu.dma_semaphore, #tpu.memory_space<semaphore_mem>>) src(%dma_wait3A_618 : memref<8064xf32, #tpu.memory_space<vmem>>) dst(%dma_wait3A_615 : memref<8064xf32, #tpu.memory_space<hbm>>)
        %dma_wait3A_619 = arith.constant 2 : i32
        %dma_wait3A_620 = arith.constant 0 : i32
        %dma_wait3A_621 = tpu.memref_slice %arg8[%dma_wait3A_619, %dma_wait3A_620] : memref<8x8064xf32, #tpu.memory_space<vmem>> -> memref<1x8064xf32, #tpu.memory_space<vmem>>
        %dma_wait3A_622 = tpu.memref_squeeze %dma_wait3A_621 : memref<1x8064xf32, #tpu.memory_space<vmem>> -> memref<8064xf32, #tpu.memory_space<vmem>>
        %dma_wait3A_623 = tpu.memref_slice %arg6[%multiple_of3A_358] : memref<32004096xf32, #tpu.memory_space<hbm>> -> memref<8064xf32, #tpu.memory_space<hbm>>
        %dma_wait3A_624 = tpu.memref_slice %arg6[%multiple_of3A_358] : memref<32004096xf32, #tpu.memory_space<hbm>> -> memref<8064xf32, #tpu.memory_space<hbm>>
        %dma_wait3A_625 = arith.constant 0 : i32
        %dma_wait3A_626 = tpu.memref_slice %arg8[%dma_wait3A_619, %dma_wait3A_625] : memref<8x8064xf32, #tpu.memory_space<vmem>> -> memref<1x8064xf32, #tpu.memory_space<vmem>>
        %dma_wait3A_627 = tpu.memref_squeeze %dma_wait3A_626 : memref<1x8064xf32, #tpu.memory_space<vmem>> -> memref<8064xf32, #tpu.memory_space<vmem>>
        tpu.wait_dma2 semaphore(%arg10 : memref<!tpu.dma_semaphore, #tpu.memory_space<semaphore_mem>>) src(%dma_wait3A_627 : memref<8064xf32, #tpu.memory_space<vmem>>) dst(%dma_wait3A_624 : memref<8064xf32, #tpu.memory_space<hbm>>)
        %dma_wait3A_628 = arith.constant 3 : i32
        %dma_wait3A_629 = arith.constant 0 : i32
        %dma_wait3A_630 = tpu.memref_slice %arg8[%dma_wait3A_628, %dma_wait3A_629] : memref<8x8064xf32, #tpu.memory_space<vmem>> -> memref<1x8064xf32, #tpu.memory_space<vmem>>
        %dma_wait3A_631 = tpu.memref_squeeze %dma_wait3A_630 : memref<1x8064xf32, #tpu.memory_space<vmem>> -> memref<8064xf32, #tpu.memory_space<vmem>>
        %dma_wait3A_632 = tpu.memref_slice %arg6[%multiple_of3A_375] : memref<32004096xf32, #tpu.memory_space<hbm>> -> memref<8064xf32, #tpu.memory_space<hbm>>
        %dma_wait3A_633 = tpu.memref_slice %arg6[%multiple_of3A_375] : memref<32004096xf32, #tpu.memory_space<hbm>> -> memref<8064xf32, #tpu.memory_space<hbm>>
        %dma_wait3A_634 = arith.constant 0 : i32
        %dma_wait3A_635 = tpu.memref_slice %arg8[%dma_wait3A_628, %dma_wait3A_634] : memref<8x8064xf32, #tpu.memory_space<vmem>> -> memref<1x8064xf32, #tpu.memory_space<vmem>>
        %dma_wait3A_636 = tpu.memref_squeeze %dma_wait3A_635 : memref<1x8064xf32, #tpu.memory_space<vmem>> -> memref<8064xf32, #tpu.memory_space<vmem>>
        tpu.wait_dma2 semaphore(%arg10 : memref<!tpu.dma_semaphore, #tpu.memory_space<semaphore_mem>>) src(%dma_wait3A_636 : memref<8064xf32, #tpu.memory_space<vmem>>) dst(%dma_wait3A_633 : memref<8064xf32, #tpu.memory_space<hbm>>)
        %dma_wait3A_637 = arith.constant 4 : i32
        %dma_wait3A_638 = arith.constant 0 : i32
        %dma_wait3A_639 = tpu.memref_slice %arg8[%dma_wait3A_637, %dma_wait3A_638] : memref<8x8064xf32, #tpu.memory_space<vmem>> -> memref<1x8064xf32, #tpu.memory_space<vmem>>
        %dma_wait3A_640 = tpu.memref_squeeze %dma_wait3A_639 : memref<1x8064xf32, #tpu.memory_space<vmem>> -> memref<8064xf32, #tpu.memory_space<vmem>>
        %dma_wait3A_641 = tpu.memref_slice %arg6[%multiple_of3A_392] : memref<32004096xf32, #tpu.memory_space<hbm>> -> memref<8064xf32, #tpu.memory_space<hbm>>
        %dma_wait3A_642 = tpu.memref_slice %arg6[%multiple_of3A_392] : memref<32004096xf32, #tpu.memory_space<hbm>> -> memref<8064xf32, #tpu.memory_space<hbm>>
        %dma_wait3A_643 = arith.constant 0 : i32
        %dma_wait3A_644 = tpu.memref_slice %arg8[%dma_wait3A_637, %dma_wait3A_643] : memref<8x8064xf32, #tpu.memory_space<vmem>> -> memref<1x8064xf32, #tpu.memory_space<vmem>>
        %dma_wait3A_645 = tpu.memref_squeeze %dma_wait3A_644 : memref<1x8064xf32, #tpu.memory_space<vmem>> -> memref<8064xf32, #tpu.memory_space<vmem>>
        tpu.wait_dma2 semaphore(%arg10 : memref<!tpu.dma_semaphore, #tpu.memory_space<semaphore_mem>>) src(%dma_wait3A_645 : memref<8064xf32, #tpu.memory_space<vmem>>) dst(%dma_wait3A_642 : memref<8064xf32, #tpu.memory_space<hbm>>)
        %dma_wait3A_646 = arith.constant 5 : i32
        %dma_wait3A_647 = arith.constant 0 : i32
        %dma_wait3A_648 = tpu.memref_slice %arg8[%dma_wait3A_646, %dma_wait3A_647] : memref<8x8064xf32, #tpu.memory_space<vmem>> -> memref<1x8064xf32, #tpu.memory_space<vmem>>
        %dma_wait3A_649 = tpu.memref_squeeze %dma_wait3A_648 : memref<1x8064xf32, #tpu.memory_space<vmem>> -> memref<8064xf32, #tpu.memory_space<vmem>>
        %dma_wait3A_650 = tpu.memref_slice %arg6[%multiple_of3A_409] : memref<32004096xf32, #tpu.memory_space<hbm>> -> memref<8064xf32, #tpu.memory_space<hbm>>
        %dma_wait3A_651 = tpu.memref_slice %arg6[%multiple_of3A_409] : memref<32004096xf32, #tpu.memory_space<hbm>> -> memref<8064xf32, #tpu.memory_space<hbm>>
        %dma_wait3A_652 = arith.constant 0 : i32
        %dma_wait3A_653 = tpu.memref_slice %arg8[%dma_wait3A_646, %dma_wait3A_652] : memref<8x8064xf32, #tpu.memory_space<vmem>> -> memref<1x8064xf32, #tpu.memory_space<vmem>>
        %dma_wait3A_654 = tpu.memref_squeeze %dma_wait3A_653 : memref<1x8064xf32, #tpu.memory_space<vmem>> -> memref<8064xf32, #tpu.memory_space<vmem>>
        tpu.wait_dma2 semaphore(%arg10 : memref<!tpu.dma_semaphore, #tpu.memory_space<semaphore_mem>>) src(%dma_wait3A_654 : memref<8064xf32, #tpu.memory_space<vmem>>) dst(%dma_wait3A_651 : memref<8064xf32, #tpu.memory_space<hbm>>)
        %dma_wait3A_655 = arith.constant 6 : i32
        %dma_wait3A_656 = arith.constant 0 : i32
        %dma_wait3A_657 = tpu.memref_slice %arg8[%dma_wait3A_655, %dma_wait3A_656] : memref<8x8064xf32, #tpu.memory_space<vmem>> -> memref<1x8064xf32, #tpu.memory_space<vmem>>
        %dma_wait3A_658 = tpu.memref_squeeze %dma_wait3A_657 : memref<1x8064xf32, #tpu.memory_space<vmem>> -> memref<8064xf32, #tpu.memory_space<vmem>>
        %dma_wait3A_659 = tpu.memref_slice %arg6[%multiple_of3A_426] : memref<32004096xf32, #tpu.memory_space<hbm>> -> memref<8064xf32, #tpu.memory_space<hbm>>
        %dma_wait3A_660 = tpu.memref_slice %arg6[%multiple_of3A_426] : memref<32004096xf32, #tpu.memory_space<hbm>> -> memref<8064xf32, #tpu.memory_space<hbm>>
        %dma_wait3A_661 = arith.constant 0 : i32
        %dma_wait3A_662 = tpu.memref_slice %arg8[%dma_wait3A_655, %dma_wait3A_661] : memref<8x8064xf32, #tpu.memory_space<vmem>> -> memref<1x8064xf32, #tpu.memory_space<vmem>>
        %dma_wait3A_663 = tpu.memref_squeeze %dma_wait3A_662 : memref<1x8064xf32, #tpu.memory_space<vmem>> -> memref<8064xf32, #tpu.memory_space<vmem>>
        tpu.wait_dma2 semaphore(%arg10 : memref<!tpu.dma_semaphore, #tpu.memory_space<semaphore_mem>>) src(%dma_wait3A_663 : memref<8064xf32, #tpu.memory_space<vmem>>) dst(%dma_wait3A_660 : memref<8064xf32, #tpu.memory_space<hbm>>)
        %dma_wait3A_664 = arith.constant 7 : i32
        %dma_wait3A_665 = arith.constant 0 : i32
        %dma_wait3A_666 = tpu.memref_slice %arg8[%dma_wait3A_664, %dma_wait3A_665] : memref<8x8064xf32, #tpu.memory_space<vmem>> -> memref<1x8064xf32, #tpu.memory_space<vmem>>
        %dma_wait3A_667 = tpu.memref_squeeze %dma_wait3A_666 : memref<1x8064xf32, #tpu.memory_space<vmem>> -> memref<8064xf32, #tpu.memory_space<vmem>>
        %dma_wait3A_668 = tpu.memref_slice %arg6[%multiple_of3A_443] : memref<32004096xf32, #tpu.memory_space<hbm>> -> memref<8064xf32, #tpu.memory_space<hbm>>
        %dma_wait3A_669 = tpu.memref_slice %arg6[%multiple_of3A_443] : memref<32004096xf32, #tpu.memory_space<hbm>> -> memref<8064xf32, #tpu.memory_space<hbm>>
        %dma_wait3A_670 = arith.constant 0 : i32
        %dma_wait3A_671 = tpu.memref_slice %arg8[%dma_wait3A_664, %dma_wait3A_670] : memref<8x8064xf32, #tpu.memory_space<vmem>> -> memref<1x8064xf32, #tpu.memory_space<vmem>>
        %dma_wait3A_672 = tpu.memref_squeeze %dma_wait3A_671 : memref<1x8064xf32, #tpu.memory_space<vmem>> -> memref<8064xf32, #tpu.memory_space<vmem>>
        tpu.wait_dma2 semaphore(%arg10 : memref<!tpu.dma_semaphore, #tpu.memory_space<semaphore_mem>>) src(%dma_wait3A_672 : memref<8064xf32, #tpu.memory_space<vmem>>) dst(%dma_wait3A_669 : memref<8064xf32, #tpu.memory_space<hbm>>)
        %dma_wait3A_673 = arith.constant 0 : i32
        %dma_wait3A_674 = arith.constant 0 : i32
        %dma_wait3A_675 = tpu.memref_slice %arg9[%dma_wait3A_673, %dma_wait3A_674] : memref<8x8064xf32, #tpu.memory_space<vmem>> -> memref<1x8064xf32, #tpu.memory_space<vmem>>
        %dma_wait3A_676 = tpu.memref_squeeze %dma_wait3A_675 : memref<1x8064xf32, #tpu.memory_space<vmem>> -> memref<8064xf32, #tpu.memory_space<vmem>>
        %dma_wait3A_677 = tpu.memref_slice %arg6[%multiple_of3A_472] : memref<32004096xf32, #tpu.memory_space<hbm>> -> memref<8064xf32, #tpu.memory_space<hbm>>
        %dma_wait3A_678 = tpu.memref_slice %arg6[%multiple_of3A_472] : memref<32004096xf32, #tpu.memory_space<hbm>> -> memref<8064xf32, #tpu.memory_space<hbm>>
        %dma_wait3A_679 = arith.constant 0 : i32
        %dma_wait3A_680 = tpu.memref_slice %arg9[%dma_wait3A_673, %dma_wait3A_679] : memref<8x8064xf32, #tpu.memory_space<vmem>> -> memref<1x8064xf32, #tpu.memory_space<vmem>>
        %dma_wait3A_681 = tpu.memref_squeeze %dma_wait3A_680 : memref<1x8064xf32, #tpu.memory_space<vmem>> -> memref<8064xf32, #tpu.memory_space<vmem>>
        tpu.wait_dma2 semaphore(%arg10 : memref<!tpu.dma_semaphore, #tpu.memory_space<semaphore_mem>>) src(%dma_wait3A_681 : memref<8064xf32, #tpu.memory_space<vmem>>) dst(%dma_wait3A_678 : memref<8064xf32, #tpu.memory_space<hbm>>)
        %dma_wait3A_682 = arith.constant 1 : i32
        %dma_wait3A_683 = arith.constant 0 : i32
        %dma_wait3A_684 = tpu.memref_slice %arg9[%dma_wait3A_682, %dma_wait3A_683] : memref<8x8064xf32, #tpu.memory_space<vmem>> -> memref<1x8064xf32, #tpu.memory_space<vmem>>
        %dma_wait3A_685 = tpu.memref_squeeze %dma_wait3A_684 : memref<1x8064xf32, #tpu.memory_space<vmem>> -> memref<8064xf32, #tpu.memory_space<vmem>>
        %dma_wait3A_686 = tpu.memref_slice %arg6[%multiple_of3A_489] : memref<32004096xf32, #tpu.memory_space<hbm>> -> memref<8064xf32, #tpu.memory_space<hbm>>
        %dma_wait3A_687 = tpu.memref_slice %arg6[%multiple_of3A_489] : memref<32004096xf32, #tpu.memory_space<hbm>> -> memref<8064xf32, #tpu.memory_space<hbm>>
        %dma_wait3A_688 = arith.constant 0 : i32
        %dma_wait3A_689 = tpu.memref_slice %arg9[%dma_wait3A_682, %dma_wait3A_688] : memref<8x8064xf32, #tpu.memory_space<vmem>> -> memref<1x8064xf32, #tpu.memory_space<vmem>>
        %dma_wait3A_690 = tpu.memref_squeeze %dma_wait3A_689 : memref<1x8064xf32, #tpu.memory_space<vmem>> -> memref<8064xf32, #tpu.memory_space<vmem>>
        tpu.wait_dma2 semaphore(%arg10 : memref<!tpu.dma_semaphore, #tpu.memory_space<semaphore_mem>>) src(%dma_wait3A_690 : memref<8064xf32, #tpu.memory_space<vmem>>) dst(%dma_wait3A_687 : memref<8064xf32, #tpu.memory_space<hbm>>)
        %dma_wait3A_691 = arith.constant 2 : i32
        %dma_wait3A_692 = arith.constant 0 : i32
        %dma_wait3A_693 = tpu.memref_slice %arg9[%dma_wait3A_691, %dma_wait3A_692] : memref<8x8064xf32, #tpu.memory_space<vmem>> -> memref<1x8064xf32, #tpu.memory_space<vmem>>
        %dma_wait3A_694 = tpu.memref_squeeze %dma_wait3A_693 : memref<1x8064xf32, #tpu.memory_space<vmem>> -> memref<8064xf32, #tpu.memory_space<vmem>>
        %dma_wait3A_695 = tpu.memref_slice %arg6[%multiple_of3A_506] : memref<32004096xf32, #tpu.memory_space<hbm>> -> memref<8064xf32, #tpu.memory_space<hbm>>
        %dma_wait3A_696 = tpu.memref_slice %arg6[%multiple_of3A_506] : memref<32004096xf32, #tpu.memory_space<hbm>> -> memref<8064xf32, #tpu.memory_space<hbm>>
        %dma_wait3A_697 = arith.constant 0 : i32
        %dma_wait3A_698 = tpu.memref_slice %arg9[%dma_wait3A_691, %dma_wait3A_697] : memref<8x8064xf32, #tpu.memory_space<vmem>> -> memref<1x8064xf32, #tpu.memory_space<vmem>>
        %dma_wait3A_699 = tpu.memref_squeeze %dma_wait3A_698 : memref<1x8064xf32, #tpu.memory_space<vmem>> -> memref<8064xf32, #tpu.memory_space<vmem>>
        tpu.wait_dma2 semaphore(%arg10 : memref<!tpu.dma_semaphore, #tpu.memory_space<semaphore_mem>>) src(%dma_wait3A_699 : memref<8064xf32, #tpu.memory_space<vmem>>) dst(%dma_wait3A_696 : memref<8064xf32, #tpu.memory_space<hbm>>)
        %dma_wait3A_700 = arith.constant 3 : i32
        %dma_wait3A_701 = arith.constant 0 : i32
        %dma_wait3A_702 = tpu.memref_slice %arg9[%dma_wait3A_700, %dma_wait3A_701] : memref<8x8064xf32, #tpu.memory_space<vmem>> -> memref<1x8064xf32, #tpu.memory_space<vmem>>
        %dma_wait3A_703 = tpu.memref_squeeze %dma_wait3A_702 : memref<1x8064xf32, #tpu.memory_space<vmem>> -> memref<8064xf32, #tpu.memory_space<vmem>>
        %dma_wait3A_704 = tpu.memref_slice %arg6[%multiple_of3A_523] : memref<32004096xf32, #tpu.memory_space<hbm>> -> memref<8064xf32, #tpu.memory_space<hbm>>
        %dma_wait3A_705 = tpu.memref_slice %arg6[%multiple_of3A_523] : memref<32004096xf32, #tpu.memory_space<hbm>> -> memref<8064xf32, #tpu.memory_space<hbm>>
        %dma_wait3A_706 = arith.constant 0 : i32
        %dma_wait3A_707 = tpu.memref_slice %arg9[%dma_wait3A_700, %dma_wait3A_706] : memref<8x8064xf32, #tpu.memory_space<vmem>> -> memref<1x8064xf32, #tpu.memory_space<vmem>>
        %dma_wait3A_708 = tpu.memref_squeeze %dma_wait3A_707 : memref<1x8064xf32, #tpu.memory_space<vmem>> -> memref<8064xf32, #tpu.memory_space<vmem>>
        tpu.wait_dma2 semaphore(%arg10 : memref<!tpu.dma_semaphore, #tpu.memory_space<semaphore_mem>>) src(%dma_wait3A_708 : memref<8064xf32, #tpu.memory_space<vmem>>) dst(%dma_wait3A_705 : memref<8064xf32, #tpu.memory_space<hbm>>)
        %dma_wait3A_709 = arith.constant 4 : i32
        %dma_wait3A_710 = arith.constant 0 : i32
        %dma_wait3A_711 = tpu.memref_slice %arg9[%dma_wait3A_709, %dma_wait3A_710] : memref<8x8064xf32, #tpu.memory_space<vmem>> -> memref<1x8064xf32, #tpu.memory_space<vmem>>
        %dma_wait3A_712 = tpu.memref_squeeze %dma_wait3A_711 : memref<1x8064xf32, #tpu.memory_space<vmem>> -> memref<8064xf32, #tpu.memory_space<vmem>>
        %dma_wait3A_713 = tpu.memref_slice %arg6[%multiple_of3A_540] : memref<32004096xf32, #tpu.memory_space<hbm>> -> memref<8064xf32, #tpu.memory_space<hbm>>
        %dma_wait3A_714 = tpu.memref_slice %arg6[%multiple_of3A_540] : memref<32004096xf32, #tpu.memory_space<hbm>> -> memref<8064xf32, #tpu.memory_space<hbm>>
        %dma_wait3A_715 = arith.constant 0 : i32
        %dma_wait3A_716 = tpu.memref_slice %arg9[%dma_wait3A_709, %dma_wait3A_715] : memref<8x8064xf32, #tpu.memory_space<vmem>> -> memref<1x8064xf32, #tpu.memory_space<vmem>>
        %dma_wait3A_717 = tpu.memref_squeeze %dma_wait3A_716 : memref<1x8064xf32, #tpu.memory_space<vmem>> -> memref<8064xf32, #tpu.memory_space<vmem>>
        tpu.wait_dma2 semaphore(%arg10 : memref<!tpu.dma_semaphore, #tpu.memory_space<semaphore_mem>>) src(%dma_wait3A_717 : memref<8064xf32, #tpu.memory_space<vmem>>) dst(%dma_wait3A_714 : memref<8064xf32, #tpu.memory_space<hbm>>)
        %dma_wait3A_718 = arith.constant 5 : i32
        %dma_wait3A_719 = arith.constant 0 : i32
        %dma_wait3A_720 = tpu.memref_slice %arg9[%dma_wait3A_718, %dma_wait3A_719] : memref<8x8064xf32, #tpu.memory_space<vmem>> -> memref<1x8064xf32, #tpu.memory_space<vmem>>
        %dma_wait3A_721 = tpu.memref_squeeze %dma_wait3A_720 : memref<1x8064xf32, #tpu.memory_space<vmem>> -> memref<8064xf32, #tpu.memory_space<vmem>>
        %dma_wait3A_722 = tpu.memref_slice %arg6[%multiple_of3A_557] : memref<32004096xf32, #tpu.memory_space<hbm>> -> memref<8064xf32, #tpu.memory_space<hbm>>
        %dma_wait3A_723 = tpu.memref_slice %arg6[%multiple_of3A_557] : memref<32004096xf32, #tpu.memory_space<hbm>> -> memref<8064xf32, #tpu.memory_space<hbm>>
        %dma_wait3A_724 = arith.constant 0 : i32
        %dma_wait3A_725 = tpu.memref_slice %arg9[%dma_wait3A_718, %dma_wait3A_724] : memref<8x8064xf32, #tpu.memory_space<vmem>> -> memref<1x8064xf32, #tpu.memory_space<vmem>>
        %dma_wait3A_726 = tpu.memref_squeeze %dma_wait3A_725 : memref<1x8064xf32, #tpu.memory_space<vmem>> -> memref<8064xf32, #tpu.memory_space<vmem>>
        tpu.wait_dma2 semaphore(%arg10 : memref<!tpu.dma_semaphore, #tpu.memory_space<semaphore_mem>>) src(%dma_wait3A_726 : memref<8064xf32, #tpu.memory_space<vmem>>) dst(%dma_wait3A_723 : memref<8064xf32, #tpu.memory_space<hbm>>)
        %dma_wait3A_727 = arith.constant 6 : i32
        %dma_wait3A_728 = arith.constant 0 : i32
        %dma_wait3A_729 = tpu.memref_slice %arg9[%dma_wait3A_727, %dma_wait3A_728] : memref<8x8064xf32, #tpu.memory_space<vmem>> -> memref<1x8064xf32, #tpu.memory_space<vmem>>
        %dma_wait3A_730 = tpu.memref_squeeze %dma_wait3A_729 : memref<1x8064xf32, #tpu.memory_space<vmem>> -> memref<8064xf32, #tpu.memory_space<vmem>>
        %dma_wait3A_731 = tpu.memref_slice %arg6[%multiple_of3A_574] : memref<32004096xf32, #tpu.memory_space<hbm>> -> memref<8064xf32, #tpu.memory_space<hbm>>
        %dma_wait3A_732 = tpu.memref_slice %arg6[%multiple_of3A_574] : memref<32004096xf32, #tpu.memory_space<hbm>> -> memref<8064xf32, #tpu.memory_space<hbm>>
        %dma_wait3A_733 = arith.constant 0 : i32
        %dma_wait3A_734 = tpu.memref_slice %arg9[%dma_wait3A_727, %dma_wait3A_733] : memref<8x8064xf32, #tpu.memory_space<vmem>> -> memref<1x8064xf32, #tpu.memory_space<vmem>>
        %dma_wait3A_735 = tpu.memref_squeeze %dma_wait3A_734 : memref<1x8064xf32, #tpu.memory_space<vmem>> -> memref<8064xf32, #tpu.memory_space<vmem>>
        tpu.wait_dma2 semaphore(%arg10 : memref<!tpu.dma_semaphore, #tpu.memory_space<semaphore_mem>>) src(%dma_wait3A_735 : memref<8064xf32, #tpu.memory_space<vmem>>) dst(%dma_wait3A_732 : memref<8064xf32, #tpu.memory_space<hbm>>)
        %dma_wait3A_736 = arith.constant 7 : i32
        %dma_wait3A_737 = arith.constant 0 : i32
        %dma_wait3A_738 = tpu.memref_slice %arg9[%dma_wait3A_736, %dma_wait3A_737] : memref<8x8064xf32, #tpu.memory_space<vmem>> -> memref<1x8064xf32, #tpu.memory_space<vmem>>
        %dma_wait3A_739 = tpu.memref_squeeze %dma_wait3A_738 : memref<1x8064xf32, #tpu.memory_space<vmem>> -> memref<8064xf32, #tpu.memory_space<vmem>>
        %dma_wait3A_740 = tpu.memref_slice %arg6[%multiple_of3A_591] : memref<32004096xf32, #tpu.memory_space<hbm>> -> memref<8064xf32, #tpu.memory_space<hbm>>
        %dma_wait3A_741 = tpu.memref_slice %arg6[%multiple_of3A_591] : memref<32004096xf32, #tpu.memory_space<hbm>> -> memref<8064xf32, #tpu.memory_space<hbm>>
        %dma_wait3A_742 = arith.constant 0 : i32
        %dma_wait3A_743 = tpu.memref_slice %arg9[%dma_wait3A_736, %dma_wait3A_742] : memref<8x8064xf32, #tpu.memory_space<vmem>> -> memref<1x8064xf32, #tpu.memory_space<vmem>>
        %dma_wait3A_744 = tpu.memref_squeeze %dma_wait3A_743 : memref<1x8064xf32, #tpu.memory_space<vmem>> -> memref<8064xf32, #tpu.memory_space<vmem>>
        tpu.wait_dma2 semaphore(%arg10 : memref<!tpu.dma_semaphore, #tpu.memory_space<semaphore_mem>>) src(%dma_wait3A_744 : memref<8064xf32, #tpu.memory_space<vmem>>) dst(%dma_wait3A_741 : memref<8064xf32, #tpu.memory_space<hbm>>)
      }
      %scan3A_93 = arith.constant 15 : i32
      %mul3A_94 = arith.constant 249984 : i32
      %mul3A_95 = arith.muli %select_n3A_70, %mul3A_94 : i32
      %add3A_96 = arith.constant 241920 : i32
      %add3A_97 = arith.addi %mul3A_95, %add3A_96 : i32
      %multiple_of3A = tpu.assume_multiple %add3A_97, 128 : i32
      %mul3A_98 = arith.constant 8 : i32
      %mul3A_99 = arith.muli %mul3A_98, %select_n3A_54 : i32
      "tpu.region"() ({
        %run_scoped3A = tpu.sem_alloc : memref<!tpu.dma_semaphore, #tpu.memory_space<semaphore_mem>>
        %dma_start3A_306 = tpu.memref_slice %arg2[%mul3A_99, %multiple_of3A] : memref<32x1000000xf32, #tpu.memory_space<hbm>> -> memref<8x8064xf32, #tpu.memory_space<hbm>>
        %dma_start3A_307 = tpu.memref_slice %arg2[%mul3A_99, %multiple_of3A] : memref<32x1000000xf32, #tpu.memory_space<hbm>> -> memref<8x8064xf32, #tpu.memory_space<hbm>>
        tpu.enqueue_dma source(%dma_start3A_307 : memref<8x8064xf32, #tpu.memory_space<hbm>>) target(%arg8 : memref<8x8064xf32, #tpu.memory_space<vmem>>) target_semaphore(%run_scoped3A : memref<!tpu.dma_semaphore, #tpu.memory_space<semaphore_mem>>)
        %dma_wait3A_308 = tpu.memref_slice %arg2[%mul3A_99, %multiple_of3A] : memref<32x1000000xf32, #tpu.memory_space<hbm>> -> memref<8x8064xf32, #tpu.memory_space<hbm>>
        %dma_wait3A_309 = tpu.memref_slice %arg2[%mul3A_99, %multiple_of3A] : memref<32x1000000xf32, #tpu.memory_space<hbm>> -> memref<8x8064xf32, #tpu.memory_space<hbm>>
        tpu.wait_dma2 semaphore(%run_scoped3A : memref<!tpu.dma_semaphore, #tpu.memory_space<semaphore_mem>>) src(%dma_wait3A_309 : memref<8x8064xf32, #tpu.memory_space<hbm>>) dst(%arg8 : memref<8x8064xf32, #tpu.memory_space<vmem>>)
        tpu.yield
      }) : () -> ()
      %mul3A_100 = arith.constant 8 : i32
      %mul3A_101 = arith.muli %mul3A_100, %select_n3A_54 : i32
      %add3A_102 = arith.constant 0 : i32
      %add3A_103 = arith.addi %mul3A_101, %add3A_102 : i32
      %mul3A_104 = arith.constant 1000064 : i32
      %mul3A_105 = arith.muli %add3A_103, %mul3A_104 : i32
      %add3A_106 = arith.addi %mul3A_105, %multiple_of3A : i32
      %multiple_of3A_107 = tpu.assume_multiple %add3A_106, 128 : i32
      %dma_start3A = arith.constant 0 : i32
      %dma_start3A_108 = arith.constant 0 : i32
      %dma_start3A_109 = tpu.memref_slice %arg8[%dma_start3A, %dma_start3A_108] : memref<8x8064xf32, #tpu.memory_space<vmem>> -> memref<1x8064xf32, #tpu.memory_space<vmem>>
      %dma_start3A_110 = tpu.memref_squeeze %dma_start3A_109 : memref<1x8064xf32, #tpu.memory_space<vmem>> -> memref<8064xf32, #tpu.memory_space<vmem>>
      %dma_start3A_111 = tpu.memref_slice %arg6[%multiple_of3A_107] : memref<32004096xf32, #tpu.memory_space<hbm>> -> memref<8064xf32, #tpu.memory_space<hbm>>
      %dma_start3A_112 = tpu.memref_slice %arg6[%multiple_of3A_107] : memref<32004096xf32, #tpu.memory_space<hbm>> -> memref<8064xf32, #tpu.memory_space<hbm>>
      %dma_start3A_113 = arith.constant 0 : i32
      %dma_start3A_114 = tpu.memref_slice %arg8[%dma_start3A, %dma_start3A_113] : memref<8x8064xf32, #tpu.memory_space<vmem>> -> memref<1x8064xf32, #tpu.memory_space<vmem>>
      %dma_start3A_115 = tpu.memref_squeeze %dma_start3A_114 : memref<1x8064xf32, #tpu.memory_space<vmem>> -> memref<8064xf32, #tpu.memory_space<vmem>>
      tpu.enqueue_dma source(%dma_start3A_115 : memref<8064xf32, #tpu.memory_space<vmem>>) target(%dma_start3A_112 : memref<8064xf32, #tpu.memory_space<hbm>>) target_semaphore(%arg10 : memref<!tpu.dma_semaphore, #tpu.memory_space<semaphore_mem>>)
      %mul3A_116 = arith.constant 8 : i32
      %mul3A_117 = arith.muli %mul3A_116, %select_n3A_54 : i32
      %add3A_118 = arith.constant 1 : i32
      %add3A_119 = arith.addi %mul3A_117, %add3A_118 : i32
      %mul3A_120 = arith.constant 1000064 : i32
      %mul3A_121 = arith.muli %add3A_119, %mul3A_120 : i32
      %add3A_122 = arith.addi %mul3A_121, %multiple_of3A : i32
      %multiple_of3A_123 = tpu.assume_multiple %add3A_122, 128 : i32
      %dma_start3A_124 = arith.constant 1 : i32
      %dma_start3A_125 = arith.constant 0 : i32
      %dma_start3A_126 = tpu.memref_slice %arg8[%dma_start3A_124, %dma_start3A_125] : memref<8x8064xf32, #tpu.memory_space<vmem>> -> memref<1x8064xf32, #tpu.memory_space<vmem>>
      %dma_start3A_127 = tpu.memref_squeeze %dma_start3A_126 : memref<1x8064xf32, #tpu.memory_space<vmem>> -> memref<8064xf32, #tpu.memory_space<vmem>>
      %dma_start3A_128 = tpu.memref_slice %arg6[%multiple_of3A_123] : memref<32004096xf32, #tpu.memory_space<hbm>> -> memref<8064xf32, #tpu.memory_space<hbm>>
      %dma_start3A_129 = tpu.memref_slice %arg6[%multiple_of3A_123] : memref<32004096xf32, #tpu.memory_space<hbm>> -> memref<8064xf32, #tpu.memory_space<hbm>>
      %dma_start3A_130 = arith.constant 0 : i32
      %dma_start3A_131 = tpu.memref_slice %arg8[%dma_start3A_124, %dma_start3A_130] : memref<8x8064xf32, #tpu.memory_space<vmem>> -> memref<1x8064xf32, #tpu.memory_space<vmem>>
      %dma_start3A_132 = tpu.memref_squeeze %dma_start3A_131 : memref<1x8064xf32, #tpu.memory_space<vmem>> -> memref<8064xf32, #tpu.memory_space<vmem>>
      tpu.enqueue_dma source(%dma_start3A_132 : memref<8064xf32, #tpu.memory_space<vmem>>) target(%dma_start3A_129 : memref<8064xf32, #tpu.memory_space<hbm>>) target_semaphore(%arg10 : memref<!tpu.dma_semaphore, #tpu.memory_space<semaphore_mem>>)
      %mul3A_133 = arith.constant 8 : i32
      %mul3A_134 = arith.muli %mul3A_133, %select_n3A_54 : i32
      %add3A_135 = arith.constant 2 : i32
      %add3A_136 = arith.addi %mul3A_134, %add3A_135 : i32
      %mul3A_137 = arith.constant 1000064 : i32
      %mul3A_138 = arith.muli %add3A_136, %mul3A_137 : i32
      %add3A_139 = arith.addi %mul3A_138, %multiple_of3A : i32
      %multiple_of3A_140 = tpu.assume_multiple %add3A_139, 128 : i32
      %dma_start3A_141 = arith.constant 2 : i32
      %dma_start3A_142 = arith.constant 0 : i32
      %dma_start3A_143 = tpu.memref_slice %arg8[%dma_start3A_141, %dma_start3A_142] : memref<8x8064xf32, #tpu.memory_space<vmem>> -> memref<1x8064xf32, #tpu.memory_space<vmem>>
      %dma_start3A_144 = tpu.memref_squeeze %dma_start3A_143 : memref<1x8064xf32, #tpu.memory_space<vmem>> -> memref<8064xf32, #tpu.memory_space<vmem>>
      %dma_start3A_145 = tpu.memref_slice %arg6[%multiple_of3A_140] : memref<32004096xf32, #tpu.memory_space<hbm>> -> memref<8064xf32, #tpu.memory_space<hbm>>
      %dma_start3A_146 = tpu.memref_slice %arg6[%multiple_of3A_140] : memref<32004096xf32, #tpu.memory_space<hbm>> -> memref<8064xf32, #tpu.memory_space<hbm>>
      %dma_start3A_147 = arith.constant 0 : i32
      %dma_start3A_148 = tpu.memref_slice %arg8[%dma_start3A_141, %dma_start3A_147] : memref<8x8064xf32, #tpu.memory_space<vmem>> -> memref<1x8064xf32, #tpu.memory_space<vmem>>
      %dma_start3A_149 = tpu.memref_squeeze %dma_start3A_148 : memref<1x8064xf32, #tpu.memory_space<vmem>> -> memref<8064xf32, #tpu.memory_space<vmem>>
      tpu.enqueue_dma source(%dma_start3A_149 : memref<8064xf32, #tpu.memory_space<vmem>>) target(%dma_start3A_146 : memref<8064xf32, #tpu.memory_space<hbm>>) target_semaphore(%arg10 : memref<!tpu.dma_semaphore, #tpu.memory_space<semaphore_mem>>)
      %mul3A_150 = arith.constant 8 : i32
      %mul3A_151 = arith.muli %mul3A_150, %select_n3A_54 : i32
      %add3A_152 = arith.constant 3 : i32
      %add3A_153 = arith.addi %mul3A_151, %add3A_152 : i32
      %mul3A_154 = arith.constant 1000064 : i32
      %mul3A_155 = arith.muli %add3A_153, %mul3A_154 : i32
      %add3A_156 = arith.addi %mul3A_155, %multiple_of3A : i32
      %multiple_of3A_157 = tpu.assume_multiple %add3A_156, 128 : i32
      %dma_start3A_158 = arith.constant 3 : i32
      %dma_start3A_159 = arith.constant 0 : i32
      %dma_start3A_160 = tpu.memref_slice %arg8[%dma_start3A_158, %dma_start3A_159] : memref<8x8064xf32, #tpu.memory_space<vmem>> -> memref<1x8064xf32, #tpu.memory_space<vmem>>
      %dma_start3A_161 = tpu.memref_squeeze %dma_start3A_160 : memref<1x8064xf32, #tpu.memory_space<vmem>> -> memref<8064xf32, #tpu.memory_space<vmem>>
      %dma_start3A_162 = tpu.memref_slice %arg6[%multiple_of3A_157] : memref<32004096xf32, #tpu.memory_space<hbm>> -> memref<8064xf32, #tpu.memory_space<hbm>>
      %dma_start3A_163 = tpu.memref_slice %arg6[%multiple_of3A_157] : memref<32004096xf32, #tpu.memory_space<hbm>> -> memref<8064xf32, #tpu.memory_space<hbm>>
      %dma_start3A_164 = arith.constant 0 : i32
      %dma_start3A_165 = tpu.memref_slice %arg8[%dma_start3A_158, %dma_start3A_164] : memref<8x8064xf32, #tpu.memory_space<vmem>> -> memref<1x8064xf32, #tpu.memory_space<vmem>>
      %dma_start3A_166 = tpu.memref_squeeze %dma_start3A_165 : memref<1x8064xf32, #tpu.memory_space<vmem>> -> memref<8064xf32, #tpu.memory_space<vmem>>
      tpu.enqueue_dma source(%dma_start3A_166 : memref<8064xf32, #tpu.memory_space<vmem>>) target(%dma_start3A_163 : memref<8064xf32, #tpu.memory_space<hbm>>) target_semaphore(%arg10 : memref<!tpu.dma_semaphore, #tpu.memory_space<semaphore_mem>>)
      %mul3A_167 = arith.constant 8 : i32
      %mul3A_168 = arith.muli %mul3A_167, %select_n3A_54 : i32
      %add3A_169 = arith.constant 4 : i32
      %add3A_170 = arith.addi %mul3A_168, %add3A_169 : i32
      %mul3A_171 = arith.constant 1000064 : i32
      %mul3A_172 = arith.muli %add3A_170, %mul3A_171 : i32
      %add3A_173 = arith.addi %mul3A_172, %multiple_of3A : i32
      %multiple_of3A_174 = tpu.assume_multiple %add3A_173, 128 : i32
      %dma_start3A_175 = arith.constant 4 : i32
      %dma_start3A_176 = arith.constant 0 : i32
      %dma_start3A_177 = tpu.memref_slice %arg8[%dma_start3A_175, %dma_start3A_176] : memref<8x8064xf32, #tpu.memory_space<vmem>> -> memref<1x8064xf32, #tpu.memory_space<vmem>>
      %dma_start3A_178 = tpu.memref_squeeze %dma_start3A_177 : memref<1x8064xf32, #tpu.memory_space<vmem>> -> memref<8064xf32, #tpu.memory_space<vmem>>
      %dma_start3A_179 = tpu.memref_slice %arg6[%multiple_of3A_174] : memref<32004096xf32, #tpu.memory_space<hbm>> -> memref<8064xf32, #tpu.memory_space<hbm>>
      %dma_start3A_180 = tpu.memref_slice %arg6[%multiple_of3A_174] : memref<32004096xf32, #tpu.memory_space<hbm>> -> memref<8064xf32, #tpu.memory_space<hbm>>
      %dma_start3A_181 = arith.constant 0 : i32
      %dma_start3A_182 = tpu.memref_slice %arg8[%dma_start3A_175, %dma_start3A_181] : memref<8x8064xf32, #tpu.memory_space<vmem>> -> memref<1x8064xf32, #tpu.memory_space<vmem>>
      %dma_start3A_183 = tpu.memref_squeeze %dma_start3A_182 : memref<1x8064xf32, #tpu.memory_space<vmem>> -> memref<8064xf32, #tpu.memory_space<vmem>>
      tpu.enqueue_dma source(%dma_start3A_183 : memref<8064xf32, #tpu.memory_space<vmem>>) target(%dma_start3A_180 : memref<8064xf32, #tpu.memory_space<hbm>>) target_semaphore(%arg10 : memref<!tpu.dma_semaphore, #tpu.memory_space<semaphore_mem>>)
      %mul3A_184 = arith.constant 8 : i32
      %mul3A_185 = arith.muli %mul3A_184, %select_n3A_54 : i32
      %add3A_186 = arith.constant 5 : i32
      %add3A_187 = arith.addi %mul3A_185, %add3A_186 : i32
      %mul3A_188 = arith.constant 1000064 : i32
      %mul3A_189 = arith.muli %add3A_187, %mul3A_188 : i32
      %add3A_190 = arith.addi %mul3A_189, %multiple_of3A : i32
      %multiple_of3A_191 = tpu.assume_multiple %add3A_190, 128 : i32
      %dma_start3A_192 = arith.constant 5 : i32
      %dma_start3A_193 = arith.constant 0 : i32
      %dma_start3A_194 = tpu.memref_slice %arg8[%dma_start3A_192, %dma_start3A_193] : memref<8x8064xf32, #tpu.memory_space<vmem>> -> memref<1x8064xf32, #tpu.memory_space<vmem>>
      %dma_start3A_195 = tpu.memref_squeeze %dma_start3A_194 : memref<1x8064xf32, #tpu.memory_space<vmem>> -> memref<8064xf32, #tpu.memory_space<vmem>>
      %dma_start3A_196 = tpu.memref_slice %arg6[%multiple_of3A_191] : memref<32004096xf32, #tpu.memory_space<hbm>> -> memref<8064xf32, #tpu.memory_space<hbm>>
      %dma_start3A_197 = tpu.memref_slice %arg6[%multiple_of3A_191] : memref<32004096xf32, #tpu.memory_space<hbm>> -> memref<8064xf32, #tpu.memory_space<hbm>>
      %dma_start3A_198 = arith.constant 0 : i32
      %dma_start3A_199 = tpu.memref_slice %arg8[%dma_start3A_192, %dma_start3A_198] : memref<8x8064xf32, #tpu.memory_space<vmem>> -> memref<1x8064xf32, #tpu.memory_space<vmem>>
      %dma_start3A_200 = tpu.memref_squeeze %dma_start3A_199 : memref<1x8064xf32, #tpu.memory_space<vmem>> -> memref<8064xf32, #tpu.memory_space<vmem>>
      tpu.enqueue_dma source(%dma_start3A_200 : memref<8064xf32, #tpu.memory_space<vmem>>) target(%dma_start3A_197 : memref<8064xf32, #tpu.memory_space<hbm>>) target_semaphore(%arg10 : memref<!tpu.dma_semaphore, #tpu.memory_space<semaphore_mem>>)
      %mul3A_201 = arith.constant 8 : i32
      %mul3A_202 = arith.muli %mul3A_201, %select_n3A_54 : i32
      %add3A_203 = arith.constant 6 : i32
      %add3A_204 = arith.addi %mul3A_202, %add3A_203 : i32
      %mul3A_205 = arith.constant 1000064 : i32
      %mul3A_206 = arith.muli %add3A_204, %mul3A_205 : i32
      %add3A_207 = arith.addi %mul3A_206, %multiple_of3A : i32
      %multiple_of3A_208 = tpu.assume_multiple %add3A_207, 128 : i32
      %dma_start3A_209 = arith.constant 6 : i32
      %dma_start3A_210 = arith.constant 0 : i32
      %dma_start3A_211 = tpu.memref_slice %arg8[%dma_start3A_209, %dma_start3A_210] : memref<8x8064xf32, #tpu.memory_space<vmem>> -> memref<1x8064xf32, #tpu.memory_space<vmem>>
      %dma_start3A_212 = tpu.memref_squeeze %dma_start3A_211 : memref<1x8064xf32, #tpu.memory_space<vmem>> -> memref<8064xf32, #tpu.memory_space<vmem>>
      %dma_start3A_213 = tpu.memref_slice %arg6[%multiple_of3A_208] : memref<32004096xf32, #tpu.memory_space<hbm>> -> memref<8064xf32, #tpu.memory_space<hbm>>
      %dma_start3A_214 = tpu.memref_slice %arg6[%multiple_of3A_208] : memref<32004096xf32, #tpu.memory_space<hbm>> -> memref<8064xf32, #tpu.memory_space<hbm>>
      %dma_start3A_215 = arith.constant 0 : i32
      %dma_start3A_216 = tpu.memref_slice %arg8[%dma_start3A_209, %dma_start3A_215] : memref<8x8064xf32, #tpu.memory_space<vmem>> -> memref<1x8064xf32, #tpu.memory_space<vmem>>
      %dma_start3A_217 = tpu.memref_squeeze %dma_start3A_216 : memref<1x8064xf32, #tpu.memory_space<vmem>> -> memref<8064xf32, #tpu.memory_space<vmem>>
      tpu.enqueue_dma source(%dma_start3A_217 : memref<8064xf32, #tpu.memory_space<vmem>>) target(%dma_start3A_214 : memref<8064xf32, #tpu.memory_space<hbm>>) target_semaphore(%arg10 : memref<!tpu.dma_semaphore, #tpu.memory_space<semaphore_mem>>)
      %mul3A_218 = arith.constant 8 : i32
      %mul3A_219 = arith.muli %mul3A_218, %select_n3A_54 : i32
      %add3A_220 = arith.constant 7 : i32
      %add3A_221 = arith.addi %mul3A_219, %add3A_220 : i32
      %mul3A_222 = arith.constant 1000064 : i32
      %mul3A_223 = arith.muli %add3A_221, %mul3A_222 : i32
      %add3A_224 = arith.addi %mul3A_223, %multiple_of3A : i32
      %multiple_of3A_225 = tpu.assume_multiple %add3A_224, 128 : i32
      %dma_start3A_226 = arith.constant 7 : i32
      %dma_start3A_227 = arith.constant 0 : i32
      %dma_start3A_228 = tpu.memref_slice %arg8[%dma_start3A_226, %dma_start3A_227] : memref<8x8064xf32, #tpu.memory_space<vmem>> -> memref<1x8064xf32, #tpu.memory_space<vmem>>
      %dma_start3A_229 = tpu.memref_squeeze %dma_start3A_228 : memref<1x8064xf32, #tpu.memory_space<vmem>> -> memref<8064xf32, #tpu.memory_space<vmem>>
      %dma_start3A_230 = tpu.memref_slice %arg6[%multiple_of3A_225] : memref<32004096xf32, #tpu.memory_space<hbm>> -> memref<8064xf32, #tpu.memory_space<hbm>>
      %dma_start3A_231 = tpu.memref_slice %arg6[%multiple_of3A_225] : memref<32004096xf32, #tpu.memory_space<hbm>> -> memref<8064xf32, #tpu.memory_space<hbm>>
      %dma_start3A_232 = arith.constant 0 : i32
      %dma_start3A_233 = tpu.memref_slice %arg8[%dma_start3A_226, %dma_start3A_232] : memref<8x8064xf32, #tpu.memory_space<vmem>> -> memref<1x8064xf32, #tpu.memory_space<vmem>>
      %dma_start3A_234 = tpu.memref_squeeze %dma_start3A_233 : memref<1x8064xf32, #tpu.memory_space<vmem>> -> memref<8064xf32, #tpu.memory_space<vmem>>
      tpu.enqueue_dma source(%dma_start3A_234 : memref<8064xf32, #tpu.memory_space<vmem>>) target(%dma_start3A_231 : memref<8064xf32, #tpu.memory_space<hbm>>) target_semaphore(%arg10 : memref<!tpu.dma_semaphore, #tpu.memory_space<semaphore_mem>>)
      %dma_wait3A = arith.constant 0 : i32
      %dma_wait3A_235 = arith.constant 0 : i32
      %dma_wait3A_236 = tpu.memref_slice %arg8[%dma_wait3A, %dma_wait3A_235] : memref<8x8064xf32, #tpu.memory_space<vmem>> -> memref<1x8064xf32, #tpu.memory_space<vmem>>
      %dma_wait3A_237 = tpu.memref_squeeze %dma_wait3A_236 : memref<1x8064xf32, #tpu.memory_space<vmem>> -> memref<8064xf32, #tpu.memory_space<vmem>>
      %dma_wait3A_238 = tpu.memref_slice %arg6[%multiple_of3A_107] : memref<32004096xf32, #tpu.memory_space<hbm>> -> memref<8064xf32, #tpu.memory_space<hbm>>
      %dma_wait3A_239 = tpu.memref_slice %arg6[%multiple_of3A_107] : memref<32004096xf32, #tpu.memory_space<hbm>> -> memref<8064xf32, #tpu.memory_space<hbm>>
      %dma_wait3A_240 = arith.constant 0 : i32
      %dma_wait3A_241 = tpu.memref_slice %arg8[%dma_wait3A, %dma_wait3A_240] : memref<8x8064xf32, #tpu.memory_space<vmem>> -> memref<1x8064xf32, #tpu.memory_space<vmem>>
      %dma_wait3A_242 = tpu.memref_squeeze %dma_wait3A_241 : memref<1x8064xf32, #tpu.memory_space<vmem>> -> memref<8064xf32, #tpu.memory_space<vmem>>
      tpu.wait_dma2 semaphore(%arg10 : memref<!tpu.dma_semaphore, #tpu.memory_space<semaphore_mem>>) src(%dma_wait3A_242 : memref<8064xf32, #tpu.memory_space<vmem>>) dst(%dma_wait3A_239 : memref<8064xf32, #tpu.memory_space<hbm>>)
      %dma_wait3A_243 = arith.constant 1 : i32
      %dma_wait3A_244 = arith.constant 0 : i32
      %dma_wait3A_245 = tpu.memref_slice %arg8[%dma_wait3A_243, %dma_wait3A_244] : memref<8x8064xf32, #tpu.memory_space<vmem>> -> memref<1x8064xf32, #tpu.memory_space<vmem>>
      %dma_wait3A_246 = tpu.memref_squeeze %dma_wait3A_245 : memref<1x8064xf32, #tpu.memory_space<vmem>> -> memref<8064xf32, #tpu.memory_space<vmem>>
      %dma_wait3A_247 = tpu.memref_slice %arg6[%multiple_of3A_123] : memref<32004096xf32, #tpu.memory_space<hbm>> -> memref<8064xf32, #tpu.memory_space<hbm>>
      %dma_wait3A_248 = tpu.memref_slice %arg6[%multiple_of3A_123] : memref<32004096xf32, #tpu.memory_space<hbm>> -> memref<8064xf32, #tpu.memory_space<hbm>>
      %dma_wait3A_249 = arith.constant 0 : i32
      %dma_wait3A_250 = tpu.memref_slice %arg8[%dma_wait3A_243, %dma_wait3A_249] : memref<8x8064xf32, #tpu.memory_space<vmem>> -> memref<1x8064xf32, #tpu.memory_space<vmem>>
      %dma_wait3A_251 = tpu.memref_squeeze %dma_wait3A_250 : memref<1x8064xf32, #tpu.memory_space<vmem>> -> memref<8064xf32, #tpu.memory_space<vmem>>
      tpu.wait_dma2 semaphore(%arg10 : memref<!tpu.dma_semaphore, #tpu.memory_space<semaphore_mem>>) src(%dma_wait3A_251 : memref<8064xf32, #tpu.memory_space<vmem>>) dst(%dma_wait3A_248 : memref<8064xf32, #tpu.memory_space<hbm>>)
      %dma_wait3A_252 = arith.constant 2 : i32
      %dma_wait3A_253 = arith.constant 0 : i32
      %dma_wait3A_254 = tpu.memref_slice %arg8[%dma_wait3A_252, %dma_wait3A_253] : memref<8x8064xf32, #tpu.memory_space<vmem>> -> memref<1x8064xf32, #tpu.memory_space<vmem>>
      %dma_wait3A_255 = tpu.memref_squeeze %dma_wait3A_254 : memref<1x8064xf32, #tpu.memory_space<vmem>> -> memref<8064xf32, #tpu.memory_space<vmem>>
      %dma_wait3A_256 = tpu.memref_slice %arg6[%multiple_of3A_140] : memref<32004096xf32, #tpu.memory_space<hbm>> -> memref<8064xf32, #tpu.memory_space<hbm>>
      %dma_wait3A_257 = tpu.memref_slice %arg6[%multiple_of3A_140] : memref<32004096xf32, #tpu.memory_space<hbm>> -> memref<8064xf32, #tpu.memory_space<hbm>>
      %dma_wait3A_258 = arith.constant 0 : i32
      %dma_wait3A_259 = tpu.memref_slice %arg8[%dma_wait3A_252, %dma_wait3A_258] : memref<8x8064xf32, #tpu.memory_space<vmem>> -> memref<1x8064xf32, #tpu.memory_space<vmem>>
      %dma_wait3A_260 = tpu.memref_squeeze %dma_wait3A_259 : memref<1x8064xf32, #tpu.memory_space<vmem>> -> memref<8064xf32, #tpu.memory_space<vmem>>
      tpu.wait_dma2 semaphore(%arg10 : memref<!tpu.dma_semaphore, #tpu.memory_space<semaphore_mem>>) src(%dma_wait3A_260 : memref<8064xf32, #tpu.memory_space<vmem>>) dst(%dma_wait3A_257 : memref<8064xf32, #tpu.memory_space<hbm>>)
      %dma_wait3A_261 = arith.constant 3 : i32
      %dma_wait3A_262 = arith.constant 0 : i32
      %dma_wait3A_263 = tpu.memref_slice %arg8[%dma_wait3A_261, %dma_wait3A_262] : memref<8x8064xf32, #tpu.memory_space<vmem>> -> memref<1x8064xf32, #tpu.memory_space<vmem>>
      %dma_wait3A_264 = tpu.memref_squeeze %dma_wait3A_263 : memref<1x8064xf32, #tpu.memory_space<vmem>> -> memref<8064xf32, #tpu.memory_space<vmem>>
      %dma_wait3A_265 = tpu.memref_slice %arg6[%multiple_of3A_157] : memref<32004096xf32, #tpu.memory_space<hbm>> -> memref<8064xf32, #tpu.memory_space<hbm>>
      %dma_wait3A_266 = tpu.memref_slice %arg6[%multiple_of3A_157] : memref<32004096xf32, #tpu.memory_space<hbm>> -> memref<8064xf32, #tpu.memory_space<hbm>>
      %dma_wait3A_267 = arith.constant 0 : i32
      %dma_wait3A_268 = tpu.memref_slice %arg8[%dma_wait3A_261, %dma_wait3A_267] : memref<8x8064xf32, #tpu.memory_space<vmem>> -> memref<1x8064xf32, #tpu.memory_space<vmem>>
      %dma_wait3A_269 = tpu.memref_squeeze %dma_wait3A_268 : memref<1x8064xf32, #tpu.memory_space<vmem>> -> memref<8064xf32, #tpu.memory_space<vmem>>
      tpu.wait_dma2 semaphore(%arg10 : memref<!tpu.dma_semaphore, #tpu.memory_space<semaphore_mem>>) src(%dma_wait3A_269 : memref<8064xf32, #tpu.memory_space<vmem>>) dst(%dma_wait3A_266 : memref<8064xf32, #tpu.memory_space<hbm>>)
      %dma_wait3A_270 = arith.constant 4 : i32
      %dma_wait3A_271 = arith.constant 0 : i32
      %dma_wait3A_272 = tpu.memref_slice %arg8[%dma_wait3A_270, %dma_wait3A_271] : memref<8x8064xf32, #tpu.memory_space<vmem>> -> memref<1x8064xf32, #tpu.memory_space<vmem>>
      %dma_wait3A_273 = tpu.memref_squeeze %dma_wait3A_272 : memref<1x8064xf32, #tpu.memory_space<vmem>> -> memref<8064xf32, #tpu.memory_space<vmem>>
      %dma_wait3A_274 = tpu.memref_slice %arg6[%multiple_of3A_174] : memref<32004096xf32, #tpu.memory_space<hbm>> -> memref<8064xf32, #tpu.memory_space<hbm>>
      %dma_wait3A_275 = tpu.memref_slice %arg6[%multiple_of3A_174] : memref<32004096xf32, #tpu.memory_space<hbm>> -> memref<8064xf32, #tpu.memory_space<hbm>>
      %dma_wait3A_276 = arith.constant 0 : i32
      %dma_wait3A_277 = tpu.memref_slice %arg8[%dma_wait3A_270, %dma_wait3A_276] : memref<8x8064xf32, #tpu.memory_space<vmem>> -> memref<1x8064xf32, #tpu.memory_space<vmem>>
      %dma_wait3A_278 = tpu.memref_squeeze %dma_wait3A_277 : memref<1x8064xf32, #tpu.memory_space<vmem>> -> memref<8064xf32, #tpu.memory_space<vmem>>
      tpu.wait_dma2 semaphore(%arg10 : memref<!tpu.dma_semaphore, #tpu.memory_space<semaphore_mem>>) src(%dma_wait3A_278 : memref<8064xf32, #tpu.memory_space<vmem>>) dst(%dma_wait3A_275 : memref<8064xf32, #tpu.memory_space<hbm>>)
      %dma_wait3A_279 = arith.constant 5 : i32
      %dma_wait3A_280 = arith.constant 0 : i32
      %dma_wait3A_281 = tpu.memref_slice %arg8[%dma_wait3A_279, %dma_wait3A_280] : memref<8x8064xf32, #tpu.memory_space<vmem>> -> memref<1x8064xf32, #tpu.memory_space<vmem>>
      %dma_wait3A_282 = tpu.memref_squeeze %dma_wait3A_281 : memref<1x8064xf32, #tpu.memory_space<vmem>> -> memref<8064xf32, #tpu.memory_space<vmem>>
      %dma_wait3A_283 = tpu.memref_slice %arg6[%multiple_of3A_191] : memref<32004096xf32, #tpu.memory_space<hbm>> -> memref<8064xf32, #tpu.memory_space<hbm>>
      %dma_wait3A_284 = tpu.memref_slice %arg6[%multiple_of3A_191] : memref<32004096xf32, #tpu.memory_space<hbm>> -> memref<8064xf32, #tpu.memory_space<hbm>>
      %dma_wait3A_285 = arith.constant 0 : i32
      %dma_wait3A_286 = tpu.memref_slice %arg8[%dma_wait3A_279, %dma_wait3A_285] : memref<8x8064xf32, #tpu.memory_space<vmem>> -> memref<1x8064xf32, #tpu.memory_space<vmem>>
      %dma_wait3A_287 = tpu.memref_squeeze %dma_wait3A_286 : memref<1x8064xf32, #tpu.memory_space<vmem>> -> memref<8064xf32, #tpu.memory_space<vmem>>
      tpu.wait_dma2 semaphore(%arg10 : memref<!tpu.dma_semaphore, #tpu.memory_space<semaphore_mem>>) src(%dma_wait3A_287 : memref<8064xf32, #tpu.memory_space<vmem>>) dst(%dma_wait3A_284 : memref<8064xf32, #tpu.memory_space<hbm>>)
      %dma_wait3A_288 = arith.constant 6 : i32
      %dma_wait3A_289 = arith.constant 0 : i32
      %dma_wait3A_290 = tpu.memref_slice %arg8[%dma_wait3A_288, %dma_wait3A_289] : memref<8x8064xf32, #tpu.memory_space<vmem>> -> memref<1x8064xf32, #tpu.memory_space<vmem>>
      %dma_wait3A_291 = tpu.memref_squeeze %dma_wait3A_290 : memref<1x8064xf32, #tpu.memory_space<vmem>> -> memref<8064xf32, #tpu.memory_space<vmem>>
      %dma_wait3A_292 = tpu.memref_slice %arg6[%multiple_of3A_208] : memref<32004096xf32, #tpu.memory_space<hbm>> -> memref<8064xf32, #tpu.memory_space<hbm>>
      %dma_wait3A_293 = tpu.memref_slice %arg6[%multiple_of3A_208] : memref<32004096xf32, #tpu.memory_space<hbm>> -> memref<8064xf32, #tpu.memory_space<hbm>>
      %dma_wait3A_294 = arith.constant 0 : i32
      %dma_wait3A_295 = tpu.memref_slice %arg8[%dma_wait3A_288, %dma_wait3A_294] : memref<8x8064xf32, #tpu.memory_space<vmem>> -> memref<1x8064xf32, #tpu.memory_space<vmem>>
      %dma_wait3A_296 = tpu.memref_squeeze %dma_wait3A_295 : memref<1x8064xf32, #tpu.memory_space<vmem>> -> memref<8064xf32, #tpu.memory_space<vmem>>
      tpu.wait_dma2 semaphore(%arg10 : memref<!tpu.dma_semaphore, #tpu.memory_space<semaphore_mem>>) src(%dma_wait3A_296 : memref<8064xf32, #tpu.memory_space<vmem>>) dst(%dma_wait3A_293 : memref<8064xf32, #tpu.memory_space<hbm>>)
      %dma_wait3A_297 = arith.constant 7 : i32
      %dma_wait3A_298 = arith.constant 0 : i32
      %dma_wait3A_299 = tpu.memref_slice %arg8[%dma_wait3A_297, %dma_wait3A_298] : memref<8x8064xf32, #tpu.memory_space<vmem>> -> memref<1x8064xf32, #tpu.memory_space<vmem>>
      %dma_wait3A_300 = tpu.memref_squeeze %dma_wait3A_299 : memref<1x8064xf32, #tpu.memory_space<vmem>> -> memref<8064xf32, #tpu.memory_space<vmem>>
      %dma_wait3A_301 = tpu.memref_slice %arg6[%multiple_of3A_225] : memref<32004096xf32, #tpu.memory_space<hbm>> -> memref<8064xf32, #tpu.memory_space<hbm>>
      %dma_wait3A_302 = tpu.memref_slice %arg6[%multiple_of3A_225] : memref<32004096xf32, #tpu.memory_space<hbm>> -> memref<8064xf32, #tpu.memory_space<hbm>>
      %dma_wait3A_303 = arith.constant 0 : i32
      %dma_wait3A_304 = tpu.memref_slice %arg8[%dma_wait3A_297, %dma_wait3A_303] : memref<8x8064xf32, #tpu.memory_space<vmem>> -> memref<1x8064xf32, #tpu.memory_space<vmem>>
      %dma_wait3A_305 = tpu.memref_squeeze %dma_wait3A_304 : memref<1x8064xf32, #tpu.memory_space<vmem>> -> memref<8064xf32, #tpu.memory_space<vmem>>
      tpu.wait_dma2 semaphore(%arg10 : memref<!tpu.dma_semaphore, #tpu.memory_space<semaphore_mem>>) src(%dma_wait3A_305 : memref<8064xf32, #tpu.memory_space<vmem>>) dst(%dma_wait3A_302 : memref<8064xf32, #tpu.memory_space<hbm>>)
    } else {
    }
    %eq3A_74 = arith.constant 1 : i32
    %eq3A_75 = arith.cmpi eq, %select_n3A, %eq3A_74 : i32
    %convert_element_type3A_76 = arith.extui %eq3A_75 : i1 to i32
    %cond3A_77 = arith.constant 0 : i32
    %cond3A_78 = arith.cmpi ne, %convert_element_type3A_76, %cond3A_77 : i32
    scf.if %cond3A_78 {
      %scan3A = arith.constant 0 : i32
      %scan3A_89 = arith.constant 0 : i32
      %scan3A_90 = arith.constant 15 : i32
      %scan3A_91 = arith.addi %scan3A_89, %scan3A_90 : i32
      %scan3A_92 = arith.constant 1 : i32
      scf.for %scan3A_306 = %scan3A_89 to %scan3A_91 step %scan3A_92  : i32 {
        %mul3A_307 = arith.constant 2 : i32
        %mul3A_308 = arith.muli %mul3A_307, %scan3A_306 : i32
        %mul3A_309 = arith.constant 249984 : i32
        %mul3A_310 = arith.muli %select_n3A_70, %mul3A_309 : i32
        %mul3A_311 = arith.constant 8064 : i32
        %mul3A_312 = arith.muli %mul3A_308, %mul3A_311 : i32
        %add3A_313 = arith.addi %mul3A_310, %mul3A_312 : i32
        %multiple_of3A_314 = tpu.assume_multiple %add3A_313, 128 : i32
        %mul3A_315 = arith.constant 8 : i32
        %mul3A_316 = arith.muli %mul3A_315, %select_n3A_54 : i32
        "tpu.region"() ({
          %run_scoped3A = tpu.sem_alloc : memref<!tpu.dma_semaphore, #tpu.memory_space<semaphore_mem>>
          %dma_start3A_745 = tpu.memref_slice %arg3[%mul3A_316, %multiple_of3A_314] : memref<32x1000000xf32, #tpu.memory_space<hbm>> -> memref<8x8064xf32, #tpu.memory_space<hbm>>
          %dma_start3A_746 = tpu.memref_slice %arg3[%mul3A_316, %multiple_of3A_314] : memref<32x1000000xf32, #tpu.memory_space<hbm>> -> memref<8x8064xf32, #tpu.memory_space<hbm>>
          tpu.enqueue_dma source(%dma_start3A_746 : memref<8x8064xf32, #tpu.memory_space<hbm>>) target(%arg8 : memref<8x8064xf32, #tpu.memory_space<vmem>>) target_semaphore(%run_scoped3A : memref<!tpu.dma_semaphore, #tpu.memory_space<semaphore_mem>>)
          %dma_wait3A_747 = tpu.memref_slice %arg3[%mul3A_316, %multiple_of3A_314] : memref<32x1000000xf32, #tpu.memory_space<hbm>> -> memref<8x8064xf32, #tpu.memory_space<hbm>>
          %dma_wait3A_748 = tpu.memref_slice %arg3[%mul3A_316, %multiple_of3A_314] : memref<32x1000000xf32, #tpu.memory_space<hbm>> -> memref<8x8064xf32, #tpu.memory_space<hbm>>
          tpu.wait_dma2 semaphore(%run_scoped3A : memref<!tpu.dma_semaphore, #tpu.memory_space<semaphore_mem>>) src(%dma_wait3A_748 : memref<8x8064xf32, #tpu.memory_space<hbm>>) dst(%arg8 : memref<8x8064xf32, #tpu.memory_space<vmem>>)
          tpu.yield
        }) : () -> ()
        %mul3A_317 = arith.constant 8 : i32
        %mul3A_318 = arith.muli %mul3A_317, %select_n3A_54 : i32
        %add3A_319 = arith.constant 0 : i32
        %add3A_320 = arith.addi %mul3A_318, %add3A_319 : i32
        %mul3A_321 = arith.constant 1000064 : i32
        %mul3A_322 = arith.muli %add3A_320, %mul3A_321 : i32
        %add3A_323 = arith.addi %mul3A_322, %multiple_of3A_314 : i32
        %multiple_of3A_324 = tpu.assume_multiple %add3A_323, 128 : i32
        %dma_start3A_325 = arith.constant 0 : i32
        %dma_start3A_326 = arith.constant 0 : i32
        %dma_start3A_327 = tpu.memref_slice %arg8[%dma_start3A_325, %dma_start3A_326] : memref<8x8064xf32, #tpu.memory_space<vmem>> -> memref<1x8064xf32, #tpu.memory_space<vmem>>
        %dma_start3A_328 = tpu.memref_squeeze %dma_start3A_327 : memref<1x8064xf32, #tpu.memory_space<vmem>> -> memref<8064xf32, #tpu.memory_space<vmem>>
        %dma_start3A_329 = tpu.memref_slice %arg7[%multiple_of3A_324] : memref<32004096xf32, #tpu.memory_space<hbm>> -> memref<8064xf32, #tpu.memory_space<hbm>>
        %dma_start3A_330 = tpu.memref_slice %arg7[%multiple_of3A_324] : memref<32004096xf32, #tpu.memory_space<hbm>> -> memref<8064xf32, #tpu.memory_space<hbm>>
        %dma_start3A_331 = arith.constant 0 : i32
        %dma_start3A_332 = tpu.memref_slice %arg8[%dma_start3A_325, %dma_start3A_331] : memref<8x8064xf32, #tpu.memory_space<vmem>> -> memref<1x8064xf32, #tpu.memory_space<vmem>>
        %dma_start3A_333 = tpu.memref_squeeze %dma_start3A_332 : memref<1x8064xf32, #tpu.memory_space<vmem>> -> memref<8064xf32, #tpu.memory_space<vmem>>
        tpu.enqueue_dma source(%dma_start3A_333 : memref<8064xf32, #tpu.memory_space<vmem>>) target(%dma_start3A_330 : memref<8064xf32, #tpu.memory_space<hbm>>) target_semaphore(%arg10 : memref<!tpu.dma_semaphore, #tpu.memory_space<semaphore_mem>>)
        %mul3A_334 = arith.constant 8 : i32
        %mul3A_335 = arith.muli %mul3A_334, %select_n3A_54 : i32
        %add3A_336 = arith.constant 1 : i32
        %add3A_337 = arith.addi %mul3A_335, %add3A_336 : i32
        %mul3A_338 = arith.constant 1000064 : i32
        %mul3A_339 = arith.muli %add3A_337, %mul3A_338 : i32
        %add3A_340 = arith.addi %mul3A_339, %multiple_of3A_314 : i32
        %multiple_of3A_341 = tpu.assume_multiple %add3A_340, 128 : i32
        %dma_start3A_342 = arith.constant 1 : i32
        %dma_start3A_343 = arith.constant 0 : i32
        %dma_start3A_344 = tpu.memref_slice %arg8[%dma_start3A_342, %dma_start3A_343] : memref<8x8064xf32, #tpu.memory_space<vmem>> -> memref<1x8064xf32, #tpu.memory_space<vmem>>
        %dma_start3A_345 = tpu.memref_squeeze %dma_start3A_344 : memref<1x8064xf32, #tpu.memory_space<vmem>> -> memref<8064xf32, #tpu.memory_space<vmem>>
        %dma_start3A_346 = tpu.memref_slice %arg7[%multiple_of3A_341] : memref<32004096xf32, #tpu.memory_space<hbm>> -> memref<8064xf32, #tpu.memory_space<hbm>>
        %dma_start3A_347 = tpu.memref_slice %arg7[%multiple_of3A_341] : memref<32004096xf32, #tpu.memory_space<hbm>> -> memref<8064xf32, #tpu.memory_space<hbm>>
        %dma_start3A_348 = arith.constant 0 : i32
        %dma_start3A_349 = tpu.memref_slice %arg8[%dma_start3A_342, %dma_start3A_348] : memref<8x8064xf32, #tpu.memory_space<vmem>> -> memref<1x8064xf32, #tpu.memory_space<vmem>>
        %dma_start3A_350 = tpu.memref_squeeze %dma_start3A_349 : memref<1x8064xf32, #tpu.memory_space<vmem>> -> memref<8064xf32, #tpu.memory_space<vmem>>
        tpu.enqueue_dma source(%dma_start3A_350 : memref<8064xf32, #tpu.memory_space<vmem>>) target(%dma_start3A_347 : memref<8064xf32, #tpu.memory_space<hbm>>) target_semaphore(%arg10 : memref<!tpu.dma_semaphore, #tpu.memory_space<semaphore_mem>>)
        %mul3A_351 = arith.constant 8 : i32
        %mul3A_352 = arith.muli %mul3A_351, %select_n3A_54 : i32
        %add3A_353 = arith.constant 2 : i32
        %add3A_354 = arith.addi %mul3A_352, %add3A_353 : i32
        %mul3A_355 = arith.constant 1000064 : i32
        %mul3A_356 = arith.muli %add3A_354, %mul3A_355 : i32
        %add3A_357 = arith.addi %mul3A_356, %multiple_of3A_314 : i32
        %multiple_of3A_358 = tpu.assume_multiple %add3A_357, 128 : i32
        %dma_start3A_359 = arith.constant 2 : i32
        %dma_start3A_360 = arith.constant 0 : i32
        %dma_start3A_361 = tpu.memref_slice %arg8[%dma_start3A_359, %dma_start3A_360] : memref<8x8064xf32, #tpu.memory_space<vmem>> -> memref<1x8064xf32, #tpu.memory_space<vmem>>
        %dma_start3A_362 = tpu.memref_squeeze %dma_start3A_361 : memref<1x8064xf32, #tpu.memory_space<vmem>> -> memref<8064xf32, #tpu.memory_space<vmem>>
        %dma_start3A_363 = tpu.memref_slice %arg7[%multiple_of3A_358] : memref<32004096xf32, #tpu.memory_space<hbm>> -> memref<8064xf32, #tpu.memory_space<hbm>>
        %dma_start3A_364 = tpu.memref_slice %arg7[%multiple_of3A_358] : memref<32004096xf32, #tpu.memory_space<hbm>> -> memref<8064xf32, #tpu.memory_space<hbm>>
        %dma_start3A_365 = arith.constant 0 : i32
        %dma_start3A_366 = tpu.memref_slice %arg8[%dma_start3A_359, %dma_start3A_365] : memref<8x8064xf32, #tpu.memory_space<vmem>> -> memref<1x8064xf32, #tpu.memory_space<vmem>>
        %dma_start3A_367 = tpu.memref_squeeze %dma_start3A_366 : memref<1x8064xf32, #tpu.memory_space<vmem>> -> memref<8064xf32, #tpu.memory_space<vmem>>
        tpu.enqueue_dma source(%dma_start3A_367 : memref<8064xf32, #tpu.memory_space<vmem>>) target(%dma_start3A_364 : memref<8064xf32, #tpu.memory_space<hbm>>) target_semaphore(%arg10 : memref<!tpu.dma_semaphore, #tpu.memory_space<semaphore_mem>>)
        %mul3A_368 = arith.constant 8 : i32
        %mul3A_369 = arith.muli %mul3A_368, %select_n3A_54 : i32
        %add3A_370 = arith.constant 3 : i32
        %add3A_371 = arith.addi %mul3A_369, %add3A_370 : i32
        %mul3A_372 = arith.constant 1000064 : i32
        %mul3A_373 = arith.muli %add3A_371, %mul3A_372 : i32
        %add3A_374 = arith.addi %mul3A_373, %multiple_of3A_314 : i32
        %multiple_of3A_375 = tpu.assume_multiple %add3A_374, 128 : i32
        %dma_start3A_376 = arith.constant 3 : i32
        %dma_start3A_377 = arith.constant 0 : i32
        %dma_start3A_378 = tpu.memref_slice %arg8[%dma_start3A_376, %dma_start3A_377] : memref<8x8064xf32, #tpu.memory_space<vmem>> -> memref<1x8064xf32, #tpu.memory_space<vmem>>
        %dma_start3A_379 = tpu.memref_squeeze %dma_start3A_378 : memref<1x8064xf32, #tpu.memory_space<vmem>> -> memref<8064xf32, #tpu.memory_space<vmem>>
        %dma_start3A_380 = tpu.memref_slice %arg7[%multiple_of3A_375] : memref<32004096xf32, #tpu.memory_space<hbm>> -> memref<8064xf32, #tpu.memory_space<hbm>>
        %dma_start3A_381 = tpu.memref_slice %arg7[%multiple_of3A_375] : memref<32004096xf32, #tpu.memory_space<hbm>> -> memref<8064xf32, #tpu.memory_space<hbm>>
        %dma_start3A_382 = arith.constant 0 : i32
        %dma_start3A_383 = tpu.memref_slice %arg8[%dma_start3A_376, %dma_start3A_382] : memref<8x8064xf32, #tpu.memory_space<vmem>> -> memref<1x8064xf32, #tpu.memory_space<vmem>>
        %dma_start3A_384 = tpu.memref_squeeze %dma_start3A_383 : memref<1x8064xf32, #tpu.memory_space<vmem>> -> memref<8064xf32, #tpu.memory_space<vmem>>
        tpu.enqueue_dma source(%dma_start3A_384 : memref<8064xf32, #tpu.memory_space<vmem>>) target(%dma_start3A_381 : memref<8064xf32, #tpu.memory_space<hbm>>) target_semaphore(%arg10 : memref<!tpu.dma_semaphore, #tpu.memory_space<semaphore_mem>>)
        %mul3A_385 = arith.constant 8 : i32
        %mul3A_386 = arith.muli %mul3A_385, %select_n3A_54 : i32
        %add3A_387 = arith.constant 4 : i32
        %add3A_388 = arith.addi %mul3A_386, %add3A_387 : i32
        %mul3A_389 = arith.constant 1000064 : i32
        %mul3A_390 = arith.muli %add3A_388, %mul3A_389 : i32
        %add3A_391 = arith.addi %mul3A_390, %multiple_of3A_314 : i32
        %multiple_of3A_392 = tpu.assume_multiple %add3A_391, 128 : i32
        %dma_start3A_393 = arith.constant 4 : i32
        %dma_start3A_394 = arith.constant 0 : i32
        %dma_start3A_395 = tpu.memref_slice %arg8[%dma_start3A_393, %dma_start3A_394] : memref<8x8064xf32, #tpu.memory_space<vmem>> -> memref<1x8064xf32, #tpu.memory_space<vmem>>
        %dma_start3A_396 = tpu.memref_squeeze %dma_start3A_395 : memref<1x8064xf32, #tpu.memory_space<vmem>> -> memref<8064xf32, #tpu.memory_space<vmem>>
        %dma_start3A_397 = tpu.memref_slice %arg7[%multiple_of3A_392] : memref<32004096xf32, #tpu.memory_space<hbm>> -> memref<8064xf32, #tpu.memory_space<hbm>>
        %dma_start3A_398 = tpu.memref_slice %arg7[%multiple_of3A_392] : memref<32004096xf32, #tpu.memory_space<hbm>> -> memref<8064xf32, #tpu.memory_space<hbm>>
        %dma_start3A_399 = arith.constant 0 : i32
        %dma_start3A_400 = tpu.memref_slice %arg8[%dma_start3A_393, %dma_start3A_399] : memref<8x8064xf32, #tpu.memory_space<vmem>> -> memref<1x8064xf32, #tpu.memory_space<vmem>>
        %dma_start3A_401 = tpu.memref_squeeze %dma_start3A_400 : memref<1x8064xf32, #tpu.memory_space<vmem>> -> memref<8064xf32, #tpu.memory_space<vmem>>
        tpu.enqueue_dma source(%dma_start3A_401 : memref<8064xf32, #tpu.memory_space<vmem>>) target(%dma_start3A_398 : memref<8064xf32, #tpu.memory_space<hbm>>) target_semaphore(%arg10 : memref<!tpu.dma_semaphore, #tpu.memory_space<semaphore_mem>>)
        %mul3A_402 = arith.constant 8 : i32
        %mul3A_403 = arith.muli %mul3A_402, %select_n3A_54 : i32
        %add3A_404 = arith.constant 5 : i32
        %add3A_405 = arith.addi %mul3A_403, %add3A_404 : i32
        %mul3A_406 = arith.constant 1000064 : i32
        %mul3A_407 = arith.muli %add3A_405, %mul3A_406 : i32
        %add3A_408 = arith.addi %mul3A_407, %multiple_of3A_314 : i32
        %multiple_of3A_409 = tpu.assume_multiple %add3A_408, 128 : i32
        %dma_start3A_410 = arith.constant 5 : i32
        %dma_start3A_411 = arith.constant 0 : i32
        %dma_start3A_412 = tpu.memref_slice %arg8[%dma_start3A_410, %dma_start3A_411] : memref<8x8064xf32, #tpu.memory_space<vmem>> -> memref<1x8064xf32, #tpu.memory_space<vmem>>
        %dma_start3A_413 = tpu.memref_squeeze %dma_start3A_412 : memref<1x8064xf32, #tpu.memory_space<vmem>> -> memref<8064xf32, #tpu.memory_space<vmem>>
        %dma_start3A_414 = tpu.memref_slice %arg7[%multiple_of3A_409] : memref<32004096xf32, #tpu.memory_space<hbm>> -> memref<8064xf32, #tpu.memory_space<hbm>>
        %dma_start3A_415 = tpu.memref_slice %arg7[%multiple_of3A_409] : memref<32004096xf32, #tpu.memory_space<hbm>> -> memref<8064xf32, #tpu.memory_space<hbm>>
        %dma_start3A_416 = arith.constant 0 : i32
        %dma_start3A_417 = tpu.memref_slice %arg8[%dma_start3A_410, %dma_start3A_416] : memref<8x8064xf32, #tpu.memory_space<vmem>> -> memref<1x8064xf32, #tpu.memory_space<vmem>>
        %dma_start3A_418 = tpu.memref_squeeze %dma_start3A_417 : memref<1x8064xf32, #tpu.memory_space<vmem>> -> memref<8064xf32, #tpu.memory_space<vmem>>
        tpu.enqueue_dma source(%dma_start3A_418 : memref<8064xf32, #tpu.memory_space<vmem>>) target(%dma_start3A_415 : memref<8064xf32, #tpu.memory_space<hbm>>) target_semaphore(%arg10 : memref<!tpu.dma_semaphore, #tpu.memory_space<semaphore_mem>>)
        %mul3A_419 = arith.constant 8 : i32
        %mul3A_420 = arith.muli %mul3A_419, %select_n3A_54 : i32
        %add3A_421 = arith.constant 6 : i32
        %add3A_422 = arith.addi %mul3A_420, %add3A_421 : i32
        %mul3A_423 = arith.constant 1000064 : i32
        %mul3A_424 = arith.muli %add3A_422, %mul3A_423 : i32
        %add3A_425 = arith.addi %mul3A_424, %multiple_of3A_314 : i32
        %multiple_of3A_426 = tpu.assume_multiple %add3A_425, 128 : i32
        %dma_start3A_427 = arith.constant 6 : i32
        %dma_start3A_428 = arith.constant 0 : i32
        %dma_start3A_429 = tpu.memref_slice %arg8[%dma_start3A_427, %dma_start3A_428] : memref<8x8064xf32, #tpu.memory_space<vmem>> -> memref<1x8064xf32, #tpu.memory_space<vmem>>
        %dma_start3A_430 = tpu.memref_squeeze %dma_start3A_429 : memref<1x8064xf32, #tpu.memory_space<vmem>> -> memref<8064xf32, #tpu.memory_space<vmem>>
        %dma_start3A_431 = tpu.memref_slice %arg7[%multiple_of3A_426] : memref<32004096xf32, #tpu.memory_space<hbm>> -> memref<8064xf32, #tpu.memory_space<hbm>>
        %dma_start3A_432 = tpu.memref_slice %arg7[%multiple_of3A_426] : memref<32004096xf32, #tpu.memory_space<hbm>> -> memref<8064xf32, #tpu.memory_space<hbm>>
        %dma_start3A_433 = arith.constant 0 : i32
        %dma_start3A_434 = tpu.memref_slice %arg8[%dma_start3A_427, %dma_start3A_433] : memref<8x8064xf32, #tpu.memory_space<vmem>> -> memref<1x8064xf32, #tpu.memory_space<vmem>>
        %dma_start3A_435 = tpu.memref_squeeze %dma_start3A_434 : memref<1x8064xf32, #tpu.memory_space<vmem>> -> memref<8064xf32, #tpu.memory_space<vmem>>
        tpu.enqueue_dma source(%dma_start3A_435 : memref<8064xf32, #tpu.memory_space<vmem>>) target(%dma_start3A_432 : memref<8064xf32, #tpu.memory_space<hbm>>) target_semaphore(%arg10 : memref<!tpu.dma_semaphore, #tpu.memory_space<semaphore_mem>>)
        %mul3A_436 = arith.constant 8 : i32
        %mul3A_437 = arith.muli %mul3A_436, %select_n3A_54 : i32
        %add3A_438 = arith.constant 7 : i32
        %add3A_439 = arith.addi %mul3A_437, %add3A_438 : i32
        %mul3A_440 = arith.constant 1000064 : i32
        %mul3A_441 = arith.muli %add3A_439, %mul3A_440 : i32
        %add3A_442 = arith.addi %mul3A_441, %multiple_of3A_314 : i32
        %multiple_of3A_443 = tpu.assume_multiple %add3A_442, 128 : i32
        %dma_start3A_444 = arith.constant 7 : i32
        %dma_start3A_445 = arith.constant 0 : i32
        %dma_start3A_446 = tpu.memref_slice %arg8[%dma_start3A_444, %dma_start3A_445] : memref<8x8064xf32, #tpu.memory_space<vmem>> -> memref<1x8064xf32, #tpu.memory_space<vmem>>
        %dma_start3A_447 = tpu.memref_squeeze %dma_start3A_446 : memref<1x8064xf32, #tpu.memory_space<vmem>> -> memref<8064xf32, #tpu.memory_space<vmem>>
        %dma_start3A_448 = tpu.memref_slice %arg7[%multiple_of3A_443] : memref<32004096xf32, #tpu.memory_space<hbm>> -> memref<8064xf32, #tpu.memory_space<hbm>>
        %dma_start3A_449 = tpu.memref_slice %arg7[%multiple_of3A_443] : memref<32004096xf32, #tpu.memory_space<hbm>> -> memref<8064xf32, #tpu.memory_space<hbm>>
        %dma_start3A_450 = arith.constant 0 : i32
        %dma_start3A_451 = tpu.memref_slice %arg8[%dma_start3A_444, %dma_start3A_450] : memref<8x8064xf32, #tpu.memory_space<vmem>> -> memref<1x8064xf32, #tpu.memory_space<vmem>>
        %dma_start3A_452 = tpu.memref_squeeze %dma_start3A_451 : memref<1x8064xf32, #tpu.memory_space<vmem>> -> memref<8064xf32, #tpu.memory_space<vmem>>
        tpu.enqueue_dma source(%dma_start3A_452 : memref<8064xf32, #tpu.memory_space<vmem>>) target(%dma_start3A_449 : memref<8064xf32, #tpu.memory_space<hbm>>) target_semaphore(%arg10 : memref<!tpu.dma_semaphore, #tpu.memory_space<semaphore_mem>>)
        %mul3A_453 = arith.constant 2 : i32
        %mul3A_454 = arith.muli %mul3A_453, %scan3A_306 : i32
        %add3A_455 = arith.constant 1 : i32
        %add3A_456 = arith.addi %mul3A_454, %add3A_455 : i32
        %mul3A_457 = arith.constant 249984 : i32
        %mul3A_458 = arith.muli %select_n3A_70, %mul3A_457 : i32
        %mul3A_459 = arith.constant 8064 : i32
        %mul3A_460 = arith.muli %add3A_456, %mul3A_459 : i32
        %add3A_461 = arith.addi %mul3A_458, %mul3A_460 : i32
        %multiple_of3A_462 = tpu.assume_multiple %add3A_461, 128 : i32
        %mul3A_463 = arith.constant 8 : i32
        %mul3A_464 = arith.muli %mul3A_463, %select_n3A_54 : i32
        "tpu.region"() ({
          %run_scoped3A = tpu.sem_alloc : memref<!tpu.dma_semaphore, #tpu.memory_space<semaphore_mem>>
          %dma_start3A_745 = tpu.memref_slice %arg3[%mul3A_464, %multiple_of3A_462] : memref<32x1000000xf32, #tpu.memory_space<hbm>> -> memref<8x8064xf32, #tpu.memory_space<hbm>>
          %dma_start3A_746 = tpu.memref_slice %arg3[%mul3A_464, %multiple_of3A_462] : memref<32x1000000xf32, #tpu.memory_space<hbm>> -> memref<8x8064xf32, #tpu.memory_space<hbm>>
          tpu.enqueue_dma source(%dma_start3A_746 : memref<8x8064xf32, #tpu.memory_space<hbm>>) target(%arg9 : memref<8x8064xf32, #tpu.memory_space<vmem>>) target_semaphore(%run_scoped3A : memref<!tpu.dma_semaphore, #tpu.memory_space<semaphore_mem>>)
          %dma_wait3A_747 = tpu.memref_slice %arg3[%mul3A_464, %multiple_of3A_462] : memref<32x1000000xf32, #tpu.memory_space<hbm>> -> memref<8x8064xf32, #tpu.memory_space<hbm>>
          %dma_wait3A_748 = tpu.memref_slice %arg3[%mul3A_464, %multiple_of3A_462] : memref<32x1000000xf32, #tpu.memory_space<hbm>> -> memref<8x8064xf32, #tpu.memory_space<hbm>>
          tpu.wait_dma2 semaphore(%run_scoped3A : memref<!tpu.dma_semaphore, #tpu.memory_space<semaphore_mem>>) src(%dma_wait3A_748 : memref<8x8064xf32, #tpu.memory_space<hbm>>) dst(%arg9 : memref<8x8064xf32, #tpu.memory_space<vmem>>)
          tpu.yield
        }) : () -> ()
        %mul3A_465 = arith.constant 8 : i32
        %mul3A_466 = arith.muli %mul3A_465, %select_n3A_54 : i32
        %add3A_467 = arith.constant 0 : i32
        %add3A_468 = arith.addi %mul3A_466, %add3A_467 : i32
        %mul3A_469 = arith.constant 1000064 : i32
        %mul3A_470 = arith.muli %add3A_468, %mul3A_469 : i32
        %add3A_471 = arith.addi %mul3A_470, %multiple_of3A_462 : i32
        %multiple_of3A_472 = tpu.assume_multiple %add3A_471, 128 : i32
        %dma_start3A_473 = arith.constant 0 : i32
        %dma_start3A_474 = arith.constant 0 : i32
        %dma_start3A_475 = tpu.memref_slice %arg9[%dma_start3A_473, %dma_start3A_474] : memref<8x8064xf32, #tpu.memory_space<vmem>> -> memref<1x8064xf32, #tpu.memory_space<vmem>>
        %dma_start3A_476 = tpu.memref_squeeze %dma_start3A_475 : memref<1x8064xf32, #tpu.memory_space<vmem>> -> memref<8064xf32, #tpu.memory_space<vmem>>
        %dma_start3A_477 = tpu.memref_slice %arg7[%multiple_of3A_472] : memref<32004096xf32, #tpu.memory_space<hbm>> -> memref<8064xf32, #tpu.memory_space<hbm>>
        %dma_start3A_478 = tpu.memref_slice %arg7[%multiple_of3A_472] : memref<32004096xf32, #tpu.memory_space<hbm>> -> memref<8064xf32, #tpu.memory_space<hbm>>
        %dma_start3A_479 = arith.constant 0 : i32
        %dma_start3A_480 = tpu.memref_slice %arg9[%dma_start3A_473, %dma_start3A_479] : memref<8x8064xf32, #tpu.memory_space<vmem>> -> memref<1x8064xf32, #tpu.memory_space<vmem>>
        %dma_start3A_481 = tpu.memref_squeeze %dma_start3A_480 : memref<1x8064xf32, #tpu.memory_space<vmem>> -> memref<8064xf32, #tpu.memory_space<vmem>>
        tpu.enqueue_dma source(%dma_start3A_481 : memref<8064xf32, #tpu.memory_space<vmem>>) target(%dma_start3A_478 : memref<8064xf32, #tpu.memory_space<hbm>>) target_semaphore(%arg10 : memref<!tpu.dma_semaphore, #tpu.memory_space<semaphore_mem>>)
        %mul3A_482 = arith.constant 8 : i32
        %mul3A_483 = arith.muli %mul3A_482, %select_n3A_54 : i32
        %add3A_484 = arith.constant 1 : i32
        %add3A_485 = arith.addi %mul3A_483, %add3A_484 : i32
        %mul3A_486 = arith.constant 1000064 : i32
        %mul3A_487 = arith.muli %add3A_485, %mul3A_486 : i32
        %add3A_488 = arith.addi %mul3A_487, %multiple_of3A_462 : i32
        %multiple_of3A_489 = tpu.assume_multiple %add3A_488, 128 : i32
        %dma_start3A_490 = arith.constant 1 : i32
        %dma_start3A_491 = arith.constant 0 : i32
        %dma_start3A_492 = tpu.memref_slice %arg9[%dma_start3A_490, %dma_start3A_491] : memref<8x8064xf32, #tpu.memory_space<vmem>> -> memref<1x8064xf32, #tpu.memory_space<vmem>>
        %dma_start3A_493 = tpu.memref_squeeze %dma_start3A_492 : memref<1x8064xf32, #tpu.memory_space<vmem>> -> memref<8064xf32, #tpu.memory_space<vmem>>
        %dma_start3A_494 = tpu.memref_slice %arg7[%multiple_of3A_489] : memref<32004096xf32, #tpu.memory_space<hbm>> -> memref<8064xf32, #tpu.memory_space<hbm>>
        %dma_start3A_495 = tpu.memref_slice %arg7[%multiple_of3A_489] : memref<32004096xf32, #tpu.memory_space<hbm>> -> memref<8064xf32, #tpu.memory_space<hbm>>
        %dma_start3A_496 = arith.constant 0 : i32
        %dma_start3A_497 = tpu.memref_slice %arg9[%dma_start3A_490, %dma_start3A_496] : memref<8x8064xf32, #tpu.memory_space<vmem>> -> memref<1x8064xf32, #tpu.memory_space<vmem>>
        %dma_start3A_498 = tpu.memref_squeeze %dma_start3A_497 : memref<1x8064xf32, #tpu.memory_space<vmem>> -> memref<8064xf32, #tpu.memory_space<vmem>>
        tpu.enqueue_dma source(%dma_start3A_498 : memref<8064xf32, #tpu.memory_space<vmem>>) target(%dma_start3A_495 : memref<8064xf32, #tpu.memory_space<hbm>>) target_semaphore(%arg10 : memref<!tpu.dma_semaphore, #tpu.memory_space<semaphore_mem>>)
        %mul3A_499 = arith.constant 8 : i32
        %mul3A_500 = arith.muli %mul3A_499, %select_n3A_54 : i32
        %add3A_501 = arith.constant 2 : i32
        %add3A_502 = arith.addi %mul3A_500, %add3A_501 : i32
        %mul3A_503 = arith.constant 1000064 : i32
        %mul3A_504 = arith.muli %add3A_502, %mul3A_503 : i32
        %add3A_505 = arith.addi %mul3A_504, %multiple_of3A_462 : i32
        %multiple_of3A_506 = tpu.assume_multiple %add3A_505, 128 : i32
        %dma_start3A_507 = arith.constant 2 : i32
        %dma_start3A_508 = arith.constant 0 : i32
        %dma_start3A_509 = tpu.memref_slice %arg9[%dma_start3A_507, %dma_start3A_508] : memref<8x8064xf32, #tpu.memory_space<vmem>> -> memref<1x8064xf32, #tpu.memory_space<vmem>>
        %dma_start3A_510 = tpu.memref_squeeze %dma_start3A_509 : memref<1x8064xf32, #tpu.memory_space<vmem>> -> memref<8064xf32, #tpu.memory_space<vmem>>
        %dma_start3A_511 = tpu.memref_slice %arg7[%multiple_of3A_506] : memref<32004096xf32, #tpu.memory_space<hbm>> -> memref<8064xf32, #tpu.memory_space<hbm>>
        %dma_start3A_512 = tpu.memref_slice %arg7[%multiple_of3A_506] : memref<32004096xf32, #tpu.memory_space<hbm>> -> memref<8064xf32, #tpu.memory_space<hbm>>
        %dma_start3A_513 = arith.constant 0 : i32
        %dma_start3A_514 = tpu.memref_slice %arg9[%dma_start3A_507, %dma_start3A_513] : memref<8x8064xf32, #tpu.memory_space<vmem>> -> memref<1x8064xf32, #tpu.memory_space<vmem>>
        %dma_start3A_515 = tpu.memref_squeeze %dma_start3A_514 : memref<1x8064xf32, #tpu.memory_space<vmem>> -> memref<8064xf32, #tpu.memory_space<vmem>>
        tpu.enqueue_dma source(%dma_start3A_515 : memref<8064xf32, #tpu.memory_space<vmem>>) target(%dma_start3A_512 : memref<8064xf32, #tpu.memory_space<hbm>>) target_semaphore(%arg10 : memref<!tpu.dma_semaphore, #tpu.memory_space<semaphore_mem>>)
        %mul3A_516 = arith.constant 8 : i32
        %mul3A_517 = arith.muli %mul3A_516, %select_n3A_54 : i32
        %add3A_518 = arith.constant 3 : i32
        %add3A_519 = arith.addi %mul3A_517, %add3A_518 : i32
        %mul3A_520 = arith.constant 1000064 : i32
        %mul3A_521 = arith.muli %add3A_519, %mul3A_520 : i32
        %add3A_522 = arith.addi %mul3A_521, %multiple_of3A_462 : i32
        %multiple_of3A_523 = tpu.assume_multiple %add3A_522, 128 : i32
        %dma_start3A_524 = arith.constant 3 : i32
        %dma_start3A_525 = arith.constant 0 : i32
        %dma_start3A_526 = tpu.memref_slice %arg9[%dma_start3A_524, %dma_start3A_525] : memref<8x8064xf32, #tpu.memory_space<vmem>> -> memref<1x8064xf32, #tpu.memory_space<vmem>>
        %dma_start3A_527 = tpu.memref_squeeze %dma_start3A_526 : memref<1x8064xf32, #tpu.memory_space<vmem>> -> memref<8064xf32, #tpu.memory_space<vmem>>
        %dma_start3A_528 = tpu.memref_slice %arg7[%multiple_of3A_523] : memref<32004096xf32, #tpu.memory_space<hbm>> -> memref<8064xf32, #tpu.memory_space<hbm>>
        %dma_start3A_529 = tpu.memref_slice %arg7[%multiple_of3A_523] : memref<32004096xf32, #tpu.memory_space<hbm>> -> memref<8064xf32, #tpu.memory_space<hbm>>
        %dma_start3A_530 = arith.constant 0 : i32
        %dma_start3A_531 = tpu.memref_slice %arg9[%dma_start3A_524, %dma_start3A_530] : memref<8x8064xf32, #tpu.memory_space<vmem>> -> memref<1x8064xf32, #tpu.memory_space<vmem>>
        %dma_start3A_532 = tpu.memref_squeeze %dma_start3A_531 : memref<1x8064xf32, #tpu.memory_space<vmem>> -> memref<8064xf32, #tpu.memory_space<vmem>>
        tpu.enqueue_dma source(%dma_start3A_532 : memref<8064xf32, #tpu.memory_space<vmem>>) target(%dma_start3A_529 : memref<8064xf32, #tpu.memory_space<hbm>>) target_semaphore(%arg10 : memref<!tpu.dma_semaphore, #tpu.memory_space<semaphore_mem>>)
        %mul3A_533 = arith.constant 8 : i32
        %mul3A_534 = arith.muli %mul3A_533, %select_n3A_54 : i32
        %add3A_535 = arith.constant 4 : i32
        %add3A_536 = arith.addi %mul3A_534, %add3A_535 : i32
        %mul3A_537 = arith.constant 1000064 : i32
        %mul3A_538 = arith.muli %add3A_536, %mul3A_537 : i32
        %add3A_539 = arith.addi %mul3A_538, %multiple_of3A_462 : i32
        %multiple_of3A_540 = tpu.assume_multiple %add3A_539, 128 : i32
        %dma_start3A_541 = arith.constant 4 : i32
        %dma_start3A_542 = arith.constant 0 : i32
        %dma_start3A_543 = tpu.memref_slice %arg9[%dma_start3A_541, %dma_start3A_542] : memref<8x8064xf32, #tpu.memory_space<vmem>> -> memref<1x8064xf32, #tpu.memory_space<vmem>>
        %dma_start3A_544 = tpu.memref_squeeze %dma_start3A_543 : memref<1x8064xf32, #tpu.memory_space<vmem>> -> memref<8064xf32, #tpu.memory_space<vmem>>
        %dma_start3A_545 = tpu.memref_slice %arg7[%multiple_of3A_540] : memref<32004096xf32, #tpu.memory_space<hbm>> -> memref<8064xf32, #tpu.memory_space<hbm>>
        %dma_start3A_546 = tpu.memref_slice %arg7[%multiple_of3A_540] : memref<32004096xf32, #tpu.memory_space<hbm>> -> memref<8064xf32, #tpu.memory_space<hbm>>
        %dma_start3A_547 = arith.constant 0 : i32
        %dma_start3A_548 = tpu.memref_slice %arg9[%dma_start3A_541, %dma_start3A_547] : memref<8x8064xf32, #tpu.memory_space<vmem>> -> memref<1x8064xf32, #tpu.memory_space<vmem>>
        %dma_start3A_549 = tpu.memref_squeeze %dma_start3A_548 : memref<1x8064xf32, #tpu.memory_space<vmem>> -> memref<8064xf32, #tpu.memory_space<vmem>>
        tpu.enqueue_dma source(%dma_start3A_549 : memref<8064xf32, #tpu.memory_space<vmem>>) target(%dma_start3A_546 : memref<8064xf32, #tpu.memory_space<hbm>>) target_semaphore(%arg10 : memref<!tpu.dma_semaphore, #tpu.memory_space<semaphore_mem>>)
        %mul3A_550 = arith.constant 8 : i32
        %mul3A_551 = arith.muli %mul3A_550, %select_n3A_54 : i32
        %add3A_552 = arith.constant 5 : i32
        %add3A_553 = arith.addi %mul3A_551, %add3A_552 : i32
        %mul3A_554 = arith.constant 1000064 : i32
        %mul3A_555 = arith.muli %add3A_553, %mul3A_554 : i32
        %add3A_556 = arith.addi %mul3A_555, %multiple_of3A_462 : i32
        %multiple_of3A_557 = tpu.assume_multiple %add3A_556, 128 : i32
        %dma_start3A_558 = arith.constant 5 : i32
        %dma_start3A_559 = arith.constant 0 : i32
        %dma_start3A_560 = tpu.memref_slice %arg9[%dma_start3A_558, %dma_start3A_559] : memref<8x8064xf32, #tpu.memory_space<vmem>> -> memref<1x8064xf32, #tpu.memory_space<vmem>>
        %dma_start3A_561 = tpu.memref_squeeze %dma_start3A_560 : memref<1x8064xf32, #tpu.memory_space<vmem>> -> memref<8064xf32, #tpu.memory_space<vmem>>
        %dma_start3A_562 = tpu.memref_slice %arg7[%multiple_of3A_557] : memref<32004096xf32, #tpu.memory_space<hbm>> -> memref<8064xf32, #tpu.memory_space<hbm>>
        %dma_start3A_563 = tpu.memref_slice %arg7[%multiple_of3A_557] : memref<32004096xf32, #tpu.memory_space<hbm>> -> memref<8064xf32, #tpu.memory_space<hbm>>
        %dma_start3A_564 = arith.constant 0 : i32
        %dma_start3A_565 = tpu.memref_slice %arg9[%dma_start3A_558, %dma_start3A_564] : memref<8x8064xf32, #tpu.memory_space<vmem>> -> memref<1x8064xf32, #tpu.memory_space<vmem>>
        %dma_start3A_566 = tpu.memref_squeeze %dma_start3A_565 : memref<1x8064xf32, #tpu.memory_space<vmem>> -> memref<8064xf32, #tpu.memory_space<vmem>>
        tpu.enqueue_dma source(%dma_start3A_566 : memref<8064xf32, #tpu.memory_space<vmem>>) target(%dma_start3A_563 : memref<8064xf32, #tpu.memory_space<hbm>>) target_semaphore(%arg10 : memref<!tpu.dma_semaphore, #tpu.memory_space<semaphore_mem>>)
        %mul3A_567 = arith.constant 8 : i32
        %mul3A_568 = arith.muli %mul3A_567, %select_n3A_54 : i32
        %add3A_569 = arith.constant 6 : i32
        %add3A_570 = arith.addi %mul3A_568, %add3A_569 : i32
        %mul3A_571 = arith.constant 1000064 : i32
        %mul3A_572 = arith.muli %add3A_570, %mul3A_571 : i32
        %add3A_573 = arith.addi %mul3A_572, %multiple_of3A_462 : i32
        %multiple_of3A_574 = tpu.assume_multiple %add3A_573, 128 : i32
        %dma_start3A_575 = arith.constant 6 : i32
        %dma_start3A_576 = arith.constant 0 : i32
        %dma_start3A_577 = tpu.memref_slice %arg9[%dma_start3A_575, %dma_start3A_576] : memref<8x8064xf32, #tpu.memory_space<vmem>> -> memref<1x8064xf32, #tpu.memory_space<vmem>>
        %dma_start3A_578 = tpu.memref_squeeze %dma_start3A_577 : memref<1x8064xf32, #tpu.memory_space<vmem>> -> memref<8064xf32, #tpu.memory_space<vmem>>
        %dma_start3A_579 = tpu.memref_slice %arg7[%multiple_of3A_574] : memref<32004096xf32, #tpu.memory_space<hbm>> -> memref<8064xf32, #tpu.memory_space<hbm>>
        %dma_start3A_580 = tpu.memref_slice %arg7[%multiple_of3A_574] : memref<32004096xf32, #tpu.memory_space<hbm>> -> memref<8064xf32, #tpu.memory_space<hbm>>
        %dma_start3A_581 = arith.constant 0 : i32
        %dma_start3A_582 = tpu.memref_slice %arg9[%dma_start3A_575, %dma_start3A_581] : memref<8x8064xf32, #tpu.memory_space<vmem>> -> memref<1x8064xf32, #tpu.memory_space<vmem>>
        %dma_start3A_583 = tpu.memref_squeeze %dma_start3A_582 : memref<1x8064xf32, #tpu.memory_space<vmem>> -> memref<8064xf32, #tpu.memory_space<vmem>>
        tpu.enqueue_dma source(%dma_start3A_583 : memref<8064xf32, #tpu.memory_space<vmem>>) target(%dma_start3A_580 : memref<8064xf32, #tpu.memory_space<hbm>>) target_semaphore(%arg10 : memref<!tpu.dma_semaphore, #tpu.memory_space<semaphore_mem>>)
        %mul3A_584 = arith.constant 8 : i32
        %mul3A_585 = arith.muli %mul3A_584, %select_n3A_54 : i32
        %add3A_586 = arith.constant 7 : i32
        %add3A_587 = arith.addi %mul3A_585, %add3A_586 : i32
        %mul3A_588 = arith.constant 1000064 : i32
        %mul3A_589 = arith.muli %add3A_587, %mul3A_588 : i32
        %add3A_590 = arith.addi %mul3A_589, %multiple_of3A_462 : i32
        %multiple_of3A_591 = tpu.assume_multiple %add3A_590, 128 : i32
        %dma_start3A_592 = arith.constant 7 : i32
        %dma_start3A_593 = arith.constant 0 : i32
        %dma_start3A_594 = tpu.memref_slice %arg9[%dma_start3A_592, %dma_start3A_593] : memref<8x8064xf32, #tpu.memory_space<vmem>> -> memref<1x8064xf32, #tpu.memory_space<vmem>>
        %dma_start3A_595 = tpu.memref_squeeze %dma_start3A_594 : memref<1x8064xf32, #tpu.memory_space<vmem>> -> memref<8064xf32, #tpu.memory_space<vmem>>
        %dma_start3A_596 = tpu.memref_slice %arg7[%multiple_of3A_591] : memref<32004096xf32, #tpu.memory_space<hbm>> -> memref<8064xf32, #tpu.memory_space<hbm>>
        %dma_start3A_597 = tpu.memref_slice %arg7[%multiple_of3A_591] : memref<32004096xf32, #tpu.memory_space<hbm>> -> memref<8064xf32, #tpu.memory_space<hbm>>
        %dma_start3A_598 = arith.constant 0 : i32
        %dma_start3A_599 = tpu.memref_slice %arg9[%dma_start3A_592, %dma_start3A_598] : memref<8x8064xf32, #tpu.memory_space<vmem>> -> memref<1x8064xf32, #tpu.memory_space<vmem>>
        %dma_start3A_600 = tpu.memref_squeeze %dma_start3A_599 : memref<1x8064xf32, #tpu.memory_space<vmem>> -> memref<8064xf32, #tpu.memory_space<vmem>>
        tpu.enqueue_dma source(%dma_start3A_600 : memref<8064xf32, #tpu.memory_space<vmem>>) target(%dma_start3A_597 : memref<8064xf32, #tpu.memory_space<hbm>>) target_semaphore(%arg10 : memref<!tpu.dma_semaphore, #tpu.memory_space<semaphore_mem>>)
        %dma_wait3A_601 = arith.constant 0 : i32
        %dma_wait3A_602 = arith.constant 0 : i32
        %dma_wait3A_603 = tpu.memref_slice %arg8[%dma_wait3A_601, %dma_wait3A_602] : memref<8x8064xf32, #tpu.memory_space<vmem>> -> memref<1x8064xf32, #tpu.memory_space<vmem>>
        %dma_wait3A_604 = tpu.memref_squeeze %dma_wait3A_603 : memref<1x8064xf32, #tpu.memory_space<vmem>> -> memref<8064xf32, #tpu.memory_space<vmem>>
        %dma_wait3A_605 = tpu.memref_slice %arg7[%multiple_of3A_324] : memref<32004096xf32, #tpu.memory_space<hbm>> -> memref<8064xf32, #tpu.memory_space<hbm>>
        %dma_wait3A_606 = tpu.memref_slice %arg7[%multiple_of3A_324] : memref<32004096xf32, #tpu.memory_space<hbm>> -> memref<8064xf32, #tpu.memory_space<hbm>>
        %dma_wait3A_607 = arith.constant 0 : i32
        %dma_wait3A_608 = tpu.memref_slice %arg8[%dma_wait3A_601, %dma_wait3A_607] : memref<8x8064xf32, #tpu.memory_space<vmem>> -> memref<1x8064xf32, #tpu.memory_space<vmem>>
        %dma_wait3A_609 = tpu.memref_squeeze %dma_wait3A_608 : memref<1x8064xf32, #tpu.memory_space<vmem>> -> memref<8064xf32, #tpu.memory_space<vmem>>
        tpu.wait_dma2 semaphore(%arg10 : memref<!tpu.dma_semaphore, #tpu.memory_space<semaphore_mem>>) src(%dma_wait3A_609 : memref<8064xf32, #tpu.memory_space<vmem>>) dst(%dma_wait3A_606 : memref<8064xf32, #tpu.memory_space<hbm>>)
        %dma_wait3A_610 = arith.constant 1 : i32
        %dma_wait3A_611 = arith.constant 0 : i32
        %dma_wait3A_612 = tpu.memref_slice %arg8[%dma_wait3A_610, %dma_wait3A_611] : memref<8x8064xf32, #tpu.memory_space<vmem>> -> memref<1x8064xf32, #tpu.memory_space<vmem>>
        %dma_wait3A_613 = tpu.memref_squeeze %dma_wait3A_612 : memref<1x8064xf32, #tpu.memory_space<vmem>> -> memref<8064xf32, #tpu.memory_space<vmem>>
        %dma_wait3A_614 = tpu.memref_slice %arg7[%multiple_of3A_341] : memref<32004096xf32, #tpu.memory_space<hbm>> -> memref<8064xf32, #tpu.memory_space<hbm>>
        %dma_wait3A_615 = tpu.memref_slice %arg7[%multiple_of3A_341] : memref<32004096xf32, #tpu.memory_space<hbm>> -> memref<8064xf32, #tpu.memory_space<hbm>>
        %dma_wait3A_616 = arith.constant 0 : i32
        %dma_wait3A_617 = tpu.memref_slice %arg8[%dma_wait3A_610, %dma_wait3A_616] : memref<8x8064xf32, #tpu.memory_space<vmem>> -> memref<1x8064xf32, #tpu.memory_space<vmem>>
        %dma_wait3A_618 = tpu.memref_squeeze %dma_wait3A_617 : memref<1x8064xf32, #tpu.memory_space<vmem>> -> memref<8064xf32, #tpu.memory_space<vmem>>
        tpu.wait_dma2 semaphore(%arg10 : memref<!tpu.dma_semaphore, #tpu.memory_space<semaphore_mem>>) src(%dma_wait3A_618 : memref<8064xf32, #tpu.memory_space<vmem>>) dst(%dma_wait3A_615 : memref<8064xf32, #tpu.memory_space<hbm>>)
        %dma_wait3A_619 = arith.constant 2 : i32
        %dma_wait3A_620 = arith.constant 0 : i32
        %dma_wait3A_621 = tpu.memref_slice %arg8[%dma_wait3A_619, %dma_wait3A_620] : memref<8x8064xf32, #tpu.memory_space<vmem>> -> memref<1x8064xf32, #tpu.memory_space<vmem>>
        %dma_wait3A_622 = tpu.memref_squeeze %dma_wait3A_621 : memref<1x8064xf32, #tpu.memory_space<vmem>> -> memref<8064xf32, #tpu.memory_space<vmem>>
        %dma_wait3A_623 = tpu.memref_slice %arg7[%multiple_of3A_358] : memref<32004096xf32, #tpu.memory_space<hbm>> -> memref<8064xf32, #tpu.memory_space<hbm>>
        %dma_wait3A_624 = tpu.memref_slice %arg7[%multiple_of3A_358] : memref<32004096xf32, #tpu.memory_space<hbm>> -> memref<8064xf32, #tpu.memory_space<hbm>>
        %dma_wait3A_625 = arith.constant 0 : i32
        %dma_wait3A_626 = tpu.memref_slice %arg8[%dma_wait3A_619, %dma_wait3A_625] : memref<8x8064xf32, #tpu.memory_space<vmem>> -> memref<1x8064xf32, #tpu.memory_space<vmem>>
        %dma_wait3A_627 = tpu.memref_squeeze %dma_wait3A_626 : memref<1x8064xf32, #tpu.memory_space<vmem>> -> memref<8064xf32, #tpu.memory_space<vmem>>
        tpu.wait_dma2 semaphore(%arg10 : memref<!tpu.dma_semaphore, #tpu.memory_space<semaphore_mem>>) src(%dma_wait3A_627 : memref<8064xf32, #tpu.memory_space<vmem>>) dst(%dma_wait3A_624 : memref<8064xf32, #tpu.memory_space<hbm>>)
        %dma_wait3A_628 = arith.constant 3 : i32
        %dma_wait3A_629 = arith.constant 0 : i32
        %dma_wait3A_630 = tpu.memref_slice %arg8[%dma_wait3A_628, %dma_wait3A_629] : memref<8x8064xf32, #tpu.memory_space<vmem>> -> memref<1x8064xf32, #tpu.memory_space<vmem>>
        %dma_wait3A_631 = tpu.memref_squeeze %dma_wait3A_630 : memref<1x8064xf32, #tpu.memory_space<vmem>> -> memref<8064xf32, #tpu.memory_space<vmem>>
        %dma_wait3A_632 = tpu.memref_slice %arg7[%multiple_of3A_375] : memref<32004096xf32, #tpu.memory_space<hbm>> -> memref<8064xf32, #tpu.memory_space<hbm>>
        %dma_wait3A_633 = tpu.memref_slice %arg7[%multiple_of3A_375] : memref<32004096xf32, #tpu.memory_space<hbm>> -> memref<8064xf32, #tpu.memory_space<hbm>>
        %dma_wait3A_634 = arith.constant 0 : i32
        %dma_wait3A_635 = tpu.memref_slice %arg8[%dma_wait3A_628, %dma_wait3A_634] : memref<8x8064xf32, #tpu.memory_space<vmem>> -> memref<1x8064xf32, #tpu.memory_space<vmem>>
        %dma_wait3A_636 = tpu.memref_squeeze %dma_wait3A_635 : memref<1x8064xf32, #tpu.memory_space<vmem>> -> memref<8064xf32, #tpu.memory_space<vmem>>
        tpu.wait_dma2 semaphore(%arg10 : memref<!tpu.dma_semaphore, #tpu.memory_space<semaphore_mem>>) src(%dma_wait3A_636 : memref<8064xf32, #tpu.memory_space<vmem>>) dst(%dma_wait3A_633 : memref<8064xf32, #tpu.memory_space<hbm>>)
        %dma_wait3A_637 = arith.constant 4 : i32
        %dma_wait3A_638 = arith.constant 0 : i32
        %dma_wait3A_639 = tpu.memref_slice %arg8[%dma_wait3A_637, %dma_wait3A_638] : memref<8x8064xf32, #tpu.memory_space<vmem>> -> memref<1x8064xf32, #tpu.memory_space<vmem>>
        %dma_wait3A_640 = tpu.memref_squeeze %dma_wait3A_639 : memref<1x8064xf32, #tpu.memory_space<vmem>> -> memref<8064xf32, #tpu.memory_space<vmem>>
        %dma_wait3A_641 = tpu.memref_slice %arg7[%multiple_of3A_392] : memref<32004096xf32, #tpu.memory_space<hbm>> -> memref<8064xf32, #tpu.memory_space<hbm>>
        %dma_wait3A_642 = tpu.memref_slice %arg7[%multiple_of3A_392] : memref<32004096xf32, #tpu.memory_space<hbm>> -> memref<8064xf32, #tpu.memory_space<hbm>>
        %dma_wait3A_643 = arith.constant 0 : i32
        %dma_wait3A_644 = tpu.memref_slice %arg8[%dma_wait3A_637, %dma_wait3A_643] : memref<8x8064xf32, #tpu.memory_space<vmem>> -> memref<1x8064xf32, #tpu.memory_space<vmem>>
        %dma_wait3A_645 = tpu.memref_squeeze %dma_wait3A_644 : memref<1x8064xf32, #tpu.memory_space<vmem>> -> memref<8064xf32, #tpu.memory_space<vmem>>
        tpu.wait_dma2 semaphore(%arg10 : memref<!tpu.dma_semaphore, #tpu.memory_space<semaphore_mem>>) src(%dma_wait3A_645 : memref<8064xf32, #tpu.memory_space<vmem>>) dst(%dma_wait3A_642 : memref<8064xf32, #tpu.memory_space<hbm>>)
        %dma_wait3A_646 = arith.constant 5 : i32
        %dma_wait3A_647 = arith.constant 0 : i32
        %dma_wait3A_648 = tpu.memref_slice %arg8[%dma_wait3A_646, %dma_wait3A_647] : memref<8x8064xf32, #tpu.memory_space<vmem>> -> memref<1x8064xf32, #tpu.memory_space<vmem>>
        %dma_wait3A_649 = tpu.memref_squeeze %dma_wait3A_648 : memref<1x8064xf32, #tpu.memory_space<vmem>> -> memref<8064xf32, #tpu.memory_space<vmem>>
        %dma_wait3A_650 = tpu.memref_slice %arg7[%multiple_of3A_409] : memref<32004096xf32, #tpu.memory_space<hbm>> -> memref<8064xf32, #tpu.memory_space<hbm>>
        %dma_wait3A_651 = tpu.memref_slice %arg7[%multiple_of3A_409] : memref<32004096xf32, #tpu.memory_space<hbm>> -> memref<8064xf32, #tpu.memory_space<hbm>>
        %dma_wait3A_652 = arith.constant 0 : i32
        %dma_wait3A_653 = tpu.memref_slice %arg8[%dma_wait3A_646, %dma_wait3A_652] : memref<8x8064xf32, #tpu.memory_space<vmem>> -> memref<1x8064xf32, #tpu.memory_space<vmem>>
        %dma_wait3A_654 = tpu.memref_squeeze %dma_wait3A_653 : memref<1x8064xf32, #tpu.memory_space<vmem>> -> memref<8064xf32, #tpu.memory_space<vmem>>
        tpu.wait_dma2 semaphore(%arg10 : memref<!tpu.dma_semaphore, #tpu.memory_space<semaphore_mem>>) src(%dma_wait3A_654 : memref<8064xf32, #tpu.memory_space<vmem>>) dst(%dma_wait3A_651 : memref<8064xf32, #tpu.memory_space<hbm>>)
        %dma_wait3A_655 = arith.constant 6 : i32
        %dma_wait3A_656 = arith.constant 0 : i32
        %dma_wait3A_657 = tpu.memref_slice %arg8[%dma_wait3A_655, %dma_wait3A_656] : memref<8x8064xf32, #tpu.memory_space<vmem>> -> memref<1x8064xf32, #tpu.memory_space<vmem>>
        %dma_wait3A_658 = tpu.memref_squeeze %dma_wait3A_657 : memref<1x8064xf32, #tpu.memory_space<vmem>> -> memref<8064xf32, #tpu.memory_space<vmem>>
        %dma_wait3A_659 = tpu.memref_slice %arg7[%multiple_of3A_426] : memref<32004096xf32, #tpu.memory_space<hbm>> -> memref<8064xf32, #tpu.memory_space<hbm>>
        %dma_wait3A_660 = tpu.memref_slice %arg7[%multiple_of3A_426] : memref<32004096xf32, #tpu.memory_space<hbm>> -> memref<8064xf32, #tpu.memory_space<hbm>>
        %dma_wait3A_661 = arith.constant 0 : i32
        %dma_wait3A_662 = tpu.memref_slice %arg8[%dma_wait3A_655, %dma_wait3A_661] : memref<8x8064xf32, #tpu.memory_space<vmem>> -> memref<1x8064xf32, #tpu.memory_space<vmem>>
        %dma_wait3A_663 = tpu.memref_squeeze %dma_wait3A_662 : memref<1x8064xf32, #tpu.memory_space<vmem>> -> memref<8064xf32, #tpu.memory_space<vmem>>
        tpu.wait_dma2 semaphore(%arg10 : memref<!tpu.dma_semaphore, #tpu.memory_space<semaphore_mem>>) src(%dma_wait3A_663 : memref<8064xf32, #tpu.memory_space<vmem>>) dst(%dma_wait3A_660 : memref<8064xf32, #tpu.memory_space<hbm>>)
        %dma_wait3A_664 = arith.constant 7 : i32
        %dma_wait3A_665 = arith.constant 0 : i32
        %dma_wait3A_666 = tpu.memref_slice %arg8[%dma_wait3A_664, %dma_wait3A_665] : memref<8x8064xf32, #tpu.memory_space<vmem>> -> memref<1x8064xf32, #tpu.memory_space<vmem>>
        %dma_wait3A_667 = tpu.memref_squeeze %dma_wait3A_666 : memref<1x8064xf32, #tpu.memory_space<vmem>> -> memref<8064xf32, #tpu.memory_space<vmem>>
        %dma_wait3A_668 = tpu.memref_slice %arg7[%multiple_of3A_443] : memref<32004096xf32, #tpu.memory_space<hbm>> -> memref<8064xf32, #tpu.memory_space<hbm>>
        %dma_wait3A_669 = tpu.memref_slice %arg7[%multiple_of3A_443] : memref<32004096xf32, #tpu.memory_space<hbm>> -> memref<8064xf32, #tpu.memory_space<hbm>>
        %dma_wait3A_670 = arith.constant 0 : i32
        %dma_wait3A_671 = tpu.memref_slice %arg8[%dma_wait3A_664, %dma_wait3A_670] : memref<8x8064xf32, #tpu.memory_space<vmem>> -> memref<1x8064xf32, #tpu.memory_space<vmem>>
        %dma_wait3A_672 = tpu.memref_squeeze %dma_wait3A_671 : memref<1x8064xf32, #tpu.memory_space<vmem>> -> memref<8064xf32, #tpu.memory_space<vmem>>
        tpu.wait_dma2 semaphore(%arg10 : memref<!tpu.dma_semaphore, #tpu.memory_space<semaphore_mem>>) src(%dma_wait3A_672 : memref<8064xf32, #tpu.memory_space<vmem>>) dst(%dma_wait3A_669 : memref<8064xf32, #tpu.memory_space<hbm>>)
        %dma_wait3A_673 = arith.constant 0 : i32
        %dma_wait3A_674 = arith.constant 0 : i32
        %dma_wait3A_675 = tpu.memref_slice %arg9[%dma_wait3A_673, %dma_wait3A_674] : memref<8x8064xf32, #tpu.memory_space<vmem>> -> memref<1x8064xf32, #tpu.memory_space<vmem>>
        %dma_wait3A_676 = tpu.memref_squeeze %dma_wait3A_675 : memref<1x8064xf32, #tpu.memory_space<vmem>> -> memref<8064xf32, #tpu.memory_space<vmem>>
        %dma_wait3A_677 = tpu.memref_slice %arg7[%multiple_of3A_472] : memref<32004096xf32, #tpu.memory_space<hbm>> -> memref<8064xf32, #tpu.memory_space<hbm>>
        %dma_wait3A_678 = tpu.memref_slice %arg7[%multiple_of3A_472] : memref<32004096xf32, #tpu.memory_space<hbm>> -> memref<8064xf32, #tpu.memory_space<hbm>>
        %dma_wait3A_679 = arith.constant 0 : i32
        %dma_wait3A_680 = tpu.memref_slice %arg9[%dma_wait3A_673, %dma_wait3A_679] : memref<8x8064xf32, #tpu.memory_space<vmem>> -> memref<1x8064xf32, #tpu.memory_space<vmem>>
        %dma_wait3A_681 = tpu.memref_squeeze %dma_wait3A_680 : memref<1x8064xf32, #tpu.memory_space<vmem>> -> memref<8064xf32, #tpu.memory_space<vmem>>
        tpu.wait_dma2 semaphore(%arg10 : memref<!tpu.dma_semaphore, #tpu.memory_space<semaphore_mem>>) src(%dma_wait3A_681 : memref<8064xf32, #tpu.memory_space<vmem>>) dst(%dma_wait3A_678 : memref<8064xf32, #tpu.memory_space<hbm>>)
        %dma_wait3A_682 = arith.constant 1 : i32
        %dma_wait3A_683 = arith.constant 0 : i32
        %dma_wait3A_684 = tpu.memref_slice %arg9[%dma_wait3A_682, %dma_wait3A_683] : memref<8x8064xf32, #tpu.memory_space<vmem>> -> memref<1x8064xf32, #tpu.memory_space<vmem>>
        %dma_wait3A_685 = tpu.memref_squeeze %dma_wait3A_684 : memref<1x8064xf32, #tpu.memory_space<vmem>> -> memref<8064xf32, #tpu.memory_space<vmem>>
        %dma_wait3A_686 = tpu.memref_slice %arg7[%multiple_of3A_489] : memref<32004096xf32, #tpu.memory_space<hbm>> -> memref<8064xf32, #tpu.memory_space<hbm>>
        %dma_wait3A_687 = tpu.memref_slice %arg7[%multiple_of3A_489] : memref<32004096xf32, #tpu.memory_space<hbm>> -> memref<8064xf32, #tpu.memory_space<hbm>>
        %dma_wait3A_688 = arith.constant 0 : i32
        %dma_wait3A_689 = tpu.memref_slice %arg9[%dma_wait3A_682, %dma_wait3A_688] : memref<8x8064xf32, #tpu.memory_space<vmem>> -> memref<1x8064xf32, #tpu.memory_space<vmem>>
        %dma_wait3A_690 = tpu.memref_squeeze %dma_wait3A_689 : memref<1x8064xf32, #tpu.memory_space<vmem>> -> memref<8064xf32, #tpu.memory_space<vmem>>
        tpu.wait_dma2 semaphore(%arg10 : memref<!tpu.dma_semaphore, #tpu.memory_space<semaphore_mem>>) src(%dma_wait3A_690 : memref<8064xf32, #tpu.memory_space<vmem>>) dst(%dma_wait3A_687 : memref<8064xf32, #tpu.memory_space<hbm>>)
        %dma_wait3A_691 = arith.constant 2 : i32
        %dma_wait3A_692 = arith.constant 0 : i32
        %dma_wait3A_693 = tpu.memref_slice %arg9[%dma_wait3A_691, %dma_wait3A_692] : memref<8x8064xf32, #tpu.memory_space<vmem>> -> memref<1x8064xf32, #tpu.memory_space<vmem>>
        %dma_wait3A_694 = tpu.memref_squeeze %dma_wait3A_693 : memref<1x8064xf32, #tpu.memory_space<vmem>> -> memref<8064xf32, #tpu.memory_space<vmem>>
        %dma_wait3A_695 = tpu.memref_slice %arg7[%multiple_of3A_506] : memref<32004096xf32, #tpu.memory_space<hbm>> -> memref<8064xf32, #tpu.memory_space<hbm>>
        %dma_wait3A_696 = tpu.memref_slice %arg7[%multiple_of3A_506] : memref<32004096xf32, #tpu.memory_space<hbm>> -> memref<8064xf32, #tpu.memory_space<hbm>>
        %dma_wait3A_697 = arith.constant 0 : i32
        %dma_wait3A_698 = tpu.memref_slice %arg9[%dma_wait3A_691, %dma_wait3A_697] : memref<8x8064xf32, #tpu.memory_space<vmem>> -> memref<1x8064xf32, #tpu.memory_space<vmem>>
        %dma_wait3A_699 = tpu.memref_squeeze %dma_wait3A_698 : memref<1x8064xf32, #tpu.memory_space<vmem>> -> memref<8064xf32, #tpu.memory_space<vmem>>
        tpu.wait_dma2 semaphore(%arg10 : memref<!tpu.dma_semaphore, #tpu.memory_space<semaphore_mem>>) src(%dma_wait3A_699 : memref<8064xf32, #tpu.memory_space<vmem>>) dst(%dma_wait3A_696 : memref<8064xf32, #tpu.memory_space<hbm>>)
        %dma_wait3A_700 = arith.constant 3 : i32
        %dma_wait3A_701 = arith.constant 0 : i32
        %dma_wait3A_702 = tpu.memref_slice %arg9[%dma_wait3A_700, %dma_wait3A_701] : memref<8x8064xf32, #tpu.memory_space<vmem>> -> memref<1x8064xf32, #tpu.memory_space<vmem>>
        %dma_wait3A_703 = tpu.memref_squeeze %dma_wait3A_702 : memref<1x8064xf32, #tpu.memory_space<vmem>> -> memref<8064xf32, #tpu.memory_space<vmem>>
        %dma_wait3A_704 = tpu.memref_slice %arg7[%multiple_of3A_523] : memref<32004096xf32, #tpu.memory_space<hbm>> -> memref<8064xf32, #tpu.memory_space<hbm>>
        %dma_wait3A_705 = tpu.memref_slice %arg7[%multiple_of3A_523] : memref<32004096xf32, #tpu.memory_space<hbm>> -> memref<8064xf32, #tpu.memory_space<hbm>>
        %dma_wait3A_706 = arith.constant 0 : i32
        %dma_wait3A_707 = tpu.memref_slice %arg9[%dma_wait3A_700, %dma_wait3A_706] : memref<8x8064xf32, #tpu.memory_space<vmem>> -> memref<1x8064xf32, #tpu.memory_space<vmem>>
        %dma_wait3A_708 = tpu.memref_squeeze %dma_wait3A_707 : memref<1x8064xf32, #tpu.memory_space<vmem>> -> memref<8064xf32, #tpu.memory_space<vmem>>
        tpu.wait_dma2 semaphore(%arg10 : memref<!tpu.dma_semaphore, #tpu.memory_space<semaphore_mem>>) src(%dma_wait3A_708 : memref<8064xf32, #tpu.memory_space<vmem>>) dst(%dma_wait3A_705 : memref<8064xf32, #tpu.memory_space<hbm>>)
        %dma_wait3A_709 = arith.constant 4 : i32
        %dma_wait3A_710 = arith.constant 0 : i32
        %dma_wait3A_711 = tpu.memref_slice %arg9[%dma_wait3A_709, %dma_wait3A_710] : memref<8x8064xf32, #tpu.memory_space<vmem>> -> memref<1x8064xf32, #tpu.memory_space<vmem>>
        %dma_wait3A_712 = tpu.memref_squeeze %dma_wait3A_711 : memref<1x8064xf32, #tpu.memory_space<vmem>> -> memref<8064xf32, #tpu.memory_space<vmem>>
        %dma_wait3A_713 = tpu.memref_slice %arg7[%multiple_of3A_540] : memref<32004096xf32, #tpu.memory_space<hbm>> -> memref<8064xf32, #tpu.memory_space<hbm>>
        %dma_wait3A_714 = tpu.memref_slice %arg7[%multiple_of3A_540] : memref<32004096xf32, #tpu.memory_space<hbm>> -> memref<8064xf32, #tpu.memory_space<hbm>>
        %dma_wait3A_715 = arith.constant 0 : i32
        %dma_wait3A_716 = tpu.memref_slice %arg9[%dma_wait3A_709, %dma_wait3A_715] : memref<8x8064xf32, #tpu.memory_space<vmem>> -> memref<1x8064xf32, #tpu.memory_space<vmem>>
        %dma_wait3A_717 = tpu.memref_squeeze %dma_wait3A_716 : memref<1x8064xf32, #tpu.memory_space<vmem>> -> memref<8064xf32, #tpu.memory_space<vmem>>
        tpu.wait_dma2 semaphore(%arg10 : memref<!tpu.dma_semaphore, #tpu.memory_space<semaphore_mem>>) src(%dma_wait3A_717 : memref<8064xf32, #tpu.memory_space<vmem>>) dst(%dma_wait3A_714 : memref<8064xf32, #tpu.memory_space<hbm>>)
        %dma_wait3A_718 = arith.constant 5 : i32
        %dma_wait3A_719 = arith.constant 0 : i32
        %dma_wait3A_720 = tpu.memref_slice %arg9[%dma_wait3A_718, %dma_wait3A_719] : memref<8x8064xf32, #tpu.memory_space<vmem>> -> memref<1x8064xf32, #tpu.memory_space<vmem>>
        %dma_wait3A_721 = tpu.memref_squeeze %dma_wait3A_720 : memref<1x8064xf32, #tpu.memory_space<vmem>> -> memref<8064xf32, #tpu.memory_space<vmem>>
        %dma_wait3A_722 = tpu.memref_slice %arg7[%multiple_of3A_557] : memref<32004096xf32, #tpu.memory_space<hbm>> -> memref<8064xf32, #tpu.memory_space<hbm>>
        %dma_wait3A_723 = tpu.memref_slice %arg7[%multiple_of3A_557] : memref<32004096xf32, #tpu.memory_space<hbm>> -> memref<8064xf32, #tpu.memory_space<hbm>>
        %dma_wait3A_724 = arith.constant 0 : i32
        %dma_wait3A_725 = tpu.memref_slice %arg9[%dma_wait3A_718, %dma_wait3A_724] : memref<8x8064xf32, #tpu.memory_space<vmem>> -> memref<1x8064xf32, #tpu.memory_space<vmem>>
        %dma_wait3A_726 = tpu.memref_squeeze %dma_wait3A_725 : memref<1x8064xf32, #tpu.memory_space<vmem>> -> memref<8064xf32, #tpu.memory_space<vmem>>
        tpu.wait_dma2 semaphore(%arg10 : memref<!tpu.dma_semaphore, #tpu.memory_space<semaphore_mem>>) src(%dma_wait3A_726 : memref<8064xf32, #tpu.memory_space<vmem>>) dst(%dma_wait3A_723 : memref<8064xf32, #tpu.memory_space<hbm>>)
        %dma_wait3A_727 = arith.constant 6 : i32
        %dma_wait3A_728 = arith.constant 0 : i32
        %dma_wait3A_729 = tpu.memref_slice %arg9[%dma_wait3A_727, %dma_wait3A_728] : memref<8x8064xf32, #tpu.memory_space<vmem>> -> memref<1x8064xf32, #tpu.memory_space<vmem>>
        %dma_wait3A_730 = tpu.memref_squeeze %dma_wait3A_729 : memref<1x8064xf32, #tpu.memory_space<vmem>> -> memref<8064xf32, #tpu.memory_space<vmem>>
        %dma_wait3A_731 = tpu.memref_slice %arg7[%multiple_of3A_574] : memref<32004096xf32, #tpu.memory_space<hbm>> -> memref<8064xf32, #tpu.memory_space<hbm>>
        %dma_wait3A_732 = tpu.memref_slice %arg7[%multiple_of3A_574] : memref<32004096xf32, #tpu.memory_space<hbm>> -> memref<8064xf32, #tpu.memory_space<hbm>>
        %dma_wait3A_733 = arith.constant 0 : i32
        %dma_wait3A_734 = tpu.memref_slice %arg9[%dma_wait3A_727, %dma_wait3A_733] : memref<8x8064xf32, #tpu.memory_space<vmem>> -> memref<1x8064xf32, #tpu.memory_space<vmem>>
        %dma_wait3A_735 = tpu.memref_squeeze %dma_wait3A_734 : memref<1x8064xf32, #tpu.memory_space<vmem>> -> memref<8064xf32, #tpu.memory_space<vmem>>
        tpu.wait_dma2 semaphore(%arg10 : memref<!tpu.dma_semaphore, #tpu.memory_space<semaphore_mem>>) src(%dma_wait3A_735 : memref<8064xf32, #tpu.memory_space<vmem>>) dst(%dma_wait3A_732 : memref<8064xf32, #tpu.memory_space<hbm>>)
        %dma_wait3A_736 = arith.constant 7 : i32
        %dma_wait3A_737 = arith.constant 0 : i32
        %dma_wait3A_738 = tpu.memref_slice %arg9[%dma_wait3A_736, %dma_wait3A_737] : memref<8x8064xf32, #tpu.memory_space<vmem>> -> memref<1x8064xf32, #tpu.memory_space<vmem>>
        %dma_wait3A_739 = tpu.memref_squeeze %dma_wait3A_738 : memref<1x8064xf32, #tpu.memory_space<vmem>> -> memref<8064xf32, #tpu.memory_space<vmem>>
        %dma_wait3A_740 = tpu.memref_slice %arg7[%multiple_of3A_591] : memref<32004096xf32, #tpu.memory_space<hbm>> -> memref<8064xf32, #tpu.memory_space<hbm>>
        %dma_wait3A_741 = tpu.memref_slice %arg7[%multiple_of3A_591] : memref<32004096xf32, #tpu.memory_space<hbm>> -> memref<8064xf32, #tpu.memory_space<hbm>>
        %dma_wait3A_742 = arith.constant 0 : i32
        %dma_wait3A_743 = tpu.memref_slice %arg9[%dma_wait3A_736, %dma_wait3A_742] : memref<8x8064xf32, #tpu.memory_space<vmem>> -> memref<1x8064xf32, #tpu.memory_space<vmem>>
        %dma_wait3A_744 = tpu.memref_squeeze %dma_wait3A_743 : memref<1x8064xf32, #tpu.memory_space<vmem>> -> memref<8064xf32, #tpu.memory_space<vmem>>
        tpu.wait_dma2 semaphore(%arg10 : memref<!tpu.dma_semaphore, #tpu.memory_space<semaphore_mem>>) src(%dma_wait3A_744 : memref<8064xf32, #tpu.memory_space<vmem>>) dst(%dma_wait3A_741 : memref<8064xf32, #tpu.memory_space<hbm>>)
      }
      %scan3A_93 = arith.constant 15 : i32
      %mul3A_94 = arith.constant 249984 : i32
      %mul3A_95 = arith.muli %select_n3A_70, %mul3A_94 : i32
      %add3A_96 = arith.constant 241920 : i32
      %add3A_97 = arith.addi %mul3A_95, %add3A_96 : i32
      %multiple_of3A = tpu.assume_multiple %add3A_97, 128 : i32
      %mul3A_98 = arith.constant 8 : i32
      %mul3A_99 = arith.muli %mul3A_98, %select_n3A_54 : i32
      "tpu.region"() ({
        %run_scoped3A = tpu.sem_alloc : memref<!tpu.dma_semaphore, #tpu.memory_space<semaphore_mem>>
        %dma_start3A_306 = tpu.memref_slice %arg3[%mul3A_99, %multiple_of3A] : memref<32x1000000xf32, #tpu.memory_space<hbm>> -> memref<8x8064xf32, #tpu.memory_space<hbm>>
        %dma_start3A_307 = tpu.memref_slice %arg3[%mul3A_99, %multiple_of3A] : memref<32x1000000xf32, #tpu.memory_space<hbm>> -> memref<8x8064xf32, #tpu.memory_space<hbm>>
        tpu.enqueue_dma source(%dma_start3A_307 : memref<8x8064xf32, #tpu.memory_space<hbm>>) target(%arg8 : memref<8x8064xf32, #tpu.memory_space<vmem>>) target_semaphore(%run_scoped3A : memref<!tpu.dma_semaphore, #tpu.memory_space<semaphore_mem>>)
        %dma_wait3A_308 = tpu.memref_slice %arg3[%mul3A_99, %multiple_of3A] : memref<32x1000000xf32, #tpu.memory_space<hbm>> -> memref<8x8064xf32, #tpu.memory_space<hbm>>
        %dma_wait3A_309 = tpu.memref_slice %arg3[%mul3A_99, %multiple_of3A] : memref<32x1000000xf32, #tpu.memory_space<hbm>> -> memref<8x8064xf32, #tpu.memory_space<hbm>>
        tpu.wait_dma2 semaphore(%run_scoped3A : memref<!tpu.dma_semaphore, #tpu.memory_space<semaphore_mem>>) src(%dma_wait3A_309 : memref<8x8064xf32, #tpu.memory_space<hbm>>) dst(%arg8 : memref<8x8064xf32, #tpu.memory_space<vmem>>)
        tpu.yield
      }) : () -> ()
      %mul3A_100 = arith.constant 8 : i32
      %mul3A_101 = arith.muli %mul3A_100, %select_n3A_54 : i32
      %add3A_102 = arith.constant 0 : i32
      %add3A_103 = arith.addi %mul3A_101, %add3A_102 : i32
      %mul3A_104 = arith.constant 1000064 : i32
      %mul3A_105 = arith.muli %add3A_103, %mul3A_104 : i32
      %add3A_106 = arith.addi %mul3A_105, %multiple_of3A : i32
      %multiple_of3A_107 = tpu.assume_multiple %add3A_106, 128 : i32
      %dma_start3A = arith.constant 0 : i32
      %dma_start3A_108 = arith.constant 0 : i32
      %dma_start3A_109 = tpu.memref_slice %arg8[%dma_start3A, %dma_start3A_108] : memref<8x8064xf32, #tpu.memory_space<vmem>> -> memref<1x8064xf32, #tpu.memory_space<vmem>>
      %dma_start3A_110 = tpu.memref_squeeze %dma_start3A_109 : memref<1x8064xf32, #tpu.memory_space<vmem>> -> memref<8064xf32, #tpu.memory_space<vmem>>
      %dma_start3A_111 = tpu.memref_slice %arg7[%multiple_of3A_107] : memref<32004096xf32, #tpu.memory_space<hbm>> -> memref<8064xf32, #tpu.memory_space<hbm>>
      %dma_start3A_112 = tpu.memref_slice %arg7[%multiple_of3A_107] : memref<32004096xf32, #tpu.memory_space<hbm>> -> memref<8064xf32, #tpu.memory_space<hbm>>
      %dma_start3A_113 = arith.constant 0 : i32
      %dma_start3A_114 = tpu.memref_slice %arg8[%dma_start3A, %dma_start3A_113] : memref<8x8064xf32, #tpu.memory_space<vmem>> -> memref<1x8064xf32, #tpu.memory_space<vmem>>
      %dma_start3A_115 = tpu.memref_squeeze %dma_start3A_114 : memref<1x8064xf32, #tpu.memory_space<vmem>> -> memref<8064xf32, #tpu.memory_space<vmem>>
      tpu.enqueue_dma source(%dma_start3A_115 : memref<8064xf32, #tpu.memory_space<vmem>>) target(%dma_start3A_112 : memref<8064xf32, #tpu.memory_space<hbm>>) target_semaphore(%arg10 : memref<!tpu.dma_semaphore, #tpu.memory_space<semaphore_mem>>)
      %mul3A_116 = arith.constant 8 : i32
      %mul3A_117 = arith.muli %mul3A_116, %select_n3A_54 : i32
      %add3A_118 = arith.constant 1 : i32
      %add3A_119 = arith.addi %mul3A_117, %add3A_118 : i32
      %mul3A_120 = arith.constant 1000064 : i32
      %mul3A_121 = arith.muli %add3A_119, %mul3A_120 : i32
      %add3A_122 = arith.addi %mul3A_121, %multiple_of3A : i32
      %multiple_of3A_123 = tpu.assume_multiple %add3A_122, 128 : i32
      %dma_start3A_124 = arith.constant 1 : i32
      %dma_start3A_125 = arith.constant 0 : i32
      %dma_start3A_126 = tpu.memref_slice %arg8[%dma_start3A_124, %dma_start3A_125] : memref<8x8064xf32, #tpu.memory_space<vmem>> -> memref<1x8064xf32, #tpu.memory_space<vmem>>
      %dma_start3A_127 = tpu.memref_squeeze %dma_start3A_126 : memref<1x8064xf32, #tpu.memory_space<vmem>> -> memref<8064xf32, #tpu.memory_space<vmem>>
      %dma_start3A_128 = tpu.memref_slice %arg7[%multiple_of3A_123] : memref<32004096xf32, #tpu.memory_space<hbm>> -> memref<8064xf32, #tpu.memory_space<hbm>>
      %dma_start3A_129 = tpu.memref_slice %arg7[%multiple_of3A_123] : memref<32004096xf32, #tpu.memory_space<hbm>> -> memref<8064xf32, #tpu.memory_space<hbm>>
      %dma_start3A_130 = arith.constant 0 : i32
      %dma_start3A_131 = tpu.memref_slice %arg8[%dma_start3A_124, %dma_start3A_130] : memref<8x8064xf32, #tpu.memory_space<vmem>> -> memref<1x8064xf32, #tpu.memory_space<vmem>>
      %dma_start3A_132 = tpu.memref_squeeze %dma_start3A_131 : memref<1x8064xf32, #tpu.memory_space<vmem>> -> memref<8064xf32, #tpu.memory_space<vmem>>
      tpu.enqueue_dma source(%dma_start3A_132 : memref<8064xf32, #tpu.memory_space<vmem>>) target(%dma_start3A_129 : memref<8064xf32, #tpu.memory_space<hbm>>) target_semaphore(%arg10 : memref<!tpu.dma_semaphore, #tpu.memory_space<semaphore_mem>>)
      %mul3A_133 = arith.constant 8 : i32
      %mul3A_134 = arith.muli %mul3A_133, %select_n3A_54 : i32
      %add3A_135 = arith.constant 2 : i32
      %add3A_136 = arith.addi %mul3A_134, %add3A_135 : i32
      %mul3A_137 = arith.constant 1000064 : i32
      %mul3A_138 = arith.muli %add3A_136, %mul3A_137 : i32
      %add3A_139 = arith.addi %mul3A_138, %multiple_of3A : i32
      %multiple_of3A_140 = tpu.assume_multiple %add3A_139, 128 : i32
      %dma_start3A_141 = arith.constant 2 : i32
      %dma_start3A_142 = arith.constant 0 : i32
      %dma_start3A_143 = tpu.memref_slice %arg8[%dma_start3A_141, %dma_start3A_142] : memref<8x8064xf32, #tpu.memory_space<vmem>> -> memref<1x8064xf32, #tpu.memory_space<vmem>>
      %dma_start3A_144 = tpu.memref_squeeze %dma_start3A_143 : memref<1x8064xf32, #tpu.memory_space<vmem>> -> memref<8064xf32, #tpu.memory_space<vmem>>
      %dma_start3A_145 = tpu.memref_slice %arg7[%multiple_of3A_140] : memref<32004096xf32, #tpu.memory_space<hbm>> -> memref<8064xf32, #tpu.memory_space<hbm>>
      %dma_start3A_146 = tpu.memref_slice %arg7[%multiple_of3A_140] : memref<32004096xf32, #tpu.memory_space<hbm>> -> memref<8064xf32, #tpu.memory_space<hbm>>
      %dma_start3A_147 = arith.constant 0 : i32
      %dma_start3A_148 = tpu.memref_slice %arg8[%dma_start3A_141, %dma_start3A_147] : memref<8x8064xf32, #tpu.memory_space<vmem>> -> memref<1x8064xf32, #tpu.memory_space<vmem>>
      %dma_start3A_149 = tpu.memref_squeeze %dma_start3A_148 : memref<1x8064xf32, #tpu.memory_space<vmem>> -> memref<8064xf32, #tpu.memory_space<vmem>>
      tpu.enqueue_dma source(%dma_start3A_149 : memref<8064xf32, #tpu.memory_space<vmem>>) target(%dma_start3A_146 : memref<8064xf32, #tpu.memory_space<hbm>>) target_semaphore(%arg10 : memref<!tpu.dma_semaphore, #tpu.memory_space<semaphore_mem>>)
      %mul3A_150 = arith.constant 8 : i32
      %mul3A_151 = arith.muli %mul3A_150, %select_n3A_54 : i32
      %add3A_152 = arith.constant 3 : i32
      %add3A_153 = arith.addi %mul3A_151, %add3A_152 : i32
      %mul3A_154 = arith.constant 1000064 : i32
      %mul3A_155 = arith.muli %add3A_153, %mul3A_154 : i32
      %add3A_156 = arith.addi %mul3A_155, %multiple_of3A : i32
      %multiple_of3A_157 = tpu.assume_multiple %add3A_156, 128 : i32
      %dma_start3A_158 = arith.constant 3 : i32
      %dma_start3A_159 = arith.constant 0 : i32
      %dma_start3A_160 = tpu.memref_slice %arg8[%dma_start3A_158, %dma_start3A_159] : memref<8x8064xf32, #tpu.memory_space<vmem>> -> memref<1x8064xf32, #tpu.memory_space<vmem>>
      %dma_start3A_161 = tpu.memref_squeeze %dma_start3A_160 : memref<1x8064xf32, #tpu.memory_space<vmem>> -> memref<8064xf32, #tpu.memory_space<vmem>>
      %dma_start3A_162 = tpu.memref_slice %arg7[%multiple_of3A_157] : memref<32004096xf32, #tpu.memory_space<hbm>> -> memref<8064xf32, #tpu.memory_space<hbm>>
      %dma_start3A_163 = tpu.memref_slice %arg7[%multiple_of3A_157] : memref<32004096xf32, #tpu.memory_space<hbm>> -> memref<8064xf32, #tpu.memory_space<hbm>>
      %dma_start3A_164 = arith.constant 0 : i32
      %dma_start3A_165 = tpu.memref_slice %arg8[%dma_start3A_158, %dma_start3A_164] : memref<8x8064xf32, #tpu.memory_space<vmem>> -> memref<1x8064xf32, #tpu.memory_space<vmem>>
      %dma_start3A_166 = tpu.memref_squeeze %dma_start3A_165 : memref<1x8064xf32, #tpu.memory_space<vmem>> -> memref<8064xf32, #tpu.memory_space<vmem>>
      tpu.enqueue_dma source(%dma_start3A_166 : memref<8064xf32, #tpu.memory_space<vmem>>) target(%dma_start3A_163 : memref<8064xf32, #tpu.memory_space<hbm>>) target_semaphore(%arg10 : memref<!tpu.dma_semaphore, #tpu.memory_space<semaphore_mem>>)
      %mul3A_167 = arith.constant 8 : i32
      %mul3A_168 = arith.muli %mul3A_167, %select_n3A_54 : i32
      %add3A_169 = arith.constant 4 : i32
      %add3A_170 = arith.addi %mul3A_168, %add3A_169 : i32
      %mul3A_171 = arith.constant 1000064 : i32
      %mul3A_172 = arith.muli %add3A_170, %mul3A_171 : i32
      %add3A_173 = arith.addi %mul3A_172, %multiple_of3A : i32
      %multiple_of3A_174 = tpu.assume_multiple %add3A_173, 128 : i32
      %dma_start3A_175 = arith.constant 4 : i32
      %dma_start3A_176 = arith.constant 0 : i32
      %dma_start3A_177 = tpu.memref_slice %arg8[%dma_start3A_175, %dma_start3A_176] : memref<8x8064xf32, #tpu.memory_space<vmem>> -> memref<1x8064xf32, #tpu.memory_space<vmem>>
      %dma_start3A_178 = tpu.memref_squeeze %dma_start3A_177 : memref<1x8064xf32, #tpu.memory_space<vmem>> -> memref<8064xf32, #tpu.memory_space<vmem>>
      %dma_start3A_179 = tpu.memref_slice %arg7[%multiple_of3A_174] : memref<32004096xf32, #tpu.memory_space<hbm>> -> memref<8064xf32, #tpu.memory_space<hbm>>
      %dma_start3A_180 = tpu.memref_slice %arg7[%multiple_of3A_174] : memref<32004096xf32, #tpu.memory_space<hbm>> -> memref<8064xf32, #tpu.memory_space<hbm>>
      %dma_start3A_181 = arith.constant 0 : i32
      %dma_start3A_182 = tpu.memref_slice %arg8[%dma_start3A_175, %dma_start3A_181] : memref<8x8064xf32, #tpu.memory_space<vmem>> -> memref<1x8064xf32, #tpu.memory_space<vmem>>
      %dma_start3A_183 = tpu.memref_squeeze %dma_start3A_182 : memref<1x8064xf32, #tpu.memory_space<vmem>> -> memref<8064xf32, #tpu.memory_space<vmem>>
      tpu.enqueue_dma source(%dma_start3A_183 : memref<8064xf32, #tpu.memory_space<vmem>>) target(%dma_start3A_180 : memref<8064xf32, #tpu.memory_space<hbm>>) target_semaphore(%arg10 : memref<!tpu.dma_semaphore, #tpu.memory_space<semaphore_mem>>)
      %mul3A_184 = arith.constant 8 : i32
      %mul3A_185 = arith.muli %mul3A_184, %select_n3A_54 : i32
      %add3A_186 = arith.constant 5 : i32
      %add3A_187 = arith.addi %mul3A_185, %add3A_186 : i32
      %mul3A_188 = arith.constant 1000064 : i32
      %mul3A_189 = arith.muli %add3A_187, %mul3A_188 : i32
      %add3A_190 = arith.addi %mul3A_189, %multiple_of3A : i32
      %multiple_of3A_191 = tpu.assume_multiple %add3A_190, 128 : i32
      %dma_start3A_192 = arith.constant 5 : i32
      %dma_start3A_193 = arith.constant 0 : i32
      %dma_start3A_194 = tpu.memref_slice %arg8[%dma_start3A_192, %dma_start3A_193] : memref<8x8064xf32, #tpu.memory_space<vmem>> -> memref<1x8064xf32, #tpu.memory_space<vmem>>
      %dma_start3A_195 = tpu.memref_squeeze %dma_start3A_194 : memref<1x8064xf32, #tpu.memory_space<vmem>> -> memref<8064xf32, #tpu.memory_space<vmem>>
      %dma_start3A_196 = tpu.memref_slice %arg7[%multiple_of3A_191] : memref<32004096xf32, #tpu.memory_space<hbm>> -> memref<8064xf32, #tpu.memory_space<hbm>>
      %dma_start3A_197 = tpu.memref_slice %arg7[%multiple_of3A_191] : memref<32004096xf32, #tpu.memory_space<hbm>> -> memref<8064xf32, #tpu.memory_space<hbm>>
      %dma_start3A_198 = arith.constant 0 : i32
      %dma_start3A_199 = tpu.memref_slice %arg8[%dma_start3A_192, %dma_start3A_198] : memref<8x8064xf32, #tpu.memory_space<vmem>> -> memref<1x8064xf32, #tpu.memory_space<vmem>>
      %dma_start3A_200 = tpu.memref_squeeze %dma_start3A_199 : memref<1x8064xf32, #tpu.memory_space<vmem>> -> memref<8064xf32, #tpu.memory_space<vmem>>
      tpu.enqueue_dma source(%dma_start3A_200 : memref<8064xf32, #tpu.memory_space<vmem>>) target(%dma_start3A_197 : memref<8064xf32, #tpu.memory_space<hbm>>) target_semaphore(%arg10 : memref<!tpu.dma_semaphore, #tpu.memory_space<semaphore_mem>>)
      %mul3A_201 = arith.constant 8 : i32
      %mul3A_202 = arith.muli %mul3A_201, %select_n3A_54 : i32
      %add3A_203 = arith.constant 6 : i32
      %add3A_204 = arith.addi %mul3A_202, %add3A_203 : i32
      %mul3A_205 = arith.constant 1000064 : i32
      %mul3A_206 = arith.muli %add3A_204, %mul3A_205 : i32
      %add3A_207 = arith.addi %mul3A_206, %multiple_of3A : i32
      %multiple_of3A_208 = tpu.assume_multiple %add3A_207, 128 : i32
      %dma_start3A_209 = arith.constant 6 : i32
      %dma_start3A_210 = arith.constant 0 : i32
      %dma_start3A_211 = tpu.memref_slice %arg8[%dma_start3A_209, %dma_start3A_210] : memref<8x8064xf32, #tpu.memory_space<vmem>> -> memref<1x8064xf32, #tpu.memory_space<vmem>>
      %dma_start3A_212 = tpu.memref_squeeze %dma_start3A_211 : memref<1x8064xf32, #tpu.memory_space<vmem>> -> memref<8064xf32, #tpu.memory_space<vmem>>
      %dma_start3A_213 = tpu.memref_slice %arg7[%multiple_of3A_208] : memref<32004096xf32, #tpu.memory_space<hbm>> -> memref<8064xf32, #tpu.memory_space<hbm>>
      %dma_start3A_214 = tpu.memref_slice %arg7[%multiple_of3A_208] : memref<32004096xf32, #tpu.memory_space<hbm>> -> memref<8064xf32, #tpu.memory_space<hbm>>
      %dma_start3A_215 = arith.constant 0 : i32
      %dma_start3A_216 = tpu.memref_slice %arg8[%dma_start3A_209, %dma_start3A_215] : memref<8x8064xf32, #tpu.memory_space<vmem>> -> memref<1x8064xf32, #tpu.memory_space<vmem>>
      %dma_start3A_217 = tpu.memref_squeeze %dma_start3A_216 : memref<1x8064xf32, #tpu.memory_space<vmem>> -> memref<8064xf32, #tpu.memory_space<vmem>>
      tpu.enqueue_dma source(%dma_start3A_217 : memref<8064xf32, #tpu.memory_space<vmem>>) target(%dma_start3A_214 : memref<8064xf32, #tpu.memory_space<hbm>>) target_semaphore(%arg10 : memref<!tpu.dma_semaphore, #tpu.memory_space<semaphore_mem>>)
      %mul3A_218 = arith.constant 8 : i32
      %mul3A_219 = arith.muli %mul3A_218, %select_n3A_54 : i32
      %add3A_220 = arith.constant 7 : i32
      %add3A_221 = arith.addi %mul3A_219, %add3A_220 : i32
      %mul3A_222 = arith.constant 1000064 : i32
      %mul3A_223 = arith.muli %add3A_221, %mul3A_222 : i32
      %add3A_224 = arith.addi %mul3A_223, %multiple_of3A : i32
      %multiple_of3A_225 = tpu.assume_multiple %add3A_224, 128 : i32
      %dma_start3A_226 = arith.constant 7 : i32
      %dma_start3A_227 = arith.constant 0 : i32
      %dma_start3A_228 = tpu.memref_slice %arg8[%dma_start3A_226, %dma_start3A_227] : memref<8x8064xf32, #tpu.memory_space<vmem>> -> memref<1x8064xf32, #tpu.memory_space<vmem>>
      %dma_start3A_229 = tpu.memref_squeeze %dma_start3A_228 : memref<1x8064xf32, #tpu.memory_space<vmem>> -> memref<8064xf32, #tpu.memory_space<vmem>>
      %dma_start3A_230 = tpu.memref_slice %arg7[%multiple_of3A_225] : memref<32004096xf32, #tpu.memory_space<hbm>> -> memref<8064xf32, #tpu.memory_space<hbm>>
      %dma_start3A_231 = tpu.memref_slice %arg7[%multiple_of3A_225] : memref<32004096xf32, #tpu.memory_space<hbm>> -> memref<8064xf32, #tpu.memory_space<hbm>>
      %dma_start3A_232 = arith.constant 0 : i32
      %dma_start3A_233 = tpu.memref_slice %arg8[%dma_start3A_226, %dma_start3A_232] : memref<8x8064xf32, #tpu.memory_space<vmem>> -> memref<1x8064xf32, #tpu.memory_space<vmem>>
      %dma_start3A_234 = tpu.memref_squeeze %dma_start3A_233 : memref<1x8064xf32, #tpu.memory_space<vmem>> -> memref<8064xf32, #tpu.memory_space<vmem>>
      tpu.enqueue_dma source(%dma_start3A_234 : memref<8064xf32, #tpu.memory_space<vmem>>) target(%dma_start3A_231 : memref<8064xf32, #tpu.memory_space<hbm>>) target_semaphore(%arg10 : memref<!tpu.dma_semaphore, #tpu.memory_space<semaphore_mem>>)
      %dma_wait3A = arith.constant 0 : i32
      %dma_wait3A_235 = arith.constant 0 : i32
      %dma_wait3A_236 = tpu.memref_slice %arg8[%dma_wait3A, %dma_wait3A_235] : memref<8x8064xf32, #tpu.memory_space<vmem>> -> memref<1x8064xf32, #tpu.memory_space<vmem>>
      %dma_wait3A_237 = tpu.memref_squeeze %dma_wait3A_236 : memref<1x8064xf32, #tpu.memory_space<vmem>> -> memref<8064xf32, #tpu.memory_space<vmem>>
      %dma_wait3A_238 = tpu.memref_slice %arg7[%multiple_of3A_107] : memref<32004096xf32, #tpu.memory_space<hbm>> -> memref<8064xf32, #tpu.memory_space<hbm>>
      %dma_wait3A_239 = tpu.memref_slice %arg7[%multiple_of3A_107] : memref<32004096xf32, #tpu.memory_space<hbm>> -> memref<8064xf32, #tpu.memory_space<hbm>>
      %dma_wait3A_240 = arith.constant 0 : i32
      %dma_wait3A_241 = tpu.memref_slice %arg8[%dma_wait3A, %dma_wait3A_240] : memref<8x8064xf32, #tpu.memory_space<vmem>> -> memref<1x8064xf32, #tpu.memory_space<vmem>>
      %dma_wait3A_242 = tpu.memref_squeeze %dma_wait3A_241 : memref<1x8064xf32, #tpu.memory_space<vmem>> -> memref<8064xf32, #tpu.memory_space<vmem>>
      tpu.wait_dma2 semaphore(%arg10 : memref<!tpu.dma_semaphore, #tpu.memory_space<semaphore_mem>>) src(%dma_wait3A_242 : memref<8064xf32, #tpu.memory_space<vmem>>) dst(%dma_wait3A_239 : memref<8064xf32, #tpu.memory_space<hbm>>)
      %dma_wait3A_243 = arith.constant 1 : i32
      %dma_wait3A_244 = arith.constant 0 : i32
      %dma_wait3A_245 = tpu.memref_slice %arg8[%dma_wait3A_243, %dma_wait3A_244] : memref<8x8064xf32, #tpu.memory_space<vmem>> -> memref<1x8064xf32, #tpu.memory_space<vmem>>
      %dma_wait3A_246 = tpu.memref_squeeze %dma_wait3A_245 : memref<1x8064xf32, #tpu.memory_space<vmem>> -> memref<8064xf32, #tpu.memory_space<vmem>>
      %dma_wait3A_247 = tpu.memref_slice %arg7[%multiple_of3A_123] : memref<32004096xf32, #tpu.memory_space<hbm>> -> memref<8064xf32, #tpu.memory_space<hbm>>
      %dma_wait3A_248 = tpu.memref_slice %arg7[%multiple_of3A_123] : memref<32004096xf32, #tpu.memory_space<hbm>> -> memref<8064xf32, #tpu.memory_space<hbm>>
      %dma_wait3A_249 = arith.constant 0 : i32
      %dma_wait3A_250 = tpu.memref_slice %arg8[%dma_wait3A_243, %dma_wait3A_249] : memref<8x8064xf32, #tpu.memory_space<vmem>> -> memref<1x8064xf32, #tpu.memory_space<vmem>>
      %dma_wait3A_251 = tpu.memref_squeeze %dma_wait3A_250 : memref<1x8064xf32, #tpu.memory_space<vmem>> -> memref<8064xf32, #tpu.memory_space<vmem>>
      tpu.wait_dma2 semaphore(%arg10 : memref<!tpu.dma_semaphore, #tpu.memory_space<semaphore_mem>>) src(%dma_wait3A_251 : memref<8064xf32, #tpu.memory_space<vmem>>) dst(%dma_wait3A_248 : memref<8064xf32, #tpu.memory_space<hbm>>)
      %dma_wait3A_252 = arith.constant 2 : i32
      %dma_wait3A_253 = arith.constant 0 : i32
      %dma_wait3A_254 = tpu.memref_slice %arg8[%dma_wait3A_252, %dma_wait3A_253] : memref<8x8064xf32, #tpu.memory_space<vmem>> -> memref<1x8064xf32, #tpu.memory_space<vmem>>
      %dma_wait3A_255 = tpu.memref_squeeze %dma_wait3A_254 : memref<1x8064xf32, #tpu.memory_space<vmem>> -> memref<8064xf32, #tpu.memory_space<vmem>>
      %dma_wait3A_256 = tpu.memref_slice %arg7[%multiple_of3A_140] : memref<32004096xf32, #tpu.memory_space<hbm>> -> memref<8064xf32, #tpu.memory_space<hbm>>
      %dma_wait3A_257 = tpu.memref_slice %arg7[%multiple_of3A_140] : memref<32004096xf32, #tpu.memory_space<hbm>> -> memref<8064xf32, #tpu.memory_space<hbm>>
      %dma_wait3A_258 = arith.constant 0 : i32
      %dma_wait3A_259 = tpu.memref_slice %arg8[%dma_wait3A_252, %dma_wait3A_258] : memref<8x8064xf32, #tpu.memory_space<vmem>> -> memref<1x8064xf32, #tpu.memory_space<vmem>>
      %dma_wait3A_260 = tpu.memref_squeeze %dma_wait3A_259 : memref<1x8064xf32, #tpu.memory_space<vmem>> -> memref<8064xf32, #tpu.memory_space<vmem>>
      tpu.wait_dma2 semaphore(%arg10 : memref<!tpu.dma_semaphore, #tpu.memory_space<semaphore_mem>>) src(%dma_wait3A_260 : memref<8064xf32, #tpu.memory_space<vmem>>) dst(%dma_wait3A_257 : memref<8064xf32, #tpu.memory_space<hbm>>)
      %dma_wait3A_261 = arith.constant 3 : i32
      %dma_wait3A_262 = arith.constant 0 : i32
      %dma_wait3A_263 = tpu.memref_slice %arg8[%dma_wait3A_261, %dma_wait3A_262] : memref<8x8064xf32, #tpu.memory_space<vmem>> -> memref<1x8064xf32, #tpu.memory_space<vmem>>
      %dma_wait3A_264 = tpu.memref_squeeze %dma_wait3A_263 : memref<1x8064xf32, #tpu.memory_space<vmem>> -> memref<8064xf32, #tpu.memory_space<vmem>>
      %dma_wait3A_265 = tpu.memref_slice %arg7[%multiple_of3A_157] : memref<32004096xf32, #tpu.memory_space<hbm>> -> memref<8064xf32, #tpu.memory_space<hbm>>
      %dma_wait3A_266 = tpu.memref_slice %arg7[%multiple_of3A_157] : memref<32004096xf32, #tpu.memory_space<hbm>> -> memref<8064xf32, #tpu.memory_space<hbm>>
      %dma_wait3A_267 = arith.constant 0 : i32
      %dma_wait3A_268 = tpu.memref_slice %arg8[%dma_wait3A_261, %dma_wait3A_267] : memref<8x8064xf32, #tpu.memory_space<vmem>> -> memref<1x8064xf32, #tpu.memory_space<vmem>>
      %dma_wait3A_269 = tpu.memref_squeeze %dma_wait3A_268 : memref<1x8064xf32, #tpu.memory_space<vmem>> -> memref<8064xf32, #tpu.memory_space<vmem>>
      tpu.wait_dma2 semaphore(%arg10 : memref<!tpu.dma_semaphore, #tpu.memory_space<semaphore_mem>>) src(%dma_wait3A_269 : memref<8064xf32, #tpu.memory_space<vmem>>) dst(%dma_wait3A_266 : memref<8064xf32, #tpu.memory_space<hbm>>)
      %dma_wait3A_270 = arith.constant 4 : i32
      %dma_wait3A_271 = arith.constant 0 : i32
      %dma_wait3A_272 = tpu.memref_slice %arg8[%dma_wait3A_270, %dma_wait3A_271] : memref<8x8064xf32, #tpu.memory_space<vmem>> -> memref<1x8064xf32, #tpu.memory_space<vmem>>
      %dma_wait3A_273 = tpu.memref_squeeze %dma_wait3A_272 : memref<1x8064xf32, #tpu.memory_space<vmem>> -> memref<8064xf32, #tpu.memory_space<vmem>>
      %dma_wait3A_274 = tpu.memref_slice %arg7[%multiple_of3A_174] : memref<32004096xf32, #tpu.memory_space<hbm>> -> memref<8064xf32, #tpu.memory_space<hbm>>
      %dma_wait3A_275 = tpu.memref_slice %arg7[%multiple_of3A_174] : memref<32004096xf32, #tpu.memory_space<hbm>> -> memref<8064xf32, #tpu.memory_space<hbm>>
      %dma_wait3A_276 = arith.constant 0 : i32
      %dma_wait3A_277 = tpu.memref_slice %arg8[%dma_wait3A_270, %dma_wait3A_276] : memref<8x8064xf32, #tpu.memory_space<vmem>> -> memref<1x8064xf32, #tpu.memory_space<vmem>>
      %dma_wait3A_278 = tpu.memref_squeeze %dma_wait3A_277 : memref<1x8064xf32, #tpu.memory_space<vmem>> -> memref<8064xf32, #tpu.memory_space<vmem>>
      tpu.wait_dma2 semaphore(%arg10 : memref<!tpu.dma_semaphore, #tpu.memory_space<semaphore_mem>>) src(%dma_wait3A_278 : memref<8064xf32, #tpu.memory_space<vmem>>) dst(%dma_wait3A_275 : memref<8064xf32, #tpu.memory_space<hbm>>)
      %dma_wait3A_279 = arith.constant 5 : i32
      %dma_wait3A_280 = arith.constant 0 : i32
      %dma_wait3A_281 = tpu.memref_slice %arg8[%dma_wait3A_279, %dma_wait3A_280] : memref<8x8064xf32, #tpu.memory_space<vmem>> -> memref<1x8064xf32, #tpu.memory_space<vmem>>
      %dma_wait3A_282 = tpu.memref_squeeze %dma_wait3A_281 : memref<1x8064xf32, #tpu.memory_space<vmem>> -> memref<8064xf32, #tpu.memory_space<vmem>>
      %dma_wait3A_283 = tpu.memref_slice %arg7[%multiple_of3A_191] : memref<32004096xf32, #tpu.memory_space<hbm>> -> memref<8064xf32, #tpu.memory_space<hbm>>
      %dma_wait3A_284 = tpu.memref_slice %arg7[%multiple_of3A_191] : memref<32004096xf32, #tpu.memory_space<hbm>> -> memref<8064xf32, #tpu.memory_space<hbm>>
      %dma_wait3A_285 = arith.constant 0 : i32
      %dma_wait3A_286 = tpu.memref_slice %arg8[%dma_wait3A_279, %dma_wait3A_285] : memref<8x8064xf32, #tpu.memory_space<vmem>> -> memref<1x8064xf32, #tpu.memory_space<vmem>>
      %dma_wait3A_287 = tpu.memref_squeeze %dma_wait3A_286 : memref<1x8064xf32, #tpu.memory_space<vmem>> -> memref<8064xf32, #tpu.memory_space<vmem>>
      tpu.wait_dma2 semaphore(%arg10 : memref<!tpu.dma_semaphore, #tpu.memory_space<semaphore_mem>>) src(%dma_wait3A_287 : memref<8064xf32, #tpu.memory_space<vmem>>) dst(%dma_wait3A_284 : memref<8064xf32, #tpu.memory_space<hbm>>)
      %dma_wait3A_288 = arith.constant 6 : i32
      %dma_wait3A_289 = arith.constant 0 : i32
      %dma_wait3A_290 = tpu.memref_slice %arg8[%dma_wait3A_288, %dma_wait3A_289] : memref<8x8064xf32, #tpu.memory_space<vmem>> -> memref<1x8064xf32, #tpu.memory_space<vmem>>
      %dma_wait3A_291 = tpu.memref_squeeze %dma_wait3A_290 : memref<1x8064xf32, #tpu.memory_space<vmem>> -> memref<8064xf32, #tpu.memory_space<vmem>>
      %dma_wait3A_292 = tpu.memref_slice %arg7[%multiple_of3A_208] : memref<32004096xf32, #tpu.memory_space<hbm>> -> memref<8064xf32, #tpu.memory_space<hbm>>
      %dma_wait3A_293 = tpu.memref_slice %arg7[%multiple_of3A_208] : memref<32004096xf32, #tpu.memory_space<hbm>> -> memref<8064xf32, #tpu.memory_space<hbm>>
      %dma_wait3A_294 = arith.constant 0 : i32
      %dma_wait3A_295 = tpu.memref_slice %arg8[%dma_wait3A_288, %dma_wait3A_294] : memref<8x8064xf32, #tpu.memory_space<vmem>> -> memref<1x8064xf32, #tpu.memory_space<vmem>>
      %dma_wait3A_296 = tpu.memref_squeeze %dma_wait3A_295 : memref<1x8064xf32, #tpu.memory_space<vmem>> -> memref<8064xf32, #tpu.memory_space<vmem>>
      tpu.wait_dma2 semaphore(%arg10 : memref<!tpu.dma_semaphore, #tpu.memory_space<semaphore_mem>>) src(%dma_wait3A_296 : memref<8064xf32, #tpu.memory_space<vmem>>) dst(%dma_wait3A_293 : memref<8064xf32, #tpu.memory_space<hbm>>)
      %dma_wait3A_297 = arith.constant 7 : i32
      %dma_wait3A_298 = arith.constant 0 : i32
      %dma_wait3A_299 = tpu.memref_slice %arg8[%dma_wait3A_297, %dma_wait3A_298] : memref<8x8064xf32, #tpu.memory_space<vmem>> -> memref<1x8064xf32, #tpu.memory_space<vmem>>
      %dma_wait3A_300 = tpu.memref_squeeze %dma_wait3A_299 : memref<1x8064xf32, #tpu.memory_space<vmem>> -> memref<8064xf32, #tpu.memory_space<vmem>>
      %dma_wait3A_301 = tpu.memref_slice %arg7[%multiple_of3A_225] : memref<32004096xf32, #tpu.memory_space<hbm>> -> memref<8064xf32, #tpu.memory_space<hbm>>
      %dma_wait3A_302 = tpu.memref_slice %arg7[%multiple_of3A_225] : memref<32004096xf32, #tpu.memory_space<hbm>> -> memref<8064xf32, #tpu.memory_space<hbm>>
      %dma_wait3A_303 = arith.constant 0 : i32
      %dma_wait3A_304 = tpu.memref_slice %arg8[%dma_wait3A_297, %dma_wait3A_303] : memref<8x8064xf32, #tpu.memory_space<vmem>> -> memref<1x8064xf32, #tpu.memory_space<vmem>>
      %dma_wait3A_305 = tpu.memref_squeeze %dma_wait3A_304 : memref<1x8064xf32, #tpu.memory_space<vmem>> -> memref<8064xf32, #tpu.memory_space<vmem>>
      tpu.wait_dma2 semaphore(%arg10 : memref<!tpu.dma_semaphore, #tpu.memory_space<semaphore_mem>>) src(%dma_wait3A_305 : memref<8064xf32, #tpu.memory_space<vmem>>) dst(%dma_wait3A_302 : memref<8064xf32, #tpu.memory_space<hbm>>)
    } else {
    }
    %eq3A_79 = arith.constant 0 : i32
    %eq3A_80 = arith.cmpi eq, %add3A, %eq3A_79 : i32
    %convert_element_type3A_81 = arith.extui %eq3A_80 : i1 to i32
    %cond3A_82 = arith.constant 0 : i32
    %cond3A_83 = arith.cmpi ne, %convert_element_type3A_81, %cond3A_82 : i32
    scf.if %cond3A_83 {
      %dma_start3A = arith.constant 32002048 : i32
      %dma_start3A_89 = tpu.memref_slice %arg6[%dma_start3A] : memref<32004096xf32, #tpu.memory_space<hbm>> -> memref<2048xf32, #tpu.memory_space<hbm>>
      tpu.enqueue_dma source(%arg4 : memref<2048xf32, #tpu.memory_space<hbm>>) target(%dma_start3A_89 : memref<2048xf32, #tpu.memory_space<hbm>>) target_semaphore(%arg11 : memref<!tpu.dma_semaphore, #tpu.memory_space<semaphore_mem>>)
      %dma_wait3A = arith.constant 32002048 : i32
      %dma_wait3A_90 = tpu.memref_slice %arg6[%dma_wait3A] : memref<32004096xf32, #tpu.memory_space<hbm>> -> memref<2048xf32, #tpu.memory_space<hbm>>
      tpu.wait_dma2 semaphore(%arg11 : memref<!tpu.dma_semaphore, #tpu.memory_space<semaphore_mem>>) src(%arg4 : memref<2048xf32, #tpu.memory_space<hbm>>) dst(%dma_wait3A_90 : memref<2048xf32, #tpu.memory_space<hbm>>)
    } else {
    }
    %eq3A_84 = arith.constant 1 : i32
    %eq3A_85 = arith.cmpi eq, %add3A, %eq3A_84 : i32
    %convert_element_type3A_86 = arith.extui %eq3A_85 : i1 to i32
    %cond3A_87 = arith.constant 0 : i32
    %cond3A_88 = arith.cmpi ne, %convert_element_type3A_86, %cond3A_87 : i32
    scf.if %cond3A_88 {
      %dma_start3A = arith.constant 32002048 : i32
      %dma_start3A_89 = tpu.memref_slice %arg7[%dma_start3A] : memref<32004096xf32, #tpu.memory_space<hbm>> -> memref<2048xf32, #tpu.memory_space<hbm>>
      tpu.enqueue_dma source(%arg5 : memref<2048xf32, #tpu.memory_space<hbm>>) target(%dma_start3A_89 : memref<2048xf32, #tpu.memory_space<hbm>>) target_semaphore(%arg11 : memref<!tpu.dma_semaphore, #tpu.memory_space<semaphore_mem>>)
      %dma_wait3A = arith.constant 32002048 : i32
      %dma_wait3A_90 = tpu.memref_slice %arg7[%dma_wait3A] : memref<32004096xf32, #tpu.memory_space<hbm>> -> memref<2048xf32, #tpu.memory_space<hbm>>
      tpu.wait_dma2 semaphore(%arg11 : memref<!tpu.dma_semaphore, #tpu.memory_space<semaphore_mem>>) src(%arg5 : memref<2048xf32, #tpu.memory_space<hbm>>) dst(%dma_wait3A_90 : memref<2048xf32, #tpu.memory_space<hbm>>)
    } else {
    }
    return
  }
}

</mosaic_0001>

<sc_bundles>
// kernel: kernel.4.cloned.1.call-start
scs
__scs_entry_jumppad:
0x0: {  	(pc) =	sbr.rel $0x88, $3  }
0x1: {  	(tag) =	ssettag $0x0;
	lr =	simm.s32 $0x1  }
0x2: {  	[smem:$0x3F9D] =	sst lr;
	_ =	strace $0xD0000000  }
0x3: {  	_ = 	snop  }
0x4: {  	_ = 	snop  }
0x5: {  	_ = 	snop  }
0x6: {  	_ = 	snop  }
0x7: {  	_ = 	snop  }
__scs_overlays_trampoline_lowered:
0x8: {  	[smem:$0x3FAC] =	sst s0  }
0x9: {  	[smem:$0x3FAD] =	sst s1  }
0xa: {  	[smem:$0x3FAE] =	sst s2  }
0xb: {  	[smem:$0x3FAF] =	sst s3  }
0xc: {  	[smem:$0x3FB0] =	sst s4  }
0xd: {  	[smem:$0x3FB1] =	sst s5  }
0xe: {  	[smem:$0x3FB2] =	sst s6  }
0xf: {  	[smem:$0x3FB3] =	sst s7  }
0x10: {  	[smem:$0x3FB4] =	sst s8  }
0x11: {  	[smem:$0x3FB5] =	sst s9;
	s0 =	simm.s32 @!p0 $0x0  }
0x12: {  	s1 =	sld [smem:$0x3F9B];
	s0 =	simm.s32 @p0 $0x1  }
0x13: {  	[smem:$0x3FB6] =	sst s0;
	s0 =	simm.s32 @!p1 $0x0  }
0x14: {  	s2 =	sld [smem:$0x3F9A];
	s0 =	simm.s32 @p1 $0x1  }
0x15: {  	[smem:$0x3FB7] =	sst s0;
	s0 =	simm.s32 @!p2 $0x0  }
0x16: {  	s3 =	sld [smem:$0x3FDB];
	s0 =	simm.s32 @p2 $0x1  }
0x17: {  	s4 =	simm.s32 $0x1BF5;
	[smem:$0x3FB9] =	sst s0  }
0x18: {  	s0 =	sld [smem:$0x3F9C];
	_ =	swait.ge [sflag:s4], $0x0  }
0x19: {  	s7 =	sld [smem:$0x3F9D]  }
0x1a: {  	s8 =	sadd.s32 $0xFFFFE003, lr  }
0x1b: {  	s9 =	sadd.s32 $0xFFFFFEF7, lr;
	s5 =	simm.s32 $0xFFFFFFFF;
	p2 =	slt.u32 s8, $0xFFFFF086  }
0x1c: {  	p1 =	slt.u32 s9, $0xF7A;
	s5 =	simm.s32 @!p2 $0x0  }
0x1d: {  	s5 =	simm.s32 @p1 $0x1;
	p0 =	seq.s32 s7, s2  }
0x1e: {  	s7 =	smul.u32 @!p0 $0xF7A, s2;
	p2 =	seq.s32 @!p0 s5, $0x0  }
0x1f: {  	s9 =	smul.u32 $0xF7A, s1;
	s8 =	simm.s32 @!p0 $0x1BF5;
	p2 =	por !p2, p0  }
0x20: {  	[sflag:s8] =	ssyncset.s32 @!p0 $0xFFFFF086;
	s6 =	sadd.s32 @!p0 s3, s7;
	s7 =	simm.s32 @!p0 $0x108  }
0x21: {  	s3 =	sadd.s32 s3, s9;
	s6 =	sadd.s32 @!p0 $0x88, s6;
	s7 =	simm.s32 @p2 $0x1082  }
0x22: {  	[simem:s7], [sflag:s8] =	dma.local @!p0 [hbm:s6], $0xF7A  }
0x23: {  	s9 =	sor.u32 $0xD0000000, s2;
	s6 =	simm.s32 $0x108;
	_ =	swait.ge @!p0 [sflag:s8], $0x0  }
0x24: {  	s3 =	sadd.s32 $0x88, s3;
	s6 =	simm.s32 @!p1 $0x1082;
	[sflag:s4] =	ssyncset.s32 $0xFFFFF086  }
0x25: {  	[simem:s6], [sflag:s4] =	dma.local [hbm:s3], $0xF7A  }
0x26: {  	[smem:$0x3F9D] =	sst s1;
	(tag) =	ssettag s2;
	_ =	strace s9  }
0x27: {  	s1 =	sld [smem:$0x3FAD]  }
0x28: {  	s2 =	sld [smem:$0x3FAE]  }
0x29: {  	s4 =	sld [smem:$0x3FB0]  }
0x2a: {  	p0 =	seq.s32 s5, $0x0;
	s5 =	sld [smem:$0x3FB1]  }
0x2b: {  	s6 =	sld [smem:$0x3FB2]  }
0x2c: {  	s7 =	sld [smem:$0x3FB3]  }
0x2d: {  	s3 =	simm.s32 $0x108;
	s8 =	sld [smem:$0x3FB4]  }
0x2e: {  	s3 =	simm.s32 @!p0 $0x1082;
	s9 =	sld [smem:$0x3FB5]  }
0x2f: {  	lr =	sadd.s32 s0, s3;
	s0 =	sld [smem:$0x3FAC]  }
0x30: {  	s3 =	sld [smem:$0x3FAF]  }
0x31: {  	[smem:$0x3FB8] =	sst s10  }
0x32: {  	s10 =	sld [smem:$0x3FB6];
	_ =	sdelay $0x3  }
0x33: {  	p0 =	seq.s32 s10, $0x1;
	s10 =	sld [smem:$0x3FB8];
	_ =	sdelay $0x3  }
0x34: {  	[smem:$0x3FB8] =	sst s10  }
0x35: {  	s10 =	sld [smem:$0x3FB7];
	_ =	sdelay $0x3  }
0x36: {  	p1 =	seq.s32 s10, $0x1;
	s10 =	sld [smem:$0x3FB8];
	_ =	sdelay $0x3  }
0x37: {  	[smem:$0x3FB8] =	sst s10  }
0x38: {  	s10 =	sld [smem:$0x3FB9]  }
0x39: {  	_ = 	snop;
	(pc) =	sbr.ind lr, $3  }
0x3a: {  	_ = 	snop  }
0x3b: {  	_ = 	snop  }
0x3c: {  	p2 =	seq.s32 s10, $0x1;
	s10 =	sld [smem:$0x3FB8]  }
0x3d: {  	_ =	shalt  }
0x3e: {  	_ =	shalt  }
0x3f: {  	_ =	shalt  }
0x40: {  	_ =	shalt  }
0x41: {  	_ =	shalt  }
0x42: {  	_ =	shalt  }
0x43: {  	_ =	shalt  }
0x44: {  	_ =	shalt  }
0x45: {  	_ =	shalt  }
0x46: {  	_ =	shalt  }
0x47: {  	_ =	shalt  }
0x48: {  	_ =	shalt  }
0x49: {  	_ =	shalt  }
0x4a: {  	_ =	shalt  }
0x4b: {  	_ =	shalt  }
0x4c: {  	_ =	shalt  }
0x4d: {  	_ =	shalt  }
0x4e: {  	_ =	shalt  }
0x4f: {  	_ =	shalt  }
0x50: {  	_ =	shalt  }
0x51: {  	_ =	shalt  }
0x52: {  	_ =	shalt  }
0x53: {  	_ =	shalt  }
0x54: {  	_ =	shalt  }
0x55: {  	_ =	shalt  }
0x56: {  	_ =	shalt  }
0x57: {  	_ =	shalt  }
0x58: {  	_ =	shalt  }
0x59: {  	_ =	shalt  }
0x5a: {  	_ =	shalt  }
0x5b: {  	_ =	shalt  }
0x5c: {  	_ =	shalt  }
0x5d: {  	_ =	shalt  }
0x5e: {  	_ =	shalt  }
0x5f: {  	_ =	shalt  }
0x60: {  	_ =	shalt  }
0x61: {  	_ =	shalt  }
0x62: {  	_ =	shalt  }
0x63: {  	_ =	shalt  }
0x64: {  	_ =	shalt  }
0x65: {  	_ =	shalt  }
0x66: {  	_ =	shalt  }
0x67: {  	_ =	shalt  }
0x68: {  	_ =	shalt  }
0x69: {  	_ =	shalt  }
0x6a: {  	_ =	shalt  }
0x6b: {  	_ =	shalt  }
0x6c: {  	_ =	shalt  }
0x6d: {  	_ =	shalt  }
0x6e: {  	_ =	shalt  }
0x6f: {  	_ =	shalt  }
0x70: {  	_ =	shalt  }
0x71: {  	_ =	shalt  }
0x72: {  	_ =	shalt  }
0x73: {  	_ =	shalt  }
0x74: {  	_ =	shalt  }
0x75: {  	_ =	shalt  }
0x76: {  	_ =	shalt  }
0x77: {  	_ =	shalt  }
0x78: {  	_ =	shalt  }
0x79: {  	_ =	shalt  }
0x7a: {  	_ =	shalt  }
0x7b: {  	_ =	shalt  }
0x7c: {  	_ =	shalt  }
0x7d: {  	_ =	shalt  }
0x7e: {  	_ =	shalt  }
0x7f: {  	_ =	shalt  }
0x80: {  	_ =	shalt  }
0x81: {  	_ =	shalt  }
0x82: {  	_ =	shalt  }
0x83: {  	_ =	shalt  }
0x84: {  	_ =	shalt  }
0x85: {  	_ =	shalt  }
0x86: {  	_ =	shalt  }
0x87: {  	_ =	shalt  }
.Lfunc_end0:
.L_simem_size_0:
called_computation_lowered:
.L_overlay_start_0:
0x88: {  	s2 =	sld [smem:$0x3FD9]  }
0x89: {  	s3 =	sld [smem:$0x3FFE];
	_ =	sdelay $0x1  }
0x8a: {  	s1 =	srdreg.scid  }
0x8b: {  	s0 =	sand.u32 $0x1, s1  }
0x8c: {  	s17 =	sshll.u32 s0, $0xA;
	s2 =	sadd.s32 s3, s2  }
0x8d: {  	s2 =	sadd.s32 s2, s17  }
0x8e: {  	[smem:$0x3FC4] =	sst s2  }
0x8f: {  	_ = 	snop  }
0x90: {  	s2 =	sld [smem:$0x3FC9]  }
0x91: {  	s18 =	sld [smem:$0x3FC8]  }
0x92: {  	s4 =	sld [smem:$0x3FD0];
	(tm) =	ssettm $0x1  }
0x93: {  	s5 =	sld [smem:$0x3FFB];
	_ =	sdelay $0x3  }
0x94: {  	_ =	strace s5  }
0x95: {  	s5 =	sld [smem:$0x3FFC];
	_ =	sdelay $0x3  }
0x96: {  	_ =	strace s5  }
0x97: {  	s5 =	sld [smem:$0x3FFD];
	_ =	sdelay $0x3  }
0x98: {  	_ =	strace s5  }
0x99: {  	_ =	strace $0x8FFFFFFF  }
0x9a: {  	s19 =	sld [smem:$0x3FDB];
	_ =	sdelay $0x1  }
0x9b: {  	s6 =	simm.s32 $_scs_section_size  }
0x9c: {  	s7 =	simm.s32 $_size__tile_overlayer_lowered;
	s8 =	simm.s32 $_tile_overlayer_lowered  }
0x9d: {  	s22 =	simm.s32 $0x1BFF;
	s21 =	sshll.u32 s8, $0x1;
	s5 =	sadd.s32 s6, s19  }
0x9e: {  	s9 =	simm.s32 $0x0;
	s20 =	sshll.u32 s7, $0x1;
	s7 =	sadd.s32 s21, s5  }
0x9f: {  	[timem:s9], [sflag:s22] =	dma.local [hbm:s7], s20  }
0xa0: {  	_ =	swait.ge [sflag:s22], s20  }
0xa1: {  	s6 =	ssub.s32 $0x0, s20;
	[sflag:s22] =	ssyncset.done $0x0  }
0xa2: {  	[sflag:s22] =	ssyncadd.s32 s6;
	_ =	sdelay $0x1  }
0xa3: {  	s23 =	simm.s32 $0x1B8B  }
0xa4: {  	_ =	swait.ge [sflag:s23], $0x1  }
0xa5: {  	[sflag:s23] =	ssyncset.done $0x0  }
0xa6: {  	s25 =	simm.s32 $0x1B8E;
	s24 =	sld [smem:$0x3FFE];
	[sflag:s23] =	ssyncadd.s32 $0xFFFFFFFF  }
0xa7: {  	s26 =	simm.s32 $execute0_lowered;
	[smem:$0x3FD2] =	sst s25  }
0xa8: {  	s7 =	sshll.u32 s26, $0x1;
	_ =	strace $0x80000046;
	[dreg:$0x1] =	wrdreg $0xFFFFFFFF  }
0xa9: {  	s28 =	simm.s32 $_size_execute0_lowered;
	s5 =	sadd.s32 s5, s7;
	[dreg:$0x0] =	wrdreg $0x0  }
0xaa: {  	s7 =	sshll.u32 s28, $0x1;
	[dreg:$0x2] =	wrdreg s5  }
0xab: {  	[dreg:$0x3] =	wrdreg s7  }
0xac: {  	[dreg:$0x4] =	wrdreg $0xC0  }
0xad: {  	_ =	task [dreg:s9], $0x5FFFF  }
0xae: {  	[dreg:$0x1] =	wrdreg $0xFFFFFFFF  }
0xaf: {  	[dreg:$0x0] =	wrdreg $0x60  }
0xb0: {  	[dreg:$0x2] =	wrdreg s2  }
0xb1: {  	[dreg:$0x3] =	wrdreg s18  }
0xb2: {  	[dreg:$0x4] =	wrdreg s4  }
0xb3: {  	[dreg:$0x5] =	wrdreg s24  }
0xb4: {  	[dreg:$0x6] =	wrdreg $0x9  }
0xb5: {  	_ =	task.clear_ibuf [dreg:s9], $0x7FFFF;
	_ =	strace $0x90000046  }
0xb6: {  	s29 =	simm.s32 $0x9;
	_ =	strace $0x80000048  }
0xb7: {  	_ =	swait.ge [sflag:s29], $0x1  }
0xb8: {  	[sflag:s29] =	ssyncadd.s32 $0xFFFFFFFF  }
0xb9: {  	_ =	strace $0x90000048  }
0xba: {  	_ =	sfence  }
0xbb: {  	s30 =	sld [smem:$0x0];
	_ =	sdelay $0x2  }
0xbc: {  	s31 =	sshll.u32 s1, $0xD;
	s1 =	sshrl.u32 s1, $0x2  }
0xbd: {  	s3 =	sand.u32 $0x4000, s31;
	s1 =	sadd.s32 s1, s30  }
0xbe: {  	s0 =	sor.u32 s3, s0;
	s1 =	sshll.u32 s1, $0x11  }
0xbf: {  	s0 =	sor.u32 s1, s0  }
0xc0: {  	s0 =	sadd.s32 $0x8F2B, s0  }
0xc1: {  	[sflag:s0] =	ssyncadd.remote.s32 $0x1  }
0xc2: {  	_ =	sfence.sel $0xFFFF  }
0xc3: {  	[dreg:$0x0] =	wrdreg $0xFFFFFFFF;
	(pc) =	sbr.abs _section_cstart, $3  }
0xc4: {  	[dreg:$0x1] =	wrdreg $0xFFFFFFFF  }
0xc5: {  	_ =	task.clear_ibuf [dreg:s9], $0x2FFFF;
	_ =	strace $0x9FFFFFFF  }
0xc6: {  	(tm) =	ssettm $0x7FFFFFFF  }
0xc7: {  	_ =	shalt  }
tec
execute0_lowered:
.L_overlay_start_1:
0x0: {  	(tag) =	ssettag $0x1  }
0x1: {  	s0 =	rddreg [dreg:$0x0]  }
0x2: {  	s1 =	rddreg [dreg:$0x1];
	s2 =	srdreg.scid  }
0x3: {  	s30 =	stileid.u32;
	s4 =	rddreg [dreg:$0x3];
	s3 =	simm.s32 $0x0  }
0x4: {  	s2 =	sand.u32 $0x1, s2;
	s5 =	sshll.u32 s30, $0x1;
	[smem:$0x7FF] =	sst s3  }
0x5: {  	s6 =	sshrl.u32 s30, $0x1;
	s20 =	sadd.s32 $0xC00, s4;
	s8 =	sadd.s32 $0x3D1A00, s4  }
0x6: {  	p2 =	sgt.u32 s30, $0x7;
	s5 =	sor.u32 s2, s5;
	s6 =	sand.u32 $0x3, s6  }
0x7: {  	_ =	strace $0x80000047;
	[dreg:$0x6] =	wrdreg s20;
	s10 =	smul.u32 $0x7A1400, s6  }
0x8: {  	s2 =	ssub.s32 $0x2, s2;
	s7 =	sand.u32 $0x3, s5;
	s6 =	smul.u32 $0xF4280, s6  }
0x9: {  	s9 =	sshrl.u32 s2, $0x1;
	p0 =	seq.s32 s5, $0x0;
	s31 =	smul.u32 $0x3D080, s7  }
0xa: {  	p1 =	sne.s32 s5, $0x1;
	s7 =	sadd.s32 $0xE00, s4;
	s2 =	ssub.s32 s2, s9  }
0xb: {  	s23 =	sshrl.u32 s10, $0x3;
	s5 =	sadd.s32 $0xF4280, s10;
	[dreg:$0x5] =	wrdreg s31  }
0xc: {  	s12 =	sadd.s32 s1, s6;
	s30 =	sadd.s32 $0x4C4C80, s10;
	[dreg:$0xc] =	wrdreg s5  }
0xd: {  	s6 =	sadd.s32 s0, s6;
	s1 =	sadd.s32 s1, s23;
	[dreg:$0x11] =	wrdreg s30  }
0xe: {  	s21 =	sadd.s32 $0x3B100, s31;
	s0 =	sadd.s32 s0, s23;
	[dreg:$0x7] =	wrdreg s1  }
0xf: {  	s11 =	sadd.s32 s10, s21;
	s24 =	sadd.s32 s21, s12;
	[dreg:$0x9] =	wrdreg s0  }
0x10: {  	s4 =	sadd.s32 s21, s6;
	s1 =	sadd.s32 $0x6AD180, s10;
	[dreg:$0x8] =	wrdreg s24  }
0x11: {  	s25 =	sshrl.u32 s11, $0x3;
	[dreg:$0xa] =	wrdreg s4;
	s4 =	sadd.s32 $0x1F80, s31  }
0x12: {  	s31 =	sadd.s32 $0x5B8F00, s10;
	s11 =	sadd.s32 s8, s25;
	s18 =	sadd.s32 $0x1E850, s25  }
0x13: {  	s15 =	sadd.s32 $0x3D0A0, s25;
	s16 =	sadd.s32 $0x5B8F0, s25;
	s22 =	sadd.s32 $0x7A140, s25  }
0x14: {  	s26 =	sadd.s32 $0x98990, s25;
	s6 =	sadd.s32 $0xB71E0, s25;
	[dreg:$0xb] =	wrdreg s4  }
0x15: {  	s9 =	sadd.s32 $0xD5A30, s25;
	s17 =	sadd.s32 s7, s25;
	[dreg:$0x12] =	wrdreg s31  }
0x16: {  	s4 =	simm.s32 $0x3;
	s12 =	sadd.s32 s8, s18;
	s13 =	sadd.s32 s8, s15  }
0x17: {  	s14 =	sadd.s32 s8, s16;
	s18 =	sadd.s32 s7, s18;
	s19 =	sadd.s32 s7, s15  }
0x18: {  	s20 =	sadd.s32 s7, s16;
	s21 =	sadd.s32 s8, s22;
	s23 =	sadd.s32 s8, s26  }
0x19: {  	s24 =	sadd.s32 s7, s26;
	s25 =	sadd.s32 s8, s6;
	s26 =	sadd.s32 s7, s6  }
.Ltmp0:
0x1a: {  	s28 =	sadd.s32 s8, s9;
	s6 =	smax.u32 s2, $0x1;
	(pc) =	sbr.rel .LBB2_1-.Ltmp0, $4  }
0x1b: {  	s29 =	sadd.s32 s7, s9;
	s9 =	sadd.s32 $0x1E8500, s10;
	[dreg:$0xd] =	wrdreg s6  }
0x1c: {  	s22 =	sadd.s32 s7, s22;
	s15 =	sadd.s32 $0x2DC780, s10;
	[dreg:$0xe] =	wrdreg s9  }
0x1d: {  	s16 =	sadd.s32 $0x3D0A00, s10;
	s2 =	simm.s32 $0x0;
	[dreg:$0xf] =	wrdreg s15  }
0x1e: {  	[dreg:$0x10] =	wrdreg s16;
	s16 =	smov.u32 s10;
	s9 =	simm.s32 $0x1  }
.LBB2_105:
0x1f: {  	s5 =	stileid.u32  }
0x20: {  	s5 =	sshll.u32 s5, $0x6  }
0x21: {  	s0 =	sadd.s32 $0x3D0A00, s0;
	s31 =	simm.s32 $0x2;
	s5 =	sor.u32 $0x1C02, s5  }
0x22: {  	[hbm:s0], [sflag:s5] =	dma.local [hbm:s2], $0x100  }
0x23: {  	_ =	swait.ge [sflag:s31], $0x100  }
0x24: {  	[sflag:s31] =	ssyncset.done $0x0  }
0x25: {  	s2 =	rddreg [dreg:$0x13];
	[sflag:s31] =	ssyncadd.s32 $0xFFFFFF00  }
.LBB2_106:
0x26: {  	s2 =	sadd.s32 $0x1, s2;
	s0 =	rddreg [dreg:$0xd]  }
0x27: {  	p3 =	sne.s32 s2, s0  }
.Ltmp1:
0x28: {  	_ = 	snop;
	(pc) =	sbr.rel @!p3 .LBB2_107-.Ltmp1, $1  }
0x29: {  	_ =	sdelay $0x3  }
.LBB2_1:
.Ltmp2:
0x2a: {  	(pc) =	sbr.rel @p2 .LBB2_52-.Ltmp2, $2  }
0x2b: {  	_ =	sdelay $0x2  }
0x2c: {  	[dreg:$0x13] =	wrdreg s2;
	s15 =	simm.s32 $0x0;
	s30 =	simm.s32 $0x0  }
.LBB2_2:
0x2d: {  	s30 =	smul.u32 $0x3F00, s15  }
0x2e: {  	s0 =	rddreg [dreg:$0x5]  }
0x2f: {  	s5 =	rddreg [dreg:$0x9];
	s6 =	sadd.s32 s0, s30  }
0x30: {  	s31 =	simm.s32 $0x0;
	s0 =	sadd.s32 s6, s5;
	s10 =	sadd.s32 s16, s6  }
0x31: {  	[tilespmem:s31], [sflag:$0x3] =	stream.linear.gather [hbm4b:s0+s31], $0xFC00, $0x38;
	[tilespmem:$0x1F800] =	vst v63  }
0x32: {  	s0 =	sshrl.u32 s10, $0x3;
	_ =	swait.ge [sflag:s4], $0xFC00  }
0x33: {  	s2 =	simm.s32 $0x400;
	s5 =	sadd.s32 s7, s0;
	[sflag:s4] =	ssyncset.done $0x0  }
0x34: {  	s0 =	simm.s32 $0x10;
	s10 =	sadd.s32 $0x0, s5;
	[sflag:s4] =	ssyncadd.s32 $0xFFFF0400  }
.LBB2_3:
0x35: {  	[hbm4b:s10+s3] =	stream.linear.scatter [tilespmem:s31], [sflag:$0x1], $0x80, $0x38;
	[tilespmem:$0x1F800] =	vst v63  }
0x36: {  	s10 =	smov.u32 s0;
	s31 =	smov.u32 s2;
	p3 =	sne.s32 s0, $0x3E0  }
.Ltmp3:
0x37: {  	s0 =	sadd.s32 $0x10, s0;
	(pc) =	sbr.rel @p3 .LBB2_3-.Ltmp3, $2  }
0x38: {  	_ =	sdelay $0x2  }
0x39: {  	s2 =	sadd.s32 $0x400, s2;
	s10 =	sadd.s32 s10, s5  }
0x3a: {  	[hbm4b:s10+s3] =	stream.linear.scatter [tilespmem:s31], [sflag:$0x1], $0x80, $0x38;
	[tilespmem:$0x1F800] =	vst v63  }
0x3b: {  	s0 =	rddreg [dreg:$0xc]  }
0x3c: {  	s0 =	sadd.s32 s0, s6  }
0x3d: {  	s0 =	sshrl.u32 s0, $0x3  }
0x3e: {  	s5 =	simm.s32 $0x80;
	s31 =	sadd.s32 s7, s0  }
0x3f: {  	s2 =	simm.s32 $0x480;
	s0 =	simm.s32 $0x10;
	s10 =	sadd.s32 $0x0, s31  }
.LBB2_5:
0x40: {  	[hbm4b:s10+s3] =	stream.linear.scatter [tilespmem:s5], [sflag:$0x1], $0x80, $0x38;
	[tilespmem:$0x1F800] =	vst v63  }
0x41: {  	s10 =	smov.u32 s0;
	s5 =	smov.u32 s2;
	p3 =	sne.s32 s0, $0x3E0  }
.Ltmp4:
0x42: {  	s0 =	sadd.s32 $0x10, s0;
	(pc) =	sbr.rel @p3 .LBB2_5-.Ltmp4, $2  }
0x43: {  	_ =	sdelay $0x2  }
0x44: {  	s2 =	sadd.s32 $0x400, s2;
	s10 =	sadd.s32 s10, s31  }
0x45: {  	[hbm4b:s10+s3] =	stream.linear.scatter [tilespmem:s5], [sflag:$0x1], $0x80, $0x38;
	[tilespmem:$0x1F800] =	vst v63  }
0x46: {  	s0 =	rddreg [dreg:$0xe]  }
0x47: {  	s0 =	sadd.s32 s0, s6  }
0x48: {  	s0 =	sshrl.u32 s0, $0x3  }
0x49: {  	s5 =	simm.s32 $0x100;
	s31 =	sadd.s32 s7, s0  }
0x4a: {  	s2 =	simm.s32 $0x500;
	s0 =	simm.s32 $0x10;
	s10 =	sadd.s32 $0x0, s31  }
.LBB2_7:
0x4b: {  	[hbm4b:s10+s3] =	stream.linear.scatter [tilespmem:s5], [sflag:$0x1], $0x80, $0x38;
	[tilespmem:$0x1F800] =	vst v63  }
0x4c: {  	s10 =	smov.u32 s0;
	s5 =	smov.u32 s2;
	p3 =	sne.s32 s0, $0x3E0  }
.Ltmp5:
0x4d: {  	s0 =	sadd.s32 $0x10, s0;
	(pc) =	sbr.rel @p3 .LBB2_7-.Ltmp5, $2  }
0x4e: {  	_ =	sdelay $0x2  }
0x4f: {  	s2 =	sadd.s32 $0x400, s2;
	s10 =	sadd.s32 s10, s31  }
0x50: {  	[hbm4b:s10+s3] =	stream.linear.scatter [tilespmem:s5], [sflag:$0x1], $0x80, $0x38;
	[tilespmem:$0x1F800] =	vst v63  }
0x51: {  	s0 =	rddreg [dreg:$0xf]  }
0x52: {  	s0 =	sadd.s32 s0, s6  }
0x53: {  	s0 =	sshrl.u32 s0, $0x3  }
0x54: {  	s5 =	simm.s32 $0x180;
	s31 =	sadd.s32 s7, s0  }
0x55: {  	s2 =	simm.s32 $0x580;
	s0 =	simm.s32 $0x10;
	s10 =	sadd.s32 $0x0, s31  }
.LBB2_9:
0x56: {  	[hbm4b:s10+s3] =	stream.linear.scatter [tilespmem:s5], [sflag:$0x1], $0x80, $0x38;
	[tilespmem:$0x1F800] =	vst v63  }
0x57: {  	s10 =	smov.u32 s0;
	s5 =	smov.u32 s2;
	p3 =	sne.s32 s0, $0x3E0  }
.Ltmp6:
0x58: {  	s0 =	sadd.s32 $0x10, s0;
	(pc) =	sbr.rel @p3 .LBB2_9-.Ltmp6, $2  }
0x59: {  	_ =	sdelay $0x2  }
0x5a: {  	s2 =	sadd.s32 $0x400, s2;
	s10 =	sadd.s32 s10, s31  }
0x5b: {  	[hbm4b:s10+s3] =	stream.linear.scatter [tilespmem:s5], [sflag:$0x1], $0x80, $0x38;
	[tilespmem:$0x1F800] =	vst v63  }
0x5c: {  	s0 =	rddreg [dreg:$0x10]  }
0x5d: {  	s0 =	sadd.s32 s0, s6  }
0x5e: {  	s0 =	sshrl.u32 s0, $0x3  }
0x5f: {  	s5 =	simm.s32 $0x200;
	s31 =	sadd.s32 s7, s0  }
0x60: {  	s2 =	simm.s32 $0x600;
	s0 =	simm.s32 $0x10;
	s10 =	sadd.s32 $0x0, s31  }
.LBB2_11:
0x61: {  	[hbm4b:s10+s3] =	stream.linear.scatter [tilespmem:s5], [sflag:$0x1], $0x80, $0x38;
	[tilespmem:$0x1F800] =	vst v63  }
0x62: {  	s10 =	smov.u32 s0;
	s5 =	smov.u32 s2;
	p3 =	sne.s32 s0, $0x3E0  }
.Ltmp7:
0x63: {  	s0 =	sadd.s32 $0x10, s0;
	(pc) =	sbr.rel @p3 .LBB2_11-.Ltmp7, $2  }
0x64: {  	_ =	sdelay $0x2  }
0x65: {  	s2 =	sadd.s32 $0x400, s2;
	s10 =	sadd.s32 s10, s31  }
0x66: {  	[hbm4b:s10+s3] =	stream.linear.scatter [tilespmem:s5], [sflag:$0x1], $0x80, $0x38;
	[tilespmem:$0x1F800] =	vst v63  }
0x67: {  	s0 =	rddreg [dreg:$0x11]  }
0x68: {  	s0 =	sadd.s32 s0, s6  }
0x69: {  	s0 =	sshrl.u32 s0, $0x3  }
0x6a: {  	s5 =	simm.s32 $0x280;
	s31 =	sadd.s32 s7, s0  }
0x6b: {  	s2 =	simm.s32 $0x680;
	s0 =	simm.s32 $0x10;
	s10 =	sadd.s32 $0x0, s31  }
.LBB2_13:
0x6c: {  	[hbm4b:s10+s3] =	stream.linear.scatter [tilespmem:s5], [sflag:$0x1], $0x80, $0x38;
	[tilespmem:$0x1F800] =	vst v63  }
0x6d: {  	s10 =	smov.u32 s0;
	s5 =	smov.u32 s2;
	p3 =	sne.s32 s0, $0x3E0  }
.Ltmp8:
0x6e: {  	s0 =	sadd.s32 $0x10, s0;
	(pc) =	sbr.rel @p3 .LBB2_13-.Ltmp8, $2  }
0x6f: {  	_ =	sdelay $0x2  }
0x70: {  	s2 =	sadd.s32 $0x400, s2;
	s10 =	sadd.s32 s10, s31  }
0x71: {  	[hbm4b:s10+s3] =	stream.linear.scatter [tilespmem:s5], [sflag:$0x1], $0x80, $0x38;
	[tilespmem:$0x1F800] =	vst v63  }
0x72: {  	s0 =	rddreg [dreg:$0x12]  }
0x73: {  	s0 =	sadd.s32 s0, s6  }
0x74: {  	s0 =	sshrl.u32 s0, $0x3  }
0x75: {  	s5 =	simm.s32 $0x300;
	s31 =	sadd.s32 s7, s0  }
0x76: {  	s2 =	simm.s32 $0x700;
	s0 =	simm.s32 $0x10;
	s10 =	sadd.s32 $0x0, s31  }
.LBB2_15:
0x77: {  	[hbm4b:s10+s3] =	stream.linear.scatter [tilespmem:s5], [sflag:$0x1], $0x80, $0x38;
	[tilespmem:$0x1F800] =	vst v63  }
0x78: {  	s10 =	smov.u32 s0;
	s5 =	smov.u32 s2;
	p3 =	sne.s32 s0, $0x3E0  }
.Ltmp9:
0x79: {  	s0 =	sadd.s32 $0x10, s0;
	(pc) =	sbr.rel @p3 .LBB2_15-.Ltmp9, $2  }
0x7a: {  	_ =	sdelay $0x2  }
0x7b: {  	s2 =	sadd.s32 $0x400, s2;
	s10 =	sadd.s32 s10, s31  }
0x7c: {  	[hbm4b:s10+s3] =	stream.linear.scatter [tilespmem:s5], [sflag:$0x1], $0x80, $0x38;
	[tilespmem:$0x1F800] =	vst v63  }
0x7d: {  	s0 =	sadd.s32 s1, s6  }
0x7e: {  	s0 =	sshrl.u32 s0, $0x3  }
0x7f: {  	s5 =	simm.s32 $0x380;
	s6 =	sadd.s32 s7, s0  }
0x80: {  	s2 =	simm.s32 $0x780;
	s0 =	simm.s32 $0x10;
	s10 =	sadd.s32 $0x0, s6  }
.LBB2_17:
0x81: {  	[hbm4b:s10+s3] =	stream.linear.scatter [tilespmem:s5], [sflag:$0x1], $0x80, $0x38;
	[tilespmem:$0x1F800] =	vst v63  }
0x82: {  	s10 =	smov.u32 s0;
	s5 =	smov.u32 s2;
	p3 =	sne.s32 s0, $0x3E0  }
.Ltmp10:
0x83: {  	s0 =	sadd.s32 $0x10, s0;
	(pc) =	sbr.rel @p3 .LBB2_17-.Ltmp10, $2  }
0x84: {  	_ =	sdelay $0x2  }
0x85: {  	s2 =	sadd.s32 $0x400, s2;
	s10 =	sadd.s32 s10, s6  }
0x86: {  	[hbm4b:s10+s3] =	stream.linear.scatter [tilespmem:s5], [sflag:$0x1], $0x80, $0x38;
	[tilespmem:$0x1F800] =	vst v63  }
0x87: {  	s0 =	rddreg [dreg:$0xb]  }
0x88: {  	s10 =	rddreg [dreg:$0x9];
	s2 =	simm.s32 $0x0;
	s30 =	sadd.s32 s0, s30  }
0x89: {  	s6 =	simm.s32 $0xFC00;
	s0 =	sadd.s32 s30, s10;
	s31 =	sadd.s32 s16, s30  }
0x8a: {  	[tilespmem:s6], [sflag:$0x3] =	stream.linear.gather [hbm4b:s0+s2], $0xFC00, $0x38;
	[tilespmem:$0x1F800] =	vst v63  }
0x8b: {  	s0 =	sshrl.u32 s31, $0x3;
	_ =	swait.ge [sflag:s4], $0xFC00  }
0x8c: {  	s2 =	simm.s32 $0x10000;
	s5 =	sadd.s32 s7, s0;
	[sflag:s4] =	ssyncset.done $0x0  }
0x8d: {  	s0 =	simm.s32 $0x10;
	s10 =	sadd.s32 $0x0, s5;
	[sflag:s4] =	ssyncadd.s32 $0xFFFF0400  }
.LBB2_19:
0x8e: {  	[hbm4b:s10+s3] =	stream.linear.scatter [tilespmem:s6], [sflag:$0x1], $0x80, $0x38;
	[tilespmem:$0x1F800] =	vst v63  }
0x8f: {  	s10 =	smov.u32 s0;
	s6 =	smov.u32 s2;
	p3 =	sne.s32 s0, $0x3E0  }
.Ltmp11:
0x90: {  	s0 =	sadd.s32 $0x10, s0;
	(pc) =	sbr.rel @p3 .LBB2_19-.Ltmp11, $2  }
0x91: {  	_ =	sdelay $0x2  }
0x92: {  	s2 =	sadd.s32 $0x400, s2;
	s10 =	sadd.s32 s10, s5  }
0x93: {  	[hbm4b:s10+s3] =	stream.linear.scatter [tilespmem:s6], [sflag:$0x1], $0x80, $0x38;
	[tilespmem:$0x1F800] =	vst v63  }
0x94: {  	s0 =	rddreg [dreg:$0xc]  }
0x95: {  	s0 =	sadd.s32 s0, s30  }
0x96: {  	s0 =	sshrl.u32 s0, $0x3  }
0x97: {  	s5 =	simm.s32 $0xFC80;
	s6 =	sadd.s32 s7, s0  }
0x98: {  	s2 =	simm.s32 $0x10080;
	s0 =	simm.s32 $0x10;
	s10 =	sadd.s32 $0x0, s6  }
.LBB2_21:
0x99: {  	[hbm4b:s10+s3] =	stream.linear.scatter [tilespmem:s5], [sflag:$0x1], $0x80, $0x38;
	[tilespmem:$0x1F800] =	vst v63  }
0x9a: {  	s10 =	smov.u32 s0;
	s5 =	smov.u32 s2;
	p3 =	sne.s32 s0, $0x3E0  }
.Ltmp12:
0x9b: {  	s0 =	sadd.s32 $0x10, s0;
	(pc) =	sbr.rel @p3 .LBB2_21-.Ltmp12, $2  }
0x9c: {  	_ =	sdelay $0x2  }
0x9d: {  	s2 =	sadd.s32 $0x400, s2;
	s10 =	sadd.s32 s10, s6  }
0x9e: {  	[hbm4b:s10+s3] =	stream.linear.scatter [tilespmem:s5], [sflag:$0x1], $0x80, $0x38;
	[tilespmem:$0x1F800] =	vst v63  }
0x9f: {  	s0 =	rddreg [dreg:$0xe]  }
0xa0: {  	s0 =	sadd.s32 s0, s30  }
0xa1: {  	s0 =	sshrl.u32 s0, $0x3  }
0xa2: {  	s5 =	simm.s32 $0xFD00;
	s6 =	sadd.s32 s7, s0  }
0xa3: {  	s2 =	simm.s32 $0x10100;
	s0 =	simm.s32 $0x10;
	s10 =	sadd.s32 $0x0, s6  }
.LBB2_23:
0xa4: {  	[hbm4b:s10+s3] =	stream.linear.scatter [tilespmem:s5], [sflag:$0x1], $0x80, $0x38;
	[tilespmem:$0x1F800] =	vst v63  }
0xa5: {  	s10 =	smov.u32 s0;
	s5 =	smov.u32 s2;
	p3 =	sne.s32 s0, $0x3E0  }
.Ltmp13:
0xa6: {  	s0 =	sadd.s32 $0x10, s0;
	(pc) =	sbr.rel @p3 .LBB2_23-.Ltmp13, $2  }
0xa7: {  	_ =	sdelay $0x2  }
0xa8: {  	s2 =	sadd.s32 $0x400, s2;
	s10 =	sadd.s32 s10, s6  }
0xa9: {  	[hbm4b:s10+s3] =	stream.linear.scatter [tilespmem:s5], [sflag:$0x1], $0x80, $0x38;
	[tilespmem:$0x1F800] =	vst v63  }
0xaa: {  	s0 =	rddreg [dreg:$0xf]  }
0xab: {  	s0 =	sadd.s32 s0, s30  }
0xac: {  	s0 =	sshrl.u32 s0, $0x3  }
0xad: {  	s5 =	simm.s32 $0xFD80;
	s6 =	sadd.s32 s7, s0  }
0xae: {  	s2 =	simm.s32 $0x10180;
	s0 =	simm.s32 $0x10;
	s10 =	sadd.s32 $0x0, s6  }
.LBB2_25:
0xaf: {  	[hbm4b:s10+s3] =	stream.linear.scatter [tilespmem:s5], [sflag:$0x1], $0x80, $0x38;
	[tilespmem:$0x1F800] =	vst v63  }
0xb0: {  	s10 =	smov.u32 s0;
	s5 =	smov.u32 s2;
	p3 =	sne.s32 s0, $0x3E0  }
.Ltmp14:
0xb1: {  	s0 =	sadd.s32 $0x10, s0;
	(pc) =	sbr.rel @p3 .LBB2_25-.Ltmp14, $2  }
0xb2: {  	_ =	sdelay $0x2  }
0xb3: {  	s2 =	sadd.s32 $0x400, s2;
	s10 =	sadd.s32 s10, s6  }
0xb4: {  	[hbm4b:s10+s3] =	stream.linear.scatter [tilespmem:s5], [sflag:$0x1], $0x80, $0x38;
	[tilespmem:$0x1F800] =	vst v63  }
0xb5: {  	s0 =	rddreg [dreg:$0x10]  }
0xb6: {  	s0 =	sadd.s32 s0, s30  }
0xb7: {  	s0 =	sshrl.u32 s0, $0x3  }
0xb8: {  	s5 =	simm.s32 $0xFE00;
	s6 =	sadd.s32 s7, s0  }
0xb9: {  	s2 =	simm.s32 $0x10200;
	s0 =	simm.s32 $0x10;
	s10 =	sadd.s32 $0x0, s6  }
.LBB2_27:
0xba: {  	[hbm4b:s10+s3] =	stream.linear.scatter [tilespmem:s5], [sflag:$0x1], $0x80, $0x38;
	[tilespmem:$0x1F800] =	vst v63  }
0xbb: {  	s10 =	smov.u32 s0;
	s5 =	smov.u32 s2;
	p3 =	sne.s32 s0, $0x3E0  }
.Ltmp15:
0xbc: {  	s0 =	sadd.s32 $0x10, s0;
	(pc) =	sbr.rel @p3 .LBB2_27-.Ltmp15, $2  }
0xbd: {  	_ =	sdelay $0x2  }
0xbe: {  	s2 =	sadd.s32 $0x400, s2;
	s10 =	sadd.s32 s10, s6  }
0xbf: {  	[hbm4b:s10+s3] =	stream.linear.scatter [tilespmem:s5], [sflag:$0x1], $0x80, $0x38;
	[tilespmem:$0x1F800] =	vst v63  }
0xc0: {  	s0 =	rddreg [dreg:$0x11]  }
0xc1: {  	s0 =	sadd.s32 s0, s30  }
0xc2: {  	s0 =	sshrl.u32 s0, $0x3  }
0xc3: {  	s5 =	simm.s32 $0xFE80;
	s6 =	sadd.s32 s7, s0  }
0xc4: {  	s2 =	simm.s32 $0x10280;
	s0 =	simm.s32 $0x10;
	s10 =	sadd.s32 $0x0, s6  }
.LBB2_29:
0xc5: {  	[hbm4b:s10+s3] =	stream.linear.scatter [tilespmem:s5], [sflag:$0x1], $0x80, $0x38;
	[tilespmem:$0x1F800] =	vst v63  }
0xc6: {  	s10 =	smov.u32 s0;
	s5 =	smov.u32 s2;
	p3 =	sne.s32 s0, $0x3E0  }
.Ltmp16:
0xc7: {  	s0 =	sadd.s32 $0x10, s0;
	(pc) =	sbr.rel @p3 .LBB2_29-.Ltmp16, $2  }
0xc8: {  	_ =	sdelay $0x2  }
0xc9: {  	s2 =	sadd.s32 $0x400, s2;
	s10 =	sadd.s32 s10, s6  }
0xca: {  	[hbm4b:s10+s3] =	stream.linear.scatter [tilespmem:s5], [sflag:$0x1], $0x80, $0x38;
	[tilespmem:$0x1F800] =	vst v63  }
0xcb: {  	s0 =	rddreg [dreg:$0x12]  }
0xcc: {  	s0 =	sadd.s32 s0, s30  }
0xcd: {  	s0 =	sshrl.u32 s0, $0x3  }
0xce: {  	s5 =	simm.s32 $0xFF00;
	s6 =	sadd.s32 s7, s0  }
0xcf: {  	s2 =	simm.s32 $0x10300;
	s0 =	simm.s32 $0x10;
	s10 =	sadd.s32 $0x0, s6  }
.LBB2_31:
0xd0: {  	[hbm4b:s10+s3] =	stream.linear.scatter [tilespmem:s5], [sflag:$0x1], $0x80, $0x38;
	[tilespmem:$0x1F800] =	vst v63  }
0xd1: {  	s10 =	smov.u32 s0;
	s5 =	smov.u32 s2;
	p3 =	sne.s32 s0, $0x3E0  }
.Ltmp17:
0xd2: {  	s0 =	sadd.s32 $0x10, s0;
	(pc) =	sbr.rel @p3 .LBB2_31-.Ltmp17, $2  }
0xd3: {  	_ =	sdelay $0x2  }
0xd4: {  	s2 =	sadd.s32 $0x400, s2;
	s10 =	sadd.s32 s10, s6  }
0xd5: {  	[hbm4b:s10+s3] =	stream.linear.scatter [tilespmem:s5], [sflag:$0x1], $0x80, $0x38;
	[tilespmem:$0x1F800] =	vst v63  }
0xd6: {  	s0 =	sadd.s32 s1, s30  }
0xd7: {  	s0 =	sshrl.u32 s0, $0x3  }
0xd8: {  	s5 =	simm.s32 $0xFF80;
	s6 =	sadd.s32 s7, s0  }
0xd9: {  	s2 =	simm.s32 $0x10380;
	s0 =	simm.s32 $0x10;
	s10 =	sadd.s32 $0x0, s6  }
.LBB2_33:
0xda: {  	[hbm4b:s10+s3] =	stream.linear.scatter [tilespmem:s5], [sflag:$0x1], $0x80, $0x38;
	[tilespmem:$0x1F800] =	vst v63  }
0xdb: {  	s10 =	smov.u32 s0;
	s5 =	smov.u32 s2;
	p3 =	sne.s32 s0, $0x3E0  }
.Ltmp18:
0xdc: {  	s0 =	sadd.s32 $0x10, s0;
	(pc) =	sbr.rel @p3 .LBB2_33-.Ltmp18, $2  }
0xdd: {  	_ =	sdelay $0x2  }
0xde: {  	s2 =	sadd.s32 $0x400, s2;
	s10 =	sadd.s32 s10, s6  }
0xdf: {  	[hbm4b:s10+s3] =	stream.linear.scatter [tilespmem:s5], [sflag:$0x1], $0x80, $0x38;
	[tilespmem:$0x1F800] =	vst v63  }
0xe0: {  	_ =	swait.ge [sflag:s9], $0x1F80  }
0xe1: {  	[sflag:s9] =	ssyncset.done $0x0  }
0xe2: {  	[sflag:s9] =	ssyncadd.s32 $0xFFFFE080  }
0xe3: {  	_ =	swait.ge [sflag:s9], $0x1F80  }
0xe4: {  	[sflag:s9] =	ssyncset.done $0x0  }
0xe5: {  	[sflag:s9] =	ssyncadd.s32 $0xFFFFE080  }
0xe6: {  	_ =	swait.ge [sflag:s9], $0x1F80  }
0xe7: {  	[sflag:s9] =	ssyncset.done $0x0  }
0xe8: {  	[sflag:s9] =	ssyncadd.s32 $0xFFFFE080  }
0xe9: {  	_ =	swait.ge [sflag:s9], $0x1F80  }
0xea: {  	[sflag:s9] =	ssyncset.done $0x0  }
0xeb: {  	[sflag:s9] =	ssyncadd.s32 $0xFFFFE080  }
0xec: {  	_ =	swait.ge [sflag:s9], $0x1F80  }
0xed: {  	[sflag:s9] =	ssyncset.done $0x0  }
0xee: {  	[sflag:s9] =	ssyncadd.s32 $0xFFFFE080  }
0xef: {  	_ =	swait.ge [sflag:s9], $0x1F80  }
0xf0: {  	[sflag:s9] =	ssyncset.done $0x0  }
0xf1: {  	[sflag:s9] =	ssyncadd.s32 $0xFFFFE080  }
0xf2: {  	_ =	swait.ge [sflag:s9], $0x1F80  }
0xf3: {  	[sflag:s9] =	ssyncset.done $0x0  }
0xf4: {  	[sflag:s9] =	ssyncadd.s32 $0xFFFFE080  }
0xf5: {  	_ =	swait.ge [sflag:s9], $0x1F80  }
0xf6: {  	[sflag:s9] =	ssyncset.done $0x0  }
0xf7: {  	[sflag:s9] =	ssyncadd.s32 $0xFFFFE080  }
0xf8: {  	_ =	swait.ge [sflag:s9], $0x1F80  }
0xf9: {  	[sflag:s9] =	ssyncset.done $0x0  }
0xfa: {  	[sflag:s9] =	ssyncadd.s32 $0xFFFFE080  }
0xfb: {  	_ =	swait.ge [sflag:s9], $0x1F80  }
0xfc: {  	[sflag:s9] =	ssyncset.done $0x0  }
0xfd: {  	[sflag:s9] =	ssyncadd.s32 $0xFFFFE080  }
0xfe: {  	_ =	swait.ge [sflag:s9], $0x1F80  }
0xff: {  	[sflag:s9] =	ssyncset.done $0x0  }
0x100: {  	[sflag:s9] =	ssyncadd.s32 $0xFFFFE080  }
0x101: {  	_ =	swait.ge [sflag:s9], $0x1F80  }
0x102: {  	[sflag:s9] =	ssyncset.done $0x0  }
0x103: {  	[sflag:s9] =	ssyncadd.s32 $0xFFFFE080  }
0x104: {  	_ =	swait.ge [sflag:s9], $0x1F80  }
0x105: {  	[sflag:s9] =	ssyncset.done $0x0  }
0x106: {  	[sflag:s9] =	ssyncadd.s32 $0xFFFFE080  }
0x107: {  	_ =	swait.ge [sflag:s9], $0x1F80  }
0x108: {  	[sflag:s9] =	ssyncset.done $0x0  }
0x109: {  	s15 =	sadd.s32 $0x1, s15;
	[sflag:s9] =	ssyncadd.s32 $0xFFFFE080  }
0x10a: {  	p3 =	sne.s32 s15, $0xF;
	_ =	swait.ge [sflag:s9], $0x1F80  }
.Ltmp19:
0x10b: {  	[sflag:s9] =	ssyncset.done $0x0;
	(pc) =	sbr.rel @p3 .LBB2_2-.Ltmp19, $4  }
0x10c: {  	[sflag:s9] =	ssyncadd.s32 $0xFFFFE080  }
0x10d: {  	_ =	swait.ge [sflag:s9], $0x1F80  }
0x10e: {  	[sflag:s9] =	ssyncset.done $0x0  }
0x10f: {  	[sflag:s9] =	ssyncadd.s32 $0xFFFFE080  }
0x110: {  	s6 =	simm.s32 $0x0;
	s0 =	rddreg [dreg:$0xa]  }
0x111: {  	[tilespmem:s6], [sflag:$0x3] =	stream.linear.gather [hbm4b:s0+s6], $0xFC00, $0x38;
	[tilespmem:$0x1F800] =	vst v63  }
0x112: {  	_ =	swait.ge [sflag:s4], $0xFC00  }
0x113: {  	s5 =	sadd.s32 $0x0, s17;
	[sflag:s4] =	ssyncset.done $0x0  }
0x114: {  	s2 =	simm.s32 $0x400;
	s0 =	simm.s32 $0x10;
	[sflag:s4] =	ssyncadd.s32 $0xFFFF0400  }
.LBB2_36:
0x115: {  	[hbm4b:s5+s3] =	stream.linear.scatter [tilespmem:s6], [sflag:$0x1], $0x80, $0x38;
	[tilespmem:$0x1F800] =	vst v63  }
0x116: {  	s5 =	smov.u32 s0;
	s6 =	smov.u32 s2;
	p3 =	sne.s32 s0, $0x3E0  }
.Ltmp20:
0x117: {  	s0 =	sadd.s32 $0x10, s0;
	(pc) =	sbr.rel @p3 .LBB2_36-.Ltmp20, $2  }
0x118: {  	_ =	sdelay $0x2  }
0x119: {  	s2 =	sadd.s32 $0x400, s2;
	s5 =	sadd.s32 s5, s17  }
0x11a: {  	[hbm4b:s5+s3] =	stream.linear.scatter [tilespmem:s6], [sflag:$0x1], $0x80, $0x38;
	[tilespmem:$0x1F800] =	vst v63  }
0x11b: {  	s5 =	simm.s32 $0x80  }
0x11c: {  	s0 =	simm.s32 $0x10;
	s6 =	sadd.s32 $0x0, s18;
	s2 =	simm.s32 $0x480  }
.LBB2_38:
0x11d: {  	[hbm4b:s6+s3] =	stream.linear.scatter [tilespmem:s5], [sflag:$0x1], $0x80, $0x38;
	[tilespmem:$0x1F800] =	vst v63  }
0x11e: {  	s6 =	smov.u32 s0;
	s5 =	smov.u32 s2;
	p3 =	sne.s32 s0, $0x3E0  }
.Ltmp21:
0x11f: {  	s0 =	sadd.s32 $0x10, s0;
	(pc) =	sbr.rel @p3 .LBB2_38-.Ltmp21, $2  }
0x120: {  	_ =	sdelay $0x2  }
0x121: {  	s2 =	sadd.s32 $0x400, s2;
	s6 =	sadd.s32 s6, s18  }
0x122: {  	[hbm4b:s6+s3] =	stream.linear.scatter [tilespmem:s5], [sflag:$0x1], $0x80, $0x38;
	[tilespmem:$0x1F800] =	vst v63  }
0x123: {  	s5 =	simm.s32 $0x100  }
0x124: {  	s0 =	simm.s32 $0x10;
	s6 =	sadd.s32 $0x0, s19;
	s2 =	simm.s32 $0x500  }
.LBB2_40:
0x125: {  	[hbm4b:s6+s3] =	stream.linear.scatter [tilespmem:s5], [sflag:$0x1], $0x80, $0x38;
	[tilespmem:$0x1F800] =	vst v63  }
0x126: {  	s6 =	smov.u32 s0;
	s5 =	smov.u32 s2;
	p3 =	sne.s32 s0, $0x3E0  }
.Ltmp22:
0x127: {  	s0 =	sadd.s32 $0x10, s0;
	(pc) =	sbr.rel @p3 .LBB2_40-.Ltmp22, $2  }
0x128: {  	_ =	sdelay $0x2  }
0x129: {  	s2 =	sadd.s32 $0x400, s2;
	s6 =	sadd.s32 s6, s19  }
0x12a: {  	[hbm4b:s6+s3] =	stream.linear.scatter [tilespmem:s5], [sflag:$0x1], $0x80, $0x38;
	[tilespmem:$0x1F800] =	vst v63  }
0x12b: {  	s5 =	simm.s32 $0x180  }
0x12c: {  	s0 =	simm.s32 $0x10;
	s6 =	sadd.s32 $0x0, s20;
	s2 =	simm.s32 $0x580  }
.LBB2_42:
0x12d: {  	[hbm4b:s6+s3] =	stream.linear.scatter [tilespmem:s5], [sflag:$0x1], $0x80, $0x38;
	[tilespmem:$0x1F800] =	vst v63  }
0x12e: {  	s6 =	smov.u32 s0;
	s5 =	smov.u32 s2;
	p3 =	sne.s32 s0, $0x3E0  }
.Ltmp23:
0x12f: {  	s0 =	sadd.s32 $0x10, s0;
	(pc) =	sbr.rel @p3 .LBB2_42-.Ltmp23, $2  }
0x130: {  	_ =	sdelay $0x2  }
0x131: {  	s2 =	sadd.s32 $0x400, s2;
	s6 =	sadd.s32 s6, s20  }
0x132: {  	[hbm4b:s6+s3] =	stream.linear.scatter [tilespmem:s5], [sflag:$0x1], $0x80, $0x38;
	[tilespmem:$0x1F800] =	vst v63  }
0x133: {  	s5 =	simm.s32 $0x200  }
0x134: {  	s0 =	simm.s32 $0x10;
	s6 =	sadd.s32 $0x0, s22;
	s2 =	simm.s32 $0x600  }
.LBB2_44:
0x135: {  	[hbm4b:s6+s3] =	stream.linear.scatter [tilespmem:s5], [sflag:$0x1], $0x80, $0x38;
	[tilespmem:$0x1F800] =	vst v63  }
0x136: {  	s6 =	smov.u32 s0;
	s5 =	smov.u32 s2;
	p3 =	sne.s32 s0, $0x3E0  }
.Ltmp24:
0x137: {  	s0 =	sadd.s32 $0x10, s0;
	(pc) =	sbr.rel @p3 .LBB2_44-.Ltmp24, $2  }
0x138: {  	_ =	sdelay $0x2  }
0x139: {  	s2 =	sadd.s32 $0x400, s2;
	s6 =	sadd.s32 s6, s22  }
0x13a: {  	[hbm4b:s6+s3] =	stream.linear.scatter [tilespmem:s5], [sflag:$0x1], $0x80, $0x38;
	[tilespmem:$0x1F800] =	vst v63  }
0x13b: {  	s5 =	simm.s32 $0x280  }
0x13c: {  	s0 =	simm.s32 $0x10;
	s6 =	sadd.s32 $0x0, s24;
	s2 =	simm.s32 $0x680  }
.LBB2_46:
0x13d: {  	[hbm4b:s6+s3] =	stream.linear.scatter [tilespmem:s5], [sflag:$0x1], $0x80, $0x38;
	[tilespmem:$0x1F800] =	vst v63  }
0x13e: {  	s6 =	smov.u32 s0;
	s5 =	smov.u32 s2;
	p3 =	sne.s32 s0, $0x3E0  }
.Ltmp25:
0x13f: {  	s0 =	sadd.s32 $0x10, s0;
	(pc) =	sbr.rel @p3 .LBB2_46-.Ltmp25, $2  }
0x140: {  	_ =	sdelay $0x2  }
0x141: {  	s2 =	sadd.s32 $0x400, s2;
	s6 =	sadd.s32 s6, s24  }
0x142: {  	[hbm4b:s6+s3] =	stream.linear.scatter [tilespmem:s5], [sflag:$0x1], $0x80, $0x38;
	[tilespmem:$0x1F800] =	vst v63  }
0x143: {  	s5 =	simm.s32 $0x300  }
0x144: {  	s0 =	simm.s32 $0x10;
	s6 =	sadd.s32 $0x0, s26;
	s2 =	simm.s32 $0x700  }
.LBB2_48:
0x145: {  	[hbm4b:s6+s3] =	stream.linear.scatter [tilespmem:s5], [sflag:$0x1], $0x80, $0x38;
	[tilespmem:$0x1F800] =	vst v63  }
0x146: {  	s6 =	smov.u32 s0;
	s5 =	smov.u32 s2;
	p3 =	sne.s32 s0, $0x3E0  }
.Ltmp26:
0x147: {  	s0 =	sadd.s32 $0x10, s0;
	(pc) =	sbr.rel @p3 .LBB2_48-.Ltmp26, $2  }
0x148: {  	_ =	sdelay $0x2  }
0x149: {  	s2 =	sadd.s32 $0x400, s2;
	s6 =	sadd.s32 s6, s26  }
0x14a: {  	[hbm4b:s6+s3] =	stream.linear.scatter [tilespmem:s5], [sflag:$0x1], $0x80, $0x38;
	[tilespmem:$0x1F800] =	vst v63  }
0x14b: {  	s5 =	simm.s32 $0x380  }
0x14c: {  	s0 =	simm.s32 $0x10;
	s6 =	sadd.s32 $0x0, s29;
	s2 =	simm.s32 $0x780  }
.LBB2_50:
0x14d: {  	[hbm4b:s6+s3] =	stream.linear.scatter [tilespmem:s5], [sflag:$0x1], $0x80, $0x38;
	[tilespmem:$0x1F800] =	vst v63  }
0x14e: {  	s6 =	smov.u32 s0;
	s5 =	smov.u32 s2;
	p3 =	seq.s32 s0, $0x3E0  }
.Ltmp27:
0x14f: {  	s0 =	sadd.s32 $0x10, s0;
	(pc) =	sbr.rel @!p3 .LBB2_50-.Ltmp27, $2  }
0x150: {  	_ =	sdelay $0x2  }
0x151: {  	s2 =	sadd.s32 $0x400, s2;
	s6 =	sadd.s32 s6, s29  }
.Ltmp28:
0x152: {  	(pc) =	sbr.rel .LBB2_102-.Ltmp28, $2  }
0x153: {  	_ =	sdelay $0x2  }
0x154: {  	[hbm4b:s6+s3] =	stream.linear.scatter [tilespmem:s5], [sflag:$0x1], $0x80, $0x38;
	[tilespmem:$0x1F800] =	vst v63  }
.LBB2_52:
0x155: {  	s15 =	smul.u32 $0x3F00, s30  }
0x156: {  	s0 =	rddreg [dreg:$0x5]  }
0x157: {  	s5 =	rddreg [dreg:$0x7];
	s6 =	sadd.s32 s0, s15  }
0x158: {  	s31 =	simm.s32 $0x0;
	s0 =	sadd.s32 s6, s5;
	s10 =	sadd.s32 s16, s6  }
0x159: {  	[tilespmem:s31], [sflag:$0x3] =	stream.linear.gather [hbm4b:s0+s31], $0xFC00, $0x38;
	[tilespmem:$0x1F800] =	vst v63  }
0x15a: {  	s0 =	sshrl.u32 s10, $0x3;
	_ =	swait.ge [sflag:s4], $0xFC00  }
0x15b: {  	s2 =	simm.s32 $0x400;
	s5 =	sadd.s32 s8, s0;
	[sflag:s4] =	ssyncset.done $0x0  }
0x15c: {  	s0 =	simm.s32 $0x10;
	s10 =	sadd.s32 $0x0, s5;
	[sflag:s4] =	ssyncadd.s32 $0xFFFF0400  }
.LBB2_53:
0x15d: {  	[hbm4b:s10+s3] =	stream.linear.scatter [tilespmem:s31], [sflag:$0x1], $0x80, $0x38;
	[tilespmem:$0x1F800] =	vst v63  }
0x15e: {  	s10 =	smov.u32 s0;
	s31 =	smov.u32 s2;
	p3 =	sne.s32 s0, $0x3E0  }
.Ltmp29:
0x15f: {  	s0 =	sadd.s32 $0x10, s0;
	(pc) =	sbr.rel @p3 .LBB2_53-.Ltmp29, $2  }
0x160: {  	_ =	sdelay $0x2  }
0x161: {  	s2 =	sadd.s32 $0x400, s2;
	s10 =	sadd.s32 s10, s5  }
0x162: {  	[hbm4b:s10+s3] =	stream.linear.scatter [tilespmem:s31], [sflag:$0x1], $0x80, $0x38;
	[tilespmem:$0x1F800] =	vst v63  }
0x163: {  	s0 =	rddreg [dreg:$0xc]  }
0x164: {  	s0 =	sadd.s32 s0, s6  }
0x165: {  	s0 =	sshrl.u32 s0, $0x3  }
0x166: {  	s5 =	simm.s32 $0x80;
	s31 =	sadd.s32 s8, s0  }
0x167: {  	s2 =	simm.s32 $0x480;
	s0 =	simm.s32 $0x10;
	s10 =	sadd.s32 $0x0, s31  }
.LBB2_55:
0x168: {  	[hbm4b:s10+s3] =	stream.linear.scatter [tilespmem:s5], [sflag:$0x1], $0x80, $0x38;
	[tilespmem:$0x1F800] =	vst v63  }
0x169: {  	s10 =	smov.u32 s0;
	s5 =	smov.u32 s2;
	p3 =	sne.s32 s0, $0x3E0  }
.Ltmp30:
0x16a: {  	s0 =	sadd.s32 $0x10, s0;
	(pc) =	sbr.rel @p3 .LBB2_55-.Ltmp30, $2  }
0x16b: {  	_ =	sdelay $0x2  }
0x16c: {  	s2 =	sadd.s32 $0x400, s2;
	s10 =	sadd.s32 s10, s31  }
0x16d: {  	[hbm4b:s10+s3] =	stream.linear.scatter [tilespmem:s5], [sflag:$0x1], $0x80, $0x38;
	[tilespmem:$0x1F800] =	vst v63  }
0x16e: {  	s0 =	rddreg [dreg:$0xe]  }
0x16f: {  	s0 =	sadd.s32 s0, s6  }
0x170: {  	s0 =	sshrl.u32 s0, $0x3  }
0x171: {  	s5 =	simm.s32 $0x100;
	s31 =	sadd.s32 s8, s0  }
0x172: {  	s2 =	simm.s32 $0x500;
	s0 =	simm.s32 $0x10;
	s10 =	sadd.s32 $0x0, s31  }
.LBB2_57:
0x173: {  	[hbm4b:s10+s3] =	stream.linear.scatter [tilespmem:s5], [sflag:$0x1], $0x80, $0x38;
	[tilespmem:$0x1F800] =	vst v63  }
0x174: {  	s10 =	smov.u32 s0;
	s5 =	smov.u32 s2;
	p3 =	sne.s32 s0, $0x3E0  }
.Ltmp31:
0x175: {  	s0 =	sadd.s32 $0x10, s0;
	(pc) =	sbr.rel @p3 .LBB2_57-.Ltmp31, $2  }
0x176: {  	_ =	sdelay $0x2  }
0x177: {  	s2 =	sadd.s32 $0x400, s2;
	s10 =	sadd.s32 s10, s31  }
0x178: {  	[hbm4b:s10+s3] =	stream.linear.scatter [tilespmem:s5], [sflag:$0x1], $0x80, $0x38;
	[tilespmem:$0x1F800] =	vst v63  }
0x179: {  	s0 =	rddreg [dreg:$0xf]  }
0x17a: {  	s0 =	sadd.s32 s0, s6  }
0x17b: {  	s0 =	sshrl.u32 s0, $0x3  }
0x17c: {  	s5 =	simm.s32 $0x180;
	s31 =	sadd.s32 s8, s0  }
0x17d: {  	s2 =	simm.s32 $0x580;
	s0 =	simm.s32 $0x10;
	s10 =	sadd.s32 $0x0, s31  }
.LBB2_59:
0x17e: {  	[hbm4b:s10+s3] =	stream.linear.scatter [tilespmem:s5], [sflag:$0x1], $0x80, $0x38;
	[tilespmem:$0x1F800] =	vst v63  }
0x17f: {  	s10 =	smov.u32 s0;
	s5 =	smov.u32 s2;
	p3 =	sne.s32 s0, $0x3E0  }
.Ltmp32:
0x180: {  	s0 =	sadd.s32 $0x10, s0;
	(pc) =	sbr.rel @p3 .LBB2_59-.Ltmp32, $2  }
0x181: {  	_ =	sdelay $0x2  }
0x182: {  	s2 =	sadd.s32 $0x400, s2;
	s10 =	sadd.s32 s10, s31  }
0x183: {  	[hbm4b:s10+s3] =	stream.linear.scatter [tilespmem:s5], [sflag:$0x1], $0x80, $0x38;
	[tilespmem:$0x1F800] =	vst v63  }
0x184: {  	s0 =	rddreg [dreg:$0x10]  }
0x185: {  	s0 =	sadd.s32 s0, s6  }
0x186: {  	s0 =	sshrl.u32 s0, $0x3  }
0x187: {  	s5 =	simm.s32 $0x200;
	s31 =	sadd.s32 s8, s0  }
0x188: {  	s2 =	simm.s32 $0x600;
	s0 =	simm.s32 $0x10;
	s10 =	sadd.s32 $0x0, s31  }
.LBB2_61:
0x189: {  	[hbm4b:s10+s3] =	stream.linear.scatter [tilespmem:s5], [sflag:$0x1], $0x80, $0x38;
	[tilespmem:$0x1F800] =	vst v63  }
0x18a: {  	s10 =	smov.u32 s0;
	s5 =	smov.u32 s2;
	p3 =	sne.s32 s0, $0x3E0  }
.Ltmp33:
0x18b: {  	s0 =	sadd.s32 $0x10, s0;
	(pc) =	sbr.rel @p3 .LBB2_61-.Ltmp33, $2  }
0x18c: {  	_ =	sdelay $0x2  }
0x18d: {  	s2 =	sadd.s32 $0x400, s2;
	s10 =	sadd.s32 s10, s31  }
0x18e: {  	[hbm4b:s10+s3] =	stream.linear.scatter [tilespmem:s5], [sflag:$0x1], $0x80, $0x38;
	[tilespmem:$0x1F800] =	vst v63  }
0x18f: {  	s0 =	rddreg [dreg:$0x11]  }
0x190: {  	s0 =	sadd.s32 s0, s6  }
0x191: {  	s0 =	sshrl.u32 s0, $0x3  }
0x192: {  	s5 =	simm.s32 $0x280;
	s31 =	sadd.s32 s8, s0  }
0x193: {  	s2 =	simm.s32 $0x680;
	s0 =	simm.s32 $0x10;
	s10 =	sadd.s32 $0x0, s31  }
.LBB2_63:
0x194: {  	[hbm4b:s10+s3] =	stream.linear.scatter [tilespmem:s5], [sflag:$0x1], $0x80, $0x38;
	[tilespmem:$0x1F800] =	vst v63  }
0x195: {  	s10 =	smov.u32 s0;
	s5 =	smov.u32 s2;
	p3 =	sne.s32 s0, $0x3E0  }
.Ltmp34:
0x196: {  	s0 =	sadd.s32 $0x10, s0;
	(pc) =	sbr.rel @p3 .LBB2_63-.Ltmp34, $2  }
0x197: {  	_ =	sdelay $0x2  }
0x198: {  	s2 =	sadd.s32 $0x400, s2;
	s10 =	sadd.s32 s10, s31  }
0x199: {  	[hbm4b:s10+s3] =	stream.linear.scatter [tilespmem:s5], [sflag:$0x1], $0x80, $0x38;
	[tilespmem:$0x1F800] =	vst v63  }
0x19a: {  	s0 =	rddreg [dreg:$0x12]  }
0x19b: {  	s0 =	sadd.s32 s0, s6  }
0x19c: {  	s0 =	sshrl.u32 s0, $0x3  }
0x19d: {  	s5 =	simm.s32 $0x300;
	s31 =	sadd.s32 s8, s0  }
0x19e: {  	s2 =	simm.s32 $0x700;
	s0 =	simm.s32 $0x10;
	s10 =	sadd.s32 $0x0, s31  }
.LBB2_65:
0x19f: {  	[hbm4b:s10+s3] =	stream.linear.scatter [tilespmem:s5], [sflag:$0x1], $0x80, $0x38;
	[tilespmem:$0x1F800] =	vst v63  }
0x1a0: {  	s10 =	smov.u32 s0;
	s5 =	smov.u32 s2;
	p3 =	sne.s32 s0, $0x3E0  }
.Ltmp35:
0x1a1: {  	s0 =	sadd.s32 $0x10, s0;
	(pc) =	sbr.rel @p3 .LBB2_65-.Ltmp35, $2  }
0x1a2: {  	_ =	sdelay $0x2  }
0x1a3: {  	s2 =	sadd.s32 $0x400, s2;
	s10 =	sadd.s32 s10, s31  }
0x1a4: {  	[hbm4b:s10+s3] =	stream.linear.scatter [tilespmem:s5], [sflag:$0x1], $0x80, $0x38;
	[tilespmem:$0x1F800] =	vst v63  }
0x1a5: {  	s0 =	sadd.s32 s1, s6  }
0x1a6: {  	s0 =	sshrl.u32 s0, $0x3  }
0x1a7: {  	s5 =	simm.s32 $0x380;
	s6 =	sadd.s32 s8, s0  }
0x1a8: {  	s2 =	simm.s32 $0x780;
	s0 =	simm.s32 $0x10;
	s10 =	sadd.s32 $0x0, s6  }
.LBB2_67:
0x1a9: {  	[hbm4b:s10+s3] =	stream.linear.scatter [tilespmem:s5], [sflag:$0x1], $0x80, $0x38;
	[tilespmem:$0x1F800] =	vst v63  }
0x1aa: {  	s10 =	smov.u32 s0;
	s5 =	smov.u32 s2;
	p3 =	sne.s32 s0, $0x3E0  }
.Ltmp36:
0x1ab: {  	s0 =	sadd.s32 $0x10, s0;
	(pc) =	sbr.rel @p3 .LBB2_67-.Ltmp36, $2  }
0x1ac: {  	_ =	sdelay $0x2  }
0x1ad: {  	s2 =	sadd.s32 $0x400, s2;
	s10 =	sadd.s32 s10, s6  }
0x1ae: {  	[hbm4b:s10+s3] =	stream.linear.scatter [tilespmem:s5], [sflag:$0x1], $0x80, $0x38;
	[tilespmem:$0x1F800] =	vst v63  }
0x1af: {  	s0 =	rddreg [dreg:$0xb]  }
0x1b0: {  	s10 =	rddreg [dreg:$0x7];
	s2 =	simm.s32 $0x0;
	s15 =	sadd.s32 s0, s15  }
0x1b1: {  	s6 =	simm.s32 $0xFC00;
	s0 =	sadd.s32 s15, s10;
	s31 =	sadd.s32 s16, s15  }
0x1b2: {  	[tilespmem:s6], [sflag:$0x3] =	stream.linear.gather [hbm4b:s0+s2], $0xFC00, $0x38;
	[tilespmem:$0x1F800] =	vst v63  }
0x1b3: {  	s0 =	sshrl.u32 s31, $0x3;
	_ =	swait.ge [sflag:s4], $0xFC00  }
0x1b4: {  	s2 =	simm.s32 $0x10000;
	s5 =	sadd.s32 s8, s0;
	[sflag:s4] =	ssyncset.done $0x0  }
0x1b5: {  	s0 =	simm.s32 $0x10;
	s10 =	sadd.s32 $0x0, s5;
	[sflag:s4] =	ssyncadd.s32 $0xFFFF0400  }
.LBB2_69:
0x1b6: {  	[hbm4b:s10+s3] =	stream.linear.scatter [tilespmem:s6], [sflag:$0x1], $0x80, $0x38;
	[tilespmem:$0x1F800] =	vst v63  }
0x1b7: {  	s10 =	smov.u32 s0;
	s6 =	smov.u32 s2;
	p3 =	sne.s32 s0, $0x3E0  }
.Ltmp37:
0x1b8: {  	s0 =	sadd.s32 $0x10, s0;
	(pc) =	sbr.rel @p3 .LBB2_69-.Ltmp37, $2  }
0x1b9: {  	_ =	sdelay $0x2  }
0x1ba: {  	s2 =	sadd.s32 $0x400, s2;
	s10 =	sadd.s32 s10, s5  }
0x1bb: {  	[hbm4b:s10+s3] =	stream.linear.scatter [tilespmem:s6], [sflag:$0x1], $0x80, $0x38;
	[tilespmem:$0x1F800] =	vst v63  }
0x1bc: {  	s0 =	rddreg [dreg:$0xc]  }
0x1bd: {  	s0 =	sadd.s32 s0, s15  }
0x1be: {  	s0 =	sshrl.u32 s0, $0x3  }
0x1bf: {  	s5 =	simm.s32 $0xFC80;
	s6 =	sadd.s32 s8, s0  }
0x1c0: {  	s2 =	simm.s32 $0x10080;
	s0 =	simm.s32 $0x10;
	s10 =	sadd.s32 $0x0, s6  }
.LBB2_71:
0x1c1: {  	[hbm4b:s10+s3] =	stream.linear.scatter [tilespmem:s5], [sflag:$0x1], $0x80, $0x38;
	[tilespmem:$0x1F800] =	vst v63  }
0x1c2: {  	s10 =	smov.u32 s0;
	s5 =	smov.u32 s2;
	p3 =	sne.s32 s0, $0x3E0  }
.Ltmp38:
0x1c3: {  	s0 =	sadd.s32 $0x10, s0;
	(pc) =	sbr.rel @p3 .LBB2_71-.Ltmp38, $2  }
0x1c4: {  	_ =	sdelay $0x2  }
0x1c5: {  	s2 =	sadd.s32 $0x400, s2;
	s10 =	sadd.s32 s10, s6  }
0x1c6: {  	[hbm4b:s10+s3] =	stream.linear.scatter [tilespmem:s5], [sflag:$0x1], $0x80, $0x38;
	[tilespmem:$0x1F800] =	vst v63  }
0x1c7: {  	s0 =	rddreg [dreg:$0xe]  }
0x1c8: {  	s0 =	sadd.s32 s0, s15  }
0x1c9: {  	s0 =	sshrl.u32 s0, $0x3  }
0x1ca: {  	s5 =	simm.s32 $0xFD00;
	s6 =	sadd.s32 s8, s0  }
0x1cb: {  	s2 =	simm.s32 $0x10100;
	s0 =	simm.s32 $0x10;
	s10 =	sadd.s32 $0x0, s6  }
.LBB2_73:
0x1cc: {  	[hbm4b:s10+s3] =	stream.linear.scatter [tilespmem:s5], [sflag:$0x1], $0x80, $0x38;
	[tilespmem:$0x1F800] =	vst v63  }
0x1cd: {  	s10 =	smov.u32 s0;
	s5 =	smov.u32 s2;
	p3 =	sne.s32 s0, $0x3E0  }
.Ltmp39:
0x1ce: {  	s0 =	sadd.s32 $0x10, s0;
	(pc) =	sbr.rel @p3 .LBB2_73-.Ltmp39, $2  }
0x1cf: {  	_ =	sdelay $0x2  }
0x1d0: {  	s2 =	sadd.s32 $0x400, s2;
	s10 =	sadd.s32 s10, s6  }
0x1d1: {  	[hbm4b:s10+s3] =	stream.linear.scatter [tilespmem:s5], [sflag:$0x1], $0x80, $0x38;
	[tilespmem:$0x1F800] =	vst v63  }
0x1d2: {  	s0 =	rddreg [dreg:$0xf]  }
0x1d3: {  	s0 =	sadd.s32 s0, s15  }
0x1d4: {  	s0 =	sshrl.u32 s0, $0x3  }
0x1d5: {  	s5 =	simm.s32 $0xFD80;
	s6 =	sadd.s32 s8, s0  }
0x1d6: {  	s2 =	simm.s32 $0x10180;
	s0 =	simm.s32 $0x10;
	s10 =	sadd.s32 $0x0, s6  }
.LBB2_75:
0x1d7: {  	[hbm4b:s10+s3] =	stream.linear.scatter [tilespmem:s5], [sflag:$0x1], $0x80, $0x38;
	[tilespmem:$0x1F800] =	vst v63  }
0x1d8: {  	s10 =	smov.u32 s0;
	s5 =	smov.u32 s2;
	p3 =	sne.s32 s0, $0x3E0  }
.Ltmp40:
0x1d9: {  	s0 =	sadd.s32 $0x10, s0;
	(pc) =	sbr.rel @p3 .LBB2_75-.Ltmp40, $2  }
0x1da: {  	_ =	sdelay $0x2  }
0x1db: {  	s2 =	sadd.s32 $0x400, s2;
	s10 =	sadd.s32 s10, s6  }
0x1dc: {  	[hbm4b:s10+s3] =	stream.linear.scatter [tilespmem:s5], [sflag:$0x1], $0x80, $0x38;
	[tilespmem:$0x1F800] =	vst v63  }
0x1dd: {  	s0 =	rddreg [dreg:$0x10]  }
0x1de: {  	s0 =	sadd.s32 s0, s15  }
0x1df: {  	s0 =	sshrl.u32 s0, $0x3  }
0x1e0: {  	s5 =	simm.s32 $0xFE00;
	s6 =	sadd.s32 s8, s0  }
0x1e1: {  	s2 =	simm.s32 $0x10200;
	s0 =	simm.s32 $0x10;
	s10 =	sadd.s32 $0x0, s6  }
.LBB2_77:
0x1e2: {  	[hbm4b:s10+s3] =	stream.linear.scatter [tilespmem:s5], [sflag:$0x1], $0x80, $0x38;
	[tilespmem:$0x1F800] =	vst v63  }
0x1e3: {  	s10 =	smov.u32 s0;
	s5 =	smov.u32 s2;
	p3 =	sne.s32 s0, $0x3E0  }
.Ltmp41:
0x1e4: {  	s0 =	sadd.s32 $0x10, s0;
	(pc) =	sbr.rel @p3 .LBB2_77-.Ltmp41, $2  }
0x1e5: {  	_ =	sdelay $0x2  }
0x1e6: {  	s2 =	sadd.s32 $0x400, s2;
	s10 =	sadd.s32 s10, s6  }
0x1e7: {  	[hbm4b:s10+s3] =	stream.linear.scatter [tilespmem:s5], [sflag:$0x1], $0x80, $0x38;
	[tilespmem:$0x1F800] =	vst v63  }
0x1e8: {  	s0 =	rddreg [dreg:$0x11]  }
0x1e9: {  	s0 =	sadd.s32 s0, s15  }
0x1ea: {  	s0 =	sshrl.u32 s0, $0x3  }
0x1eb: {  	s5 =	simm.s32 $0xFE80;
	s6 =	sadd.s32 s8, s0  }
0x1ec: {  	s2 =	simm.s32 $0x10280;
	s0 =	simm.s32 $0x10;
	s10 =	sadd.s32 $0x0, s6  }
.LBB2_79:
0x1ed: {  	[hbm4b:s10+s3] =	stream.linear.scatter [tilespmem:s5], [sflag:$0x1], $0x80, $0x38;
	[tilespmem:$0x1F800] =	vst v63  }
0x1ee: {  	s10 =	smov.u32 s0;
	s5 =	smov.u32 s2;
	p3 =	sne.s32 s0, $0x3E0  }
.Ltmp42:
0x1ef: {  	s0 =	sadd.s32 $0x10, s0;
	(pc) =	sbr.rel @p3 .LBB2_79-.Ltmp42, $2  }
0x1f0: {  	_ =	sdelay $0x2  }
0x1f1: {  	s2 =	sadd.s32 $0x400, s2;
	s10 =	sadd.s32 s10, s6  }
0x1f2: {  	[hbm4b:s10+s3] =	stream.linear.scatter [tilespmem:s5], [sflag:$0x1], $0x80, $0x38;
	[tilespmem:$0x1F800] =	vst v63  }
0x1f3: {  	s0 =	rddreg [dreg:$0x12]  }
0x1f4: {  	s0 =	sadd.s32 s0, s15  }
0x1f5: {  	s0 =	sshrl.u32 s0, $0x3  }
0x1f6: {  	s5 =	simm.s32 $0xFF00;
	s6 =	sadd.s32 s8, s0  }
0x1f7: {  	s2 =	simm.s32 $0x10300;
	s0 =	simm.s32 $0x10;
	s10 =	sadd.s32 $0x0, s6  }
.LBB2_81:
0x1f8: {  	[hbm4b:s10+s3] =	stream.linear.scatter [tilespmem:s5], [sflag:$0x1], $0x80, $0x38;
	[tilespmem:$0x1F800] =	vst v63  }
0x1f9: {  	s10 =	smov.u32 s0;
	s5 =	smov.u32 s2;
	p3 =	sne.s32 s0, $0x3E0  }
.Ltmp43:
0x1fa: {  	s0 =	sadd.s32 $0x10, s0;
	(pc) =	sbr.rel @p3 .LBB2_81-.Ltmp43, $2  }
0x1fb: {  	_ =	sdelay $0x2  }
0x1fc: {  	s2 =	sadd.s32 $0x400, s2;
	s10 =	sadd.s32 s10, s6  }
0x1fd: {  	[hbm4b:s10+s3] =	stream.linear.scatter [tilespmem:s5], [sflag:$0x1], $0x80, $0x38;
	[tilespmem:$0x1F800] =	vst v63  }
0x1fe: {  	s0 =	sadd.s32 s1, s15  }
0x1ff: {  	s0 =	sshrl.u32 s0, $0x3  }
0x200: {  	s5 =	simm.s32 $0xFF80;
	s6 =	sadd.s32 s8, s0  }
0x201: {  	s2 =	simm.s32 $0x10380;
	s0 =	simm.s32 $0x10;
	s10 =	sadd.s32 $0x0, s6  }
.LBB2_83:
0x202: {  	[hbm4b:s10+s3] =	stream.linear.scatter [tilespmem:s5], [sflag:$0x1], $0x80, $0x38;
	[tilespmem:$0x1F800] =	vst v63  }
0x203: {  	s10 =	smov.u32 s0;
	s5 =	smov.u32 s2;
	p3 =	sne.s32 s0, $0x3E0  }
.Ltmp44:
0x204: {  	s0 =	sadd.s32 $0x10, s0;
	(pc) =	sbr.rel @p3 .LBB2_83-.Ltmp44, $2  }
0x205: {  	_ =	sdelay $0x2  }
0x206: {  	s2 =	sadd.s32 $0x400, s2;
	s10 =	sadd.s32 s10, s6  }
0x207: {  	[hbm4b:s10+s3] =	stream.linear.scatter [tilespmem:s5], [sflag:$0x1], $0x80, $0x38;
	[tilespmem:$0x1F800] =	vst v63  }
0x208: {  	_ =	swait.ge [sflag:s9], $0x1F80  }
0x209: {  	[sflag:s9] =	ssyncset.done $0x0  }
0x20a: {  	[sflag:s9] =	ssyncadd.s32 $0xFFFFE080  }
0x20b: {  	_ =	swait.ge [sflag:s9], $0x1F80  }
0x20c: {  	[sflag:s9] =	ssyncset.done $0x0  }
0x20d: {  	[sflag:s9] =	ssyncadd.s32 $0xFFFFE080  }
0x20e: {  	_ =	swait.ge [sflag:s9], $0x1F80  }
0x20f: {  	[sflag:s9] =	ssyncset.done $0x0  }
0x210: {  	[sflag:s9] =	ssyncadd.s32 $0xFFFFE080  }
0x211: {  	_ =	swait.ge [sflag:s9], $0x1F80  }
0x212: {  	[sflag:s9] =	ssyncset.done $0x0  }
0x213: {  	[sflag:s9] =	ssyncadd.s32 $0xFFFFE080  }
0x214: {  	_ =	swait.ge [sflag:s9], $0x1F80  }
0x215: {  	[sflag:s9] =	ssyncset.done $0x0  }
0x216: {  	[sflag:s9] =	ssyncadd.s32 $0xFFFFE080  }
0x217: {  	_ =	swait.ge [sflag:s9], $0x1F80  }
0x218: {  	[sflag:s9] =	ssyncset.done $0x0  }
0x219: {  	[sflag:s9] =	ssyncadd.s32 $0xFFFFE080  }
0x21a: {  	_ =	swait.ge [sflag:s9], $0x1F80  }
0x21b: {  	[sflag:s9] =	ssyncset.done $0x0  }
0x21c: {  	[sflag:s9] =	ssyncadd.s32 $0xFFFFE080  }
0x21d: {  	_ =	swait.ge [sflag:s9], $0x1F80  }
0x21e: {  	[sflag:s9] =	ssyncset.done $0x0  }
0x21f: {  	[sflag:s9] =	ssyncadd.s32 $0xFFFFE080  }
0x220: {  	_ =	swait.ge [sflag:s9], $0x1F80  }
0x221: {  	[sflag:s9] =	ssyncset.done $0x0  }
0x222: {  	[sflag:s9] =	ssyncadd.s32 $0xFFFFE080  }
0x223: {  	_ =	swait.ge [sflag:s9], $0x1F80  }
0x224: {  	[sflag:s9] =	ssyncset.done $0x0  }
0x225: {  	[sflag:s9] =	ssyncadd.s32 $0xFFFFE080  }
0x226: {  	_ =	swait.ge [sflag:s9], $0x1F80  }
0x227: {  	[sflag:s9] =	ssyncset.done $0x0  }
0x228: {  	[sflag:s9] =	ssyncadd.s32 $0xFFFFE080  }
0x229: {  	_ =	swait.ge [sflag:s9], $0x1F80  }
0x22a: {  	[sflag:s9] =	ssyncset.done $0x0  }
0x22b: {  	[sflag:s9] =	ssyncadd.s32 $0xFFFFE080  }
0x22c: {  	_ =	swait.ge [sflag:s9], $0x1F80  }
0x22d: {  	[sflag:s9] =	ssyncset.done $0x0  }
0x22e: {  	[sflag:s9] =	ssyncadd.s32 $0xFFFFE080  }
0x22f: {  	_ =	swait.ge [sflag:s9], $0x1F80  }
0x230: {  	[sflag:s9] =	ssyncset.done $0x0  }
0x231: {  	s30 =	sadd.s32 $0x1, s30;
	[sflag:s9] =	ssyncadd.s32 $0xFFFFE080  }
0x232: {  	p3 =	sne.s32 s30, $0xF;
	_ =	swait.ge [sflag:s9], $0x1F80  }
.Ltmp45:
0x233: {  	[sflag:s9] =	ssyncset.done $0x0;
	(pc) =	sbr.rel @p3 .LBB2_52-.Ltmp45, $4  }
0x234: {  	[sflag:s9] =	ssyncadd.s32 $0xFFFFE080  }
0x235: {  	_ =	swait.ge [sflag:s9], $0x1F80  }
0x236: {  	[sflag:s9] =	ssyncset.done $0x0  }
0x237: {  	[sflag:s9] =	ssyncadd.s32 $0xFFFFE080  }
0x238: {  	s6 =	simm.s32 $0x0;
	s0 =	rddreg [dreg:$0x8]  }
0x239: {  	[tilespmem:s6], [sflag:$0x3] =	stream.linear.gather [hbm4b:s0+s6], $0xFC00, $0x38;
	[tilespmem:$0x1F800] =	vst v63  }
0x23a: {  	_ =	swait.ge [sflag:s4], $0xFC00  }
0x23b: {  	s5 =	sadd.s32 $0x0, s11;
	[sflag:s4] =	ssyncset.done $0x0  }
0x23c: {  	s2 =	simm.s32 $0x400;
	s0 =	simm.s32 $0x10;
	[sflag:s4] =	ssyncadd.s32 $0xFFFF0400  }
.LBB2_86:
0x23d: {  	[hbm4b:s5+s3] =	stream.linear.scatter [tilespmem:s6], [sflag:$0x1], $0x80, $0x38;
	[tilespmem:$0x1F800] =	vst v63  }
0x23e: {  	s5 =	smov.u32 s0;
	s6 =	smov.u32 s2;
	p3 =	sne.s32 s0, $0x3E0  }
.Ltmp46:
0x23f: {  	s0 =	sadd.s32 $0x10, s0;
	(pc) =	sbr.rel @p3 .LBB2_86-.Ltmp46, $2  }
0x240: {  	_ =	sdelay $0x2  }
0x241: {  	s2 =	sadd.s32 $0x400, s2;
	s5 =	sadd.s32 s5, s11  }
0x242: {  	[hbm4b:s5+s3] =	stream.linear.scatter [tilespmem:s6], [sflag:$0x1], $0x80, $0x38;
	[tilespmem:$0x1F800] =	vst v63  }
0x243: {  	s5 =	simm.s32 $0x80  }
0x244: {  	s0 =	simm.s32 $0x10;
	s6 =	sadd.s32 $0x0, s12;
	s2 =	simm.s32 $0x480  }
.LBB2_88:
0x245: {  	[hbm4b:s6+s3] =	stream.linear.scatter [tilespmem:s5], [sflag:$0x1], $0x80, $0x38;
	[tilespmem:$0x1F800] =	vst v63  }
0x246: {  	s6 =	smov.u32 s0;
	s5 =	smov.u32 s2;
	p3 =	sne.s32 s0, $0x3E0  }
.Ltmp47:
0x247: {  	s0 =	sadd.s32 $0x10, s0;
	(pc) =	sbr.rel @p3 .LBB2_88-.Ltmp47, $2  }
0x248: {  	_ =	sdelay $0x2  }
0x249: {  	s2 =	sadd.s32 $0x400, s2;
	s6 =	sadd.s32 s6, s12  }
0x24a: {  	[hbm4b:s6+s3] =	stream.linear.scatter [tilespmem:s5], [sflag:$0x1], $0x80, $0x38;
	[tilespmem:$0x1F800] =	vst v63  }
0x24b: {  	s5 =	simm.s32 $0x100  }
0x24c: {  	s0 =	simm.s32 $0x10;
	s6 =	sadd.s32 $0x0, s13;
	s2 =	simm.s32 $0x500  }
.LBB2_90:
0x24d: {  	[hbm4b:s6+s3] =	stream.linear.scatter [tilespmem:s5], [sflag:$0x1], $0x80, $0x38;
	[tilespmem:$0x1F800] =	vst v63  }
0x24e: {  	s6 =	smov.u32 s0;
	s5 =	smov.u32 s2;
	p3 =	sne.s32 s0, $0x3E0  }
.Ltmp48:
0x24f: {  	s0 =	sadd.s32 $0x10, s0;
	(pc) =	sbr.rel @p3 .LBB2_90-.Ltmp48, $2  }
0x250: {  	_ =	sdelay $0x2  }
0x251: {  	s2 =	sadd.s32 $0x400, s2;
	s6 =	sadd.s32 s6, s13  }
0x252: {  	[hbm4b:s6+s3] =	stream.linear.scatter [tilespmem:s5], [sflag:$0x1], $0x80, $0x38;
	[tilespmem:$0x1F800] =	vst v63  }
0x253: {  	s5 =	simm.s32 $0x180  }
0x254: {  	s0 =	simm.s32 $0x10;
	s6 =	sadd.s32 $0x0, s14;
	s2 =	simm.s32 $0x580  }
.LBB2_92:
0x255: {  	[hbm4b:s6+s3] =	stream.linear.scatter [tilespmem:s5], [sflag:$0x1], $0x80, $0x38;
	[tilespmem:$0x1F800] =	vst v63  }
0x256: {  	s6 =	smov.u32 s0;
	s5 =	smov.u32 s2;
	p3 =	sne.s32 s0, $0x3E0  }
.Ltmp49:
0x257: {  	s0 =	sadd.s32 $0x10, s0;
	(pc) =	sbr.rel @p3 .LBB2_92-.Ltmp49, $2  }
0x258: {  	_ =	sdelay $0x2  }
0x259: {  	s2 =	sadd.s32 $0x400, s2;
	s6 =	sadd.s32 s6, s14  }
0x25a: {  	[hbm4b:s6+s3] =	stream.linear.scatter [tilespmem:s5], [sflag:$0x1], $0x80, $0x38;
	[tilespmem:$0x1F800] =	vst v63  }
0x25b: {  	s5 =	simm.s32 $0x200  }
0x25c: {  	s0 =	simm.s32 $0x10;
	s6 =	sadd.s32 $0x0, s21;
	s2 =	simm.s32 $0x600  }
.LBB2_94:
0x25d: {  	[hbm4b:s6+s3] =	stream.linear.scatter [tilespmem:s5], [sflag:$0x1], $0x80, $0x38;
	[tilespmem:$0x1F800] =	vst v63  }
0x25e: {  	s6 =	smov.u32 s0;
	s5 =	smov.u32 s2;
	p3 =	sne.s32 s0, $0x3E0  }
.Ltmp50:
0x25f: {  	s0 =	sadd.s32 $0x10, s0;
	(pc) =	sbr.rel @p3 .LBB2_94-.Ltmp50, $2  }
0x260: {  	_ =	sdelay $0x2  }
0x261: {  	s2 =	sadd.s32 $0x400, s2;
	s6 =	sadd.s32 s6, s21  }
0x262: {  	[hbm4b:s6+s3] =	stream.linear.scatter [tilespmem:s5], [sflag:$0x1], $0x80, $0x38;
	[tilespmem:$0x1F800] =	vst v63  }
0x263: {  	s5 =	simm.s32 $0x280  }
0x264: {  	s0 =	simm.s32 $0x10;
	s6 =	sadd.s32 $0x0, s23;
	s2 =	simm.s32 $0x680  }
.LBB2_96:
0x265: {  	[hbm4b:s6+s3] =	stream.linear.scatter [tilespmem:s5], [sflag:$0x1], $0x80, $0x38;
	[tilespmem:$0x1F800] =	vst v63  }
0x266: {  	s6 =	smov.u32 s0;
	s5 =	smov.u32 s2;
	p3 =	sne.s32 s0, $0x3E0  }
.Ltmp51:
0x267: {  	s0 =	sadd.s32 $0x10, s0;
	(pc) =	sbr.rel @p3 .LBB2_96-.Ltmp51, $2  }
0x268: {  	_ =	sdelay $0x2  }
0x269: {  	s2 =	sadd.s32 $0x400, s2;
	s6 =	sadd.s32 s6, s23  }
0x26a: {  	[hbm4b:s6+s3] =	stream.linear.scatter [tilespmem:s5], [sflag:$0x1], $0x80, $0x38;
	[tilespmem:$0x1F800] =	vst v63  }
0x26b: {  	s5 =	simm.s32 $0x300  }
0x26c: {  	s0 =	simm.s32 $0x10;
	s6 =	sadd.s32 $0x0, s25;
	s2 =	simm.s32 $0x700  }
.LBB2_98:
0x26d: {  	[hbm4b:s6+s3] =	stream.linear.scatter [tilespmem:s5], [sflag:$0x1], $0x80, $0x38;
	[tilespmem:$0x1F800] =	vst v63  }
0x26e: {  	s6 =	smov.u32 s0;
	s5 =	smov.u32 s2;
	p3 =	sne.s32 s0, $0x3E0  }
.Ltmp52:
0x26f: {  	s0 =	sadd.s32 $0x10, s0;
	(pc) =	sbr.rel @p3 .LBB2_98-.Ltmp52, $2  }
0x270: {  	_ =	sdelay $0x2  }
0x271: {  	s2 =	sadd.s32 $0x400, s2;
	s6 =	sadd.s32 s6, s25  }
0x272: {  	[hbm4b:s6+s3] =	stream.linear.scatter [tilespmem:s5], [sflag:$0x1], $0x80, $0x38;
	[tilespmem:$0x1F800] =	vst v63  }
0x273: {  	s5 =	simm.s32 $0x380  }
0x274: {  	s0 =	simm.s32 $0x10;
	s6 =	sadd.s32 $0x0, s28;
	s2 =	simm.s32 $0x780  }
.LBB2_100:
0x275: {  	[hbm4b:s6+s3] =	stream.linear.scatter [tilespmem:s5], [sflag:$0x1], $0x80, $0x38;
	[tilespmem:$0x1F800] =	vst v63  }
0x276: {  	s6 =	smov.u32 s0;
	s5 =	smov.u32 s2;
	p3 =	sne.s32 s0, $0x3E0  }
.Ltmp53:
0x277: {  	s0 =	sadd.s32 $0x10, s0;
	(pc) =	sbr.rel @p3 .LBB2_100-.Ltmp53, $2  }
0x278: {  	_ =	sdelay $0x2  }
0x279: {  	s2 =	sadd.s32 $0x400, s2;
	s6 =	sadd.s32 s6, s28  }
0x27a: {  	[hbm4b:s6+s3] =	stream.linear.scatter [tilespmem:s5], [sflag:$0x1], $0x80, $0x38;
	[tilespmem:$0x1F800] =	vst v63  }
.LBB2_102:
0x27b: {  	_ =	swait.ge [sflag:s9], $0x1F80  }
0x27c: {  	[sflag:s9] =	ssyncset.done $0x0  }
0x27d: {  	[sflag:s9] =	ssyncadd.s32 $0xFFFFE080  }
0x27e: {  	_ =	swait.ge [sflag:s9], $0x1F80  }
0x27f: {  	[sflag:s9] =	ssyncset.done $0x0  }
0x280: {  	[sflag:s9] =	ssyncadd.s32 $0xFFFFE080  }
0x281: {  	_ =	swait.ge [sflag:s9], $0x1F80  }
0x282: {  	[sflag:s9] =	ssyncset.done $0x0  }
0x283: {  	[sflag:s9] =	ssyncadd.s32 $0xFFFFE080  }
0x284: {  	_ =	swait.ge [sflag:s9], $0x1F80  }
0x285: {  	[sflag:s9] =	ssyncset.done $0x0  }
0x286: {  	[sflag:s9] =	ssyncadd.s32 $0xFFFFE080  }
0x287: {  	_ =	swait.ge [sflag:s9], $0x1F80  }
0x288: {  	[sflag:s9] =	ssyncset.done $0x0  }
0x289: {  	[sflag:s9] =	ssyncadd.s32 $0xFFFFE080  }
0x28a: {  	_ =	swait.ge [sflag:s9], $0x1F80  }
0x28b: {  	[sflag:s9] =	ssyncset.done $0x0  }
0x28c: {  	[sflag:s9] =	ssyncadd.s32 $0xFFFFE080  }
0x28d: {  	_ =	swait.ge [sflag:s9], $0x1F80  }
0x28e: {  	[sflag:s9] =	ssyncset.done $0x0  }
.Ltmp54:
0x28f: {  	[sflag:s9] =	ssyncadd.s32 $0xFFFFE080;
	(pc) =	sbr.rel @p0 .LBB2_105-.Ltmp54, $4  }
0x290: {  	_ =	swait.ge [sflag:s9], $0x1F80  }
0x291: {  	[sflag:s9] =	ssyncset.done $0x0  }
0x292: {  	[sflag:s9] =	ssyncadd.s32 $0xFFFFE080  }
0x293: {  	s0 =	smov.u32 s7;
	s2 =	rddreg [dreg:$0x2]  }
.Ltmp55:
0x294: {  	(pc) =	sbr.rel @p1 .LBB2_106-.Ltmp55, $2  }
0x295: {  	_ =	sdelay $0x2  }
0x296: {  	s2 =	rddreg [dreg:$0x13]  }
.Ltmp56:
0x297: {  	(pc) =	sbr.rel .LBB2_105-.Ltmp56, $2  }
0x298: {  	_ =	sdelay $0x2  }
0x299: {  	s0 =	smov.u32 s8;
	s2 =	rddreg [dreg:$0x6]  }
.LBB2_107:
0x29a: {  	_ =	sfence.sel $0x180000  }
0x29b: {  	[bflag:$0x0] =	sbarrier.arrive $0xFFFF  }
0x29c: {  	_ =	strace $0x90000047  }
0x29d: {  	s0 =	stileid.u32;
	[bflag:$0x2] =	sbarrier.arrive $0xFFFF  }
0x29e: {  	p0 =	sne.s32 s0, $0x0;
	s0 =	rddreg [dreg:$0x4]  }
0x29f: {  	s0 =	sadd.s32 @!p0 $0x100000, s0  }
0x2a0: {  	[sflag:s0] =	ssyncadd.tile.s32 @!p0 $0x1;
	_ =	shalt  }
.Lfunc_end2:
_tile_overlayer_lowered:
.L_overlay_start_2:
0x2a1: {  	(tag) =	ssettag $0x2  }
0x2a2: {  	s0 =	rddreg [dreg:$0x0];
	s2 =	stileid.u32  }
0x2a3: {  	s1 =	rddreg [dreg:$0x1];
	p0 =	sne.s32 s2, $0x0  }
0x2a4: {  	s3 =	rddreg [dreg:$0x2];
	[bflag:$0x3] =	sbarrier.arrive $0xFFFF;
	s2 =	simm.s32 @!p0 $0x1C03  }
0x2a5: {  	[timem:s3], [sflag:s2] =	dma.local @!p0 [hbm:s0], s1  }
0x2a6: {  	s0 =	simm.s32 @!p0 $0x3  }
0x2a7: {  	_ =	swait.ge @!p0 [sflag:s0], s1  }
0x2a8: {  	s1 =	ssub.s32 @!p0 $0x0, s1;
	[sflag:s0] =	ssyncset.done @!p0 $0x0  }
0x2a9: {  	[sflag:s0] =	ssyncadd.s32 @!p0 s1  }
0x2aa: {  	[bflag:$0x3] =	sbarrier.arrive $0xFFFF  }
0x2ab: {  	_ =	shalt  }

// kernel: kernel.7.cloned.1.call-start
scs
__scs_entry_jumppad:
0x0: {  	(pc) =	sbr.rel $0x88, $3  }
0x1: {  	(tag) =	ssettag $0x0;
	lr =	simm.s32 $0x1  }
0x2: {  	[smem:$0x3F9D] =	sst lr;
	_ =	strace $0xD0000000  }
0x3: {  	_ = 	snop  }
0x4: {  	_ = 	snop  }
0x5: {  	_ = 	snop  }
0x6: {  	_ = 	snop  }
0x7: {  	_ = 	snop  }
__scs_overlays_trampoline_lowered:
0x8: {  	[smem:$0x3FAC] =	sst s0  }
0x9: {  	[smem:$0x3FAD] =	sst s1  }
0xa: {  	[smem:$0x3FAE] =	sst s2  }
0xb: {  	[smem:$0x3FAF] =	sst s3  }
0xc: {  	[smem:$0x3FB0] =	sst s4  }
0xd: {  	[smem:$0x3FB1] =	sst s5  }
0xe: {  	[smem:$0x3FB2] =	sst s6  }
0xf: {  	[smem:$0x3FB3] =	sst s7  }
0x10: {  	[smem:$0x3FB4] =	sst s8  }
0x11: {  	[smem:$0x3FB5] =	sst s9;
	s0 =	simm.s32 @!p0 $0x0  }
0x12: {  	s1 =	sld [smem:$0x3F9B];
	s0 =	simm.s32 @p0 $0x1  }
0x13: {  	[smem:$0x3FB6] =	sst s0;
	s0 =	simm.s32 @!p1 $0x0  }
0x14: {  	s2 =	sld [smem:$0x3F9A];
	s0 =	simm.s32 @p1 $0x1  }
0x15: {  	[smem:$0x3FB7] =	sst s0;
	s0 =	simm.s32 @!p2 $0x0  }
0x16: {  	s3 =	sld [smem:$0x3FDB];
	s0 =	simm.s32 @p2 $0x1  }
0x17: {  	s4 =	simm.s32 $0x1BF5;
	[smem:$0x3FB9] =	sst s0  }
0x18: {  	s0 =	sld [smem:$0x3F9C];
	_ =	swait.ge [sflag:s4], $0x0  }
0x19: {  	s7 =	sld [smem:$0x3F9D]  }
0x1a: {  	s8 =	sadd.s32 $0xFFFFE003, lr  }
0x1b: {  	s9 =	sadd.s32 $0xFFFFFEF7, lr;
	s5 =	simm.s32 $0xFFFFFFFF;
	p2 =	slt.u32 s8, $0xFFFFF086  }
0x1c: {  	p1 =	slt.u32 s9, $0xF7A;
	s5 =	simm.s32 @!p2 $0x0  }
0x1d: {  	s5 =	simm.s32 @p1 $0x1;
	p0 =	seq.s32 s7, s2  }
0x1e: {  	s7 =	smul.u32 @!p0 $0xF7A, s2;
	p2 =	seq.s32 @!p0 s5, $0x0  }
0x1f: {  	s9 =	smul.u32 $0xF7A, s1;
	s8 =	simm.s32 @!p0 $0x1BF5;
	p2 =	por !p2, p0  }
0x20: {  	[sflag:s8] =	ssyncset.s32 @!p0 $0xFFFFF086;
	s6 =	sadd.s32 @!p0 s3, s7;
	s7 =	simm.s32 @!p0 $0x108  }
0x21: {  	s3 =	sadd.s32 s3, s9;
	s6 =	sadd.s32 @!p0 $0x88, s6;
	s7 =	simm.s32 @p2 $0x1082  }
0x22: {  	[simem:s7], [sflag:s8] =	dma.local @!p0 [hbm:s6], $0xF7A  }
0x23: {  	s9 =	sor.u32 $0xD0000000, s2;
	s6 =	simm.s32 $0x108;
	_ =	swait.ge @!p0 [sflag:s8], $0x0  }
0x24: {  	s3 =	sadd.s32 $0x88, s3;
	s6 =	simm.s32 @!p1 $0x1082;
	[sflag:s4] =	ssyncset.s32 $0xFFFFF086  }
0x25: {  	[simem:s6], [sflag:s4] =	dma.local [hbm:s3], $0xF7A  }
0x26: {  	[smem:$0x3F9D] =	sst s1;
	(tag) =	ssettag s2;
	_ =	strace s9  }
0x27: {  	s1 =	sld [smem:$0x3FAD]  }
0x28: {  	s2 =	sld [smem:$0x3FAE]  }
0x29: {  	s4 =	sld [smem:$0x3FB0]  }
0x2a: {  	p0 =	seq.s32 s5, $0x0;
	s5 =	sld [smem:$0x3FB1]  }
0x2b: {  	s6 =	sld [smem:$0x3FB2]  }
0x2c: {  	s7 =	sld [smem:$0x3FB3]  }
0x2d: {  	s3 =	simm.s32 $0x108;
	s8 =	sld [smem:$0x3FB4]  }
0x2e: {  	s3 =	simm.s32 @!p0 $0x1082;
	s9 =	sld [smem:$0x3FB5]  }
0x2f: {  	lr =	sadd.s32 s0, s3;
	s0 =	sld [smem:$0x3FAC]  }
0x30: {  	s3 =	sld [smem:$0x3FAF]  }
0x31: {  	[smem:$0x3FB8] =	sst s10  }
0x32: {  	s10 =	sld [smem:$0x3FB6];
	_ =	sdelay $0x3  }
0x33: {  	p0 =	seq.s32 s10, $0x1;
	s10 =	sld [smem:$0x3FB8];
	_ =	sdelay $0x3  }
0x34: {  	[smem:$0x3FB8] =	sst s10  }
0x35: {  	s10 =	sld [smem:$0x3FB7];
	_ =	sdelay $0x3  }
0x36: {  	p1 =	seq.s32 s10, $0x1;
	s10 =	sld [smem:$0x3FB8];
	_ =	sdelay $0x3  }
0x37: {  	[smem:$0x3FB8] =	sst s10  }
0x38: {  	s10 =	sld [smem:$0x3FB9]  }
0x39: {  	_ = 	snop;
	(pc) =	sbr.ind lr, $3  }
0x3a: {  	_ = 	snop  }
0x3b: {  	_ = 	snop  }
0x3c: {  	p2 =	seq.s32 s10, $0x1;
	s10 =	sld [smem:$0x3FB8]  }
0x3d: {  	_ =	shalt  }
0x3e: {  	_ =	shalt  }
0x3f: {  	_ =	shalt  }
0x40: {  	_ =	shalt  }
0x41: {  	_ =	shalt  }
0x42: {  	_ =	shalt  }
0x43: {  	_ =	shalt  }
0x44: {  	_ =	shalt  }
0x45: {  	_ =	shalt  }
0x46: {  	_ =	shalt  }
0x47: {  	_ =	shalt  }
0x48: {  	_ =	shalt  }
0x49: {  	_ =	shalt  }
0x4a: {  	_ =	shalt  }
0x4b: {  	_ =	shalt  }
0x4c: {  	_ =	shalt  }
0x4d: {  	_ =	shalt  }
0x4e: {  	_ =	shalt  }
0x4f: {  	_ =	shalt  }
0x50: {  	_ =	shalt  }
0x51: {  	_ =	shalt  }
0x52: {  	_ =	shalt  }
0x53: {  	_ =	shalt  }
0x54: {  	_ =	shalt  }
0x55: {  	_ =	shalt  }
0x56: {  	_ =	shalt  }
0x57: {  	_ =	shalt  }
0x58: {  	_ =	shalt  }
0x59: {  	_ =	shalt  }
0x5a: {  	_ =	shalt  }
0x5b: {  	_ =	shalt  }
0x5c: {  	_ =	shalt  }
0x5d: {  	_ =	shalt  }
0x5e: {  	_ =	shalt  }
0x5f: {  	_ =	shalt  }
0x60: {  	_ =	shalt  }
0x61: {  	_ =	shalt  }
0x62: {  	_ =	shalt  }
0x63: {  	_ =	shalt  }
0x64: {  	_ =	shalt  }
0x65: {  	_ =	shalt  }
0x66: {  	_ =	shalt  }
0x67: {  	_ =	shalt  }
0x68: {  	_ =	shalt  }
0x69: {  	_ =	shalt  }
0x6a: {  	_ =	shalt  }
0x6b: {  	_ =	shalt  }
0x6c: {  	_ =	shalt  }
0x6d: {  	_ =	shalt  }
0x6e: {  	_ =	shalt  }
0x6f: {  	_ =	shalt  }
0x70: {  	_ =	shalt  }
0x71: {  	_ =	shalt  }
0x72: {  	_ =	shalt  }
0x73: {  	_ =	shalt  }
0x74: {  	_ =	shalt  }
0x75: {  	_ =	shalt  }
0x76: {  	_ =	shalt  }
0x77: {  	_ =	shalt  }
0x78: {  	_ =	shalt  }
0x79: {  	_ =	shalt  }
0x7a: {  	_ =	shalt  }
0x7b: {  	_ =	shalt  }
0x7c: {  	_ =	shalt  }
0x7d: {  	_ =	shalt  }
0x7e: {  	_ =	shalt  }
0x7f: {  	_ =	shalt  }
0x80: {  	_ =	shalt  }
0x81: {  	_ =	shalt  }
0x82: {  	_ =	shalt  }
0x83: {  	_ =	shalt  }
0x84: {  	_ =	shalt  }
0x85: {  	_ =	shalt  }
0x86: {  	_ =	shalt  }
0x87: {  	_ =	shalt  }
.Lfunc_end0:
.L_simem_size_0:
called_computation.1_lowered:
.L_overlay_start_0:
0x88: {  	s2 =	sld [smem:$0x3FD9]  }
0x89: {  	s3 =	sld [smem:$0x3FFE];
	_ =	sdelay $0x1  }
0x8a: {  	s1 =	srdreg.scid  }
0x8b: {  	s0 =	sand.u32 $0x1, s1  }
0x8c: {  	s17 =	sshll.u32 s0, $0xA;
	s2 =	sadd.s32 s3, s2  }
0x8d: {  	s2 =	sadd.s32 s2, s17  }
0x8e: {  	[smem:$0x3FC4] =	sst s2  }
0x8f: {  	_ = 	snop  }
0x90: {  	s2 =	sld [smem:$0x3FC7]  }
0x91: {  	s18 =	sld [smem:$0x3FC6]  }
0x92: {  	s4 =	sld [smem:$0x3FD0];
	(tm) =	ssettm $0x1  }
0x93: {  	s5 =	sld [smem:$0x3FFB];
	_ =	sdelay $0x3  }
0x94: {  	_ =	strace s5  }
0x95: {  	s5 =	sld [smem:$0x3FFC];
	_ =	sdelay $0x3  }
0x96: {  	_ =	strace s5  }
0x97: {  	s5 =	sld [smem:$0x3FFD];
	_ =	sdelay $0x3  }
0x98: {  	_ =	strace s5  }
0x99: {  	_ =	strace $0x8FFFFFFF  }
0x9a: {  	s19 =	sld [smem:$0x3FDB];
	_ =	sdelay $0x1  }
0x9b: {  	s6 =	simm.s32 $_scs_section_size  }
0x9c: {  	s7 =	simm.s32 $_size__tile_overlayer_lowered;
	s8 =	simm.s32 $_tile_overlayer_lowered  }
0x9d: {  	s22 =	simm.s32 $0x1BFF;
	s21 =	sshll.u32 s8, $0x1;
	s5 =	sadd.s32 s6, s19  }
0x9e: {  	s9 =	simm.s32 $0x0;
	s20 =	sshll.u32 s7, $0x1;
	s7 =	sadd.s32 s21, s5  }
0x9f: {  	[timem:s9], [sflag:s22] =	dma.local [hbm:s7], s20  }
0xa0: {  	_ =	swait.ge [sflag:s22], s20  }
0xa1: {  	s6 =	ssub.s32 $0x0, s20;
	[sflag:s22] =	ssyncset.done $0x0  }
0xa2: {  	[sflag:s22] =	ssyncadd.s32 s6;
	_ =	sdelay $0x1  }
0xa3: {  	s23 =	simm.s32 $0x1B8B  }
0xa4: {  	_ =	swait.ge [sflag:s23], $0x1  }
0xa5: {  	[sflag:s23] =	ssyncset.done $0x0  }
0xa6: {  	s25 =	simm.s32 $0x1B8E;
	s24 =	sld [smem:$0x3FFE];
	[sflag:s23] =	ssyncadd.s32 $0xFFFFFFFF  }
0xa7: {  	s26 =	simm.s32 $execute0_lowered;
	[smem:$0x3FD2] =	sst s25  }
0xa8: {  	s7 =	sshll.u32 s26, $0x1;
	_ =	strace $0x80000049;
	[dreg:$0x1] =	wrdreg $0xFFFFFFFF  }
0xa9: {  	s28 =	simm.s32 $_size_execute0_lowered;
	s5 =	sadd.s32 s5, s7;
	[dreg:$0x0] =	wrdreg $0x0  }
0xaa: {  	s7 =	sshll.u32 s28, $0x1;
	[dreg:$0x2] =	wrdreg s5  }
0xab: {  	[dreg:$0x3] =	wrdreg s7  }
0xac: {  	[dreg:$0x4] =	wrdreg $0xC0  }
0xad: {  	_ =	task [dreg:s9], $0x5FFFF  }
0xae: {  	[dreg:$0x1] =	wrdreg $0xFFFFFFFF  }
0xaf: {  	[dreg:$0x0] =	wrdreg $0x60  }
0xb0: {  	[dreg:$0x2] =	wrdreg s24  }
0xb1: {  	[dreg:$0x3] =	wrdreg s2  }
0xb2: {  	[dreg:$0x4] =	wrdreg s18  }
0xb3: {  	[dreg:$0x5] =	wrdreg s4  }
0xb4: {  	[dreg:$0x6] =	wrdreg $0x9  }
0xb5: {  	_ =	task.clear_ibuf [dreg:s9], $0x7FFFF;
	_ =	strace $0x90000049  }
0xb6: {  	s29 =	simm.s32 $0x9;
	_ =	strace $0x8000004B  }
0xb7: {  	_ =	swait.ge [sflag:s29], $0x1  }
0xb8: {  	[sflag:s29] =	ssyncadd.s32 $0xFFFFFFFF  }
0xb9: {  	_ =	strace $0x9000004B  }
0xba: {  	_ =	sfence  }
0xbb: {  	s30 =	sld [smem:$0x0];
	_ =	sdelay $0x2  }
0xbc: {  	s31 =	sshll.u32 s1, $0xD;
	s1 =	sshrl.u32 s1, $0x2  }
0xbd: {  	s3 =	sand.u32 $0x4000, s31;
	s1 =	sadd.s32 s1, s30  }
0xbe: {  	s0 =	sor.u32 s3, s0;
	s1 =	sshll.u32 s1, $0x11  }
0xbf: {  	s0 =	sor.u32 s1, s0  }
0xc0: {  	s0 =	sadd.s32 $0x8F2B, s0  }
0xc1: {  	[sflag:s0] =	ssyncadd.remote.s32 $0x1  }
0xc2: {  	_ =	sfence.sel $0xFFFF  }
0xc3: {  	[dreg:$0x0] =	wrdreg $0xFFFFFFFF;
	(pc) =	sbr.abs _section_cstart, $3  }
0xc4: {  	[dreg:$0x1] =	wrdreg $0xFFFFFFFF  }
0xc5: {  	_ =	task.clear_ibuf [dreg:s9], $0x2FFFF;
	_ =	strace $0x9FFFFFFF  }
0xc6: {  	(tm) =	ssettm $0x7FFFFFFF  }
0xc7: {  	_ =	shalt  }
tec
execute0_lowered:
.L_overlay_start_1:
0x0: {  	(tag) =	ssettag $0x1  }
0x1: {  	s0 =	rddreg [dreg:$0x0]  }
0x2: {  	s1 =	rddreg [dreg:$0x1];
	s10 =	simm.s32 $0x4000;
	v8 =	vimm.s32 $0x1E8500;
	v9 =	vimm.s32 $0x2DC780  }
0x3: {  	s6 =	rddreg [dreg:$0x2];
	v10 =	vimm.s32 $0x3D0A00;
	v11 =	vimm.s32 $0x4C4C80;
	v12 =	vimm.s32 $0x5B8F00  }
0x4: {  	s7 =	rddreg [dreg:$0x3];
	s2 =	simm.s32 $0x0;
	s3 =	srdreg.scid;
	v13 =	vimm.s32 $0x6AD180;
	v14 =	vimm.s32 $0x7A1400;
	v17 =	vimm.s32 $0x895680  }
0x5: {  	s4 =	stileid.u32;
	s11 =	simm.s32 $0x200;
	v18 =	vimm.s32 $0x989900;
	v19 =	vimm.s32 $0xA7DB80;
	s18 =	simm.s32 $0x7800  }
0x6: {  	v20 =	vimm.s32 $0xB71E00;
	s19 =	simm.s32 $0xF800;
	s20 =	simm.s32 $0x3A00;
	s21 =	simm.s32 $0xBA00  }
0x7: {  	v21 =	vimm.s32 $0xC66080;
	s22 =	simm.s32 $0x7A00;
	s23 =	simm.s32 $0xFA00;
	s24 =	simm.s32 $0x3C00  }
0x8: {  	v22 =	vimm.s32 $0xD5A300;
	s25 =	simm.s32 $0xBC00;
	s28 =	simm.s32 $0xFC00;
	s29 =	simm.s32 $0x3E00  }
0x9: {  	v23 =	vimm.s32 $0xE4E580;
	v24 =	vimm.s32 $0xF42800;
	s30 =	simm.s32 $0xBE00;
	s31 =	simm.s32 $0x7E00;
	s12 =	simm.s32 $0x2  }
0xa: {  	v25 =	vimm.s32 $0x1036A80;
	v26 =	vimm.s32 $0x112AD00;
	s13 =	simm.s32 $0x10000;
	s14 =	simm.s32 $0x0;
	[smem:$0x7FF] =	sst s2  }
0xb: {  	v27 =	vimm.s32 $0x121EF80;
	v28 =	vimm.s32 $0x1313200;
	s3 =	sand.u32 $0x1, s3;
	s4 =	sshll.u32 s4, $0x7;
	_ =	strace $0x8000004A  }
0xc: {  	v29 =	vimm.s32 $0x1407480;
	v30 =	vimm.s32 $0x14FB700;
	s5 =	ssub.s32 $0x2, s3;
	s8 =	sshll.u32 s3, $0x6;
	s3 =	sadd.s32 $0xE00, s0  }
0xd: {  	v15 =	vimm.s32 $0x15EF980;
	v16 =	vimm.s32 $0x17D7E80;
	s9 =	sshrl.u32 s5, $0x1;
	s8 =	sor.u32 s8, s4;
	s4 =	sadd.s32 $0x3D1A00, s0  }
0xe: {  	v60 =	vimm.s32 $0x16E3C00;
	v61 =	vimm.s32 $0x18CC100;
	s0 =	simm.s32 $0xFE00;
	s26 =	ssub.s32 s5, s9;
	s5 =	sadd.s32 s1, s8  }
0xf: {  	v62 =	vimm.s32 $0x19C0380;
	v0 =	vimm.s32 $0x1AB4600;
	v1 =	vimm.s32 $0x1BA8880;
	s6 =	sadd.s32 s6, s8;
	s7 =	sadd.s32 s7, s8;
	s9 =	simm.s32 $0x3  }
0x10: {  	v2 =	vimm.s32 $0xF4280;
	v3 =	vimm.s32 $0x1C9CB00;
	v4 =	vimm.s32 $0x1D90D80;
	s1 =	simm.s32 $0x1;
	s8 =	smax.u32 s26, $0x1;
	s26 =	simm.s32 $0x7C00  }
.LBB2_1:
0x11: {  	[tilespmem:s2], [sflag:$0x3] =	stream.linear.gather [hbm4b:s5+s2], $0x200, $0x38;
	[tilespmem:$0x10200] =	vst v63  }
0x12: {  	_ =	swait.ge [sflag:s9], $0x200  }
0x13: {  	[sflag:s9] =	ssyncset.done $0x0  }
0x14: {  	[sflag:s9] =	ssyncadd.s32 $0xFFFFFE00  }
0x15: {  	[tilespmem:s10], [sflag:$0x3] =	stream.linear.gather [hbm4b:s6+s2], $0x200, $0x38;
	[tilespmem:$0x10200] =	vst v63  }
0x16: {  	_ =	swait.ge [sflag:s9], $0x200  }
0x17: {  	[sflag:s9] =	ssyncset.done $0x0  }
0x18: {  	s15 =	simm.s32 $0x0;
	[sflag:s9] =	ssyncadd.s32 $0xFFFFFE00  }
0x19: {  	v32 =	vld [tilespmem:s15+$0x4000]  }
0x1a: {  	v31 =	vld [tilespmem:s15+$0x0];
	_ =	sdelay $0x3  }
0x1b: {  	vm0 =	vgt.s32 v32, $0xF41FF  }
0x1c: {  	vm1 =	vgt.s32 v31, $0xF41FF;
	v5 =	vsel vm0, $0x1D910C0, v19  }
0x1d: {  	v35 =	vsel vm1, $0x1D90E40, v2;
	v63 =	vsel vm0, $0x1D91100, v20;
	[tilespmem:$0x1FF50] =	vst v5  }
0x1e: {  	v35 =	vadd.s32 v31, v35;
	[tilespmem:$0x1FF60] =	vst v63  }
0x1f: {  	v63 =	vsel vm0, $0x1D91380, v30;
	[tilespmem:s15+$0x200] =	vst v35  }
0x20: {  	v51 =	vsel vm1, $0x1D91080, v18;
	v35 =	vsel vm0, $0x1D91240, v25;
	[tilespmem:$0x1FFC0] =	vst v63  }
0x21: {  	v5 =	vadd.s32 v31, v51;
	v51 =	vsel vm1, $0x1D91500, v0;
	[tilespmem:$0x1FF70] =	vst v35;
	v35 =	vsel vm0, $0x1D913C0, v15  }
0x22: {  	v63 =	vsel vm0, $0x1D91480, v61;
	[tilespmem:$0x1FFD0] =	vst v35;
	v35 =	vsel vm1, $0x1D91480, v61;
	v61 =	vsel vm0, $0x1D91500, v0;
	v0 =	vld [tilespmem:$0x1FF50]  }
0x23: {  	v41 =	vsel vm1, $0x1D90F00, v10  }
0x24: {  	v41 =	vadd.s32 v31, v41  }
0x25: {  	v50 =	vsel vm0, $0x1D91040, v17;
	[tilespmem:s15+$0x800] =	vst v41;
	v41 =	vsel vm0, $0x1D91340, v29  }
0x26: {  	[tilespmem:$0x1FFB0] =	vst v41;
	v41 =	vadd.s32 v32, v50  }
0x27: {  	v36 =	vsel vm0, $0x1D90E40, v2;
	[tilespmem:s15+$0x5200] =	vst v41;
	v41 =	vadd.s32 v32, v0;
	v0 =	vld [tilespmem:$0x1FF60]  }
0x28: {  	v37 =	vsel vm1, $0x1D90E80, v8;
	v36 =	vadd.s32 v32, v36  }
0x29: {  	v37 =	vadd.s32 v31, v37;
	[tilespmem:s15+$0x4200] =	vst v36  }
0x2a: {  	v38 =	vsel vm0, $0x1D90E80, v8;
	[tilespmem:s15+$0x400] =	vst v37;
	v36 =	vsel vm0, $0x1D91280, v26  }
0x2b: {  	v43 =	vsel vm1, $0x1D90F40, v11;
	v38 =	vadd.s32 v32, v38;
	v37 =	vsel vm0, $0x1D912C0, v27;
	[tilespmem:$0x1FF80] =	vst v36  }
0x2c: {  	[tilespmem:$0x1FF90] =	vst v37;
	v37 =	vsel vm1, $0x1D91400, v60;
	v36 =	vsel vm0, $0x1D91400, v60;
	v60 =	vadd.s32 v32, v0;
	v0 =	vld [tilespmem:$0x1FF70]  }
0x2d: {  	v43 =	vadd.s32 v31, v43;
	[tilespmem:s15+$0x4400] =	vst v38  }
0x2e: {  	[tilespmem:s15+$0xA00] =	vst v43;
	v38 =	vsel vm0, $0x1D91300, v28  }
0x2f: {  	v59 =	vsel vm1, $0x1D910C0, v19;
	[tilespmem:$0x1FFA0] =	vst v38;
	v38 =	vsel vm0, $0x1D91440, v16  }
0x30: {  	v55 =	vsel vm1, $0x1D91180, v22;
	v43 =	vsel vm1, $0x1D912C0, v27;
	[tilespmem:$0x1FFF0] =	vst v38;
	v38 =	vadd.s32 v31, v59  }
0x31: {  	[tilespmem:s15+$0x1600] =	vst v38;
	v38 =	vadd.s32 v31, v55;
	v55 =	vadd.s32 v31, v43;
	v43 =	vadd.s32 v32, v0;
	v0 =	vld [tilespmem:$0x1FF80];
	_ =	sdelay $0x4  }
0x32: {  	v59 =	vadd.s32 v32, v0;
	v0 =	vld [tilespmem:$0x1FF90];
	_ =	sdelay $0x2  }
0x33: {  	v57 =	vsel vm1, $0x1D91100, v20  }
0x34: {  	v57 =	vadd.s32 v31, v57  }
0x35: {  	v33 =	vadd.s32 $0x1D90E00, v31;
	[tilespmem:s15+$0x1800] =	vst v57;
	v57 =	vadd.s32 v32, v0;
	v0 =	vld [tilespmem:$0x1FFA0]  }
0x36: {  	v34 =	vadd.s32 $0x1D90E00, v32;
	v33 =	vsel vm1, v33, v31  }
0x37: {  	v34 =	vsel vm0, v34, v32;
	v58 =	vsel vm0, $0x1D91140, v21;
	[tilespmem:s15+$0x0] =	vst v33  }
0x38: {  	v7 =	vsel vm0, $0x1D911C0, v23;
	[tilespmem:s15+$0x4000] =	vst v34;
	v58 =	vadd.s32 v32, v58  }
0x39: {  	v39 =	vsel vm1, $0x1D90EC0, v9;
	[tilespmem:s15+$0x5A00] =	vst v58;
	v58 =	vadd.s32 v32, v7  }
0x3a: {  	v40 =	vsel vm0, $0x1D90EC0, v9;
	v39 =	vadd.s32 v31, v39;
	[tilespmem:s15+$0x5E00] =	vst v58;
	v58 =	vadd.s32 v32, v0;
	v0 =	vld [tilespmem:$0x1FFB0]  }
0x3b: {  	v42 =	vsel vm0, $0x1D90F00, v10;
	v40 =	vadd.s32 v32, v40;
	[tilespmem:s15+$0x600] =	vst v39  }
0x3c: {  	v44 =	vsel vm0, $0x1D90F40, v11;
	v42 =	vadd.s32 v32, v42;
	[tilespmem:s15+$0x4600] =	vst v40  }
0x3d: {  	v56 =	vsel vm0, $0x1D91180, v22;
	v44 =	vadd.s32 v32, v44;
	[tilespmem:s15+$0x4800] =	vst v42  }
0x3e: {  	v45 =	vsel vm1, $0x1D90F80, v12;
	v46 =	vsel vm0, $0x1D90F80, v12;
	v56 =	vadd.s32 v32, v56;
	[tilespmem:s15+$0x4A00] =	vst v44  }
0x3f: {  	v34 =	vsel vm1, $0x1D91040, v17;
	v45 =	vadd.s32 v31, v45;
	[tilespmem:s15+$0x5C00] =	vst v56;
	v56 =	vadd.s32 v32, v0;
	v0 =	vld [tilespmem:$0x1FFC0]  }
0x40: {  	v47 =	vsel vm1, $0x1D90FC0, v13;
	v48 =	vsel vm1, $0x1D91000, v14;
	[tilespmem:s15+$0xC00] =	vst v45;
	v34 =	vadd.s32 v31, v34  }
0x41: {  	v49 =	vsel vm0, $0x1D91000, v14;
	v52 =	vsel vm0, $0x1D91080, v18;
	v46 =	vadd.s32 v32, v46;
	[tilespmem:s15+$0x1200] =	vst v34  }
0x42: {  	v47 =	vadd.s32 v31, v47;
	v39 =	vsel vm1, $0x1D91240, v25;
	v34 =	vsel vm1, $0x1D914C0, v62;
	[tilespmem:$0x1FFE0] =	vst v36  }
0x43: {  	v36 =	vadd.s32 v32, v52;
	v52 =	vsel vm1, $0x1D91580, v3;
	[tilespmem:s15+$0x5600] =	vst v41;
	v41 =	vadd.s32 v31, v39  }
0x44: {  	[tilespmem:s15+$0x4C00] =	vst v46;
	v39 =	vadd.s32 v31, v34;
	v34 =	vadd.s32 v31, v52;
	v52 =	vadd.s32 v32, v0;
	v0 =	vld [tilespmem:$0x1FFD0]  }
0x45: {  	v54 =	vsel vm1, $0x1D91140, v21;
	v53 =	vsel vm1, $0x1D911C0, v23;
	v48 =	vadd.s32 v31, v48;
	[tilespmem:s15+$0xE00] =	vst v47  }
0x46: {  	v6 =	vsel vm0, $0x1D91200, v24;
	v33 =	vsel vm0, $0x1D90FC0, v13;
	v49 =	vadd.s32 v32, v49;
	[tilespmem:s15+$0x1000] =	vst v48  }
0x47: {  	v54 =	vadd.s32 v31, v54;
	v40 =	vsel vm1, $0x1D91200, v24;
	v44 =	vsel vm1, $0x1D91300, v28;
	[tilespmem:s15+$0x5000] =	vst v49  }
0x48: {  	v42 =	vsel vm1, $0x1D91280, v26;
	v33 =	vadd.s32 v32, v33;
	[tilespmem:s15+$0x1A00] =	vst v54;
	v54 =	vadd.s32 v31, v44  }
0x49: {  	[tilespmem:s15+$0x1400] =	vst v5;
	v44 =	vadd.s32 v31, v37;
	v37 =	vadd.s32 v31, v51;
	v51 =	vadd.s32 v32, v0;
	v0 =	vld [tilespmem:$0x1FFE0]  }
0x4a: {  	v45 =	vsel vm1, $0x1D91340, v29;
	v46 =	vsel vm1, $0x1D91380, v30;
	v5 =	vadd.s32 v31, v53;
	[tilespmem:s15+$0x4E00] =	vst v33  }
0x4b: {  	v47 =	vsel vm1, $0x1D913C0, v15;
	v33 =	vsel vm1, $0x1D91440, v16;
	v48 =	vadd.s32 v31, v40;
	[tilespmem:s15+$0x1E00] =	vst v5  }
0x4c: {  	v62 =	vimm.s32 $0x19C0380;
	v50 =	vsel vm1, $0x1D91540, v1;
	v5 =	vadd.s32 v32, v6;
	[tilespmem:s15+$0x2000] =	vst v48  }
0x4d: {  	v53 =	vadd.s32 v31, v45;
	v49 =	vadd.s32 v31, v46;
	v46 =	vadd.s32 v31, v47;
	[tilespmem:s15+$0x6000] =	vst v5  }
0x4e: {  	[tilespmem:s15+$0x5400] =	vst v36;
	v16 =	vadd.s32 v31, v35;
	v35 =	vadd.s32 v31, v50;
	v50 =	vadd.s32 v32, v0;
	v0 =	vld [tilespmem:$0x1FFF0]  }
0x4f: {  	v47 =	vadd.s32 v32, v63;
	v62 =	vsel vm0, $0x1D914C0, v62;
	v15 =	vadd.s32 v31, v33;
	[tilespmem:s15+$0x1C00] =	vst v38  }
0x50: {  	v36 =	vsel vm1, $0x1D915C0, v4;
	v4 =	vsel vm0, $0x1D915C0, v4;
	v38 =	vsel vm0, $0x1D91540, v1;
	[tilespmem:s15+$0x2200] =	vst v41  }
0x51: {  	v45 =	vadd.s32 v32, v62;
	v41 =	vadd.s32 v32, v38;
	[tilespmem:s15+$0x5800] =	vst v60;
	v60 =	vadd.s32 v31, v42  }
0x52: {  	v31 =	vadd.s32 v31, v36;
	v36 =	vsel vm0, $0x1D91580, v3;
	v42 =	vadd.s32 v32, v61;
	[tilespmem:s15+$0x2400] =	vst v60  }
0x53: {  	s16 =	simm.s32 $0x10;
	s17 =	simm.s32 $0x80;
	v38 =	vadd.s32 v32, v36;
	v36 =	vadd.s32 v32, v4;
	[tilespmem:s15+$0x6200] =	vst v43;
	v48 =	vadd.s32 v32, v0  }
.LBB2_2:
0x54: {  	v32 =	vld [tilespmem:s16+$0x0];
	[tilespmem:s15+$0x6400] =	vst v59  }
0x55: {  	v33 =	vld [tilespmem:s16+$0x4000];
	[tilespmem:s15+$0x2600] =	vst v55  }
0x56: {  	[tilespmem:s15+$0x6600] =	vst v57  }
0x57: {  	[tilespmem:s15+$0x2800] =	vst v54  }
0x58: {  	[tilespmem:s15+$0x6800] =	vst v58  }
0x59: {  	[tilespmem:s15+$0x2A00] =	vst v53;
	vm0 =	vgt.s32 v32, $0xF41FF;
	v40 =	vadd.s32 $0x1D90E00, v32  }
0x5a: {  	[tilespmem:s15+$0x6A00] =	vst v56;
	vm1 =	vgt.s32 v33, $0xF41FF;
	v43 =	vsel vm0, v40, v32;
	v58 =	vadd.s32 $0x1D90E00, v33  }
0x5b: {  	v54 =	vsel vm1, v58, v33;
	[tilespmem:s16+$0x0] =	vst v43  }
0x5c: {  	v0 =	vsel vm1, $0x1D90FC0, v13;
	[tilespmem:s16+$0x4000] =	vst v54  }
0x5d: {  	[tilespmem:$0x1FF10] =	vst v0  }
0x5e: {  	[tilespmem:s15+$0x2C00] =	vst v49  }
0x5f: {  	[tilespmem:s15+$0x6C00] =	vst v52  }
0x60: {  	[tilespmem:s15+$0x2E00] =	vst v46  }
0x61: {  	[tilespmem:s15+$0x6E00] =	vst v51  }
0x62: {  	[tilespmem:s15+$0x3000] =	vst v44  }
0x63: {  	v55 =	vsel vm0, $0x1D90E40, v2;
	[tilespmem:s15+$0x7000] =	vst v50  }
0x64: {  	v62 =	vsel vm0, $0x1D90F80, v12;
	v63 =	vsel vm0, $0x1D90FC0, v13;
	[tilespmem:s15+$0x3200] =	vst v15  }
0x65: {  	v6 =	vsel vm0, $0x1D91100, v20;
	v40 =	vsel vm0, $0x1D91240, v25;
	[tilespmem:s15+$0x7200] =	vst v48  }
0x66: {  	v53 =	vsel vm0, $0x1D90E80, v8;
	v56 =	vsel vm1, $0x1D90E40, v2;
	v57 =	vsel vm1, $0x1D90E80, v8;
	[tilespmem:s15+$0x3400] =	vst v16  }
0x67: {  	v59 =	vsel vm0, $0x1D90F00, v10;
	v58 =	vsel vm0, $0x1D90EC0, v9;
	v60 =	vsel vm1, $0x1D90F00, v10;
	[tilespmem:s15+$0x7400] =	vst v47  }
0x68: {  	v61 =	vsel vm1, $0x1D90F40, v11;
	v2 =	vsel vm0, $0x1D91040, v17;
	[tilespmem:s15+$0x3600] =	vst v39  }
0x69: {  	v3 =	vsel vm0, $0x1D91080, v18;
	v4 =	vsel vm1, $0x1D91080, v18;
	v5 =	vsel vm1, $0x1D910C0, v19;
	[tilespmem:s15+$0x7600] =	vst v45  }
0x6a: {  	v7 =	vsel vm0, $0x1D91140, v21;
	v8 =	vsel vm1, $0x1D91140, v21;
	v43 =	vsel vm0, $0x1D91180, v22;
	[tilespmem:s15+$0x3800] =	vst v37  }
0x6b: {  	v1 =	vsel vm1, $0x1D91000, v14;
	v10 =	vsel vm0, $0x1D911C0, v23;
	v13 =	vsel vm1, $0x1D91240, v25;
	[tilespmem:s15+$0x7800] =	vst v42  }
0x6c: {  	v18 =	vsel vm0, $0x1D91340, v29;
	v53 =	vadd.s32 v32, v53;
	v3 =	vadd.s32 v32, v3;
	[tilespmem:s15+$0x3A00] =	vst v35  }
0x6d: {  	v6 =	vadd.s32 v32, v6;
	v7 =	vadd.s32 v32, v7;
	v40 =	vadd.s32 v32, v40;
	[tilespmem:s15+$0x7A00] =	vst v41  }
0x6e: {  	v54 =	vsel vm1, $0x1D90EC0, v9;
	v9 =	vsel vm1, $0x1D91180, v22;
	v1 =	vadd.s32 v33, v1;
	[tilespmem:s15+$0x3C00] =	vst v34  }
0x6f: {  	v2 =	vadd.s32 v32, v2;
	v4 =	vadd.s32 v33, v4;
	v5 =	vadd.s32 v33, v5;
	[tilespmem:s15+$0x7C00] =	vst v38  }
0x70: {  	v8 =	vadd.s32 v33, v8;
	v10 =	vadd.s32 v32, v10;
	v49 =	vsel vm0, $0x1D90F40, v11;
	[tilespmem:s15+$0x3E00] =	vst v31  }
0x71: {  	v13 =	vadd.s32 v33, v13;
	v52 =	vsel vm1, $0x1D90F80, v12;
	v11 =	vsel vm0, $0x1D91200, v24;
	[tilespmem:s15+$0x7E00] =	vst v36  }
0x72: {  	v51 =	vsel vm1, $0x1D91040, v17;
	v44 =	vsel vm0, $0x1D910C0, v19;
	v31 =	vadd.s32 v32, v55;
	s15 =	smov.u32 s16;
	[tilespmem:$0x1FF20] =	vst v11  }
0x73: {  	v50 =	vsel vm1, $0x1D91100, v20;
	v48 =	vsel vm1, $0x1D911C0, v23;
	v55 =	vadd.s32 v33, v56;
	[tilespmem:s15+$0x200] =	vst v31  }
0x74: {  	v46 =	vsel vm0, $0x1D91000, v14;
	v12 =	vsel vm1, $0x1D91200, v24;
	v14 =	vsel vm0, $0x1D91280, v26;
	[tilespmem:s15+$0x4200] =	vst v55  }
0x75: {  	v47 =	vsel vm1, $0x1D91280, v26;
	v15 =	vsel vm0, $0x1D912C0, v27;
	v36 =	vadd.s32 v32, v58;
	[tilespmem:s15+$0x400] =	vst v53  }
0x76: {  	v16 =	vsel vm1, $0x1D912C0, v27;
	v39 =	vsel vm0, $0x1D91300, v28;
	v54 =	vadd.s32 v33, v54;
	[tilespmem:s15+$0x600] =	vst v36  }
0x77: {  	v17 =	vsel vm1, $0x1D91300, v28;
	v45 =	vsel vm1, $0x1D91340, v29;
	v56 =	vadd.s32 v33, v60;
	[tilespmem:s15+$0x4600] =	vst v54  }
0x78: {  	v19 =	vsel vm0, $0x1D91380, v30;
	v20 =	vsel vm1, $0x1D91380, v30;
	v9 =	vadd.s32 v33, v9;
	[tilespmem:s15+$0x4800] =	vst v56  }
0x79: {  	v11 =	vimm.s32 $0x15EF980;
	v31 =	vadd.s32 v33, v57;
	v55 =	vadd.s32 v32, v59;
	[tilespmem:s15+$0x5000] =	vst v1  }
0x7a: {  	v49 =	vadd.s32 v32, v49;
	v53 =	vadd.s32 v33, v61;
	v57 =	vadd.s32 v32, v62;
	[tilespmem:s15+$0x1200] =	vst v2  }
0x7b: {  	v52 =	vadd.s32 v33, v52;
	v60 =	vadd.s32 v32, v46;
	v36 =	vadd.s32 v33, v51;
	[tilespmem:s15+$0x1400] =	vst v3  }
0x7c: {  	v61 =	vadd.s32 v32, v44;
	v62 =	vadd.s32 v33, v50;
	v12 =	vadd.s32 v33, v12;
	[tilespmem:s15+$0x5400] =	vst v4  }
0x7d: {  	[tilespmem:s15+$0x5600] =	vst v5;
	v37 =	vsel vm0, $0x1D913C0, v11;
	v21 =	vsel vm1, $0x1D913C0, v11;
	v11 =	vimm.s32 $0x16E3C00  }
0x7e: {  	[tilespmem:s15+$0x1800] =	vst v6;
	v22 =	vsel vm0, $0x1D91400, v11;
	v42 =	vsel vm1, $0x1D91400, v11;
	v11 =	vimm.s32 $0x17D7E80  }
0x7f: {  	[tilespmem:s15+$0x5A00] =	vst v8;
	v23 =	vsel vm0, $0x1D91440, v11;
	v24 =	vsel vm1, $0x1D91440, v11;
	v11 =	vimm.s32 $0x18CC100  }
0x80: {  	[tilespmem:s15+$0x5C00] =	vst v9;
	v35 =	vsel vm0, $0x1D91480, v11;
	v25 =	vsel vm1, $0x1D91480, v11;
	v11 =	vimm.s32 $0x19C0380  }
0x81: {  	[tilespmem:s15+$0x1E00] =	vst v10;
	v26 =	vsel vm0, $0x1D914C0, v11;
	v41 =	vsel vm1, $0x1D914C0, v11;
	v11 =	vimm.s32 $0x1AB4600  }
0x82: {  	[tilespmem:s15+$0x6200] =	vst v13;
	v27 =	vsel vm0, $0x1D91500, v11;
	v28 =	vsel vm1, $0x1D91500, v11;
	v11 =	vimm.s32 $0x1BA8880  }
0x83: {  	[tilespmem:s15+$0x4400] =	vst v31;
	v34 =	vsel vm0, $0x1D91540, v11;
	v29 =	vsel vm1, $0x1D91540, v11;
	v11 =	vimm.s32 $0x1C9CB00  }
0x84: {  	[tilespmem:s15+$0x800] =	vst v55;
	v30 =	vsel vm0, $0x1D91580, v11;
	v38 =	vsel vm1, $0x1D91580, v11;
	v11 =	vimm.s32 $0x1D90D80  }
0x85: {  	v14 =	vadd.s32 v32, v14;
	v54 =	vadd.s32 v32, v39;
	[tilespmem:s15+$0xA00] =	vst v49;
	v0 =	vsel vm0, $0x1D915C0, v11  }
0x86: {  	v58 =	vadd.s32 v33, v17;
	v17 =	vimm.s32 $0x895680;
	[tilespmem:$0x1FF30] =	vst v0;
	v0 =	vsel vm1, $0x1D915C0, v11  }
0x87: {  	v56 =	vadd.s32 v33, v45;
	v8 =	vimm.s32 $0x1E8500;
	v9 =	vimm.s32 $0x2DC780;
	[tilespmem:$0x1FF40] =	vst v0;
	v0 =	vld [tilespmem:$0x1FF10]  }
0x88: {  	v2 =	vimm.s32 $0xF4280;
	v10 =	vimm.s32 $0x3D0A00;
	v13 =	vimm.s32 $0x6AD180;
	[tilespmem:s15+$0x4A00] =	vst v53  }
0x89: {  	v31 =	vadd.s32 v32, v63;
	v63 =	vadd.s32 v32, v43;
	[tilespmem:s15+$0xC00] =	vst v57;
	v55 =	vadd.s32 v32, v15  }
0x8a: {  	[tilespmem:s15+$0x4C00] =	vst v52;
	v57 =	vadd.s32 v33, v16;
	v53 =	vadd.s32 v32, v18;
	v18 =	vimm.s32 $0x989900  }
0x8b: {  	v59 =	vld [tilespmem:$0x1FF20];
	v49 =	vadd.s32 v32, v19;
	v19 =	vimm.s32 $0xA7DB80;
	v52 =	vadd.s32 v33, v20;
	[tilespmem:s15+$0x6000] =	vst v12  }
0x8c: {  	v20 =	vimm.s32 $0xB71E00;
	v12 =	vimm.s32 $0x5B8F00;
	[tilespmem:s15+$0x2400] =	vst v14;
	v0 =	vadd.s32 v33, v0  }
0x8d: {  	v14 =	vimm.s32 $0x7A1400;
	v46 =	vadd.s32 v32, v37;
	v51 =	vadd.s32 v33, v21;
	[tilespmem:s15+$0x4E00] =	vst v0;
	v0 =	vld [tilespmem:$0x1FF30]  }
0x8e: {  	[tilespmem:s15+$0x1A00] =	vst v7;
	v21 =	vimm.s32 $0xC66080;
	v44 =	vadd.s32 v32, v22;
	v22 =	vimm.s32 $0xD5A300  }
0x8f: {  	[tilespmem:s15+$0x2200] =	vst v40;
	v50 =	vadd.s32 v33, v42;
	v15 =	vadd.s32 v32, v23;
	v23 =	vimm.s32 $0xE4E580  }
0x90: {  	[tilespmem:s15+$0x1000] =	vst v60;
	v16 =	vadd.s32 v32, v35;
	v43 =	vadd.s32 v32, v59;
	v59 =	vadd.s32 v33, v47  }
0x91: {  	[tilespmem:s15+$0x5200] =	vst v36;
	v47 =	vadd.s32 v33, v25;
	v25 =	vimm.s32 $0x1036A80;
	v39 =	vadd.s32 v32, v26  }
0x92: {  	p0 =	sne.s32 s17, $0x7C0;
	[tilespmem:s15+$0xE00] =	vst v31;
	v26 =	vimm.s32 $0x112AD00;
	v45 =	vadd.s32 v33, v41;
	v31 =	vadd.s32 v32, v0;
	v0 =	vld [tilespmem:$0x1FF40]  }
.Ltmp0:
0x93: {  	[tilespmem:s15+$0x1600] =	vst v61;
	v37 =	vadd.s32 v32, v27;
	v27 =	vimm.s32 $0x121EF80;
	v42 =	vadd.s32 v33, v28;
	(pc) =	sbr.rel @p0 .LBB2_2-.Ltmp0, $4  }
0x94: {  	[tilespmem:s15+$0x5800] =	vst v62;
	v28 =	vimm.s32 $0x1313200;
	v35 =	vadd.s32 v32, v34;
	v41 =	vadd.s32 v33, v29  }
0x95: {  	[tilespmem:s15+$0x1C00] =	vst v63;
	v29 =	vimm.s32 $0x1407480;
	v34 =	vadd.s32 v32, v30;
	v30 =	vimm.s32 $0x14FB700  }
0x96: {  	[tilespmem:s15+$0x2000] =	vst v43;
	v38 =	vadd.s32 v33, v38;
	v11 =	vadd.s32 v33, v48;
	v48 =	vadd.s32 v33, v24  }
0x97: {  	s16 =	sshra.s32 s17, $0x2;
	s17 =	sadd.s32 $0x40, s17;
	v24 =	vimm.s32 $0xF42800;
	[tilespmem:s15+$0x5E00] =	vst v11;
	v11 =	vimm.s32 $0x4C4C80;
	v36 =	vadd.s32 v33, v0  }
0x98: {  	v32 =	vld [tilespmem:s16+$0x0];
	[tilespmem:s15+$0x6400] =	vst v59  }
0x99: {  	v33 =	vld [tilespmem:s16+$0x4000];
	[tilespmem:s15+$0x2600] =	vst v55  }
0x9a: {  	[tilespmem:s15+$0x6600] =	vst v57  }
0x9b: {  	[tilespmem:s15+$0x2800] =	vst v54  }
0x9c: {  	[tilespmem:s15+$0x6800] =	vst v58  }
0x9d: {  	[tilespmem:s15+$0x2A00] =	vst v53;
	vm0 =	vgt.s32 v32, $0xF41FF;
	v0 =	vadd.s32 $0x1D90E00, v32  }
0x9e: {  	[tilespmem:s15+$0x6A00] =	vst v56;
	vm1 =	vgt.s32 v33, $0xF41FF;
	v0 =	vsel vm0, v0, v32;
	v1 =	vadd.s32 $0x1D90E00, v33  }
0x9f: {  	[tilespmem:s16+$0x0] =	vst v0;
	v43 =	vsel vm1, v1, v33  }
0xa0: {  	[tilespmem:s16+$0x4000] =	vst v43  }
0xa1: {  	[tilespmem:s15+$0x2C00] =	vst v49  }
0xa2: {  	[tilespmem:s15+$0x6C00] =	vst v52  }
0xa3: {  	[tilespmem:s15+$0x2E00] =	vst v46  }
0xa4: {  	[tilespmem:s15+$0x6E00] =	vst v51  }
0xa5: {  	[tilespmem:s15+$0x3000] =	vst v44  }
0xa6: {  	[tilespmem:s15+$0x7000] =	vst v50  }
0xa7: {  	[tilespmem:s15+$0x3200] =	vst v15  }
0xa8: {  	[tilespmem:s15+$0x7200] =	vst v48  }
0xa9: {  	[tilespmem:s15+$0x3400] =	vst v16  }
0xaa: {  	[tilespmem:s15+$0x7400] =	vst v47  }
0xab: {  	[tilespmem:s15+$0x3600] =	vst v39  }
0xac: {  	[tilespmem:s15+$0x7600] =	vst v45  }
0xad: {  	[tilespmem:s15+$0x3800] =	vst v37  }
0xae: {  	[tilespmem:s15+$0x7800] =	vst v42  }
0xaf: {  	[tilespmem:s15+$0x3A00] =	vst v35  }
0xb0: {  	[tilespmem:s15+$0x7A00] =	vst v41  }
0xb1: {  	[tilespmem:s15+$0x3C00] =	vst v34  }
0xb2: {  	[tilespmem:s15+$0x7C00] =	vst v38  }
0xb3: {  	v53 =	vsel vm1, $0x1D90E40, v2;
	[tilespmem:s15+$0x3E00] =	vst v31  }
0xb4: {  	v54 =	vsel vm0, $0x1D90E80, v8;
	v1 =	vadd.s32 v33, v53;
	[tilespmem:s15+$0x7E00] =	vst v36  }
0xb5: {  	v52 =	vsel vm0, $0x1D90E40, v2;
	v2 =	vadd.s32 v32, v54;
	[tilespmem:s16+$0x4200] =	vst v1  }
0xb6: {  	v56 =	vsel vm0, $0x1D90EC0, v9;
	v0 =	vadd.s32 v32, v52;
	[tilespmem:s16+$0x400] =	vst v2  }
0xb7: {  	v57 =	vsel vm1, $0x1D90EC0, v9;
	v1 =	vadd.s32 v32, v56;
	[tilespmem:s16+$0x200] =	vst v0  }
0xb8: {  	v55 =	vsel vm1, $0x1D90E80, v8;
	v2 =	vadd.s32 v33, v57;
	[tilespmem:s16+$0x600] =	vst v1  }
0xb9: {  	v59 =	vsel vm1, $0x1D90F00, v10;
	v0 =	vadd.s32 v33, v55;
	[tilespmem:s16+$0x4600] =	vst v2  }
0xba: {  	v60 =	vsel vm0, $0x1D90F40, v11;
	v1 =	vadd.s32 v33, v59;
	[tilespmem:s16+$0x4400] =	vst v0  }
0xbb: {  	v58 =	vsel vm0, $0x1D90F00, v10;
	v2 =	vadd.s32 v32, v60;
	[tilespmem:s16+$0x4800] =	vst v1  }
0xbc: {  	v62 =	vsel vm0, $0x1D90F80, v12;
	v0 =	vadd.s32 v32, v58;
	[tilespmem:s16+$0xA00] =	vst v2  }
0xbd: {  	v63 =	vsel vm1, $0x1D90F80, v12;
	v1 =	vadd.s32 v32, v62;
	[tilespmem:s16+$0x800] =	vst v0  }
0xbe: {  	v61 =	vsel vm1, $0x1D90F40, v11;
	v2 =	vadd.s32 v33, v63;
	[tilespmem:s16+$0xC00] =	vst v1  }
0xbf: {  	v5 =	vsel vm1, $0x1D90FC0, v13;
	v0 =	vadd.s32 v33, v61;
	[tilespmem:s16+$0x4C00] =	vst v2  }
0xc0: {  	v34 =	vsel vm0, $0x1D91000, v14;
	v1 =	vadd.s32 v33, v5;
	[tilespmem:s16+$0x4A00] =	vst v0  }
0xc1: {  	v4 =	vsel vm0, $0x1D90FC0, v13;
	v2 =	vadd.s32 v32, v34;
	[tilespmem:s16+$0x4E00] =	vst v1  }
0xc2: {  	v36 =	vsel vm0, $0x1D91040, v17;
	v0 =	vadd.s32 v32, v4;
	[tilespmem:s16+$0x1000] =	vst v2  }
0xc3: {  	v37 =	vsel vm1, $0x1D91040, v17;
	v1 =	vadd.s32 v32, v36;
	[tilespmem:s16+$0xE00] =	vst v0  }
0xc4: {  	v35 =	vsel vm1, $0x1D91000, v14;
	v2 =	vadd.s32 v33, v37;
	[tilespmem:s16+$0x1200] =	vst v1  }
0xc5: {  	v39 =	vsel vm1, $0x1D91080, v18;
	v0 =	vadd.s32 v33, v35;
	[tilespmem:s16+$0x5200] =	vst v2  }
0xc6: {  	v40 =	vsel vm0, $0x1D910C0, v19;
	v1 =	vadd.s32 v33, v39;
	[tilespmem:s16+$0x5000] =	vst v0  }
0xc7: {  	v38 =	vsel vm0, $0x1D91080, v18;
	v2 =	vadd.s32 v32, v40;
	[tilespmem:s16+$0x5400] =	vst v1  }
0xc8: {  	v42 =	vsel vm0, $0x1D91100, v20;
	v0 =	vadd.s32 v32, v38;
	[tilespmem:s16+$0x1600] =	vst v2  }
0xc9: {  	v43 =	vsel vm1, $0x1D91100, v20;
	v1 =	vadd.s32 v32, v42;
	[tilespmem:s16+$0x1400] =	vst v0  }
0xca: {  	v41 =	vsel vm1, $0x1D910C0, v19;
	v2 =	vadd.s32 v33, v43;
	[tilespmem:s16+$0x1800] =	vst v1  }
0xcb: {  	v45 =	vsel vm1, $0x1D91140, v21;
	v0 =	vadd.s32 v33, v41;
	[tilespmem:s16+$0x5800] =	vst v2  }
0xcc: {  	v46 =	vsel vm0, $0x1D91180, v22;
	v1 =	vadd.s32 v33, v45;
	[tilespmem:s16+$0x5600] =	vst v0  }
0xcd: {  	v44 =	vsel vm0, $0x1D91140, v21;
	v2 =	vadd.s32 v32, v46;
	[tilespmem:s16+$0x5A00] =	vst v1  }
0xce: {  	v48 =	vsel vm0, $0x1D911C0, v23;
	v0 =	vadd.s32 v32, v44;
	[tilespmem:s16+$0x1C00] =	vst v2  }
0xcf: {  	v49 =	vsel vm1, $0x1D911C0, v23;
	v1 =	vadd.s32 v32, v48;
	[tilespmem:s16+$0x1A00] =	vst v0  }
0xd0: {  	v47 =	vsel vm1, $0x1D91180, v22;
	v2 =	vadd.s32 v33, v49;
	[tilespmem:s16+$0x1E00] =	vst v1  }
0xd1: {  	v51 =	vsel vm1, $0x1D91200, v24;
	v0 =	vadd.s32 v33, v47;
	[tilespmem:s16+$0x5E00] =	vst v2  }
0xd2: {  	v52 =	vsel vm0, $0x1D91240, v25;
	v1 =	vadd.s32 v33, v51;
	[tilespmem:s16+$0x5C00] =	vst v0  }
0xd3: {  	v50 =	vsel vm0, $0x1D91200, v24;
	v2 =	vadd.s32 v32, v52;
	[tilespmem:s16+$0x6000] =	vst v1  }
0xd4: {  	v54 =	vsel vm0, $0x1D91280, v26;
	v0 =	vadd.s32 v32, v50;
	[tilespmem:s16+$0x2200] =	vst v2  }
0xd5: {  	v55 =	vsel vm1, $0x1D91280, v26;
	v1 =	vadd.s32 v32, v54;
	[tilespmem:s16+$0x2000] =	vst v0  }
0xd6: {  	v53 =	vsel vm1, $0x1D91240, v25;
	v2 =	vadd.s32 v33, v55;
	[tilespmem:s16+$0x2400] =	vst v1  }
0xd7: {  	v57 =	vsel vm1, $0x1D912C0, v27;
	v0 =	vadd.s32 v33, v53;
	[tilespmem:s16+$0x6400] =	vst v2  }
0xd8: {  	v58 =	vsel vm0, $0x1D91300, v28;
	v1 =	vadd.s32 v33, v57;
	[tilespmem:s16+$0x6200] =	vst v0  }
0xd9: {  	v56 =	vsel vm0, $0x1D912C0, v27;
	v2 =	vadd.s32 v32, v58;
	[tilespmem:s16+$0x6600] =	vst v1  }
0xda: {  	v60 =	vsel vm0, $0x1D91340, v29;
	v0 =	vadd.s32 v32, v56;
	[tilespmem:s16+$0x2800] =	vst v2  }
0xdb: {  	v61 =	vsel vm1, $0x1D91340, v29;
	v1 =	vadd.s32 v32, v60;
	[tilespmem:s16+$0x2600] =	vst v0  }
0xdc: {  	v59 =	vsel vm1, $0x1D91300, v28;
	v2 =	vadd.s32 v33, v61;
	[tilespmem:s16+$0x2A00] =	vst v1  }
0xdd: {  	v3 =	vimm.s32 $0x15EF980;
	v63 =	vsel vm1, $0x1D91380, v30;
	v0 =	vadd.s32 v33, v59;
	[tilespmem:s16+$0x6A00] =	vst v2  }
0xde: {  	v5 =	vsel vm0, $0x1D913C0, v3;
	v1 =	vadd.s32 v33, v63;
	[tilespmem:s16+$0x6800] =	vst v0  }
0xdf: {  	v62 =	vsel vm0, $0x1D91380, v30;
	v35 =	vimm.s32 $0x16E3C00;
	v2 =	vadd.s32 v32, v5;
	[tilespmem:s16+$0x6C00] =	vst v1  }
0xe0: {  	v36 =	vsel vm0, $0x1D91400, v35;
	v0 =	vadd.s32 v32, v62;
	[tilespmem:s16+$0x2E00] =	vst v2  }
0xe1: {  	v37 =	vsel vm1, $0x1D91400, v35;
	v1 =	vadd.s32 v32, v36;
	[tilespmem:s16+$0x2C00] =	vst v0  }
0xe2: {  	v34 =	vsel vm1, $0x1D913C0, v3;
	v38 =	vimm.s32 $0x17D7E80;
	v2 =	vadd.s32 v33, v37;
	[tilespmem:s16+$0x3000] =	vst v1  }
0xe3: {  	v40 =	vsel vm1, $0x1D91440, v38;
	v41 =	vimm.s32 $0x18CC100;
	v0 =	vadd.s32 v33, v34;
	[tilespmem:s16+$0x7000] =	vst v2  }
0xe4: {  	v42 =	vsel vm0, $0x1D91480, v41;
	v1 =	vadd.s32 v33, v40;
	[tilespmem:s16+$0x6E00] =	vst v0  }
0xe5: {  	v39 =	vsel vm0, $0x1D91440, v38;
	v44 =	vimm.s32 $0x19C0380;
	v2 =	vadd.s32 v32, v42;
	[tilespmem:s16+$0x7200] =	vst v1  }
0xe6: {  	v45 =	vsel vm0, $0x1D914C0, v44;
	v0 =	vadd.s32 v32, v39;
	[tilespmem:s16+$0x3400] =	vst v2  }
0xe7: {  	v46 =	vsel vm1, $0x1D914C0, v44;
	v1 =	vadd.s32 v32, v45;
	[tilespmem:s16+$0x3200] =	vst v0  }
0xe8: {  	v43 =	vsel vm1, $0x1D91480, v41;
	v47 =	vimm.s32 $0x1AB4600;
	v2 =	vadd.s32 v33, v46;
	[tilespmem:s16+$0x3600] =	vst v1  }
0xe9: {  	v49 =	vsel vm1, $0x1D91500, v47;
	v50 =	vimm.s32 $0x1BA8880;
	v0 =	vadd.s32 v33, v43;
	[tilespmem:s16+$0x7600] =	vst v2  }
0xea: {  	v51 =	vsel vm0, $0x1D91540, v50;
	v1 =	vadd.s32 v33, v49;
	[tilespmem:s16+$0x7400] =	vst v0  }
0xeb: {  	v48 =	vsel vm0, $0x1D91500, v47;
	v53 =	vimm.s32 $0x1C9CB00;
	v2 =	vadd.s32 v32, v51;
	[tilespmem:s16+$0x7800] =	vst v1  }
0xec: {  	v54 =	vsel vm0, $0x1D91580, v53;
	v0 =	vadd.s32 v32, v48;
	[tilespmem:s16+$0x3A00] =	vst v2  }
0xed: {  	v55 =	vsel vm1, $0x1D91580, v53;
	v1 =	vadd.s32 v32, v54;
	[tilespmem:s16+$0x3800] =	vst v0  }
0xee: {  	v52 =	vsel vm1, $0x1D91540, v50;
	v56 =	vimm.s32 $0x1D90D80;
	v2 =	vadd.s32 v33, v55;
	[tilespmem:s16+$0x3C00] =	vst v1  }
0xef: {  	v58 =	vsel vm1, $0x1D915C0, v56;
	v0 =	vadd.s32 v33, v52;
	[tilespmem:s16+$0x7C00] =	vst v2  }
0xf0: {  	v57 =	vsel vm0, $0x1D915C0, v56;
	v1 =	vadd.s32 v33, v58;
	[tilespmem:s16+$0x7A00] =	vst v0  }
0xf1: {  	v0 =	vadd.s32 v32, v57;
	[tilespmem:s16+$0x7E00] =	vst v1  }
0xf2: {  	s17 =	simm.s32 $0x8000;
	[tilespmem:s16+$0x3E00] =	vst v0;
	s16 =	simm.s32 $0x0  }
0xf3: {  	[tilespmem:s17], [sflag:$0x1] =	stream.indirect.gather [hbm4b:s3+s11], $0x1, s16, s11, $0xb8;
	[tilespmem:$0x10200] =	vst v63  }
0xf4: {  	s16 =	simm.s32 $0xC000  }
0xf5: {  	[tilespmem:s16], [sflag:$0x2] =	stream.indirect.gather [hbm4b:s4+s11], $0x1, s10, s11, $0xb8;
	[tilespmem:$0x10200] =	vst v63  }
0xf6: {  	s17 =	simm.s32 $0x8200  }
0xf7: {  	[tilespmem:s17], [sflag:$0x1] =	stream.indirect.gather [hbm4b:s3+s11], $0x1, s11, s11, $0xb8;
	[tilespmem:$0x10200] =	vst v63  }
0xf8: {  	s16 =	simm.s32 $0x4200;
	s17 =	simm.s32 $0xC200  }
0xf9: {  	[tilespmem:s17], [sflag:$0x2] =	stream.indirect.gather [hbm4b:s4+s11], $0x1, s16, s11, $0xb8;
	[tilespmem:$0x10200] =	vst v63  }
0xfa: {  	s16 =	simm.s32 $0x400;
	s17 =	simm.s32 $0x8400  }
0xfb: {  	[tilespmem:s17], [sflag:$0x1] =	stream.indirect.gather [hbm4b:s3+s11], $0x1, s16, s11, $0xb8;
	[tilespmem:$0x10200] =	vst v63  }
0xfc: {  	s16 =	simm.s32 $0x4400;
	s17 =	simm.s32 $0xC400  }
0xfd: {  	[tilespmem:s17], [sflag:$0x2] =	stream.indirect.gather [hbm4b:s4+s11], $0x1, s16, s11, $0xb8;
	[tilespmem:$0x10200] =	vst v63  }
0xfe: {  	s16 =	simm.s32 $0x600;
	s17 =	simm.s32 $0x8600  }
0xff: {  	[tilespmem:s17], [sflag:$0x1] =	stream.indirect.gather [hbm4b:s3+s11], $0x1, s16, s11, $0xb8;
	[tilespmem:$0x10200] =	vst v63  }
0x100: {  	s16 =	simm.s32 $0x4600;
	s17 =	simm.s32 $0xC600  }
0x101: {  	[tilespmem:s17], [sflag:$0x2] =	stream.indirect.gather [hbm4b:s4+s11], $0x1, s16, s11, $0xb8;
	[tilespmem:$0x10200] =	vst v63  }
0x102: {  	s16 =	simm.s32 $0x800;
	s17 =	simm.s32 $0x8800  }
0x103: {  	[tilespmem:s17], [sflag:$0x1] =	stream.indirect.gather [hbm4b:s3+s11], $0x1, s16, s11, $0xb8;
	[tilespmem:$0x10200] =	vst v63  }
0x104: {  	s16 =	simm.s32 $0x4800;
	s17 =	simm.s32 $0xC800  }
0x105: {  	[tilespmem:s17], [sflag:$0x2] =	stream.indirect.gather [hbm4b:s4+s11], $0x1, s16, s11, $0xb8;
	[tilespmem:$0x10200] =	vst v63  }
0x106: {  	s16 =	simm.s32 $0xA00;
	s17 =	simm.s32 $0x8A00  }
0x107: {  	[tilespmem:s17], [sflag:$0x1] =	stream.indirect.gather [hbm4b:s3+s11], $0x1, s16, s11, $0xb8;
	[tilespmem:$0x10200] =	vst v63  }
0x108: {  	s16 =	simm.s32 $0x4A00;
	s17 =	simm.s32 $0xCA00  }
0x109: {  	[tilespmem:s17], [sflag:$0x2] =	stream.indirect.gather [hbm4b:s4+s11], $0x1, s16, s11, $0xb8;
	[tilespmem:$0x10200] =	vst v63  }
0x10a: {  	s16 =	simm.s32 $0xC00;
	s17 =	simm.s32 $0x8C00  }
0x10b: {  	[tilespmem:s17], [sflag:$0x1] =	stream.indirect.gather [hbm4b:s3+s11], $0x1, s16, s11, $0xb8;
	[tilespmem:$0x10200] =	vst v63  }
0x10c: {  	s16 =	simm.s32 $0x4C00;
	s17 =	simm.s32 $0xCC00  }
0x10d: {  	[tilespmem:s17], [sflag:$0x2] =	stream.indirect.gather [hbm4b:s4+s11], $0x1, s16, s11, $0xb8;
	[tilespmem:$0x10200] =	vst v63  }
0x10e: {  	s16 =	simm.s32 $0xE00;
	s17 =	simm.s32 $0x8E00  }
0x10f: {  	[tilespmem:s17], [sflag:$0x1] =	stream.indirect.gather [hbm4b:s3+s11], $0x1, s16, s11, $0xb8;
	[tilespmem:$0x10200] =	vst v63  }
0x110: {  	s16 =	simm.s32 $0x4E00;
	s17 =	simm.s32 $0xCE00  }
0x111: {  	[tilespmem:s17], [sflag:$0x2] =	stream.indirect.gather [hbm4b:s4+s11], $0x1, s16, s11, $0xb8;
	[tilespmem:$0x10200] =	vst v63  }
0x112: {  	s16 =	simm.s32 $0x1000;
	s17 =	simm.s32 $0x9000  }
0x113: {  	[tilespmem:s17], [sflag:$0x1] =	stream.indirect.gather [hbm4b:s3+s11], $0x1, s16, s11, $0xb8;
	[tilespmem:$0x10200] =	vst v63  }
0x114: {  	s16 =	simm.s32 $0x5000;
	s17 =	simm.s32 $0xD000  }
0x115: {  	[tilespmem:s17], [sflag:$0x2] =	stream.indirect.gather [hbm4b:s4+s11], $0x1, s16, s11, $0xb8;
	[tilespmem:$0x10200] =	vst v63  }
0x116: {  	s16 =	simm.s32 $0x1200;
	s17 =	simm.s32 $0x9200  }
0x117: {  	[tilespmem:s17], [sflag:$0x1] =	stream.indirect.gather [hbm4b:s3+s11], $0x1, s16, s11, $0xb8;
	[tilespmem:$0x10200] =	vst v63  }
0x118: {  	s16 =	simm.s32 $0x5200;
	s17 =	simm.s32 $0xD200  }
0x119: {  	[tilespmem:s17], [sflag:$0x2] =	stream.indirect.gather [hbm4b:s4+s11], $0x1, s16, s11, $0xb8;
	[tilespmem:$0x10200] =	vst v63  }
0x11a: {  	s16 =	simm.s32 $0x1400;
	s17 =	simm.s32 $0x9400  }
0x11b: {  	[tilespmem:s17], [sflag:$0x1] =	stream.indirect.gather [hbm4b:s3+s11], $0x1, s16, s11, $0xb8;
	[tilespmem:$0x10200] =	vst v63  }
0x11c: {  	s16 =	simm.s32 $0x5400;
	s17 =	simm.s32 $0xD400  }
0x11d: {  	[tilespmem:s17], [sflag:$0x2] =	stream.indirect.gather [hbm4b:s4+s11], $0x1, s16, s11, $0xb8;
	[tilespmem:$0x10200] =	vst v63  }
0x11e: {  	s16 =	simm.s32 $0x1600;
	s17 =	simm.s32 $0x9600  }
0x11f: {  	[tilespmem:s17], [sflag:$0x1] =	stream.indirect.gather [hbm4b:s3+s11], $0x1, s16, s11, $0xb8;
	[tilespmem:$0x10200] =	vst v63  }
0x120: {  	s16 =	simm.s32 $0x5600;
	s17 =	simm.s32 $0xD600  }
0x121: {  	[tilespmem:s17], [sflag:$0x2] =	stream.indirect.gather [hbm4b:s4+s11], $0x1, s16, s11, $0xb8;
	[tilespmem:$0x10200] =	vst v63  }
0x122: {  	s16 =	simm.s32 $0x1800;
	s17 =	simm.s32 $0x9800  }
0x123: {  	[tilespmem:s17], [sflag:$0x1] =	stream.indirect.gather [hbm4b:s3+s11], $0x1, s16, s11, $0xb8;
	[tilespmem:$0x10200] =	vst v63  }
0x124: {  	s16 =	simm.s32 $0x5800;
	s17 =	simm.s32 $0xD800  }
0x125: {  	[tilespmem:s17], [sflag:$0x2] =	stream.indirect.gather [hbm4b:s4+s11], $0x1, s16, s11, $0xb8;
	[tilespmem:$0x10200] =	vst v63  }
0x126: {  	s16 =	simm.s32 $0x1A00;
	s17 =	simm.s32 $0x9A00  }
0x127: {  	[tilespmem:s17], [sflag:$0x1] =	stream.indirect.gather [hbm4b:s3+s11], $0x1, s16, s11, $0xb8;
	[tilespmem:$0x10200] =	vst v63  }
0x128: {  	s16 =	simm.s32 $0x5A00;
	s17 =	simm.s32 $0xDA00  }
0x129: {  	[tilespmem:s17], [sflag:$0x2] =	stream.indirect.gather [hbm4b:s4+s11], $0x1, s16, s11, $0xb8;
	[tilespmem:$0x10200] =	vst v63  }
0x12a: {  	s16 =	simm.s32 $0x1C00;
	s17 =	simm.s32 $0x9C00  }
0x12b: {  	[tilespmem:s17], [sflag:$0x1] =	stream.indirect.gather [hbm4b:s3+s11], $0x1, s16, s11, $0xb8;
	[tilespmem:$0x10200] =	vst v63  }
0x12c: {  	s16 =	simm.s32 $0x5C00;
	s17 =	simm.s32 $0xDC00  }
0x12d: {  	[tilespmem:s17], [sflag:$0x2] =	stream.indirect.gather [hbm4b:s4+s11], $0x1, s16, s11, $0xb8;
	[tilespmem:$0x10200] =	vst v63  }
0x12e: {  	s16 =	simm.s32 $0x1E00;
	s17 =	simm.s32 $0x9E00  }
0x12f: {  	[tilespmem:s17], [sflag:$0x1] =	stream.indirect.gather [hbm4b:s3+s11], $0x1, s16, s11, $0xb8;
	[tilespmem:$0x10200] =	vst v63  }
0x130: {  	s16 =	simm.s32 $0x5E00;
	s17 =	simm.s32 $0xDE00  }
0x131: {  	[tilespmem:s17], [sflag:$0x2] =	stream.indirect.gather [hbm4b:s4+s11], $0x1, s16, s11, $0xb8;
	[tilespmem:$0x10200] =	vst v63  }
0x132: {  	s16 =	simm.s32 $0x2000;
	s17 =	simm.s32 $0xA000  }
0x133: {  	[tilespmem:s17], [sflag:$0x1] =	stream.indirect.gather [hbm4b:s3+s11], $0x1, s16, s11, $0xb8;
	[tilespmem:$0x10200] =	vst v63  }
0x134: {  	s16 =	simm.s32 $0x6000;
	s17 =	simm.s32 $0xE000  }
0x135: {  	[tilespmem:s17], [sflag:$0x2] =	stream.indirect.gather [hbm4b:s4+s11], $0x1, s16, s11, $0xb8;
	[tilespmem:$0x10200] =	vst v63  }
0x136: {  	s16 =	simm.s32 $0x2200;
	s17 =	simm.s32 $0xA200  }
0x137: {  	[tilespmem:s17], [sflag:$0x1] =	stream.indirect.gather [hbm4b:s3+s11], $0x1, s16, s11, $0xb8;
	[tilespmem:$0x10200] =	vst v63  }
0x138: {  	s16 =	simm.s32 $0x6200;
	s17 =	simm.s32 $0xE200  }
0x139: {  	[tilespmem:s17], [sflag:$0x2] =	stream.indirect.gather [hbm4b:s4+s11], $0x1, s16, s11, $0xb8;
	[tilespmem:$0x10200] =	vst v63  }
0x13a: {  	s16 =	simm.s32 $0x2400;
	s17 =	simm.s32 $0xA400  }
0x13b: {  	[tilespmem:s17], [sflag:$0x1] =	stream.indirect.gather [hbm4b:s3+s11], $0x1, s16, s11, $0xb8;
	[tilespmem:$0x10200] =	vst v63  }
0x13c: {  	s16 =	simm.s32 $0x6400;
	s17 =	simm.s32 $0xE400  }
0x13d: {  	[tilespmem:s17], [sflag:$0x2] =	stream.indirect.gather [hbm4b:s4+s11], $0x1, s16, s11, $0xb8;
	[tilespmem:$0x10200] =	vst v63  }
0x13e: {  	s16 =	simm.s32 $0x2600;
	s17 =	simm.s32 $0xA600  }
0x13f: {  	[tilespmem:s17], [sflag:$0x1] =	stream.indirect.gather [hbm4b:s3+s11], $0x1, s16, s11, $0xb8;
	[tilespmem:$0x10200] =	vst v63  }
0x140: {  	s16 =	simm.s32 $0x6600;
	s17 =	simm.s32 $0xE600  }
0x141: {  	[tilespmem:s17], [sflag:$0x2] =	stream.indirect.gather [hbm4b:s4+s11], $0x1, s16, s11, $0xb8;
	[tilespmem:$0x10200] =	vst v63  }
0x142: {  	s16 =	simm.s32 $0x2800;
	s17 =	simm.s32 $0xA800  }
0x143: {  	[tilespmem:s17], [sflag:$0x1] =	stream.indirect.gather [hbm4b:s3+s11], $0x1, s16, s11, $0xb8;
	[tilespmem:$0x10200] =	vst v63  }
0x144: {  	s16 =	simm.s32 $0x6800;
	s17 =	simm.s32 $0xE800  }
0x145: {  	[tilespmem:s17], [sflag:$0x2] =	stream.indirect.gather [hbm4b:s4+s11], $0x1, s16, s11, $0xb8;
	[tilespmem:$0x10200] =	vst v63  }
0x146: {  	s16 =	simm.s32 $0x2A00;
	s17 =	simm.s32 $0xAA00  }
0x147: {  	[tilespmem:s17], [sflag:$0x1] =	stream.indirect.gather [hbm4b:s3+s11], $0x1, s16, s11, $0xb8;
	[tilespmem:$0x10200] =	vst v63  }
0x148: {  	s16 =	simm.s32 $0x6A00;
	s17 =	simm.s32 $0xEA00  }
0x149: {  	[tilespmem:s17], [sflag:$0x2] =	stream.indirect.gather [hbm4b:s4+s11], $0x1, s16, s11, $0xb8;
	[tilespmem:$0x10200] =	vst v63  }
0x14a: {  	s16 =	simm.s32 $0x2C00;
	s17 =	simm.s32 $0xAC00  }
0x14b: {  	[tilespmem:s17], [sflag:$0x1] =	stream.indirect.gather [hbm4b:s3+s11], $0x1, s16, s11, $0xb8;
	[tilespmem:$0x10200] =	vst v63  }
0x14c: {  	s16 =	simm.s32 $0x6C00;
	s17 =	simm.s32 $0xEC00  }
0x14d: {  	[tilespmem:s17], [sflag:$0x2] =	stream.indirect.gather [hbm4b:s4+s11], $0x1, s16, s11, $0xb8;
	[tilespmem:$0x10200] =	vst v63  }
0x14e: {  	s16 =	simm.s32 $0x2E00;
	s17 =	simm.s32 $0xAE00  }
0x14f: {  	[tilespmem:s17], [sflag:$0x1] =	stream.indirect.gather [hbm4b:s3+s11], $0x1, s16, s11, $0xb8;
	[tilespmem:$0x10200] =	vst v63  }
0x150: {  	s16 =	simm.s32 $0x6E00;
	s17 =	simm.s32 $0xEE00  }
0x151: {  	[tilespmem:s17], [sflag:$0x2] =	stream.indirect.gather [hbm4b:s4+s11], $0x1, s16, s11, $0xb8;
	[tilespmem:$0x10200] =	vst v63  }
0x152: {  	s16 =	simm.s32 $0x3000;
	s17 =	simm.s32 $0xB000  }
0x153: {  	[tilespmem:s17], [sflag:$0x1] =	stream.indirect.gather [hbm4b:s3+s11], $0x1, s16, s11, $0xb8;
	[tilespmem:$0x10200] =	vst v63  }
0x154: {  	s16 =	simm.s32 $0x7000;
	s17 =	simm.s32 $0xF000  }
0x155: {  	[tilespmem:s17], [sflag:$0x2] =	stream.indirect.gather [hbm4b:s4+s11], $0x1, s16, s11, $0xb8;
	[tilespmem:$0x10200] =	vst v63  }
0x156: {  	s16 =	simm.s32 $0x3200;
	s17 =	simm.s32 $0xB200  }
0x157: {  	[tilespmem:s17], [sflag:$0x1] =	stream.indirect.gather [hbm4b:s3+s11], $0x1, s16, s11, $0xb8;
	[tilespmem:$0x10200] =	vst v63  }
0x158: {  	s16 =	simm.s32 $0x7200;
	s17 =	simm.s32 $0xF200  }
0x159: {  	[tilespmem:s17], [sflag:$0x2] =	stream.indirect.gather [hbm4b:s4+s11], $0x1, s16, s11, $0xb8;
	[tilespmem:$0x10200] =	vst v63  }
0x15a: {  	s16 =	simm.s32 $0x3400;
	s17 =	simm.s32 $0xB400  }
0x15b: {  	[tilespmem:s17], [sflag:$0x1] =	stream.indirect.gather [hbm4b:s3+s11], $0x1, s16, s11, $0xb8;
	[tilespmem:$0x10200] =	vst v63  }
0x15c: {  	s16 =	simm.s32 $0x7400;
	s17 =	simm.s32 $0xF400  }
0x15d: {  	[tilespmem:s17], [sflag:$0x2] =	stream.indirect.gather [hbm4b:s4+s11], $0x1, s16, s11, $0xb8;
	[tilespmem:$0x10200] =	vst v63  }
0x15e: {  	s16 =	simm.s32 $0x3600;
	s17 =	simm.s32 $0xB600  }
0x15f: {  	[tilespmem:s17], [sflag:$0x1] =	stream.indirect.gather [hbm4b:s3+s11], $0x1, s16, s11, $0xb8;
	[tilespmem:$0x10200] =	vst v63  }
0x160: {  	s16 =	simm.s32 $0x7600;
	s17 =	simm.s32 $0xF600  }
0x161: {  	[tilespmem:s17], [sflag:$0x2] =	stream.indirect.gather [hbm4b:s4+s11], $0x1, s16, s11, $0xb8;
	[tilespmem:$0x10200] =	vst v63  }
0x162: {  	s16 =	simm.s32 $0x3800;
	s17 =	simm.s32 $0xB800  }
0x163: {  	[tilespmem:s17], [sflag:$0x1] =	stream.indirect.gather [hbm4b:s3+s11], $0x1, s16, s11, $0xb8;
	[tilespmem:$0x10200] =	vst v63  }
0x164: {  	_ = 	snop  }
0x165: {  	[tilespmem:s19], [sflag:$0x2] =	stream.indirect.gather [hbm4b:s4+s11], $0x1, s18, s11, $0xb8;
	[tilespmem:$0x10200] =	vst v63  }
0x166: {  	_ = 	snop  }
0x167: {  	[tilespmem:s21], [sflag:$0x1] =	stream.indirect.gather [hbm4b:s3+s11], $0x1, s20, s11, $0xb8;
	[tilespmem:$0x10200] =	vst v63  }
0x168: {  	_ = 	snop  }
0x169: {  	[tilespmem:s23], [sflag:$0x2] =	stream.indirect.gather [hbm4b:s4+s11], $0x1, s22, s11, $0xb8;
	[tilespmem:$0x10200] =	vst v63  }
0x16a: {  	_ = 	snop  }
0x16b: {  	[tilespmem:s25], [sflag:$0x1] =	stream.indirect.gather [hbm4b:s3+s11], $0x1, s24, s11, $0xb8;
	[tilespmem:$0x10200] =	vst v63  }
0x16c: {  	_ = 	snop  }
0x16d: {  	[tilespmem:s28], [sflag:$0x2] =	stream.indirect.gather [hbm4b:s4+s11], $0x1, s26, s11, $0xb8;
	[tilespmem:$0x10200] =	vst v63  }
0x16e: {  	_ = 	snop  }
0x16f: {  	[tilespmem:s30], [sflag:$0x1] =	stream.indirect.gather [hbm4b:s3+s11], $0x1, s29, s11, $0xb8;
	[tilespmem:$0x10200] =	vst v63  }
0x170: {  	_ = 	snop  }
0x171: {  	[tilespmem:s0], [sflag:$0x2] =	stream.indirect.gather [hbm4b:s4+s11], $0x1, s31, s11, $0xb8;
	[tilespmem:$0x10200] =	vst v63  }
0x172: {  	_ =	swait.ge [sflag:s1], $0x200  }
0x173: {  	[sflag:s1] =	ssyncset.done $0x0  }
0x174: {  	[sflag:s1] =	ssyncadd.s32 $0xFFFFFE00  }
0x175: {  	_ =	swait.ge [sflag:s12], $0x200  }
0x176: {  	[sflag:s12] =	ssyncset.done $0x0  }
0x177: {  	[sflag:s12] =	ssyncadd.s32 $0xFFFFFE00  }
0x178: {  	_ =	swait.ge [sflag:s1], $0x200  }
0x179: {  	[sflag:s1] =	ssyncset.done $0x0  }
0x17a: {  	[sflag:s1] =	ssyncadd.s32 $0xFFFFFE00  }
0x17b: {  	_ =	swait.ge [sflag:s12], $0x200  }
0x17c: {  	[sflag:s12] =	ssyncset.done $0x0  }
0x17d: {  	[sflag:s12] =	ssyncadd.s32 $0xFFFFFE00  }
0x17e: {  	_ =	swait.ge [sflag:s1], $0x200  }
0x17f: {  	[sflag:s1] =	ssyncset.done $0x0  }
0x180: {  	[sflag:s1] =	ssyncadd.s32 $0xFFFFFE00  }
0x181: {  	_ =	swait.ge [sflag:s12], $0x200  }
0x182: {  	[sflag:s12] =	ssyncset.done $0x0  }
0x183: {  	[sflag:s12] =	ssyncadd.s32 $0xFFFFFE00  }
0x184: {  	_ =	swait.ge [sflag:s1], $0x200  }
0x185: {  	[sflag:s1] =	ssyncset.done $0x0  }
0x186: {  	[sflag:s1] =	ssyncadd.s32 $0xFFFFFE00  }
0x187: {  	_ =	swait.ge [sflag:s12], $0x200  }
0x188: {  	[sflag:s12] =	ssyncset.done $0x0  }
0x189: {  	[sflag:s12] =	ssyncadd.s32 $0xFFFFFE00  }
0x18a: {  	_ =	swait.ge [sflag:s1], $0x200  }
0x18b: {  	[sflag:s1] =	ssyncset.done $0x0  }
0x18c: {  	[sflag:s1] =	ssyncadd.s32 $0xFFFFFE00  }
0x18d: {  	_ =	swait.ge [sflag:s12], $0x200  }
0x18e: {  	[sflag:s12] =	ssyncset.done $0x0  }
0x18f: {  	[sflag:s12] =	ssyncadd.s32 $0xFFFFFE00  }
0x190: {  	_ =	swait.ge [sflag:s1], $0x200  }
0x191: {  	[sflag:s1] =	ssyncset.done $0x0  }
0x192: {  	[sflag:s1] =	ssyncadd.s32 $0xFFFFFE00  }
0x193: {  	_ =	swait.ge [sflag:s12], $0x200  }
0x194: {  	[sflag:s12] =	ssyncset.done $0x0  }
0x195: {  	[sflag:s12] =	ssyncadd.s32 $0xFFFFFE00  }
0x196: {  	_ =	swait.ge [sflag:s1], $0x200  }
0x197: {  	[sflag:s1] =	ssyncset.done $0x0  }
0x198: {  	[sflag:s1] =	ssyncadd.s32 $0xFFFFFE00  }
0x199: {  	_ =	swait.ge [sflag:s12], $0x200  }
0x19a: {  	[sflag:s12] =	ssyncset.done $0x0  }
0x19b: {  	[sflag:s12] =	ssyncadd.s32 $0xFFFFFE00  }
0x19c: {  	_ =	swait.ge [sflag:s1], $0x200  }
0x19d: {  	[sflag:s1] =	ssyncset.done $0x0  }
0x19e: {  	[sflag:s1] =	ssyncadd.s32 $0xFFFFFE00  }
0x19f: {  	_ =	swait.ge [sflag:s12], $0x200  }
0x1a0: {  	[sflag:s12] =	ssyncset.done $0x0  }
0x1a1: {  	[sflag:s12] =	ssyncadd.s32 $0xFFFFFE00  }
0x1a2: {  	_ =	swait.ge [sflag:s1], $0x200  }
0x1a3: {  	[sflag:s1] =	ssyncset.done $0x0  }
0x1a4: {  	[sflag:s1] =	ssyncadd.s32 $0xFFFFFE00  }
0x1a5: {  	_ =	swait.ge [sflag:s12], $0x200  }
0x1a6: {  	[sflag:s12] =	ssyncset.done $0x0  }
0x1a7: {  	[sflag:s12] =	ssyncadd.s32 $0xFFFFFE00  }
0x1a8: {  	_ =	swait.ge [sflag:s1], $0x200  }
0x1a9: {  	[sflag:s1] =	ssyncset.done $0x0  }
0x1aa: {  	[sflag:s1] =	ssyncadd.s32 $0xFFFFFE00  }
0x1ab: {  	_ =	swait.ge [sflag:s12], $0x200  }
0x1ac: {  	[sflag:s12] =	ssyncset.done $0x0  }
0x1ad: {  	[sflag:s12] =	ssyncadd.s32 $0xFFFFFE00  }
0x1ae: {  	_ =	swait.ge [sflag:s1], $0x200  }
0x1af: {  	[sflag:s1] =	ssyncset.done $0x0  }
0x1b0: {  	[sflag:s1] =	ssyncadd.s32 $0xFFFFFE00  }
0x1b1: {  	_ =	swait.ge [sflag:s12], $0x200  }
0x1b2: {  	[sflag:s12] =	ssyncset.done $0x0  }
0x1b3: {  	[sflag:s12] =	ssyncadd.s32 $0xFFFFFE00  }
0x1b4: {  	_ =	swait.ge [sflag:s1], $0x200  }
0x1b5: {  	[sflag:s1] =	ssyncset.done $0x0  }
0x1b6: {  	[sflag:s1] =	ssyncadd.s32 $0xFFFFFE00  }
0x1b7: {  	_ =	swait.ge [sflag:s12], $0x200  }
0x1b8: {  	[sflag:s12] =	ssyncset.done $0x0  }
0x1b9: {  	[sflag:s12] =	ssyncadd.s32 $0xFFFFFE00  }
0x1ba: {  	_ =	swait.ge [sflag:s1], $0x200  }
0x1bb: {  	[sflag:s1] =	ssyncset.done $0x0  }
0x1bc: {  	[sflag:s1] =	ssyncadd.s32 $0xFFFFFE00  }
0x1bd: {  	_ =	swait.ge [sflag:s12], $0x200  }
0x1be: {  	[sflag:s12] =	ssyncset.done $0x0  }
0x1bf: {  	[sflag:s12] =	ssyncadd.s32 $0xFFFFFE00  }
0x1c0: {  	_ =	swait.ge [sflag:s1], $0x200  }
0x1c1: {  	[sflag:s1] =	ssyncset.done $0x0  }
0x1c2: {  	[sflag:s1] =	ssyncadd.s32 $0xFFFFFE00  }
0x1c3: {  	_ =	swait.ge [sflag:s12], $0x200  }
0x1c4: {  	[sflag:s12] =	ssyncset.done $0x0  }
0x1c5: {  	[sflag:s12] =	ssyncadd.s32 $0xFFFFFE00  }
0x1c6: {  	_ =	swait.ge [sflag:s1], $0x200  }
0x1c7: {  	[sflag:s1] =	ssyncset.done $0x0  }
0x1c8: {  	[sflag:s1] =	ssyncadd.s32 $0xFFFFFE00  }
0x1c9: {  	_ =	swait.ge [sflag:s12], $0x200  }
0x1ca: {  	[sflag:s12] =	ssyncset.done $0x0  }
0x1cb: {  	[sflag:s12] =	ssyncadd.s32 $0xFFFFFE00  }
0x1cc: {  	_ =	swait.ge [sflag:s1], $0x200  }
0x1cd: {  	[sflag:s1] =	ssyncset.done $0x0  }
0x1ce: {  	[sflag:s1] =	ssyncadd.s32 $0xFFFFFE00  }
0x1cf: {  	_ =	swait.ge [sflag:s12], $0x200  }
0x1d0: {  	[sflag:s12] =	ssyncset.done $0x0  }
0x1d1: {  	[sflag:s12] =	ssyncadd.s32 $0xFFFFFE00  }
0x1d2: {  	_ =	swait.ge [sflag:s1], $0x200  }
0x1d3: {  	[sflag:s1] =	ssyncset.done $0x0  }
0x1d4: {  	[sflag:s1] =	ssyncadd.s32 $0xFFFFFE00  }
0x1d5: {  	_ =	swait.ge [sflag:s12], $0x200  }
0x1d6: {  	[sflag:s12] =	ssyncset.done $0x0  }
0x1d7: {  	[sflag:s12] =	ssyncadd.s32 $0xFFFFFE00  }
0x1d8: {  	_ =	swait.ge [sflag:s1], $0x200  }
0x1d9: {  	[sflag:s1] =	ssyncset.done $0x0  }
0x1da: {  	[sflag:s1] =	ssyncadd.s32 $0xFFFFFE00  }
0x1db: {  	_ =	swait.ge [sflag:s12], $0x200  }
0x1dc: {  	[sflag:s12] =	ssyncset.done $0x0  }
0x1dd: {  	[sflag:s12] =	ssyncadd.s32 $0xFFFFFE00  }
0x1de: {  	_ =	swait.ge [sflag:s1], $0x200  }
0x1df: {  	[sflag:s1] =	ssyncset.done $0x0  }
0x1e0: {  	[sflag:s1] =	ssyncadd.s32 $0xFFFFFE00  }
0x1e1: {  	_ =	swait.ge [sflag:s12], $0x200  }
0x1e2: {  	[sflag:s12] =	ssyncset.done $0x0  }
0x1e3: {  	[sflag:s12] =	ssyncadd.s32 $0xFFFFFE00  }
0x1e4: {  	_ =	swait.ge [sflag:s1], $0x200  }
0x1e5: {  	[sflag:s1] =	ssyncset.done $0x0  }
0x1e6: {  	[sflag:s1] =	ssyncadd.s32 $0xFFFFFE00  }
0x1e7: {  	_ =	swait.ge [sflag:s12], $0x200  }
0x1e8: {  	[sflag:s12] =	ssyncset.done $0x0  }
0x1e9: {  	[sflag:s12] =	ssyncadd.s32 $0xFFFFFE00  }
0x1ea: {  	_ =	swait.ge [sflag:s1], $0x200  }
0x1eb: {  	[sflag:s1] =	ssyncset.done $0x0  }
0x1ec: {  	[sflag:s1] =	ssyncadd.s32 $0xFFFFFE00  }
0x1ed: {  	_ =	swait.ge [sflag:s12], $0x200  }
0x1ee: {  	[sflag:s12] =	ssyncset.done $0x0  }
0x1ef: {  	[sflag:s12] =	ssyncadd.s32 $0xFFFFFE00  }
0x1f0: {  	_ =	swait.ge [sflag:s1], $0x200  }
0x1f1: {  	[sflag:s1] =	ssyncset.done $0x0  }
0x1f2: {  	[sflag:s1] =	ssyncadd.s32 $0xFFFFFE00  }
0x1f3: {  	_ =	swait.ge [sflag:s12], $0x200  }
0x1f4: {  	[sflag:s12] =	ssyncset.done $0x0  }
0x1f5: {  	[sflag:s12] =	ssyncadd.s32 $0xFFFFFE00  }
0x1f6: {  	_ =	swait.ge [sflag:s1], $0x200  }
0x1f7: {  	[sflag:s1] =	ssyncset.done $0x0  }
0x1f8: {  	[sflag:s1] =	ssyncadd.s32 $0xFFFFFE00  }
0x1f9: {  	_ =	swait.ge [sflag:s12], $0x200  }
0x1fa: {  	[sflag:s12] =	ssyncset.done $0x0  }
0x1fb: {  	[sflag:s12] =	ssyncadd.s32 $0xFFFFFE00  }
0x1fc: {  	_ =	swait.ge [sflag:s1], $0x200  }
0x1fd: {  	[sflag:s1] =	ssyncset.done $0x0  }
0x1fe: {  	[sflag:s1] =	ssyncadd.s32 $0xFFFFFE00  }
0x1ff: {  	_ =	swait.ge [sflag:s12], $0x200  }
0x200: {  	[sflag:s12] =	ssyncset.done $0x0  }
0x201: {  	[sflag:s12] =	ssyncadd.s32 $0xFFFFFE00  }
0x202: {  	_ =	swait.ge [sflag:s1], $0x200  }
0x203: {  	[sflag:s1] =	ssyncset.done $0x0  }
0x204: {  	[sflag:s1] =	ssyncadd.s32 $0xFFFFFE00  }
0x205: {  	_ =	swait.ge [sflag:s12], $0x200  }
0x206: {  	[sflag:s12] =	ssyncset.done $0x0  }
0x207: {  	[sflag:s12] =	ssyncadd.s32 $0xFFFFFE00  }
0x208: {  	_ =	swait.ge [sflag:s1], $0x200  }
0x209: {  	[sflag:s1] =	ssyncset.done $0x0  }
0x20a: {  	[sflag:s1] =	ssyncadd.s32 $0xFFFFFE00  }
0x20b: {  	_ =	swait.ge [sflag:s12], $0x200  }
0x20c: {  	[sflag:s12] =	ssyncset.done $0x0  }
0x20d: {  	[sflag:s12] =	ssyncadd.s32 $0xFFFFFE00  }
0x20e: {  	_ =	swait.ge [sflag:s1], $0x200  }
0x20f: {  	[sflag:s1] =	ssyncset.done $0x0  }
0x210: {  	[sflag:s1] =	ssyncadd.s32 $0xFFFFFE00  }
0x211: {  	_ =	swait.ge [sflag:s12], $0x200  }
0x212: {  	[sflag:s12] =	ssyncset.done $0x0  }
0x213: {  	[sflag:s12] =	ssyncadd.s32 $0xFFFFFE00  }
0x214: {  	_ =	swait.ge [sflag:s1], $0x200  }
0x215: {  	[sflag:s1] =	ssyncset.done $0x0  }
0x216: {  	[sflag:s1] =	ssyncadd.s32 $0xFFFFFE00  }
0x217: {  	_ =	swait.ge [sflag:s12], $0x200  }
0x218: {  	[sflag:s12] =	ssyncset.done $0x0  }
0x219: {  	[sflag:s12] =	ssyncadd.s32 $0xFFFFFE00  }
0x21a: {  	_ =	swait.ge [sflag:s1], $0x200  }
0x21b: {  	[sflag:s1] =	ssyncset.done $0x0  }
0x21c: {  	[sflag:s1] =	ssyncadd.s32 $0xFFFFFE00  }
0x21d: {  	_ =	swait.ge [sflag:s12], $0x200  }
0x21e: {  	[sflag:s12] =	ssyncset.done $0x0  }
0x21f: {  	[sflag:s12] =	ssyncadd.s32 $0xFFFFFE00  }
0x220: {  	_ =	swait.ge [sflag:s1], $0x200  }
0x221: {  	[sflag:s1] =	ssyncset.done $0x0  }
0x222: {  	[sflag:s1] =	ssyncadd.s32 $0xFFFFFE00  }
0x223: {  	_ =	swait.ge [sflag:s12], $0x200  }
0x224: {  	[sflag:s12] =	ssyncset.done $0x0  }
0x225: {  	[sflag:s12] =	ssyncadd.s32 $0xFFFFFE00  }
0x226: {  	_ =	swait.ge [sflag:s1], $0x200  }
0x227: {  	[sflag:s1] =	ssyncset.done $0x0  }
0x228: {  	[sflag:s1] =	ssyncadd.s32 $0xFFFFFE00  }
0x229: {  	_ =	swait.ge [sflag:s12], $0x200  }
0x22a: {  	[sflag:s12] =	ssyncset.done $0x0  }
0x22b: {  	[sflag:s12] =	ssyncadd.s32 $0xFFFFFE00  }
0x22c: {  	_ =	swait.ge [sflag:s1], $0x200  }
0x22d: {  	[sflag:s1] =	ssyncset.done $0x0  }
0x22e: {  	[sflag:s1] =	ssyncadd.s32 $0xFFFFFE00  }
0x22f: {  	_ =	swait.ge [sflag:s12], $0x200  }
0x230: {  	[sflag:s12] =	ssyncset.done $0x0  }
0x231: {  	s15 =	simm.s32 $0x0;
	[sflag:s12] =	ssyncadd.s32 $0xFFFFFE00  }
0x232: {  	v59 =	vld [tilespmem:s15+$0x8000]  }
0x233: {  	v60 =	vld [tilespmem:s15+$0xC000]  }
0x234: {  	v61 =	vld [tilespmem:s15+$0x8200]  }
0x235: {  	v62 =	vld [tilespmem:s15+$0xC200]  }
0x236: {  	v4 =	vld [tilespmem:s15+$0x8400]  }
0x237: {  	v5 =	vld [tilespmem:s15+$0xC400]  }
0x238: {  	v6 =	vld [tilespmem:s15+$0x8600]  }
0x239: {  	v7 =	vld [tilespmem:s15+$0xC600]  }
0x23a: {  	v32 =	vld [tilespmem:s15+$0x8800]  }
0x23b: {  	v33 =	vld [tilespmem:s15+$0xC800];
	v0 =	vmul.f32 v60, v59;
	v63 =	vmul.f32 v62, v61  }
0x23c: {  	v35 =	vld [tilespmem:s15+$0x8A00]  }
0x23d: {  	v36 =	vld [tilespmem:s15+$0xCA00];
	v34 =	vmul.f32 v5, v4;
	v0 =	vadd.f32 v63, v0  }
0x23e: {  	v37 =	vmul.f32 v7, v6;
	v6 =	vld [tilespmem:s15+$0x8C00]  }
0x23f: {  	v7 =	vld [tilespmem:s15+$0xCC00];
	v0 =	vadd.f32 v34, v0  }
0x240: {  	v39 =	vld [tilespmem:s15+$0x8E00]  }
0x241: {  	v40 =	vld [tilespmem:s15+$0xCE00];
	v38 =	vmul.f32 v33, v32;
	v0 =	vadd.f32 v37, v0  }
0x242: {  	v42 =	vld [tilespmem:s15+$0x9000]  }
0x243: {  	v43 =	vld [tilespmem:s15+$0xD000];
	v41 =	vmul.f32 v36, v35;
	v0 =	vadd.f32 v38, v0  }
0x244: {  	v44 =	vmul.f32 v7, v6;
	v6 =	vld [tilespmem:s15+$0x9200]  }
0x245: {  	v7 =	vld [tilespmem:s15+$0xD200];
	v0 =	vadd.f32 v41, v0  }
0x246: {  	v46 =	vld [tilespmem:s15+$0x9400]  }
0x247: {  	v47 =	vld [tilespmem:s15+$0xD400];
	v45 =	vmul.f32 v40, v39;
	v0 =	vadd.f32 v44, v0  }
0x248: {  	v49 =	vld [tilespmem:s15+$0x9600]  }
0x249: {  	v50 =	vld [tilespmem:s15+$0xD600];
	v48 =	vmul.f32 v43, v42;
	v0 =	vadd.f32 v45, v0  }
0x24a: {  	v51 =	vmul.f32 v7, v6;
	v6 =	vld [tilespmem:s15+$0x9800]  }
0x24b: {  	v7 =	vld [tilespmem:s15+$0xD800];
	v0 =	vadd.f32 v48, v0  }
0x24c: {  	v53 =	vld [tilespmem:s15+$0x9A00]  }
0x24d: {  	v54 =	vld [tilespmem:s15+$0xDA00];
	v52 =	vmul.f32 v47, v46;
	v0 =	vadd.f32 v51, v0  }
0x24e: {  	v56 =	vld [tilespmem:s15+$0x9C00]  }
0x24f: {  	v57 =	vld [tilespmem:s15+$0xDC00];
	v55 =	vmul.f32 v50, v49;
	v0 =	vadd.f32 v52, v0  }
0x250: {  	v58 =	vmul.f32 v7, v6;
	v6 =	vld [tilespmem:s15+$0x9E00]  }
0x251: {  	v7 =	vld [tilespmem:s15+$0xDE00];
	v0 =	vadd.f32 v55, v0  }
0x252: {  	v60 =	vld [tilespmem:s15+$0xA000]  }
0x253: {  	v59 =	vmul.f32 v54, v53;
	v61 =	vld [tilespmem:s15+$0xE000];
	v0 =	vadd.f32 v58, v0  }
0x254: {  	v32 =	vld [tilespmem:s15+$0xE200]  }
0x255: {  	v62 =	vmul.f32 v57, v56;
	v63 =	vld [tilespmem:s15+$0xA200];
	v0 =	vadd.f32 v59, v0  }
0x256: {  	v33 =	vmul.f32 v7, v6;
	v6 =	vld [tilespmem:s15+$0xA400]  }
0x257: {  	v7 =	vld [tilespmem:s15+$0xE400];
	v0 =	vadd.f32 v62, v0  }
0x258: {  	v35 =	vld [tilespmem:s15+$0xA600]  }
0x259: {  	v36 =	vld [tilespmem:s15+$0xE600];
	v34 =	vmul.f32 v61, v60;
	v0 =	vadd.f32 v33, v0  }
0x25a: {  	v39 =	vld [tilespmem:s15+$0xE800]  }
0x25b: {  	v37 =	vmul.f32 v32, v63;
	v38 =	vld [tilespmem:s15+$0xA800];
	v0 =	vadd.f32 v34, v0  }
0x25c: {  	v40 =	vmul.f32 v7, v6;
	v6 =	vld [tilespmem:s15+$0xAA00]  }
0x25d: {  	v7 =	vld [tilespmem:s15+$0xEA00];
	v0 =	vadd.f32 v37, v0  }
0x25e: {  	v42 =	vld [tilespmem:s15+$0xAC00]  }
0x25f: {  	v43 =	vld [tilespmem:s15+$0xEC00];
	v41 =	vmul.f32 v36, v35;
	v0 =	vadd.f32 v40, v0  }
0x260: {  	v46 =	vld [tilespmem:s15+$0xEE00]  }
0x261: {  	v44 =	vmul.f32 v39, v38;
	v45 =	vld [tilespmem:s15+$0xAE00];
	v0 =	vadd.f32 v41, v0  }
0x262: {  	v47 =	vmul.f32 v7, v6;
	v6 =	vld [tilespmem:s15+$0xB000]  }
0x263: {  	v7 =	vld [tilespmem:s15+$0xF000];
	v0 =	vadd.f32 v44, v0  }
0x264: {  	v49 =	vld [tilespmem:s15+$0xB200]  }
0x265: {  	v50 =	vld [tilespmem:s15+$0xF200];
	v48 =	vmul.f32 v43, v42;
	v0 =	vadd.f32 v47, v0  }
0x266: {  	v53 =	vld [tilespmem:s15+$0xF400]  }
0x267: {  	v51 =	vmul.f32 v46, v45;
	v52 =	vld [tilespmem:s15+$0xB400];
	v0 =	vadd.f32 v48, v0  }
0x268: {  	v54 =	vmul.f32 v7, v6;
	v6 =	vld [tilespmem:s15+$0xB600]  }
0x269: {  	v7 =	vld [tilespmem:s15+$0xF600];
	v0 =	vadd.f32 v51, v0  }
0x26a: {  	v56 =	vld [tilespmem:s15+$0xB800]  }
0x26b: {  	v57 =	vld [tilespmem:s15+$0xF800];
	v55 =	vmul.f32 v50, v49;
	v0 =	vadd.f32 v54, v0  }
0x26c: {  	v60 =	vld [tilespmem:s15+$0xFA00]  }
0x26d: {  	v58 =	vmul.f32 v53, v52;
	v59 =	vld [tilespmem:s15+$0xBA00];
	v0 =	vadd.f32 v55, v0  }
0x26e: {  	v61 =	vmul.f32 v7, v6;
	v6 =	vld [tilespmem:s15+$0xBC00]  }
0x26f: {  	v7 =	vld [tilespmem:s15+$0xFC00];
	v0 =	vadd.f32 v58, v0;
	_ =	sdelay $0x1  }
0x270: {  	v32 =	vld [tilespmem:s15+$0xBE00];
	v62 =	vmul.f32 v57, v56;
	v0 =	vadd.f32 v61, v0  }
0x271: {  	s17 =	simm.s32 $0x10;
	v35 =	vld [tilespmem:s15+$0xFE00]  }
0x272: {  	v15 =	vimm.s32 $0x15EF980;
	v31 =	vld [tilespmem:s17+$0x8000];
	v63 =	vmul.f32 v60, v59;
	v0 =	vadd.f32 v62, v0  }
0x273: {  	v16 =	vimm.s32 $0x17D7E80;
	v33 =	vld [tilespmem:s17+$0xC000];
	v60 =	vimm.s32 $0x16E3C00;
	v37 =	vmul.f32 v7, v6  }
0x274: {  	s16 =	simm.s32 $0x80;
	v34 =	vld [tilespmem:s17+$0x8200];
	v61 =	vimm.s32 $0x18CC100;
	v62 =	vimm.s32 $0x19C0380;
	v36 =	vadd.f32 v63, v0  }
.LBB2_4:
0x275: {  	p0 =	sne.s32 s16, $0x7C0;
	v0 =	vld [tilespmem:s17+$0xC200]  }
0x276: {  	v1 =	vld [tilespmem:s17+$0x8400];
	v2 =	vadd.f32 v37, v36;
	v3 =	vmul.f32 v35, v32  }
0x277: {  	v4 =	vld [tilespmem:s17+$0xC400]  }
0x278: {  	v5 =	vld [tilespmem:s17+$0x8600];
	v2 =	vadd.f32 v3, v2  }
0x279: {  	v3 =	vld [tilespmem:s17+$0xC600]  }
0x27a: {  	v6 =	vmul.f32 v33, v31;
	v0 =	vmul.f32 v0, v34;
	v7 =	vld [tilespmem:s17+$0x8800];
	[tilespmem:s15+$0x10000] =	vst v2;
	s15 =	smov.u32 s17  }
0x27b: {  	v2 =	vld [tilespmem:s15+$0xC800]  }
0x27c: {  	v0 =	vadd.f32 v0, v6;
	v1 =	vmul.f32 v4, v1;
	v4 =	vld [tilespmem:s15+$0x8A00]  }
0x27d: {  	v6 =	vld [tilespmem:s15+$0xCA00]  }
0x27e: {  	v0 =	vadd.f32 v1, v0;
	v1 =	vmul.f32 v3, v5;
	v3 =	vld [tilespmem:s15+$0x8C00]  }
0x27f: {  	v5 =	vld [tilespmem:s15+$0xCC00]  }
0x280: {  	v0 =	vadd.f32 v1, v0;
	v1 =	vmul.f32 v2, v7;
	v2 =	vld [tilespmem:s15+$0x8E00]  }
0x281: {  	v7 =	vld [tilespmem:s15+$0xCE00]  }
0x282: {  	v0 =	vadd.f32 v1, v0;
	v1 =	vmul.f32 v6, v4;
	v4 =	vld [tilespmem:s15+$0x9000]  }
0x283: {  	v6 =	vld [tilespmem:s15+$0xD000]  }
0x284: {  	v0 =	vadd.f32 v1, v0;
	v1 =	vmul.f32 v5, v3;
	v3 =	vld [tilespmem:s15+$0x9200]  }
0x285: {  	v5 =	vld [tilespmem:s15+$0xD200]  }
0x286: {  	v0 =	vadd.f32 v1, v0;
	v1 =	vmul.f32 v7, v2;
	v2 =	vld [tilespmem:s15+$0x9400]  }
0x287: {  	v7 =	vld [tilespmem:s15+$0xD400]  }
0x288: {  	v0 =	vadd.f32 v1, v0;
	v1 =	vmul.f32 v6, v4;
	v4 =	vld [tilespmem:s15+$0x9600]  }
0x289: {  	v6 =	vld [tilespmem:s15+$0xD600]  }
0x28a: {  	v0 =	vadd.f32 v1, v0;
	v1 =	vmul.f32 v5, v3;
	v3 =	vld [tilespmem:s15+$0x9800]  }
0x28b: {  	v5 =	vld [tilespmem:s15+$0xD800]  }
0x28c: {  	v0 =	vadd.f32 v1, v0;
	v1 =	vmul.f32 v7, v2;
	v2 =	vld [tilespmem:s15+$0x9A00]  }
0x28d: {  	v7 =	vld [tilespmem:s15+$0xDA00]  }
0x28e: {  	v0 =	vadd.f32 v1, v0;
	v1 =	vmul.f32 v6, v4;
	v4 =	vld [tilespmem:s15+$0x9C00]  }
0x28f: {  	v6 =	vld [tilespmem:s15+$0xDC00]  }
0x290: {  	v0 =	vadd.f32 v1, v0;
	v1 =	vmul.f32 v5, v3;
	v3 =	vld [tilespmem:s15+$0x9E00]  }
0x291: {  	v5 =	vld [tilespmem:s15+$0xDE00]  }
0x292: {  	v0 =	vadd.f32 v1, v0;
	v1 =	vmul.f32 v7, v2;
	v2 =	vld [tilespmem:s15+$0xA000]  }
0x293: {  	v7 =	vld [tilespmem:s15+$0xE000]  }
0x294: {  	v0 =	vadd.f32 v1, v0;
	v1 =	vmul.f32 v6, v4;
	v4 =	vld [tilespmem:s15+$0xA200]  }
0x295: {  	v6 =	vld [tilespmem:s15+$0xE200]  }
0x296: {  	v0 =	vadd.f32 v1, v0;
	v1 =	vmul.f32 v5, v3;
	v3 =	vld [tilespmem:s15+$0xA400]  }
0x297: {  	v5 =	vld [tilespmem:s15+$0xE400]  }
0x298: {  	v0 =	vadd.f32 v1, v0;
	v1 =	vmul.f32 v7, v2;
	v2 =	vld [tilespmem:s15+$0xA600]  }
0x299: {  	v7 =	vld [tilespmem:s15+$0xE600]  }
0x29a: {  	v0 =	vadd.f32 v1, v0;
	v1 =	vmul.f32 v6, v4;
	v4 =	vld [tilespmem:s15+$0xA800]  }
0x29b: {  	v6 =	vld [tilespmem:s15+$0xE800]  }
0x29c: {  	v0 =	vadd.f32 v1, v0;
	v1 =	vmul.f32 v5, v3;
	v3 =	vld [tilespmem:s15+$0xAA00]  }
0x29d: {  	v5 =	vld [tilespmem:s15+$0xEA00]  }
0x29e: {  	v0 =	vadd.f32 v1, v0;
	v1 =	vmul.f32 v7, v2;
	v2 =	vld [tilespmem:s15+$0xAC00]  }
0x29f: {  	v7 =	vld [tilespmem:s15+$0xEC00]  }
0x2a0: {  	v0 =	vadd.f32 v1, v0;
	v1 =	vmul.f32 v6, v4;
	v4 =	vld [tilespmem:s15+$0xAE00]  }
0x2a1: {  	v6 =	vld [tilespmem:s15+$0xEE00]  }
0x2a2: {  	v0 =	vadd.f32 v1, v0;
	v1 =	vmul.f32 v5, v3;
	v3 =	vld [tilespmem:s15+$0xB000]  }
0x2a3: {  	v5 =	vld [tilespmem:s15+$0xF000]  }
0x2a4: {  	v0 =	vadd.f32 v1, v0;
	v1 =	vmul.f32 v7, v2;
	v2 =	vld [tilespmem:s15+$0xB200]  }
0x2a5: {  	v7 =	vld [tilespmem:s15+$0xF200]  }
0x2a6: {  	v0 =	vadd.f32 v1, v0;
	v1 =	vmul.f32 v6, v4;
	v4 =	vld [tilespmem:s15+$0xB400]  }
0x2a7: {  	v6 =	vld [tilespmem:s15+$0xF400]  }
0x2a8: {  	v0 =	vadd.f32 v1, v0;
	v1 =	vmul.f32 v5, v3;
	v3 =	vld [tilespmem:s15+$0xB600]  }
0x2a9: {  	v5 =	vld [tilespmem:s15+$0xF600]  }
0x2aa: {  	v0 =	vadd.f32 v1, v0;
	v1 =	vmul.f32 v7, v2;
	v2 =	vld [tilespmem:s15+$0xB800]  }
0x2ab: {  	v7 =	vld [tilespmem:s15+$0xF800]  }
0x2ac: {  	v0 =	vadd.f32 v1, v0;
	v1 =	vmul.f32 v6, v4;
	v4 =	vld [tilespmem:s15+$0xBA00]  }
0x2ad: {  	v6 =	vld [tilespmem:s15+$0xFA00]  }
0x2ae: {  	v0 =	vadd.f32 v1, v0;
	v1 =	vmul.f32 v5, v3;
	v3 =	vld [tilespmem:s15+$0xBC00]  }
0x2af: {  	v5 =	vld [tilespmem:s15+$0xFC00]  }
.Ltmp1:
0x2b0: {  	v0 =	vadd.f32 v1, v0;
	v1 =	vmul.f32 v7, v2;
	v32 =	vld [tilespmem:s15+$0xBE00];
	(pc) =	sbr.rel @p0 .LBB2_4-.Ltmp1, $4  }
0x2b1: {  	s17 =	sshra.s32 s16, $0x2;
	v35 =	vld [tilespmem:s15+$0xFE00]  }
0x2b2: {  	v31 =	vld [tilespmem:s17+$0x8000];
	v0 =	vadd.f32 v1, v0;
	v1 =	vmul.f32 v6, v4  }
0x2b3: {  	v33 =	vld [tilespmem:s17+$0xC000]  }
0x2b4: {  	s16 =	sadd.s32 $0x40, s16;
	v34 =	vld [tilespmem:s17+$0x8200];
	v36 =	vadd.f32 v1, v0;
	v37 =	vmul.f32 v5, v3  }
0x2b5: {  	v0 =	vld [tilespmem:s17+$0xC200]  }
0x2b6: {  	v1 =	vld [tilespmem:s17+$0x8400];
	v2 =	vadd.f32 v37, v36;
	v3 =	vmul.f32 v35, v32  }
0x2b7: {  	v4 =	vld [tilespmem:s17+$0xC400]  }
0x2b8: {  	v5 =	vld [tilespmem:s17+$0x8600];
	v2 =	vadd.f32 v3, v2  }
0x2b9: {  	v3 =	vld [tilespmem:s17+$0xC600]  }
0x2ba: {  	v6 =	vld [tilespmem:s17+$0x8800];
	v7 =	vmul.f32 v33, v31;
	v0 =	vmul.f32 v0, v34;
	[tilespmem:s15+$0x10000] =	vst v2  }
0x2bb: {  	v2 =	vld [tilespmem:s17+$0xC800]  }
0x2bc: {  	v1 =	vmul.f32 v4, v1;
	v4 =	vld [tilespmem:s17+$0x8A00];
	v0 =	vadd.f32 v0, v7  }
0x2bd: {  	v7 =	vld [tilespmem:s17+$0xCA00]  }
0x2be: {  	v0 =	vadd.f32 v1, v0;
	v1 =	vmul.f32 v3, v5;
	v3 =	vld [tilespmem:s17+$0x8C00]  }
0x2bf: {  	v5 =	vld [tilespmem:s17+$0xCC00]  }
0x2c0: {  	v0 =	vadd.f32 v1, v0;
	v1 =	vmul.f32 v2, v6;
	v2 =	vld [tilespmem:s17+$0x8E00]  }
0x2c1: {  	v6 =	vld [tilespmem:s17+$0xCE00]  }
0x2c2: {  	v0 =	vadd.f32 v1, v0;
	v1 =	vmul.f32 v7, v4;
	v4 =	vld [tilespmem:s17+$0x9000]  }
0x2c3: {  	v7 =	vld [tilespmem:s17+$0xD000]  }
0x2c4: {  	v0 =	vadd.f32 v1, v0;
	v1 =	vmul.f32 v5, v3;
	v3 =	vld [tilespmem:s17+$0x9200]  }
0x2c5: {  	v5 =	vld [tilespmem:s17+$0xD200]  }
0x2c6: {  	v0 =	vadd.f32 v1, v0;
	v1 =	vmul.f32 v6, v2;
	v2 =	vld [tilespmem:s17+$0x9400]  }
0x2c7: {  	v6 =	vld [tilespmem:s17+$0xD400]  }
0x2c8: {  	v0 =	vadd.f32 v1, v0;
	v1 =	vmul.f32 v7, v4;
	v4 =	vld [tilespmem:s17+$0x9600]  }
0x2c9: {  	v7 =	vld [tilespmem:s17+$0xD600]  }
0x2ca: {  	v0 =	vadd.f32 v1, v0;
	v1 =	vmul.f32 v5, v3;
	v3 =	vld [tilespmem:s17+$0x9800]  }
0x2cb: {  	v5 =	vld [tilespmem:s17+$0xD800]  }
0x2cc: {  	v0 =	vadd.f32 v1, v0;
	v1 =	vmul.f32 v6, v2;
	v2 =	vld [tilespmem:s17+$0x9A00]  }
0x2cd: {  	v6 =	vld [tilespmem:s17+$0xDA00]  }
0x2ce: {  	v0 =	vadd.f32 v1, v0;
	v1 =	vmul.f32 v7, v4;
	v4 =	vld [tilespmem:s17+$0x9C00]  }
0x2cf: {  	v7 =	vld [tilespmem:s17+$0xDC00]  }
0x2d0: {  	v0 =	vadd.f32 v1, v0;
	v1 =	vmul.f32 v5, v3;
	v3 =	vld [tilespmem:s17+$0x9E00]  }
0x2d1: {  	v5 =	vld [tilespmem:s17+$0xDE00]  }
0x2d2: {  	v0 =	vadd.f32 v1, v0;
	v1 =	vmul.f32 v6, v2;
	v2 =	vld [tilespmem:s17+$0xA000]  }
0x2d3: {  	v6 =	vld [tilespmem:s17+$0xE000]  }
0x2d4: {  	v0 =	vadd.f32 v1, v0;
	v1 =	vmul.f32 v7, v4;
	v4 =	vld [tilespmem:s17+$0xA200]  }
0x2d5: {  	v7 =	vld [tilespmem:s17+$0xE200]  }
0x2d6: {  	v0 =	vadd.f32 v1, v0;
	v1 =	vmul.f32 v5, v3;
	v3 =	vld [tilespmem:s17+$0xA400]  }
0x2d7: {  	v5 =	vld [tilespmem:s17+$0xE400]  }
0x2d8: {  	v0 =	vadd.f32 v1, v0;
	v1 =	vmul.f32 v6, v2;
	v2 =	vld [tilespmem:s17+$0xA600]  }
0x2d9: {  	v6 =	vld [tilespmem:s17+$0xE600]  }
0x2da: {  	v0 =	vadd.f32 v1, v0;
	v1 =	vmul.f32 v7, v4;
	v4 =	vld [tilespmem:s17+$0xA800]  }
0x2db: {  	v7 =	vld [tilespmem:s17+$0xE800]  }
0x2dc: {  	v0 =	vadd.f32 v1, v0;
	v1 =	vmul.f32 v5, v3;
	v3 =	vld [tilespmem:s17+$0xAA00]  }
0x2dd: {  	v5 =	vld [tilespmem:s17+$0xEA00]  }
0x2de: {  	v0 =	vadd.f32 v1, v0;
	v1 =	vmul.f32 v6, v2;
	v2 =	vld [tilespmem:s17+$0xAC00]  }
0x2df: {  	v6 =	vld [tilespmem:s17+$0xEC00]  }
0x2e0: {  	v0 =	vadd.f32 v1, v0;
	v1 =	vmul.f32 v7, v4;
	v4 =	vld [tilespmem:s17+$0xAE00]  }
0x2e1: {  	v7 =	vld [tilespmem:s17+$0xEE00]  }
0x2e2: {  	v0 =	vadd.f32 v1, v0;
	v1 =	vmul.f32 v5, v3;
	v3 =	vld [tilespmem:s17+$0xB000]  }
0x2e3: {  	v5 =	vld [tilespmem:s17+$0xF000]  }
0x2e4: {  	v0 =	vadd.f32 v1, v0;
	v1 =	vmul.f32 v6, v2;
	v2 =	vld [tilespmem:s17+$0xB200]  }
0x2e5: {  	v6 =	vld [tilespmem:s17+$0xF200]  }
0x2e6: {  	v0 =	vadd.f32 v1, v0;
	v1 =	vmul.f32 v7, v4;
	v4 =	vld [tilespmem:s17+$0xB400]  }
0x2e7: {  	v7 =	vld [tilespmem:s17+$0xF400]  }
0x2e8: {  	v0 =	vadd.f32 v1, v0;
	v1 =	vmul.f32 v5, v3;
	v3 =	vld [tilespmem:s17+$0xB600]  }
0x2e9: {  	v5 =	vld [tilespmem:s17+$0xF600]  }
0x2ea: {  	v0 =	vadd.f32 v1, v0;
	v1 =	vmul.f32 v6, v2;
	v2 =	vld [tilespmem:s17+$0xB800]  }
0x2eb: {  	v6 =	vld [tilespmem:s17+$0xF800]  }
0x2ec: {  	v0 =	vadd.f32 v1, v0;
	v1 =	vmul.f32 v7, v4;
	v4 =	vld [tilespmem:s17+$0xBA00]  }
0x2ed: {  	v7 =	vld [tilespmem:s17+$0xFA00]  }
0x2ee: {  	v0 =	vadd.f32 v1, v0;
	v1 =	vmul.f32 v5, v3;
	v3 =	vld [tilespmem:s17+$0xBC00]  }
0x2ef: {  	v5 =	vld [tilespmem:s17+$0xFC00]  }
0x2f0: {  	v0 =	vadd.f32 v1, v0;
	v1 =	vmul.f32 v6, v2;
	v2 =	vld [tilespmem:s17+$0xBE00]  }
0x2f1: {  	v6 =	vld [tilespmem:s17+$0xFE00]  }
0x2f2: {  	v0 =	vadd.f32 v1, v0;
	v1 =	vmul.f32 v7, v4;
	_ =	sdelay $0x1  }
0x2f3: {  	v0 =	vadd.f32 v1, v0;
	v1 =	vmul.f32 v5, v3;
	_ =	sdelay $0x1  }
0x2f4: {  	v0 =	vadd.f32 v1, v0;
	v1 =	vmul.f32 v6, v2;
	_ =	sdelay $0x1  }
0x2f5: {  	s14 =	sadd.s32 $0x1, s14;
	v0 =	vadd.f32 v1, v0  }
0x2f6: {  	p0 =	sne.s32 s14, s8  }
.Ltmp2:
0x2f7: {  	[tilespmem:s17+$0x10000] =	vst v0;
	(pc) =	sbr.rel @p0 .LBB2_1-.Ltmp2, $4  }
0x2f8: {  	[hbm4b:s7+s2] =	stream.linear.scatter [tilespmem:s13], [sflag:$0x3], $0x200, $0x38;
	[tilespmem:$0x10200] =	vst v63  }
0x2f9: {  	_ =	swait.ge [sflag:s9], $0x200  }
0x2fa: {  	v4 =	vimm.s32 $0x1D90D80;
	v3 =	vimm.s32 $0x1C9CB00;
	[sflag:s9] =	ssyncset.done $0x0  }
0x2fb: {  	v2 =	vimm.s32 $0xF4280;
	v1 =	vimm.s32 $0x1BA8880;
	v0 =	vimm.s32 $0x1AB4600;
	[sflag:s9] =	ssyncadd.s32 $0xFFFFFE00  }
0x2fc: {  	_ =	sfence.sel $0x180000  }
0x2fd: {  	[bflag:$0x0] =	sbarrier.arrive $0xFFFF  }
0x2fe: {  	_ =	strace $0x9000004A  }
0x2ff: {  	s0 =	stileid.u32;
	[bflag:$0x2] =	sbarrier.arrive $0xFFFF  }
0x300: {  	p0 =	sne.s32 s0, $0x0;
	s0 =	rddreg [dreg:$0x4]  }
0x301: {  	s0 =	sadd.s32 @!p0 $0x100000, s0  }
0x302: {  	[sflag:s0] =	ssyncadd.tile.s32 @!p0 $0x1;
	_ =	shalt  }
.Lfunc_end2:
_tile_overlayer_lowered:
.L_overlay_start_2:
0x303: {  	(tag) =	ssettag $0x2  }
0x304: {  	s0 =	rddreg [dreg:$0x0];
	s2 =	stileid.u32  }
0x305: {  	s1 =	rddreg [dreg:$0x1];
	p0 =	sne.s32 s2, $0x0  }
0x306: {  	s3 =	rddreg [dreg:$0x2];
	[bflag:$0x3] =	sbarrier.arrive $0xFFFF;
	s2 =	simm.s32 @!p0 $0x1C03  }
0x307: {  	[timem:s3], [sflag:s2] =	dma.local @!p0 [hbm:s0], s1  }
0x308: {  	s0 =	simm.s32 @!p0 $0x3  }
0x309: {  	_ =	swait.ge @!p0 [sflag:s0], s1  }
0x30a: {  	s1 =	ssub.s32 @!p0 $0x0, s1;
	[sflag:s0] =	ssyncset.done @!p0 $0x0  }
0x30b: {  	[sflag:s0] =	ssyncadd.s32 @!p0 s1  }
0x30c: {  	[bflag:$0x3] =	sbarrier.arrive $0xFFFF  }
0x30d: {  	_ =	shalt  }

</sc_bundles>
